<compile_context>
chip_gen: v7x
topology: tpu7x:2x2x1
jax: 0.10.2.dev20260603
libtpu: 0.0.44.dev20260713+nightly
codegen_flags: <defaults>
</compile_context>

<pallas_src>
import functools

import jax
import jax.numpy as jnp
from jax.experimental import pallas as pl
from jax.experimental.pallas import tpu as pltpu
from jax.experimental.pallas import tpu_sc as plsc

B, N, D = 32, 278528, 1
P, J = 30, 17
P_PAD = 32
J_PAD = 20
CHUNKS = 5
L = 16
KPROW = P * J * 2


def _sl(j, h):
    return (j // 4, pl.ds((j % 4) * P_PAD + h * L, L))


def _body(tags_hbm, kp_hbm, out_hbm, kp_v, idx_v, gath_v, vis_v, res_v, sem):
    c = jax.lax.axis_index("c")
    s = jax.lax.axis_index("s")
    b = c * L + s

    pltpu.sync_copy(kp_hbm.at[b], kp_v)

    lane = jax.lax.iota(jnp.int32, L)
    bn = jnp.full((L,), b, jnp.int32) * N
    zero_i = jnp.zeros((L,), jnp.int32)
    zero_f = jnp.zeros((L,), jnp.float32)
    copies = []
    for chunk in range(CHUNKS):
        for j in range(chunk * 4, chunk * 4 + 4):
            for h in range(2):
                r, ds = _sl(j, h)
                if j >= J:
                    idx_v[r, ds] = bn
                    vis_v[r, ds] = zero_f
                    continue
                person = lane + h * L
                live = person < P
                pos = jnp.where(live, person * (2 * J) + j * 2, zero_i)
                iv = plsc.load_gather(kp_v, [pos])
                vv = plsc.load_gather(kp_v, [pos + 1])
                visf = jnp.where(live & (vv > 0), 1.0, 0.0)
                idx_v[r, ds] = jnp.where(live, iv, zero_i) + bn
                vis_v[r, ds] = visf.astype(jnp.float32)
        copies.append(
            pltpu.async_copy(tags_hbm.at[idx_v.at[chunk]], gath_v.at[chunk],
                             sem))
    for cp in copies:
        cp.wait()

    zeros = jnp.zeros((L,), jnp.float32)
    s0, s1, c0, c1 = zeros, zeros, zeros, zeros
    for j in range(J):
        r0, d0_ = _sl(j, 0)
        r1, d1_ = _sl(j, 1)
        v0 = vis_v[r0, d0_]
        v1 = vis_v[r1, d1_]
        s0 = s0 + gath_v[r0, d0_] * v0
        s1 = s1 + gath_v[r1, d1_] * v1
        c0 = c0 + v0
        c1 = c1 + v1
    safe0 = jnp.maximum(c0, 1.0)
    safe1 = jnp.maximum(c1, 1.0)
    mean0 = s0 / safe0
    mean1 = s1 / safe1

    d0, d1 = zeros, zeros
    for j in range(J):
        r0, s0_ = _sl(j, 0)
        r1, s1_ = _sl(j, 1)
        t0 = gath_v[r0, s0_] - mean0
        t1 = gath_v[r1, s1_] - mean1
        d0 = d0 + t0 * t0 * vis_v[r0, s0_]
        d1 = d1 + t1 * t1 * vis_v[r1, s1_]
    valid0 = jnp.where(c0 > 0.0, 1.0, 0.0)
    valid1 = jnp.where(c1 > 0.0, 1.0, 0.0)
    pull_sum = jnp.sum(d0 / safe0 * valid0 + d1 / safe1 * valid1)
    num_tags = jnp.sum(valid0 + valid1)

    a0, a1 = zeros, zeros
    for p in range(P):
        mp = jnp.full((L,), mean0[p] if p < L else mean1[p - L])
        vp = valid0[p] if p < L else valid1[p - L]
        t0 = mp - mean0
        t1 = mp - mean1
        a0 = a0 + jnp.exp(-(t0 * t0)) * valid0 * vp
        a1 = a1 + jnp.exp(-(t1 * t1)) * valid1 * vp
    push_sum = jnp.sum(a0 + a1)

    nt = jnp.full((L,), num_tags)
    pull = jnp.full((L,), pull_sum) / jnp.maximum(nt, 1.0)
    push = 0.5 * (jnp.full((L,), push_sum) - nt) / jnp.maximum(
        nt * (nt - 1.0), 1.0)
    res_v[...] = jnp.where(lane == 0, pull, jnp.where(lane == 1, push, 0.0))
    pltpu.sync_copy(res_v, out_hbm.at[b])


@jax.jit
def _aeloss(tags_flat, kp_flat):
    run = functools.partial(
        pl.kernel,
        mesh=plsc.VectorSubcoreMesh(core_axis_name="c", subcore_axis_name="s"),
        out_type=jax.ShapeDtypeStruct((B, L), jnp.float32),
        scratch_types=[
            pltpu.VMEM((KPROW,), jnp.int32),
            pltpu.VMEM((CHUNKS, 128), jnp.int32),
            pltpu.VMEM((CHUNKS, 128), jnp.float32),
            pltpu.VMEM((CHUNKS, 128), jnp.float32),
            pltpu.VMEM((L,), jnp.float32),
            pltpu.SemaphoreType.DMA,
        ],
        compiler_params=pltpu.CompilerParams(needs_layout_passes=False),
    )(_body)
    return run(tags_flat, kp_flat)


def kernel(input, input1):
    tags = input
    keypoints = input1
    out = _aeloss(tags.reshape(B * N), keypoints.reshape(B, KPROW))
    return out[:, :2]

# --- scband reference (transcript-rebuilt; emitter-appended) ---
"""Pipeline reference for scband-aeloss-17789754540200 (READ-ONLY COPY).

The authoritative reference and input builder live on the scoring server;
editing this copy changes nothing except your own understanding.
"""

import jax, jax.numpy as jnp
import numpy as np

B, N, D = 32, 278528, 1
P, J = 30, 17

def setup_inputs(seed: int = 0):
    key = jax.random.key(seed)
    k1, k2 = jax.random.split(key)
    tags = jax.random.normal(k1, (B, N, D), dtype=jnp.float32)
    keypoints = jax.random.randint(k2, (B, P, J, 2), 0, N, dtype=jnp.int32)
    return {"input": tags, "input1": keypoints}

def reference(input, input1):
    tags = input
    keypoints = input1
    Bv, Nv, Dv = tags.shape
    idx = keypoints[..., 0]                     # [B,P,J] location indices into tag map
    vis = (keypoints[..., 1] > 0).astype(tags.dtype)  # [B,P,J] validity flags
    b_idx = jnp.arange(Bv)[:, None, None]
    gathered = tags[b_idx, idx]                 # [B,P,J,D] gather tag vectors
    cnt = vis.sum(-1)                           # [B,P] valid joints per person
    safe_cnt = jnp.maximum(cnt, 1.0)
    mean = (gathered * vis[..., None]).sum(2) / safe_cnt[..., None]  # [B,P,D] mean tag per person
    valid = (cnt > 0).astype(tags.dtype)        # [B,P]
    # pull loss: mean squared distance of each valid joint tag to its person mean
    diff2 = ((gathered - mean[:, :, None, :]) ** 2).sum(-1) * vis    # [B,P,J]
    pull_per = diff2.sum(-1) / safe_cnt * valid  # [B,P]
    num_tags = valid.sum(-1)                     # [B]
    pull = pull_per.sum(-1) / jnp.maximum(num_tags, 1.0)
    # push loss: exp(-||m_i - m_j||^2) over pairs of valid people
    dm = mean[:, :, None, :] - mean[:, None, :, :]
    dist2 = (dm ** 2).sum(-1)                    # [B,P,P]
    pair = valid[:, :, None] * valid[:, None, :]
    push_sum = (jnp.exp(-dist2) * pair).sum((-2, -1)) - num_tags  # remove diagonal exp(0)
    denom = jnp.maximum(num_tags * (num_tags - 1.0), 1.0)
    push = 0.5 * push_sum / denom
    return jnp.stack([pull, push], axis=1)       # [B,2]

if __name__ == "__main__":
    import jax
    _d = setup_inputs()
    print(jax.jit(kernel)(*tuple(_d.values())))

</pallas_src>

<mosaic_0001>
#map = affine_map<(d0, d1) -> (0)>
#map1 = affine_map<(d0, d1) -> (0, 0)>
module attributes {stable_mosaic.version = 14 : i64} {
  func.func @_body(%arg0: i32, %arg1: i32, %arg2: memref<8912896xf32, #tpu.memory_space<hbm>>, %arg3: memref<32x1020xi32, #tpu.memory_space<hbm>>, %arg4: memref<32x16xf32, #tpu.memory_space<hbm>>, %arg5: memref<1020xi32, #tpu.memory_space<vmem>>, %arg6: memref<5x128xi32, #tpu.memory_space<vmem>>, %arg7: memref<5x128xf32, #tpu.memory_space<vmem>>, %arg8: memref<5x128xf32, #tpu.memory_space<vmem>>, %arg9: memref<16xf32, #tpu.memory_space<vmem>>, %arg10: memref<!tpu.dma_semaphore, #tpu.memory_space<semaphore_mem>>) attributes {dimension_semantics = [#tpu.dimension_semantics<core_parallel>, #tpu.dimension_semantics<subcore_parallel>], iteration_bounds = array<i64: 2, 16>, scalar_prefetch = 0 : i64, scratch_operands = 6 : i64, tpu.core_type = #tpu.core_type<sc_vector_subcore>, window_params = [{transform_indices = #map}, {transform_indices = #map1}, {transform_indices = #map1}]} {
    %mul3A = arith.constant 16 : i32
    %mul3A_0 = arith.muli %arg0, %mul3A : i32
    %add3A = arith.addi %mul3A_0, %arg1 : i32
    "tpu.region"() ({
      %run_scoped3A = tpu.sem_alloc : memref<!tpu.dma_semaphore, #tpu.memory_space<semaphore_mem>>
      %dma_start3A_3003 = arith.constant 0 : i32
      %dma_start3A_3004 = tpu.memref_slice %arg3[%add3A, %dma_start3A_3003] : memref<32x1020xi32, #tpu.memory_space<hbm>> -> memref<1x1020xi32, #tpu.memory_space<hbm>>
      %dma_start3A_3005 = tpu.memref_squeeze %dma_start3A_3004 : memref<1x1020xi32, #tpu.memory_space<hbm>> -> memref<1020xi32, #tpu.memory_space<hbm>>
      %dma_start3A_3006 = arith.constant 0 : i32
      %dma_start3A_3007 = tpu.memref_slice %arg3[%add3A, %dma_start3A_3006] : memref<32x1020xi32, #tpu.memory_space<hbm>> -> memref<1x1020xi32, #tpu.memory_space<hbm>>
      %dma_start3A_3008 = tpu.memref_squeeze %dma_start3A_3007 : memref<1x1020xi32, #tpu.memory_space<hbm>> -> memref<1020xi32, #tpu.memory_space<hbm>>
      tpu.enqueue_dma source(%dma_start3A_3008 : memref<1020xi32, #tpu.memory_space<hbm>>) target(%arg5 : memref<1020xi32, #tpu.memory_space<vmem>>) target_semaphore(%run_scoped3A : memref<!tpu.dma_semaphore, #tpu.memory_space<semaphore_mem>>)
      %dma_wait3A_3009 = arith.constant 0 : i32
      %dma_wait3A_3010 = tpu.memref_slice %arg3[%add3A, %dma_wait3A_3009] : memref<32x1020xi32, #tpu.memory_space<hbm>> -> memref<1x1020xi32, #tpu.memory_space<hbm>>
      %dma_wait3A_3011 = tpu.memref_squeeze %dma_wait3A_3010 : memref<1x1020xi32, #tpu.memory_space<hbm>> -> memref<1020xi32, #tpu.memory_space<hbm>>
      %dma_wait3A_3012 = arith.constant 0 : i32
      %dma_wait3A_3013 = tpu.memref_slice %arg3[%add3A, %dma_wait3A_3012] : memref<32x1020xi32, #tpu.memory_space<hbm>> -> memref<1x1020xi32, #tpu.memory_space<hbm>>
      %dma_wait3A_3014 = tpu.memref_squeeze %dma_wait3A_3013 : memref<1x1020xi32, #tpu.memory_space<hbm>> -> memref<1020xi32, #tpu.memory_space<hbm>>
      tpu.wait_dma2 semaphore(%run_scoped3A : memref<!tpu.dma_semaphore, #tpu.memory_space<semaphore_mem>>) src(%dma_wait3A_3014 : memref<1020xi32, #tpu.memory_space<hbm>>) dst(%arg5 : memref<1020xi32, #tpu.memory_space<vmem>>)
      tpu.yield
    }) : () -> ()
    %iota3A = tpu.iota {dimensions = array<i32: 0>} : vector<16xi32>
    %broadcast_in_dim3A = vector.broadcast %add3A : i32 to vector<16xi32>
    %mul3A_1 = arith.constant 278528 : i32
    %mul3A_2 = vector.broadcast %mul3A_1 : i32 to vector<16xi32>
    %mul3A_3 = arith.muli %broadcast_in_dim3A, %mul3A_2 : vector<16xi32>
    %broadcast_in_dim3A_4 = arith.constant 0 : i32
    %broadcast_in_dim3A_5 = vector.broadcast %broadcast_in_dim3A_4 : i32 to vector<16xi32>
    %broadcast_in_dim3A_6 = arith.constant 0.000000e+00 : f32
    %broadcast_in_dim3A_7 = vector.broadcast %broadcast_in_dim3A_6 : f32 to vector<16xf32>
    %add3A_8 = arith.constant 0 : i32
    %add3A_9 = vector.broadcast %add3A_8 : i32 to vector<16xi32>
    %add3A_10 = arith.addi %iota3A, %add3A_9 : vector<16xi32>
    %lt3A = arith.constant 30 : i32
    %lt3A_11 = vector.broadcast %lt3A : i32 to vector<16xi32>
    %lt3A_12 = arith.cmpi slt, %add3A_10, %lt3A_11 : vector<16xi32>
    %mul3A_13 = arith.constant 34 : i32
    %mul3A_14 = vector.broadcast %mul3A_13 : i32 to vector<16xi32>
    %mul3A_15 = arith.muli %add3A_10, %mul3A_14 : vector<16xi32>
    %add3A_16 = arith.constant 0 : i32
    %add3A_17 = vector.broadcast %add3A_16 : i32 to vector<16xi32>
    %add3A_18 = arith.addi %mul3A_15, %add3A_17 : vector<16xi32>
    %select_n3A = arith.select %lt3A_12, %add3A_18, %broadcast_in_dim3A_5 : vector<16xi1>, vector<16xi32>
    %gather3A = tpu.vector_load_idx %arg5[%select_n3A] : memref<1020xi32, #tpu.memory_space<vmem>>[vector<16xi32>], vector<16xi32>,
    %add3A_19 = arith.constant 1 : i32
    %add3A_20 = vector.broadcast %add3A_19 : i32 to vector<16xi32>
    %add3A_21 = arith.addi %select_n3A, %add3A_20 : vector<16xi32>
    %gather3A_22 = tpu.vector_load_idx %arg5[%add3A_21] : memref<1020xi32, #tpu.memory_space<vmem>>[vector<16xi32>], vector<16xi32>,
    %gt3A = arith.constant 0 : i32
    %gt3A_23 = vector.broadcast %gt3A : i32 to vector<16xi32>
    %gt3A_24 = arith.cmpi sgt, %gather3A_22, %gt3A_23 : vector<16xi32>
    %and3A = arith.andi %lt3A_12, %gt3A_24 : vector<16xi1>
    %jit3A = arith.constant 1.000000e+00 : f32
    %jit3A_25 = arith.constant 0.000000e+00 : f32
    %broadcast_in_dim3A_26 = vector.broadcast %jit3A : f32 to vector<16xf32>
    %broadcast_in_dim3A_27 = vector.broadcast %jit3A_25 : f32 to vector<16xf32>
    %select_n3A_28 = arith.select %and3A, %broadcast_in_dim3A_26, %broadcast_in_dim3A_27 : vector<16xi1>, vector<16xf32>
    %select_n3A_29 = arith.select %lt3A_12, %gather3A, %broadcast_in_dim3A_5 : vector<16xi1>, vector<16xi32>
    %add3A_30 = arith.addi %select_n3A_29, %mul3A_3 : vector<16xi32>
    %swap3A = arith.constant 0 : i32
    %swap3A_31 = arith.index_cast %swap3A : i32 to index
    %swap3A_32 = arith.constant 0 : index
    %swap3A_33 = tpu.vector_load %arg6[%swap3A_31, %swap3A_32] {strides = array<i32>} : memref<5x128xi32, #tpu.memory_space<vmem>>, vector<16xi32>,
    tpu.vector_store %arg6[%swap3A_31, %swap3A_32], %add3A_30 {strides = array<i32>} : memref<5x128xi32, #tpu.memory_space<vmem>>, vector<16xi32>,
    %swap3A_34 = arith.constant 0 : i32
    %swap3A_35 = arith.index_cast %swap3A_34 : i32 to index
    %swap3A_36 = arith.constant 0 : index
    %swap3A_37 = tpu.vector_load %arg8[%swap3A_35, %swap3A_36] {strides = array<i32>} : memref<5x128xf32, #tpu.memory_space<vmem>>, vector<16xf32>,
    tpu.vector_store %arg8[%swap3A_35, %swap3A_36], %select_n3A_28 {strides = array<i32>} : memref<5x128xf32, #tpu.memory_space<vmem>>, vector<16xf32>,
    %add3A_38 = arith.constant 16 : i32
    %add3A_39 = vector.broadcast %add3A_38 : i32 to vector<16xi32>
    %add3A_40 = arith.addi %iota3A, %add3A_39 : vector<16xi32>
    %lt3A_41 = arith.constant 30 : i32
    %lt3A_42 = vector.broadcast %lt3A_41 : i32 to vector<16xi32>
    %lt3A_43 = arith.cmpi slt, %add3A_40, %lt3A_42 : vector<16xi32>
    %mul3A_44 = arith.constant 34 : i32
    %mul3A_45 = vector.broadcast %mul3A_44 : i32 to vector<16xi32>
    %mul3A_46 = arith.muli %add3A_40, %mul3A_45 : vector<16xi32>
    %add3A_47 = arith.constant 0 : i32
    %add3A_48 = vector.broadcast %add3A_47 : i32 to vector<16xi32>
    %add3A_49 = arith.addi %mul3A_46, %add3A_48 : vector<16xi32>
    %select_n3A_50 = arith.select %lt3A_43, %add3A_49, %broadcast_in_dim3A_5 : vector<16xi1>, vector<16xi32>
    %gather3A_51 = tpu.vector_load_idx %arg5[%select_n3A_50] : memref<1020xi32, #tpu.memory_space<vmem>>[vector<16xi32>], vector<16xi32>,
    %add3A_52 = arith.constant 1 : i32
    %add3A_53 = vector.broadcast %add3A_52 : i32 to vector<16xi32>
    %add3A_54 = arith.addi %select_n3A_50, %add3A_53 : vector<16xi32>
    %gather3A_55 = tpu.vector_load_idx %arg5[%add3A_54] : memref<1020xi32, #tpu.memory_space<vmem>>[vector<16xi32>], vector<16xi32>,
    %gt3A_56 = arith.constant 0 : i32
    %gt3A_57 = vector.broadcast %gt3A_56 : i32 to vector<16xi32>
    %gt3A_58 = arith.cmpi sgt, %gather3A_55, %gt3A_57 : vector<16xi32>
    %and3A_59 = arith.andi %lt3A_43, %gt3A_58 : vector<16xi1>
    %jit3A_60 = arith.constant 1.000000e+00 : f32
    %jit3A_61 = arith.constant 0.000000e+00 : f32
    %broadcast_in_dim3A_62 = vector.broadcast %jit3A_60 : f32 to vector<16xf32>
    %broadcast_in_dim3A_63 = vector.broadcast %jit3A_61 : f32 to vector<16xf32>
    %select_n3A_64 = arith.select %and3A_59, %broadcast_in_dim3A_62, %broadcast_in_dim3A_63 : vector<16xi1>, vector<16xf32>
    %select_n3A_65 = arith.select %lt3A_43, %gather3A_51, %broadcast_in_dim3A_5 : vector<16xi1>, vector<16xi32>
    %add3A_66 = arith.addi %select_n3A_65, %mul3A_3 : vector<16xi32>
    %swap3A_67 = arith.constant 0 : i32
    %swap3A_68 = arith.index_cast %swap3A_67 : i32 to index
    %swap3A_69 = arith.constant 16 : index
    %swap3A_70 = tpu.vector_load %arg6[%swap3A_68, %swap3A_69] {strides = array<i32>} : memref<5x128xi32, #tpu.memory_space<vmem>>, vector<16xi32>,
    tpu.vector_store %arg6[%swap3A_68, %swap3A_69], %add3A_66 {strides = array<i32>} : memref<5x128xi32, #tpu.memory_space<vmem>>, vector<16xi32>,
    %swap3A_71 = arith.constant 0 : i32
    %swap3A_72 = arith.index_cast %swap3A_71 : i32 to index
    %swap3A_73 = arith.constant 16 : index
    %swap3A_74 = tpu.vector_load %arg8[%swap3A_72, %swap3A_73] {strides = array<i32>} : memref<5x128xf32, #tpu.memory_space<vmem>>, vector<16xf32>,
    tpu.vector_store %arg8[%swap3A_72, %swap3A_73], %select_n3A_64 {strides = array<i32>} : memref<5x128xf32, #tpu.memory_space<vmem>>, vector<16xf32>,
    %add3A_75 = arith.constant 0 : i32
    %add3A_76 = vector.broadcast %add3A_75 : i32 to vector<16xi32>
    %add3A_77 = arith.addi %iota3A, %add3A_76 : vector<16xi32>
    %lt3A_78 = arith.constant 30 : i32
    %lt3A_79 = vector.broadcast %lt3A_78 : i32 to vector<16xi32>
    %lt3A_80 = arith.cmpi slt, %add3A_77, %lt3A_79 : vector<16xi32>
    %mul3A_81 = arith.constant 34 : i32
    %mul3A_82 = vector.broadcast %mul3A_81 : i32 to vector<16xi32>
    %mul3A_83 = arith.muli %add3A_77, %mul3A_82 : vector<16xi32>
    %add3A_84 = arith.constant 2 : i32
    %add3A_85 = vector.broadcast %add3A_84 : i32 to vector<16xi32>
    %add3A_86 = arith.addi %mul3A_83, %add3A_85 : vector<16xi32>
    %select_n3A_87 = arith.select %lt3A_80, %add3A_86, %broadcast_in_dim3A_5 : vector<16xi1>, vector<16xi32>
    %gather3A_88 = tpu.vector_load_idx %arg5[%select_n3A_87] : memref<1020xi32, #tpu.memory_space<vmem>>[vector<16xi32>], vector<16xi32>,
    %add3A_89 = arith.constant 1 : i32
    %add3A_90 = vector.broadcast %add3A_89 : i32 to vector<16xi32>
    %add3A_91 = arith.addi %select_n3A_87, %add3A_90 : vector<16xi32>
    %gather3A_92 = tpu.vector_load_idx %arg5[%add3A_91] : memref<1020xi32, #tpu.memory_space<vmem>>[vector<16xi32>], vector<16xi32>,
    %gt3A_93 = arith.constant 0 : i32
    %gt3A_94 = vector.broadcast %gt3A_93 : i32 to vector<16xi32>
    %gt3A_95 = arith.cmpi sgt, %gather3A_92, %gt3A_94 : vector<16xi32>
    %and3A_96 = arith.andi %lt3A_80, %gt3A_95 : vector<16xi1>
    %jit3A_97 = arith.constant 1.000000e+00 : f32
    %jit3A_98 = arith.constant 0.000000e+00 : f32
    %broadcast_in_dim3A_99 = vector.broadcast %jit3A_97 : f32 to vector<16xf32>
    %broadcast_in_dim3A_100 = vector.broadcast %jit3A_98 : f32 to vector<16xf32>
    %select_n3A_101 = arith.select %and3A_96, %broadcast_in_dim3A_99, %broadcast_in_dim3A_100 : vector<16xi1>, vector<16xf32>
    %select_n3A_102 = arith.select %lt3A_80, %gather3A_88, %broadcast_in_dim3A_5 : vector<16xi1>, vector<16xi32>
    %add3A_103 = arith.addi %select_n3A_102, %mul3A_3 : vector<16xi32>
    %swap3A_104 = arith.constant 0 : i32
    %swap3A_105 = arith.index_cast %swap3A_104 : i32 to index
    %swap3A_106 = arith.constant 32 : index
    %swap3A_107 = tpu.vector_load %arg6[%swap3A_105, %swap3A_106] {strides = array<i32>} : memref<5x128xi32, #tpu.memory_space<vmem>>, vector<16xi32>,
    tpu.vector_store %arg6[%swap3A_105, %swap3A_106], %add3A_103 {strides = array<i32>} : memref<5x128xi32, #tpu.memory_space<vmem>>, vector<16xi32>,
    %swap3A_108 = arith.constant 0 : i32
    %swap3A_109 = arith.index_cast %swap3A_108 : i32 to index
    %swap3A_110 = arith.constant 32 : index
    %swap3A_111 = tpu.vector_load %arg8[%swap3A_109, %swap3A_110] {strides = array<i32>} : memref<5x128xf32, #tpu.memory_space<vmem>>, vector<16xf32>,
    tpu.vector_store %arg8[%swap3A_109, %swap3A_110], %select_n3A_101 {strides = array<i32>} : memref<5x128xf32, #tpu.memory_space<vmem>>, vector<16xf32>,
    %add3A_112 = arith.constant 16 : i32
    %add3A_113 = vector.broadcast %add3A_112 : i32 to vector<16xi32>
    %add3A_114 = arith.addi %iota3A, %add3A_113 : vector<16xi32>
    %lt3A_115 = arith.constant 30 : i32
    %lt3A_116 = vector.broadcast %lt3A_115 : i32 to vector<16xi32>
    %lt3A_117 = arith.cmpi slt, %add3A_114, %lt3A_116 : vector<16xi32>
    %mul3A_118 = arith.constant 34 : i32
    %mul3A_119 = vector.broadcast %mul3A_118 : i32 to vector<16xi32>
    %mul3A_120 = arith.muli %add3A_114, %mul3A_119 : vector<16xi32>
    %add3A_121 = arith.constant 2 : i32
    %add3A_122 = vector.broadcast %add3A_121 : i32 to vector<16xi32>
    %add3A_123 = arith.addi %mul3A_120, %add3A_122 : vector<16xi32>
    %select_n3A_124 = arith.select %lt3A_117, %add3A_123, %broadcast_in_dim3A_5 : vector<16xi1>, vector<16xi32>
    %gather3A_125 = tpu.vector_load_idx %arg5[%select_n3A_124] : memref<1020xi32, #tpu.memory_space<vmem>>[vector<16xi32>], vector<16xi32>,
    %add3A_126 = arith.constant 1 : i32
    %add3A_127 = vector.broadcast %add3A_126 : i32 to vector<16xi32>
    %add3A_128 = arith.addi %select_n3A_124, %add3A_127 : vector<16xi32>
    %gather3A_129 = tpu.vector_load_idx %arg5[%add3A_128] : memref<1020xi32, #tpu.memory_space<vmem>>[vector<16xi32>], vector<16xi32>,
    %gt3A_130 = arith.constant 0 : i32
    %gt3A_131 = vector.broadcast %gt3A_130 : i32 to vector<16xi32>
    %gt3A_132 = arith.cmpi sgt, %gather3A_129, %gt3A_131 : vector<16xi32>
    %and3A_133 = arith.andi %lt3A_117, %gt3A_132 : vector<16xi1>
    %jit3A_134 = arith.constant 1.000000e+00 : f32
    %jit3A_135 = arith.constant 0.000000e+00 : f32
    %broadcast_in_dim3A_136 = vector.broadcast %jit3A_134 : f32 to vector<16xf32>
    %broadcast_in_dim3A_137 = vector.broadcast %jit3A_135 : f32 to vector<16xf32>
    %select_n3A_138 = arith.select %and3A_133, %broadcast_in_dim3A_136, %broadcast_in_dim3A_137 : vector<16xi1>, vector<16xf32>
    %select_n3A_139 = arith.select %lt3A_117, %gather3A_125, %broadcast_in_dim3A_5 : vector<16xi1>, vector<16xi32>
    %add3A_140 = arith.addi %select_n3A_139, %mul3A_3 : vector<16xi32>
    %swap3A_141 = arith.constant 0 : i32
    %swap3A_142 = arith.index_cast %swap3A_141 : i32 to index
    %swap3A_143 = arith.constant 48 : index
    %swap3A_144 = tpu.vector_load %arg6[%swap3A_142, %swap3A_143] {strides = array<i32>} : memref<5x128xi32, #tpu.memory_space<vmem>>, vector<16xi32>,
    tpu.vector_store %arg6[%swap3A_142, %swap3A_143], %add3A_140 {strides = array<i32>} : memref<5x128xi32, #tpu.memory_space<vmem>>, vector<16xi32>,
    %swap3A_145 = arith.constant 0 : i32
    %swap3A_146 = arith.index_cast %swap3A_145 : i32 to index
    %swap3A_147 = arith.constant 48 : index
    %swap3A_148 = tpu.vector_load %arg8[%swap3A_146, %swap3A_147] {strides = array<i32>} : memref<5x128xf32, #tpu.memory_space<vmem>>, vector<16xf32>,
    tpu.vector_store %arg8[%swap3A_146, %swap3A_147], %select_n3A_138 {strides = array<i32>} : memref<5x128xf32, #tpu.memory_space<vmem>>, vector<16xf32>,
    %add3A_149 = arith.constant 0 : i32
    %add3A_150 = vector.broadcast %add3A_149 : i32 to vector<16xi32>
    %add3A_151 = arith.addi %iota3A, %add3A_150 : vector<16xi32>
    %lt3A_152 = arith.constant 30 : i32
    %lt3A_153 = vector.broadcast %lt3A_152 : i32 to vector<16xi32>
    %lt3A_154 = arith.cmpi slt, %add3A_151, %lt3A_153 : vector<16xi32>
    %mul3A_155 = arith.constant 34 : i32
    %mul3A_156 = vector.broadcast %mul3A_155 : i32 to vector<16xi32>
    %mul3A_157 = arith.muli %add3A_151, %mul3A_156 : vector<16xi32>
    %add3A_158 = arith.constant 4 : i32
    %add3A_159 = vector.broadcast %add3A_158 : i32 to vector<16xi32>
    %add3A_160 = arith.addi %mul3A_157, %add3A_159 : vector<16xi32>
    %select_n3A_161 = arith.select %lt3A_154, %add3A_160, %broadcast_in_dim3A_5 : vector<16xi1>, vector<16xi32>
    %gather3A_162 = tpu.vector_load_idx %arg5[%select_n3A_161] : memref<1020xi32, #tpu.memory_space<vmem>>[vector<16xi32>], vector<16xi32>,
    %add3A_163 = arith.constant 1 : i32
    %add3A_164 = vector.broadcast %add3A_163 : i32 to vector<16xi32>
    %add3A_165 = arith.addi %select_n3A_161, %add3A_164 : vector<16xi32>
    %gather3A_166 = tpu.vector_load_idx %arg5[%add3A_165] : memref<1020xi32, #tpu.memory_space<vmem>>[vector<16xi32>], vector<16xi32>,
    %gt3A_167 = arith.constant 0 : i32
    %gt3A_168 = vector.broadcast %gt3A_167 : i32 to vector<16xi32>
    %gt3A_169 = arith.cmpi sgt, %gather3A_166, %gt3A_168 : vector<16xi32>
    %and3A_170 = arith.andi %lt3A_154, %gt3A_169 : vector<16xi1>
    %jit3A_171 = arith.constant 1.000000e+00 : f32
    %jit3A_172 = arith.constant 0.000000e+00 : f32
    %broadcast_in_dim3A_173 = vector.broadcast %jit3A_171 : f32 to vector<16xf32>
    %broadcast_in_dim3A_174 = vector.broadcast %jit3A_172 : f32 to vector<16xf32>
    %select_n3A_175 = arith.select %and3A_170, %broadcast_in_dim3A_173, %broadcast_in_dim3A_174 : vector<16xi1>, vector<16xf32>
    %select_n3A_176 = arith.select %lt3A_154, %gather3A_162, %broadcast_in_dim3A_5 : vector<16xi1>, vector<16xi32>
    %add3A_177 = arith.addi %select_n3A_176, %mul3A_3 : vector<16xi32>
    %swap3A_178 = arith.constant 0 : i32
    %swap3A_179 = arith.index_cast %swap3A_178 : i32 to index
    %swap3A_180 = arith.constant 64 : index
    %swap3A_181 = tpu.vector_load %arg6[%swap3A_179, %swap3A_180] {strides = array<i32>} : memref<5x128xi32, #tpu.memory_space<vmem>>, vector<16xi32>,
    tpu.vector_store %arg6[%swap3A_179, %swap3A_180], %add3A_177 {strides = array<i32>} : memref<5x128xi32, #tpu.memory_space<vmem>>, vector<16xi32>,
    %swap3A_182 = arith.constant 0 : i32
    %swap3A_183 = arith.index_cast %swap3A_182 : i32 to index
    %swap3A_184 = arith.constant 64 : index
    %swap3A_185 = tpu.vector_load %arg8[%swap3A_183, %swap3A_184] {strides = array<i32>} : memref<5x128xf32, #tpu.memory_space<vmem>>, vector<16xf32>,
    tpu.vector_store %arg8[%swap3A_183, %swap3A_184], %select_n3A_175 {strides = array<i32>} : memref<5x128xf32, #tpu.memory_space<vmem>>, vector<16xf32>,
    %add3A_186 = arith.constant 16 : i32
    %add3A_187 = vector.broadcast %add3A_186 : i32 to vector<16xi32>
    %add3A_188 = arith.addi %iota3A, %add3A_187 : vector<16xi32>
    %lt3A_189 = arith.constant 30 : i32
    %lt3A_190 = vector.broadcast %lt3A_189 : i32 to vector<16xi32>
    %lt3A_191 = arith.cmpi slt, %add3A_188, %lt3A_190 : vector<16xi32>
    %mul3A_192 = arith.constant 34 : i32
    %mul3A_193 = vector.broadcast %mul3A_192 : i32 to vector<16xi32>
    %mul3A_194 = arith.muli %add3A_188, %mul3A_193 : vector<16xi32>
    %add3A_195 = arith.constant 4 : i32
    %add3A_196 = vector.broadcast %add3A_195 : i32 to vector<16xi32>
    %add3A_197 = arith.addi %mul3A_194, %add3A_196 : vector<16xi32>
    %select_n3A_198 = arith.select %lt3A_191, %add3A_197, %broadcast_in_dim3A_5 : vector<16xi1>, vector<16xi32>
    %gather3A_199 = tpu.vector_load_idx %arg5[%select_n3A_198] : memref<1020xi32, #tpu.memory_space<vmem>>[vector<16xi32>], vector<16xi32>,
    %add3A_200 = arith.constant 1 : i32
    %add3A_201 = vector.broadcast %add3A_200 : i32 to vector<16xi32>
    %add3A_202 = arith.addi %select_n3A_198, %add3A_201 : vector<16xi32>
    %gather3A_203 = tpu.vector_load_idx %arg5[%add3A_202] : memref<1020xi32, #tpu.memory_space<vmem>>[vector<16xi32>], vector<16xi32>,
    %gt3A_204 = arith.constant 0 : i32
    %gt3A_205 = vector.broadcast %gt3A_204 : i32 to vector<16xi32>
    %gt3A_206 = arith.cmpi sgt, %gather3A_203, %gt3A_205 : vector<16xi32>
    %and3A_207 = arith.andi %lt3A_191, %gt3A_206 : vector<16xi1>
    %jit3A_208 = arith.constant 1.000000e+00 : f32
    %jit3A_209 = arith.constant 0.000000e+00 : f32
    %broadcast_in_dim3A_210 = vector.broadcast %jit3A_208 : f32 to vector<16xf32>
    %broadcast_in_dim3A_211 = vector.broadcast %jit3A_209 : f32 to vector<16xf32>
    %select_n3A_212 = arith.select %and3A_207, %broadcast_in_dim3A_210, %broadcast_in_dim3A_211 : vector<16xi1>, vector<16xf32>
    %select_n3A_213 = arith.select %lt3A_191, %gather3A_199, %broadcast_in_dim3A_5 : vector<16xi1>, vector<16xi32>
    %add3A_214 = arith.addi %select_n3A_213, %mul3A_3 : vector<16xi32>
    %swap3A_215 = arith.constant 0 : i32
    %swap3A_216 = arith.index_cast %swap3A_215 : i32 to index
    %swap3A_217 = arith.constant 80 : index
    %swap3A_218 = tpu.vector_load %arg6[%swap3A_216, %swap3A_217] {strides = array<i32>} : memref<5x128xi32, #tpu.memory_space<vmem>>, vector<16xi32>,
    tpu.vector_store %arg6[%swap3A_216, %swap3A_217], %add3A_214 {strides = array<i32>} : memref<5x128xi32, #tpu.memory_space<vmem>>, vector<16xi32>,
    %swap3A_219 = arith.constant 0 : i32
    %swap3A_220 = arith.index_cast %swap3A_219 : i32 to index
    %swap3A_221 = arith.constant 80 : index
    %swap3A_222 = tpu.vector_load %arg8[%swap3A_220, %swap3A_221] {strides = array<i32>} : memref<5x128xf32, #tpu.memory_space<vmem>>, vector<16xf32>,
    tpu.vector_store %arg8[%swap3A_220, %swap3A_221], %select_n3A_212 {strides = array<i32>} : memref<5x128xf32, #tpu.memory_space<vmem>>, vector<16xf32>,
    %add3A_223 = arith.constant 0 : i32
    %add3A_224 = vector.broadcast %add3A_223 : i32 to vector<16xi32>
    %add3A_225 = arith.addi %iota3A, %add3A_224 : vector<16xi32>
    %lt3A_226 = arith.constant 30 : i32
    %lt3A_227 = vector.broadcast %lt3A_226 : i32 to vector<16xi32>
    %lt3A_228 = arith.cmpi slt, %add3A_225, %lt3A_227 : vector<16xi32>
    %mul3A_229 = arith.constant 34 : i32
    %mul3A_230 = vector.broadcast %mul3A_229 : i32 to vector<16xi32>
    %mul3A_231 = arith.muli %add3A_225, %mul3A_230 : vector<16xi32>
    %add3A_232 = arith.constant 6 : i32
    %add3A_233 = vector.broadcast %add3A_232 : i32 to vector<16xi32>
    %add3A_234 = arith.addi %mul3A_231, %add3A_233 : vector<16xi32>
    %select_n3A_235 = arith.select %lt3A_228, %add3A_234, %broadcast_in_dim3A_5 : vector<16xi1>, vector<16xi32>
    %gather3A_236 = tpu.vector_load_idx %arg5[%select_n3A_235] : memref<1020xi32, #tpu.memory_space<vmem>>[vector<16xi32>], vector<16xi32>,
    %add3A_237 = arith.constant 1 : i32
    %add3A_238 = vector.broadcast %add3A_237 : i32 to vector<16xi32>
    %add3A_239 = arith.addi %select_n3A_235, %add3A_238 : vector<16xi32>
    %gather3A_240 = tpu.vector_load_idx %arg5[%add3A_239] : memref<1020xi32, #tpu.memory_space<vmem>>[vector<16xi32>], vector<16xi32>,
    %gt3A_241 = arith.constant 0 : i32
    %gt3A_242 = vector.broadcast %gt3A_241 : i32 to vector<16xi32>
    %gt3A_243 = arith.cmpi sgt, %gather3A_240, %gt3A_242 : vector<16xi32>
    %and3A_244 = arith.andi %lt3A_228, %gt3A_243 : vector<16xi1>
    %jit3A_245 = arith.constant 1.000000e+00 : f32
    %jit3A_246 = arith.constant 0.000000e+00 : f32
    %broadcast_in_dim3A_247 = vector.broadcast %jit3A_245 : f32 to vector<16xf32>
    %broadcast_in_dim3A_248 = vector.broadcast %jit3A_246 : f32 to vector<16xf32>
    %select_n3A_249 = arith.select %and3A_244, %broadcast_in_dim3A_247, %broadcast_in_dim3A_248 : vector<16xi1>, vector<16xf32>
    %select_n3A_250 = arith.select %lt3A_228, %gather3A_236, %broadcast_in_dim3A_5 : vector<16xi1>, vector<16xi32>
    %add3A_251 = arith.addi %select_n3A_250, %mul3A_3 : vector<16xi32>
    %swap3A_252 = arith.constant 0 : i32
    %swap3A_253 = arith.index_cast %swap3A_252 : i32 to index
    %swap3A_254 = arith.constant 96 : index
    %swap3A_255 = tpu.vector_load %arg6[%swap3A_253, %swap3A_254] {strides = array<i32>} : memref<5x128xi32, #tpu.memory_space<vmem>>, vector<16xi32>,
    tpu.vector_store %arg6[%swap3A_253, %swap3A_254], %add3A_251 {strides = array<i32>} : memref<5x128xi32, #tpu.memory_space<vmem>>, vector<16xi32>,
    %swap3A_256 = arith.constant 0 : i32
    %swap3A_257 = arith.index_cast %swap3A_256 : i32 to index
    %swap3A_258 = arith.constant 96 : index
    %swap3A_259 = tpu.vector_load %arg8[%swap3A_257, %swap3A_258] {strides = array<i32>} : memref<5x128xf32, #tpu.memory_space<vmem>>, vector<16xf32>,
    tpu.vector_store %arg8[%swap3A_257, %swap3A_258], %select_n3A_249 {strides = array<i32>} : memref<5x128xf32, #tpu.memory_space<vmem>>, vector<16xf32>,
    %add3A_260 = arith.constant 16 : i32
    %add3A_261 = vector.broadcast %add3A_260 : i32 to vector<16xi32>
    %add3A_262 = arith.addi %iota3A, %add3A_261 : vector<16xi32>
    %lt3A_263 = arith.constant 30 : i32
    %lt3A_264 = vector.broadcast %lt3A_263 : i32 to vector<16xi32>
    %lt3A_265 = arith.cmpi slt, %add3A_262, %lt3A_264 : vector<16xi32>
    %mul3A_266 = arith.constant 34 : i32
    %mul3A_267 = vector.broadcast %mul3A_266 : i32 to vector<16xi32>
    %mul3A_268 = arith.muli %add3A_262, %mul3A_267 : vector<16xi32>
    %add3A_269 = arith.constant 6 : i32
    %add3A_270 = vector.broadcast %add3A_269 : i32 to vector<16xi32>
    %add3A_271 = arith.addi %mul3A_268, %add3A_270 : vector<16xi32>
    %select_n3A_272 = arith.select %lt3A_265, %add3A_271, %broadcast_in_dim3A_5 : vector<16xi1>, vector<16xi32>
    %gather3A_273 = tpu.vector_load_idx %arg5[%select_n3A_272] : memref<1020xi32, #tpu.memory_space<vmem>>[vector<16xi32>], vector<16xi32>,
    %add3A_274 = arith.constant 1 : i32
    %add3A_275 = vector.broadcast %add3A_274 : i32 to vector<16xi32>
    %add3A_276 = arith.addi %select_n3A_272, %add3A_275 : vector<16xi32>
    %gather3A_277 = tpu.vector_load_idx %arg5[%add3A_276] : memref<1020xi32, #tpu.memory_space<vmem>>[vector<16xi32>], vector<16xi32>,
    %gt3A_278 = arith.constant 0 : i32
    %gt3A_279 = vector.broadcast %gt3A_278 : i32 to vector<16xi32>
    %gt3A_280 = arith.cmpi sgt, %gather3A_277, %gt3A_279 : vector<16xi32>
    %and3A_281 = arith.andi %lt3A_265, %gt3A_280 : vector<16xi1>
    %jit3A_282 = arith.constant 1.000000e+00 : f32
    %jit3A_283 = arith.constant 0.000000e+00 : f32
    %broadcast_in_dim3A_284 = vector.broadcast %jit3A_282 : f32 to vector<16xf32>
    %broadcast_in_dim3A_285 = vector.broadcast %jit3A_283 : f32 to vector<16xf32>
    %select_n3A_286 = arith.select %and3A_281, %broadcast_in_dim3A_284, %broadcast_in_dim3A_285 : vector<16xi1>, vector<16xf32>
    %select_n3A_287 = arith.select %lt3A_265, %gather3A_273, %broadcast_in_dim3A_5 : vector<16xi1>, vector<16xi32>
    %add3A_288 = arith.addi %select_n3A_287, %mul3A_3 : vector<16xi32>
    %swap3A_289 = arith.constant 0 : i32
    %swap3A_290 = arith.index_cast %swap3A_289 : i32 to index
    %swap3A_291 = arith.constant 112 : index
    %swap3A_292 = tpu.vector_load %arg6[%swap3A_290, %swap3A_291] {strides = array<i32>} : memref<5x128xi32, #tpu.memory_space<vmem>>, vector<16xi32>,
    tpu.vector_store %arg6[%swap3A_290, %swap3A_291], %add3A_288 {strides = array<i32>} : memref<5x128xi32, #tpu.memory_space<vmem>>, vector<16xi32>,
    %swap3A_293 = arith.constant 0 : i32
    %swap3A_294 = arith.index_cast %swap3A_293 : i32 to index
    %swap3A_295 = arith.constant 112 : index
    %swap3A_296 = tpu.vector_load %arg8[%swap3A_294, %swap3A_295] {strides = array<i32>} : memref<5x128xf32, #tpu.memory_space<vmem>>, vector<16xf32>,
    tpu.vector_store %arg8[%swap3A_294, %swap3A_295], %select_n3A_286 {strides = array<i32>} : memref<5x128xf32, #tpu.memory_space<vmem>>, vector<16xf32>,
    %dma_start3A = arith.constant 0 : i32
    %dma_start3A_297 = arith.constant 0 : i32
    %dma_start3A_298 = arith.constant 0 : i32
    %dma_start3A_299 = tpu.memref_slice %arg7[%dma_start3A_297, %dma_start3A_298] : memref<5x128xf32, #tpu.memory_space<vmem>> -> memref<1x128xf32, #tpu.memory_space<vmem>>
    %dma_start3A_300 = tpu.memref_squeeze %dma_start3A_299 : memref<1x128xf32, #tpu.memory_space<vmem>> -> memref<128xf32, #tpu.memory_space<vmem>>
    %dma_start3A_301 = arith.constant 0 : i32
    %dma_start3A_302 = tpu.memref_slice %arg6[%dma_start3A, %dma_start3A_301] : memref<5x128xi32, #tpu.memory_space<vmem>> -> memref<1x128xi32, #tpu.memory_space<vmem>>
    %dma_start3A_303 = tpu.memref_squeeze %dma_start3A_302 : memref<1x128xi32, #tpu.memory_space<vmem>> -> memref<128xi32, #tpu.memory_space<vmem>>
    %dma_start3A_304 = arith.constant 0 : i32
    %dma_start3A_305 = tpu.memref_slice %arg2[%dma_start3A_304] : memref<8912896xf32, #tpu.memory_space<hbm>> -> memref<8912896xf32, #tpu.memory_space<hbm>>
    tpu.enqueue_indirect_dma source(%dma_start3A_305 : memref<8912896xf32, #tpu.memory_space<hbm>>) target(%dma_start3A_300 : memref<128xf32, #tpu.memory_space<vmem>>) offsets(%dma_start3A_303 : memref<128xi32, #tpu.memory_space<vmem>>) semaphore(%arg10 : memref<!tpu.dma_semaphore, #tpu.memory_space<semaphore_mem>>)
    %add3A_306 = arith.constant 0 : i32
    %add3A_307 = vector.broadcast %add3A_306 : i32 to vector<16xi32>
    %add3A_308 = arith.addi %iota3A, %add3A_307 : vector<16xi32>
    %lt3A_309 = arith.constant 30 : i32
    %lt3A_310 = vector.broadcast %lt3A_309 : i32 to vector<16xi32>
    %lt3A_311 = arith.cmpi slt, %add3A_308, %lt3A_310 : vector<16xi32>
    %mul3A_312 = arith.constant 34 : i32
    %mul3A_313 = vector.broadcast %mul3A_312 : i32 to vector<16xi32>
    %mul3A_314 = arith.muli %add3A_308, %mul3A_313 : vector<16xi32>
    %add3A_315 = arith.constant 8 : i32
    %add3A_316 = vector.broadcast %add3A_315 : i32 to vector<16xi32>
    %add3A_317 = arith.addi %mul3A_314, %add3A_316 : vector<16xi32>
    %select_n3A_318 = arith.select %lt3A_311, %add3A_317, %broadcast_in_dim3A_5 : vector<16xi1>, vector<16xi32>
    %gather3A_319 = tpu.vector_load_idx %arg5[%select_n3A_318] : memref<1020xi32, #tpu.memory_space<vmem>>[vector<16xi32>], vector<16xi32>,
    %add3A_320 = arith.constant 1 : i32
    %add3A_321 = vector.broadcast %add3A_320 : i32 to vector<16xi32>
    %add3A_322 = arith.addi %select_n3A_318, %add3A_321 : vector<16xi32>
    %gather3A_323 = tpu.vector_load_idx %arg5[%add3A_322] : memref<1020xi32, #tpu.memory_space<vmem>>[vector<16xi32>], vector<16xi32>,
    %gt3A_324 = arith.constant 0 : i32
    %gt3A_325 = vector.broadcast %gt3A_324 : i32 to vector<16xi32>
    %gt3A_326 = arith.cmpi sgt, %gather3A_323, %gt3A_325 : vector<16xi32>
    %and3A_327 = arith.andi %lt3A_311, %gt3A_326 : vector<16xi1>
    %jit3A_328 = arith.constant 1.000000e+00 : f32
    %jit3A_329 = arith.constant 0.000000e+00 : f32
    %broadcast_in_dim3A_330 = vector.broadcast %jit3A_328 : f32 to vector<16xf32>
    %broadcast_in_dim3A_331 = vector.broadcast %jit3A_329 : f32 to vector<16xf32>
    %select_n3A_332 = arith.select %and3A_327, %broadcast_in_dim3A_330, %broadcast_in_dim3A_331 : vector<16xi1>, vector<16xf32>
    %select_n3A_333 = arith.select %lt3A_311, %gather3A_319, %broadcast_in_dim3A_5 : vector<16xi1>, vector<16xi32>
    %add3A_334 = arith.addi %select_n3A_333, %mul3A_3 : vector<16xi32>
    %swap3A_335 = arith.constant 1 : i32
    %swap3A_336 = arith.index_cast %swap3A_335 : i32 to index
    %swap3A_337 = arith.constant 0 : index
    %swap3A_338 = tpu.vector_load %arg6[%swap3A_336, %swap3A_337] {strides = array<i32>} : memref<5x128xi32, #tpu.memory_space<vmem>>, vector<16xi32>,
    tpu.vector_store %arg6[%swap3A_336, %swap3A_337], %add3A_334 {strides = array<i32>} : memref<5x128xi32, #tpu.memory_space<vmem>>, vector<16xi32>,
    %swap3A_339 = arith.constant 1 : i32
    %swap3A_340 = arith.index_cast %swap3A_339 : i32 to index
    %swap3A_341 = arith.constant 0 : index
    %swap3A_342 = tpu.vector_load %arg8[%swap3A_340, %swap3A_341] {strides = array<i32>} : memref<5x128xf32, #tpu.memory_space<vmem>>, vector<16xf32>,
    tpu.vector_store %arg8[%swap3A_340, %swap3A_341], %select_n3A_332 {strides = array<i32>} : memref<5x128xf32, #tpu.memory_space<vmem>>, vector<16xf32>,
    %add3A_343 = arith.constant 16 : i32
    %add3A_344 = vector.broadcast %add3A_343 : i32 to vector<16xi32>
    %add3A_345 = arith.addi %iota3A, %add3A_344 : vector<16xi32>
    %lt3A_346 = arith.constant 30 : i32
    %lt3A_347 = vector.broadcast %lt3A_346 : i32 to vector<16xi32>
    %lt3A_348 = arith.cmpi slt, %add3A_345, %lt3A_347 : vector<16xi32>
    %mul3A_349 = arith.constant 34 : i32
    %mul3A_350 = vector.broadcast %mul3A_349 : i32 to vector<16xi32>
    %mul3A_351 = arith.muli %add3A_345, %mul3A_350 : vector<16xi32>
    %add3A_352 = arith.constant 8 : i32
    %add3A_353 = vector.broadcast %add3A_352 : i32 to vector<16xi32>
    %add3A_354 = arith.addi %mul3A_351, %add3A_353 : vector<16xi32>
    %select_n3A_355 = arith.select %lt3A_348, %add3A_354, %broadcast_in_dim3A_5 : vector<16xi1>, vector<16xi32>
    %gather3A_356 = tpu.vector_load_idx %arg5[%select_n3A_355] : memref<1020xi32, #tpu.memory_space<vmem>>[vector<16xi32>], vector<16xi32>,
    %add3A_357 = arith.constant 1 : i32
    %add3A_358 = vector.broadcast %add3A_357 : i32 to vector<16xi32>
    %add3A_359 = arith.addi %select_n3A_355, %add3A_358 : vector<16xi32>
    %gather3A_360 = tpu.vector_load_idx %arg5[%add3A_359] : memref<1020xi32, #tpu.memory_space<vmem>>[vector<16xi32>], vector<16xi32>,
    %gt3A_361 = arith.constant 0 : i32
    %gt3A_362 = vector.broadcast %gt3A_361 : i32 to vector<16xi32>
    %gt3A_363 = arith.cmpi sgt, %gather3A_360, %gt3A_362 : vector<16xi32>
    %and3A_364 = arith.andi %lt3A_348, %gt3A_363 : vector<16xi1>
    %jit3A_365 = arith.constant 1.000000e+00 : f32
    %jit3A_366 = arith.constant 0.000000e+00 : f32
    %broadcast_in_dim3A_367 = vector.broadcast %jit3A_365 : f32 to vector<16xf32>
    %broadcast_in_dim3A_368 = vector.broadcast %jit3A_366 : f32 to vector<16xf32>
    %select_n3A_369 = arith.select %and3A_364, %broadcast_in_dim3A_367, %broadcast_in_dim3A_368 : vector<16xi1>, vector<16xf32>
    %select_n3A_370 = arith.select %lt3A_348, %gather3A_356, %broadcast_in_dim3A_5 : vector<16xi1>, vector<16xi32>
    %add3A_371 = arith.addi %select_n3A_370, %mul3A_3 : vector<16xi32>
    %swap3A_372 = arith.constant 1 : i32
    %swap3A_373 = arith.index_cast %swap3A_372 : i32 to index
    %swap3A_374 = arith.constant 16 : index
    %swap3A_375 = tpu.vector_load %arg6[%swap3A_373, %swap3A_374] {strides = array<i32>} : memref<5x128xi32, #tpu.memory_space<vmem>>, vector<16xi32>,
    tpu.vector_store %arg6[%swap3A_373, %swap3A_374], %add3A_371 {strides = array<i32>} : memref<5x128xi32, #tpu.memory_space<vmem>>, vector<16xi32>,
    %swap3A_376 = arith.constant 1 : i32
    %swap3A_377 = arith.index_cast %swap3A_376 : i32 to index
    %swap3A_378 = arith.constant 16 : index
    %swap3A_379 = tpu.vector_load %arg8[%swap3A_377, %swap3A_378] {strides = array<i32>} : memref<5x128xf32, #tpu.memory_space<vmem>>, vector<16xf32>,
    tpu.vector_store %arg8[%swap3A_377, %swap3A_378], %select_n3A_369 {strides = array<i32>} : memref<5x128xf32, #tpu.memory_space<vmem>>, vector<16xf32>,
    %add3A_380 = arith.constant 0 : i32
    %add3A_381 = vector.broadcast %add3A_380 : i32 to vector<16xi32>
    %add3A_382 = arith.addi %iota3A, %add3A_381 : vector<16xi32>
    %lt3A_383 = arith.constant 30 : i32
    %lt3A_384 = vector.broadcast %lt3A_383 : i32 to vector<16xi32>
    %lt3A_385 = arith.cmpi slt, %add3A_382, %lt3A_384 : vector<16xi32>
    %mul3A_386 = arith.constant 34 : i32
    %mul3A_387 = vector.broadcast %mul3A_386 : i32 to vector<16xi32>
    %mul3A_388 = arith.muli %add3A_382, %mul3A_387 : vector<16xi32>
    %add3A_389 = arith.constant 10 : i32
    %add3A_390 = vector.broadcast %add3A_389 : i32 to vector<16xi32>
    %add3A_391 = arith.addi %mul3A_388, %add3A_390 : vector<16xi32>
    %select_n3A_392 = arith.select %lt3A_385, %add3A_391, %broadcast_in_dim3A_5 : vector<16xi1>, vector<16xi32>
    %gather3A_393 = tpu.vector_load_idx %arg5[%select_n3A_392] : memref<1020xi32, #tpu.memory_space<vmem>>[vector<16xi32>], vector<16xi32>,
    %add3A_394 = arith.constant 1 : i32
    %add3A_395 = vector.broadcast %add3A_394 : i32 to vector<16xi32>
    %add3A_396 = arith.addi %select_n3A_392, %add3A_395 : vector<16xi32>
    %gather3A_397 = tpu.vector_load_idx %arg5[%add3A_396] : memref<1020xi32, #tpu.memory_space<vmem>>[vector<16xi32>], vector<16xi32>,
    %gt3A_398 = arith.constant 0 : i32
    %gt3A_399 = vector.broadcast %gt3A_398 : i32 to vector<16xi32>
    %gt3A_400 = arith.cmpi sgt, %gather3A_397, %gt3A_399 : vector<16xi32>
    %and3A_401 = arith.andi %lt3A_385, %gt3A_400 : vector<16xi1>
    %jit3A_402 = arith.constant 1.000000e+00 : f32
    %jit3A_403 = arith.constant 0.000000e+00 : f32
    %broadcast_in_dim3A_404 = vector.broadcast %jit3A_402 : f32 to vector<16xf32>
    %broadcast_in_dim3A_405 = vector.broadcast %jit3A_403 : f32 to vector<16xf32>
    %select_n3A_406 = arith.select %and3A_401, %broadcast_in_dim3A_404, %broadcast_in_dim3A_405 : vector<16xi1>, vector<16xf32>
    %select_n3A_407 = arith.select %lt3A_385, %gather3A_393, %broadcast_in_dim3A_5 : vector<16xi1>, vector<16xi32>
    %add3A_408 = arith.addi %select_n3A_407, %mul3A_3 : vector<16xi32>
    %swap3A_409 = arith.constant 1 : i32
    %swap3A_410 = arith.index_cast %swap3A_409 : i32 to index
    %swap3A_411 = arith.constant 32 : index
    %swap3A_412 = tpu.vector_load %arg6[%swap3A_410, %swap3A_411] {strides = array<i32>} : memref<5x128xi32, #tpu.memory_space<vmem>>, vector<16xi32>,
    tpu.vector_store %arg6[%swap3A_410, %swap3A_411], %add3A_408 {strides = array<i32>} : memref<5x128xi32, #tpu.memory_space<vmem>>, vector<16xi32>,
    %swap3A_413 = arith.constant 1 : i32
    %swap3A_414 = arith.index_cast %swap3A_413 : i32 to index
    %swap3A_415 = arith.constant 32 : index
    %swap3A_416 = tpu.vector_load %arg8[%swap3A_414, %swap3A_415] {strides = array<i32>} : memref<5x128xf32, #tpu.memory_space<vmem>>, vector<16xf32>,
    tpu.vector_store %arg8[%swap3A_414, %swap3A_415], %select_n3A_406 {strides = array<i32>} : memref<5x128xf32, #tpu.memory_space<vmem>>, vector<16xf32>,
    %add3A_417 = arith.constant 16 : i32
    %add3A_418 = vector.broadcast %add3A_417 : i32 to vector<16xi32>
    %add3A_419 = arith.addi %iota3A, %add3A_418 : vector<16xi32>
    %lt3A_420 = arith.constant 30 : i32
    %lt3A_421 = vector.broadcast %lt3A_420 : i32 to vector<16xi32>
    %lt3A_422 = arith.cmpi slt, %add3A_419, %lt3A_421 : vector<16xi32>
    %mul3A_423 = arith.constant 34 : i32
    %mul3A_424 = vector.broadcast %mul3A_423 : i32 to vector<16xi32>
    %mul3A_425 = arith.muli %add3A_419, %mul3A_424 : vector<16xi32>
    %add3A_426 = arith.constant 10 : i32
    %add3A_427 = vector.broadcast %add3A_426 : i32 to vector<16xi32>
    %add3A_428 = arith.addi %mul3A_425, %add3A_427 : vector<16xi32>
    %select_n3A_429 = arith.select %lt3A_422, %add3A_428, %broadcast_in_dim3A_5 : vector<16xi1>, vector<16xi32>
    %gather3A_430 = tpu.vector_load_idx %arg5[%select_n3A_429] : memref<1020xi32, #tpu.memory_space<vmem>>[vector<16xi32>], vector<16xi32>,
    %add3A_431 = arith.constant 1 : i32
    %add3A_432 = vector.broadcast %add3A_431 : i32 to vector<16xi32>
    %add3A_433 = arith.addi %select_n3A_429, %add3A_432 : vector<16xi32>
    %gather3A_434 = tpu.vector_load_idx %arg5[%add3A_433] : memref<1020xi32, #tpu.memory_space<vmem>>[vector<16xi32>], vector<16xi32>,
    %gt3A_435 = arith.constant 0 : i32
    %gt3A_436 = vector.broadcast %gt3A_435 : i32 to vector<16xi32>
    %gt3A_437 = arith.cmpi sgt, %gather3A_434, %gt3A_436 : vector<16xi32>
    %and3A_438 = arith.andi %lt3A_422, %gt3A_437 : vector<16xi1>
    %jit3A_439 = arith.constant 1.000000e+00 : f32
    %jit3A_440 = arith.constant 0.000000e+00 : f32
    %broadcast_in_dim3A_441 = vector.broadcast %jit3A_439 : f32 to vector<16xf32>
    %broadcast_in_dim3A_442 = vector.broadcast %jit3A_440 : f32 to vector<16xf32>
    %select_n3A_443 = arith.select %and3A_438, %broadcast_in_dim3A_441, %broadcast_in_dim3A_442 : vector<16xi1>, vector<16xf32>
    %select_n3A_444 = arith.select %lt3A_422, %gather3A_430, %broadcast_in_dim3A_5 : vector<16xi1>, vector<16xi32>
    %add3A_445 = arith.addi %select_n3A_444, %mul3A_3 : vector<16xi32>
    %swap3A_446 = arith.constant 1 : i32
    %swap3A_447 = arith.index_cast %swap3A_446 : i32 to index
    %swap3A_448 = arith.constant 48 : index
    %swap3A_449 = tpu.vector_load %arg6[%swap3A_447, %swap3A_448] {strides = array<i32>} : memref<5x128xi32, #tpu.memory_space<vmem>>, vector<16xi32>,
    tpu.vector_store %arg6[%swap3A_447, %swap3A_448], %add3A_445 {strides = array<i32>} : memref<5x128xi32, #tpu.memory_space<vmem>>, vector<16xi32>,
    %swap3A_450 = arith.constant 1 : i32
    %swap3A_451 = arith.index_cast %swap3A_450 : i32 to index
    %swap3A_452 = arith.constant 48 : index
    %swap3A_453 = tpu.vector_load %arg8[%swap3A_451, %swap3A_452] {strides = array<i32>} : memref<5x128xf32, #tpu.memory_space<vmem>>, vector<16xf32>,
    tpu.vector_store %arg8[%swap3A_451, %swap3A_452], %select_n3A_443 {strides = array<i32>} : memref<5x128xf32, #tpu.memory_space<vmem>>, vector<16xf32>,
    %add3A_454 = arith.constant 0 : i32
    %add3A_455 = vector.broadcast %add3A_454 : i32 to vector<16xi32>
    %add3A_456 = arith.addi %iota3A, %add3A_455 : vector<16xi32>
    %lt3A_457 = arith.constant 30 : i32
    %lt3A_458 = vector.broadcast %lt3A_457 : i32 to vector<16xi32>
    %lt3A_459 = arith.cmpi slt, %add3A_456, %lt3A_458 : vector<16xi32>
    %mul3A_460 = arith.constant 34 : i32
    %mul3A_461 = vector.broadcast %mul3A_460 : i32 to vector<16xi32>
    %mul3A_462 = arith.muli %add3A_456, %mul3A_461 : vector<16xi32>
    %add3A_463 = arith.constant 12 : i32
    %add3A_464 = vector.broadcast %add3A_463 : i32 to vector<16xi32>
    %add3A_465 = arith.addi %mul3A_462, %add3A_464 : vector<16xi32>
    %select_n3A_466 = arith.select %lt3A_459, %add3A_465, %broadcast_in_dim3A_5 : vector<16xi1>, vector<16xi32>
    %gather3A_467 = tpu.vector_load_idx %arg5[%select_n3A_466] : memref<1020xi32, #tpu.memory_space<vmem>>[vector<16xi32>], vector<16xi32>,
    %add3A_468 = arith.constant 1 : i32
    %add3A_469 = vector.broadcast %add3A_468 : i32 to vector<16xi32>
    %add3A_470 = arith.addi %select_n3A_466, %add3A_469 : vector<16xi32>
    %gather3A_471 = tpu.vector_load_idx %arg5[%add3A_470] : memref<1020xi32, #tpu.memory_space<vmem>>[vector<16xi32>], vector<16xi32>,
    %gt3A_472 = arith.constant 0 : i32
    %gt3A_473 = vector.broadcast %gt3A_472 : i32 to vector<16xi32>
    %gt3A_474 = arith.cmpi sgt, %gather3A_471, %gt3A_473 : vector<16xi32>
    %and3A_475 = arith.andi %lt3A_459, %gt3A_474 : vector<16xi1>
    %jit3A_476 = arith.constant 1.000000e+00 : f32
    %jit3A_477 = arith.constant 0.000000e+00 : f32
    %broadcast_in_dim3A_478 = vector.broadcast %jit3A_476 : f32 to vector<16xf32>
    %broadcast_in_dim3A_479 = vector.broadcast %jit3A_477 : f32 to vector<16xf32>
    %select_n3A_480 = arith.select %and3A_475, %broadcast_in_dim3A_478, %broadcast_in_dim3A_479 : vector<16xi1>, vector<16xf32>
    %select_n3A_481 = arith.select %lt3A_459, %gather3A_467, %broadcast_in_dim3A_5 : vector<16xi1>, vector<16xi32>
    %add3A_482 = arith.addi %select_n3A_481, %mul3A_3 : vector<16xi32>
    %swap3A_483 = arith.constant 1 : i32
    %swap3A_484 = arith.index_cast %swap3A_483 : i32 to index
    %swap3A_485 = arith.constant 64 : index
    %swap3A_486 = tpu.vector_load %arg6[%swap3A_484, %swap3A_485] {strides = array<i32>} : memref<5x128xi32, #tpu.memory_space<vmem>>, vector<16xi32>,
    tpu.vector_store %arg6[%swap3A_484, %swap3A_485], %add3A_482 {strides = array<i32>} : memref<5x128xi32, #tpu.memory_space<vmem>>, vector<16xi32>,
    %swap3A_487 = arith.constant 1 : i32
    %swap3A_488 = arith.index_cast %swap3A_487 : i32 to index
    %swap3A_489 = arith.constant 64 : index
    %swap3A_490 = tpu.vector_load %arg8[%swap3A_488, %swap3A_489] {strides = array<i32>} : memref<5x128xf32, #tpu.memory_space<vmem>>, vector<16xf32>,
    tpu.vector_store %arg8[%swap3A_488, %swap3A_489], %select_n3A_480 {strides = array<i32>} : memref<5x128xf32, #tpu.memory_space<vmem>>, vector<16xf32>,
    %add3A_491 = arith.constant 16 : i32
    %add3A_492 = vector.broadcast %add3A_491 : i32 to vector<16xi32>
    %add3A_493 = arith.addi %iota3A, %add3A_492 : vector<16xi32>
    %lt3A_494 = arith.constant 30 : i32
    %lt3A_495 = vector.broadcast %lt3A_494 : i32 to vector<16xi32>
    %lt3A_496 = arith.cmpi slt, %add3A_493, %lt3A_495 : vector<16xi32>
    %mul3A_497 = arith.constant 34 : i32
    %mul3A_498 = vector.broadcast %mul3A_497 : i32 to vector<16xi32>
    %mul3A_499 = arith.muli %add3A_493, %mul3A_498 : vector<16xi32>
    %add3A_500 = arith.constant 12 : i32
    %add3A_501 = vector.broadcast %add3A_500 : i32 to vector<16xi32>
    %add3A_502 = arith.addi %mul3A_499, %add3A_501 : vector<16xi32>
    %select_n3A_503 = arith.select %lt3A_496, %add3A_502, %broadcast_in_dim3A_5 : vector<16xi1>, vector<16xi32>
    %gather3A_504 = tpu.vector_load_idx %arg5[%select_n3A_503] : memref<1020xi32, #tpu.memory_space<vmem>>[vector<16xi32>], vector<16xi32>,
    %add3A_505 = arith.constant 1 : i32
    %add3A_506 = vector.broadcast %add3A_505 : i32 to vector<16xi32>
    %add3A_507 = arith.addi %select_n3A_503, %add3A_506 : vector<16xi32>
    %gather3A_508 = tpu.vector_load_idx %arg5[%add3A_507] : memref<1020xi32, #tpu.memory_space<vmem>>[vector<16xi32>], vector<16xi32>,
    %gt3A_509 = arith.constant 0 : i32
    %gt3A_510 = vector.broadcast %gt3A_509 : i32 to vector<16xi32>
    %gt3A_511 = arith.cmpi sgt, %gather3A_508, %gt3A_510 : vector<16xi32>
    %and3A_512 = arith.andi %lt3A_496, %gt3A_511 : vector<16xi1>
    %jit3A_513 = arith.constant 1.000000e+00 : f32
    %jit3A_514 = arith.constant 0.000000e+00 : f32
    %broadcast_in_dim3A_515 = vector.broadcast %jit3A_513 : f32 to vector<16xf32>
    %broadcast_in_dim3A_516 = vector.broadcast %jit3A_514 : f32 to vector<16xf32>
    %select_n3A_517 = arith.select %and3A_512, %broadcast_in_dim3A_515, %broadcast_in_dim3A_516 : vector<16xi1>, vector<16xf32>
    %select_n3A_518 = arith.select %lt3A_496, %gather3A_504, %broadcast_in_dim3A_5 : vector<16xi1>, vector<16xi32>
    %add3A_519 = arith.addi %select_n3A_518, %mul3A_3 : vector<16xi32>
    %swap3A_520 = arith.constant 1 : i32
    %swap3A_521 = arith.index_cast %swap3A_520 : i32 to index
    %swap3A_522 = arith.constant 80 : index
    %swap3A_523 = tpu.vector_load %arg6[%swap3A_521, %swap3A_522] {strides = array<i32>} : memref<5x128xi32, #tpu.memory_space<vmem>>, vector<16xi32>,
    tpu.vector_store %arg6[%swap3A_521, %swap3A_522], %add3A_519 {strides = array<i32>} : memref<5x128xi32, #tpu.memory_space<vmem>>, vector<16xi32>,
    %swap3A_524 = arith.constant 1 : i32
    %swap3A_525 = arith.index_cast %swap3A_524 : i32 to index
    %swap3A_526 = arith.constant 80 : index
    %swap3A_527 = tpu.vector_load %arg8[%swap3A_525, %swap3A_526] {strides = array<i32>} : memref<5x128xf32, #tpu.memory_space<vmem>>, vector<16xf32>,
    tpu.vector_store %arg8[%swap3A_525, %swap3A_526], %select_n3A_517 {strides = array<i32>} : memref<5x128xf32, #tpu.memory_space<vmem>>, vector<16xf32>,
    %add3A_528 = arith.constant 0 : i32
    %add3A_529 = vector.broadcast %add3A_528 : i32 to vector<16xi32>
    %add3A_530 = arith.addi %iota3A, %add3A_529 : vector<16xi32>
    %lt3A_531 = arith.constant 30 : i32
    %lt3A_532 = vector.broadcast %lt3A_531 : i32 to vector<16xi32>
    %lt3A_533 = arith.cmpi slt, %add3A_530, %lt3A_532 : vector<16xi32>
    %mul3A_534 = arith.constant 34 : i32
    %mul3A_535 = vector.broadcast %mul3A_534 : i32 to vector<16xi32>
    %mul3A_536 = arith.muli %add3A_530, %mul3A_535 : vector<16xi32>
    %add3A_537 = arith.constant 14 : i32
    %add3A_538 = vector.broadcast %add3A_537 : i32 to vector<16xi32>
    %add3A_539 = arith.addi %mul3A_536, %add3A_538 : vector<16xi32>
    %select_n3A_540 = arith.select %lt3A_533, %add3A_539, %broadcast_in_dim3A_5 : vector<16xi1>, vector<16xi32>
    %gather3A_541 = tpu.vector_load_idx %arg5[%select_n3A_540] : memref<1020xi32, #tpu.memory_space<vmem>>[vector<16xi32>], vector<16xi32>,
    %add3A_542 = arith.constant 1 : i32
    %add3A_543 = vector.broadcast %add3A_542 : i32 to vector<16xi32>
    %add3A_544 = arith.addi %select_n3A_540, %add3A_543 : vector<16xi32>
    %gather3A_545 = tpu.vector_load_idx %arg5[%add3A_544] : memref<1020xi32, #tpu.memory_space<vmem>>[vector<16xi32>], vector<16xi32>,
    %gt3A_546 = arith.constant 0 : i32
    %gt3A_547 = vector.broadcast %gt3A_546 : i32 to vector<16xi32>
    %gt3A_548 = arith.cmpi sgt, %gather3A_545, %gt3A_547 : vector<16xi32>
    %and3A_549 = arith.andi %lt3A_533, %gt3A_548 : vector<16xi1>
    %jit3A_550 = arith.constant 1.000000e+00 : f32
    %jit3A_551 = arith.constant 0.000000e+00 : f32
    %broadcast_in_dim3A_552 = vector.broadcast %jit3A_550 : f32 to vector<16xf32>
    %broadcast_in_dim3A_553 = vector.broadcast %jit3A_551 : f32 to vector<16xf32>
    %select_n3A_554 = arith.select %and3A_549, %broadcast_in_dim3A_552, %broadcast_in_dim3A_553 : vector<16xi1>, vector<16xf32>
    %select_n3A_555 = arith.select %lt3A_533, %gather3A_541, %broadcast_in_dim3A_5 : vector<16xi1>, vector<16xi32>
    %add3A_556 = arith.addi %select_n3A_555, %mul3A_3 : vector<16xi32>
    %swap3A_557 = arith.constant 1 : i32
    %swap3A_558 = arith.index_cast %swap3A_557 : i32 to index
    %swap3A_559 = arith.constant 96 : index
    %swap3A_560 = tpu.vector_load %arg6[%swap3A_558, %swap3A_559] {strides = array<i32>} : memref<5x128xi32, #tpu.memory_space<vmem>>, vector<16xi32>,
    tpu.vector_store %arg6[%swap3A_558, %swap3A_559], %add3A_556 {strides = array<i32>} : memref<5x128xi32, #tpu.memory_space<vmem>>, vector<16xi32>,
    %swap3A_561 = arith.constant 1 : i32
    %swap3A_562 = arith.index_cast %swap3A_561 : i32 to index
    %swap3A_563 = arith.constant 96 : index
    %swap3A_564 = tpu.vector_load %arg8[%swap3A_562, %swap3A_563] {strides = array<i32>} : memref<5x128xf32, #tpu.memory_space<vmem>>, vector<16xf32>,
    tpu.vector_store %arg8[%swap3A_562, %swap3A_563], %select_n3A_554 {strides = array<i32>} : memref<5x128xf32, #tpu.memory_space<vmem>>, vector<16xf32>,
    %add3A_565 = arith.constant 16 : i32
    %add3A_566 = vector.broadcast %add3A_565 : i32 to vector<16xi32>
    %add3A_567 = arith.addi %iota3A, %add3A_566 : vector<16xi32>
    %lt3A_568 = arith.constant 30 : i32
    %lt3A_569 = vector.broadcast %lt3A_568 : i32 to vector<16xi32>
    %lt3A_570 = arith.cmpi slt, %add3A_567, %lt3A_569 : vector<16xi32>
    %mul3A_571 = arith.constant 34 : i32
    %mul3A_572 = vector.broadcast %mul3A_571 : i32 to vector<16xi32>
    %mul3A_573 = arith.muli %add3A_567, %mul3A_572 : vector<16xi32>
    %add3A_574 = arith.constant 14 : i32
    %add3A_575 = vector.broadcast %add3A_574 : i32 to vector<16xi32>
    %add3A_576 = arith.addi %mul3A_573, %add3A_575 : vector<16xi32>
    %select_n3A_577 = arith.select %lt3A_570, %add3A_576, %broadcast_in_dim3A_5 : vector<16xi1>, vector<16xi32>
    %gather3A_578 = tpu.vector_load_idx %arg5[%select_n3A_577] : memref<1020xi32, #tpu.memory_space<vmem>>[vector<16xi32>], vector<16xi32>,
    %add3A_579 = arith.constant 1 : i32
    %add3A_580 = vector.broadcast %add3A_579 : i32 to vector<16xi32>
    %add3A_581 = arith.addi %select_n3A_577, %add3A_580 : vector<16xi32>
    %gather3A_582 = tpu.vector_load_idx %arg5[%add3A_581] : memref<1020xi32, #tpu.memory_space<vmem>>[vector<16xi32>], vector<16xi32>,
    %gt3A_583 = arith.constant 0 : i32
    %gt3A_584 = vector.broadcast %gt3A_583 : i32 to vector<16xi32>
    %gt3A_585 = arith.cmpi sgt, %gather3A_582, %gt3A_584 : vector<16xi32>
    %and3A_586 = arith.andi %lt3A_570, %gt3A_585 : vector<16xi1>
    %jit3A_587 = arith.constant 1.000000e+00 : f32
    %jit3A_588 = arith.constant 0.000000e+00 : f32
    %broadcast_in_dim3A_589 = vector.broadcast %jit3A_587 : f32 to vector<16xf32>
    %broadcast_in_dim3A_590 = vector.broadcast %jit3A_588 : f32 to vector<16xf32>
    %select_n3A_591 = arith.select %and3A_586, %broadcast_in_dim3A_589, %broadcast_in_dim3A_590 : vector<16xi1>, vector<16xf32>
    %select_n3A_592 = arith.select %lt3A_570, %gather3A_578, %broadcast_in_dim3A_5 : vector<16xi1>, vector<16xi32>
    %add3A_593 = arith.addi %select_n3A_592, %mul3A_3 : vector<16xi32>
    %swap3A_594 = arith.constant 1 : i32
    %swap3A_595 = arith.index_cast %swap3A_594 : i32 to index
    %swap3A_596 = arith.constant 112 : index
    %swap3A_597 = tpu.vector_load %arg6[%swap3A_595, %swap3A_596] {strides = array<i32>} : memref<5x128xi32, #tpu.memory_space<vmem>>, vector<16xi32>,
    tpu.vector_store %arg6[%swap3A_595, %swap3A_596], %add3A_593 {strides = array<i32>} : memref<5x128xi32, #tpu.memory_space<vmem>>, vector<16xi32>,
    %swap3A_598 = arith.constant 1 : i32
    %swap3A_599 = arith.index_cast %swap3A_598 : i32 to index
    %swap3A_600 = arith.constant 112 : index
    %swap3A_601 = tpu.vector_load %arg8[%swap3A_599, %swap3A_600] {strides = array<i32>} : memref<5x128xf32, #tpu.memory_space<vmem>>, vector<16xf32>,
    tpu.vector_store %arg8[%swap3A_599, %swap3A_600], %select_n3A_591 {strides = array<i32>} : memref<5x128xf32, #tpu.memory_space<vmem>>, vector<16xf32>,
    %dma_start3A_602 = arith.constant 1 : i32
    %dma_start3A_603 = arith.constant 1 : i32
    %dma_start3A_604 = arith.constant 0 : i32
    %dma_start3A_605 = tpu.memref_slice %arg7[%dma_start3A_603, %dma_start3A_604] : memref<5x128xf32, #tpu.memory_space<vmem>> -> memref<1x128xf32, #tpu.memory_space<vmem>>
    %dma_start3A_606 = tpu.memref_squeeze %dma_start3A_605 : memref<1x128xf32, #tpu.memory_space<vmem>> -> memref<128xf32, #tpu.memory_space<vmem>>
    %dma_start3A_607 = arith.constant 0 : i32
    %dma_start3A_608 = tpu.memref_slice %arg6[%dma_start3A_602, %dma_start3A_607] : memref<5x128xi32, #tpu.memory_space<vmem>> -> memref<1x128xi32, #tpu.memory_space<vmem>>
    %dma_start3A_609 = tpu.memref_squeeze %dma_start3A_608 : memref<1x128xi32, #tpu.memory_space<vmem>> -> memref<128xi32, #tpu.memory_space<vmem>>
    %dma_start3A_610 = arith.constant 0 : i32
    %dma_start3A_611 = tpu.memref_slice %arg2[%dma_start3A_610] : memref<8912896xf32, #tpu.memory_space<hbm>> -> memref<8912896xf32, #tpu.memory_space<hbm>>
    tpu.enqueue_indirect_dma source(%dma_start3A_611 : memref<8912896xf32, #tpu.memory_space<hbm>>) target(%dma_start3A_606 : memref<128xf32, #tpu.memory_space<vmem>>) offsets(%dma_start3A_609 : memref<128xi32, #tpu.memory_space<vmem>>) semaphore(%arg10 : memref<!tpu.dma_semaphore, #tpu.memory_space<semaphore_mem>>)
    %add3A_612 = arith.constant 0 : i32
    %add3A_613 = vector.broadcast %add3A_612 : i32 to vector<16xi32>
    %add3A_614 = arith.addi %iota3A, %add3A_613 : vector<16xi32>
    %lt3A_615 = arith.constant 30 : i32
    %lt3A_616 = vector.broadcast %lt3A_615 : i32 to vector<16xi32>
    %lt3A_617 = arith.cmpi slt, %add3A_614, %lt3A_616 : vector<16xi32>
    %mul3A_618 = arith.constant 34 : i32
    %mul3A_619 = vector.broadcast %mul3A_618 : i32 to vector<16xi32>
    %mul3A_620 = arith.muli %add3A_614, %mul3A_619 : vector<16xi32>
    %add3A_621 = arith.constant 16 : i32
    %add3A_622 = vector.broadcast %add3A_621 : i32 to vector<16xi32>
    %add3A_623 = arith.addi %mul3A_620, %add3A_622 : vector<16xi32>
    %select_n3A_624 = arith.select %lt3A_617, %add3A_623, %broadcast_in_dim3A_5 : vector<16xi1>, vector<16xi32>
    %gather3A_625 = tpu.vector_load_idx %arg5[%select_n3A_624] : memref<1020xi32, #tpu.memory_space<vmem>>[vector<16xi32>], vector<16xi32>,
    %add3A_626 = arith.constant 1 : i32
    %add3A_627 = vector.broadcast %add3A_626 : i32 to vector<16xi32>
    %add3A_628 = arith.addi %select_n3A_624, %add3A_627 : vector<16xi32>
    %gather3A_629 = tpu.vector_load_idx %arg5[%add3A_628] : memref<1020xi32, #tpu.memory_space<vmem>>[vector<16xi32>], vector<16xi32>,
    %gt3A_630 = arith.constant 0 : i32
    %gt3A_631 = vector.broadcast %gt3A_630 : i32 to vector<16xi32>
    %gt3A_632 = arith.cmpi sgt, %gather3A_629, %gt3A_631 : vector<16xi32>
    %and3A_633 = arith.andi %lt3A_617, %gt3A_632 : vector<16xi1>
    %jit3A_634 = arith.constant 1.000000e+00 : f32
    %jit3A_635 = arith.constant 0.000000e+00 : f32
    %broadcast_in_dim3A_636 = vector.broadcast %jit3A_634 : f32 to vector<16xf32>
    %broadcast_in_dim3A_637 = vector.broadcast %jit3A_635 : f32 to vector<16xf32>
    %select_n3A_638 = arith.select %and3A_633, %broadcast_in_dim3A_636, %broadcast_in_dim3A_637 : vector<16xi1>, vector<16xf32>
    %select_n3A_639 = arith.select %lt3A_617, %gather3A_625, %broadcast_in_dim3A_5 : vector<16xi1>, vector<16xi32>
    %add3A_640 = arith.addi %select_n3A_639, %mul3A_3 : vector<16xi32>
    %swap3A_641 = arith.constant 2 : i32
    %swap3A_642 = arith.index_cast %swap3A_641 : i32 to index
    %swap3A_643 = arith.constant 0 : index
    %swap3A_644 = tpu.vector_load %arg6[%swap3A_642, %swap3A_643] {strides = array<i32>} : memref<5x128xi32, #tpu.memory_space<vmem>>, vector<16xi32>,
    tpu.vector_store %arg6[%swap3A_642, %swap3A_643], %add3A_640 {strides = array<i32>} : memref<5x128xi32, #tpu.memory_space<vmem>>, vector<16xi32>,
    %swap3A_645 = arith.constant 2 : i32
    %swap3A_646 = arith.index_cast %swap3A_645 : i32 to index
    %swap3A_647 = arith.constant 0 : index
    %swap3A_648 = tpu.vector_load %arg8[%swap3A_646, %swap3A_647] {strides = array<i32>} : memref<5x128xf32, #tpu.memory_space<vmem>>, vector<16xf32>,
    tpu.vector_store %arg8[%swap3A_646, %swap3A_647], %select_n3A_638 {strides = array<i32>} : memref<5x128xf32, #tpu.memory_space<vmem>>, vector<16xf32>,
    %add3A_649 = arith.constant 16 : i32
    %add3A_650 = vector.broadcast %add3A_649 : i32 to vector<16xi32>
    %add3A_651 = arith.addi %iota3A, %add3A_650 : vector<16xi32>
    %lt3A_652 = arith.constant 30 : i32
    %lt3A_653 = vector.broadcast %lt3A_652 : i32 to vector<16xi32>
    %lt3A_654 = arith.cmpi slt, %add3A_651, %lt3A_653 : vector<16xi32>
    %mul3A_655 = arith.constant 34 : i32
    %mul3A_656 = vector.broadcast %mul3A_655 : i32 to vector<16xi32>
    %mul3A_657 = arith.muli %add3A_651, %mul3A_656 : vector<16xi32>
    %add3A_658 = arith.constant 16 : i32
    %add3A_659 = vector.broadcast %add3A_658 : i32 to vector<16xi32>
    %add3A_660 = arith.addi %mul3A_657, %add3A_659 : vector<16xi32>
    %select_n3A_661 = arith.select %lt3A_654, %add3A_660, %broadcast_in_dim3A_5 : vector<16xi1>, vector<16xi32>
    %gather3A_662 = tpu.vector_load_idx %arg5[%select_n3A_661] : memref<1020xi32, #tpu.memory_space<vmem>>[vector<16xi32>], vector<16xi32>,
    %add3A_663 = arith.constant 1 : i32
    %add3A_664 = vector.broadcast %add3A_663 : i32 to vector<16xi32>
    %add3A_665 = arith.addi %select_n3A_661, %add3A_664 : vector<16xi32>
    %gather3A_666 = tpu.vector_load_idx %arg5[%add3A_665] : memref<1020xi32, #tpu.memory_space<vmem>>[vector<16xi32>], vector<16xi32>,
    %gt3A_667 = arith.constant 0 : i32
    %gt3A_668 = vector.broadcast %gt3A_667 : i32 to vector<16xi32>
    %gt3A_669 = arith.cmpi sgt, %gather3A_666, %gt3A_668 : vector<16xi32>
    %and3A_670 = arith.andi %lt3A_654, %gt3A_669 : vector<16xi1>
    %jit3A_671 = arith.constant 1.000000e+00 : f32
    %jit3A_672 = arith.constant 0.000000e+00 : f32
    %broadcast_in_dim3A_673 = vector.broadcast %jit3A_671 : f32 to vector<16xf32>
    %broadcast_in_dim3A_674 = vector.broadcast %jit3A_672 : f32 to vector<16xf32>
    %select_n3A_675 = arith.select %and3A_670, %broadcast_in_dim3A_673, %broadcast_in_dim3A_674 : vector<16xi1>, vector<16xf32>
    %select_n3A_676 = arith.select %lt3A_654, %gather3A_662, %broadcast_in_dim3A_5 : vector<16xi1>, vector<16xi32>
    %add3A_677 = arith.addi %select_n3A_676, %mul3A_3 : vector<16xi32>
    %swap3A_678 = arith.constant 2 : i32
    %swap3A_679 = arith.index_cast %swap3A_678 : i32 to index
    %swap3A_680 = arith.constant 16 : index
    %swap3A_681 = tpu.vector_load %arg6[%swap3A_679, %swap3A_680] {strides = array<i32>} : memref<5x128xi32, #tpu.memory_space<vmem>>, vector<16xi32>,
    tpu.vector_store %arg6[%swap3A_679, %swap3A_680], %add3A_677 {strides = array<i32>} : memref<5x128xi32, #tpu.memory_space<vmem>>, vector<16xi32>,
    %swap3A_682 = arith.constant 2 : i32
    %swap3A_683 = arith.index_cast %swap3A_682 : i32 to index
    %swap3A_684 = arith.constant 16 : index
    %swap3A_685 = tpu.vector_load %arg8[%swap3A_683, %swap3A_684] {strides = array<i32>} : memref<5x128xf32, #tpu.memory_space<vmem>>, vector<16xf32>,
    tpu.vector_store %arg8[%swap3A_683, %swap3A_684], %select_n3A_675 {strides = array<i32>} : memref<5x128xf32, #tpu.memory_space<vmem>>, vector<16xf32>,
    %add3A_686 = arith.constant 0 : i32
    %add3A_687 = vector.broadcast %add3A_686 : i32 to vector<16xi32>
    %add3A_688 = arith.addi %iota3A, %add3A_687 : vector<16xi32>
    %lt3A_689 = arith.constant 30 : i32
    %lt3A_690 = vector.broadcast %lt3A_689 : i32 to vector<16xi32>
    %lt3A_691 = arith.cmpi slt, %add3A_688, %lt3A_690 : vector<16xi32>
    %mul3A_692 = arith.constant 34 : i32
    %mul3A_693 = vector.broadcast %mul3A_692 : i32 to vector<16xi32>
    %mul3A_694 = arith.muli %add3A_688, %mul3A_693 : vector<16xi32>
    %add3A_695 = arith.constant 18 : i32
    %add3A_696 = vector.broadcast %add3A_695 : i32 to vector<16xi32>
    %add3A_697 = arith.addi %mul3A_694, %add3A_696 : vector<16xi32>
    %select_n3A_698 = arith.select %lt3A_691, %add3A_697, %broadcast_in_dim3A_5 : vector<16xi1>, vector<16xi32>
    %gather3A_699 = tpu.vector_load_idx %arg5[%select_n3A_698] : memref<1020xi32, #tpu.memory_space<vmem>>[vector<16xi32>], vector<16xi32>,
    %add3A_700 = arith.constant 1 : i32
    %add3A_701 = vector.broadcast %add3A_700 : i32 to vector<16xi32>
    %add3A_702 = arith.addi %select_n3A_698, %add3A_701 : vector<16xi32>
    %gather3A_703 = tpu.vector_load_idx %arg5[%add3A_702] : memref<1020xi32, #tpu.memory_space<vmem>>[vector<16xi32>], vector<16xi32>,
    %gt3A_704 = arith.constant 0 : i32
    %gt3A_705 = vector.broadcast %gt3A_704 : i32 to vector<16xi32>
    %gt3A_706 = arith.cmpi sgt, %gather3A_703, %gt3A_705 : vector<16xi32>
    %and3A_707 = arith.andi %lt3A_691, %gt3A_706 : vector<16xi1>
    %jit3A_708 = arith.constant 1.000000e+00 : f32
    %jit3A_709 = arith.constant 0.000000e+00 : f32
    %broadcast_in_dim3A_710 = vector.broadcast %jit3A_708 : f32 to vector<16xf32>
    %broadcast_in_dim3A_711 = vector.broadcast %jit3A_709 : f32 to vector<16xf32>
    %select_n3A_712 = arith.select %and3A_707, %broadcast_in_dim3A_710, %broadcast_in_dim3A_711 : vector<16xi1>, vector<16xf32>
    %select_n3A_713 = arith.select %lt3A_691, %gather3A_699, %broadcast_in_dim3A_5 : vector<16xi1>, vector<16xi32>
    %add3A_714 = arith.addi %select_n3A_713, %mul3A_3 : vector<16xi32>
    %swap3A_715 = arith.constant 2 : i32
    %swap3A_716 = arith.index_cast %swap3A_715 : i32 to index
    %swap3A_717 = arith.constant 32 : index
    %swap3A_718 = tpu.vector_load %arg6[%swap3A_716, %swap3A_717] {strides = array<i32>} : memref<5x128xi32, #tpu.memory_space<vmem>>, vector<16xi32>,
    tpu.vector_store %arg6[%swap3A_716, %swap3A_717], %add3A_714 {strides = array<i32>} : memref<5x128xi32, #tpu.memory_space<vmem>>, vector<16xi32>,
    %swap3A_719 = arith.constant 2 : i32
    %swap3A_720 = arith.index_cast %swap3A_719 : i32 to index
    %swap3A_721 = arith.constant 32 : index
    %swap3A_722 = tpu.vector_load %arg8[%swap3A_720, %swap3A_721] {strides = array<i32>} : memref<5x128xf32, #tpu.memory_space<vmem>>, vector<16xf32>,
    tpu.vector_store %arg8[%swap3A_720, %swap3A_721], %select_n3A_712 {strides = array<i32>} : memref<5x128xf32, #tpu.memory_space<vmem>>, vector<16xf32>,
    %add3A_723 = arith.constant 16 : i32
    %add3A_724 = vector.broadcast %add3A_723 : i32 to vector<16xi32>
    %add3A_725 = arith.addi %iota3A, %add3A_724 : vector<16xi32>
    %lt3A_726 = arith.constant 30 : i32
    %lt3A_727 = vector.broadcast %lt3A_726 : i32 to vector<16xi32>
    %lt3A_728 = arith.cmpi slt, %add3A_725, %lt3A_727 : vector<16xi32>
    %mul3A_729 = arith.constant 34 : i32
    %mul3A_730 = vector.broadcast %mul3A_729 : i32 to vector<16xi32>
    %mul3A_731 = arith.muli %add3A_725, %mul3A_730 : vector<16xi32>
    %add3A_732 = arith.constant 18 : i32
    %add3A_733 = vector.broadcast %add3A_732 : i32 to vector<16xi32>
    %add3A_734 = arith.addi %mul3A_731, %add3A_733 : vector<16xi32>
    %select_n3A_735 = arith.select %lt3A_728, %add3A_734, %broadcast_in_dim3A_5 : vector<16xi1>, vector<16xi32>
    %gather3A_736 = tpu.vector_load_idx %arg5[%select_n3A_735] : memref<1020xi32, #tpu.memory_space<vmem>>[vector<16xi32>], vector<16xi32>,
    %add3A_737 = arith.constant 1 : i32
    %add3A_738 = vector.broadcast %add3A_737 : i32 to vector<16xi32>
    %add3A_739 = arith.addi %select_n3A_735, %add3A_738 : vector<16xi32>
    %gather3A_740 = tpu.vector_load_idx %arg5[%add3A_739] : memref<1020xi32, #tpu.memory_space<vmem>>[vector<16xi32>], vector<16xi32>,
    %gt3A_741 = arith.constant 0 : i32
    %gt3A_742 = vector.broadcast %gt3A_741 : i32 to vector<16xi32>
    %gt3A_743 = arith.cmpi sgt, %gather3A_740, %gt3A_742 : vector<16xi32>
    %and3A_744 = arith.andi %lt3A_728, %gt3A_743 : vector<16xi1>
    %jit3A_745 = arith.constant 1.000000e+00 : f32
    %jit3A_746 = arith.constant 0.000000e+00 : f32
    %broadcast_in_dim3A_747 = vector.broadcast %jit3A_745 : f32 to vector<16xf32>
    %broadcast_in_dim3A_748 = vector.broadcast %jit3A_746 : f32 to vector<16xf32>
    %select_n3A_749 = arith.select %and3A_744, %broadcast_in_dim3A_747, %broadcast_in_dim3A_748 : vector<16xi1>, vector<16xf32>
    %select_n3A_750 = arith.select %lt3A_728, %gather3A_736, %broadcast_in_dim3A_5 : vector<16xi1>, vector<16xi32>
    %add3A_751 = arith.addi %select_n3A_750, %mul3A_3 : vector<16xi32>
    %swap3A_752 = arith.constant 2 : i32
    %swap3A_753 = arith.index_cast %swap3A_752 : i32 to index
    %swap3A_754 = arith.constant 48 : index
    %swap3A_755 = tpu.vector_load %arg6[%swap3A_753, %swap3A_754] {strides = array<i32>} : memref<5x128xi32, #tpu.memory_space<vmem>>, vector<16xi32>,
    tpu.vector_store %arg6[%swap3A_753, %swap3A_754], %add3A_751 {strides = array<i32>} : memref<5x128xi32, #tpu.memory_space<vmem>>, vector<16xi32>,
    %swap3A_756 = arith.constant 2 : i32
    %swap3A_757 = arith.index_cast %swap3A_756 : i32 to index
    %swap3A_758 = arith.constant 48 : index
    %swap3A_759 = tpu.vector_load %arg8[%swap3A_757, %swap3A_758] {strides = array<i32>} : memref<5x128xf32, #tpu.memory_space<vmem>>, vector<16xf32>,
    tpu.vector_store %arg8[%swap3A_757, %swap3A_758], %select_n3A_749 {strides = array<i32>} : memref<5x128xf32, #tpu.memory_space<vmem>>, vector<16xf32>,
    %add3A_760 = arith.constant 0 : i32
    %add3A_761 = vector.broadcast %add3A_760 : i32 to vector<16xi32>
    %add3A_762 = arith.addi %iota3A, %add3A_761 : vector<16xi32>
    %lt3A_763 = arith.constant 30 : i32
    %lt3A_764 = vector.broadcast %lt3A_763 : i32 to vector<16xi32>
    %lt3A_765 = arith.cmpi slt, %add3A_762, %lt3A_764 : vector<16xi32>
    %mul3A_766 = arith.constant 34 : i32
    %mul3A_767 = vector.broadcast %mul3A_766 : i32 to vector<16xi32>
    %mul3A_768 = arith.muli %add3A_762, %mul3A_767 : vector<16xi32>
    %add3A_769 = arith.constant 20 : i32
    %add3A_770 = vector.broadcast %add3A_769 : i32 to vector<16xi32>
    %add3A_771 = arith.addi %mul3A_768, %add3A_770 : vector<16xi32>
    %select_n3A_772 = arith.select %lt3A_765, %add3A_771, %broadcast_in_dim3A_5 : vector<16xi1>, vector<16xi32>
    %gather3A_773 = tpu.vector_load_idx %arg5[%select_n3A_772] : memref<1020xi32, #tpu.memory_space<vmem>>[vector<16xi32>], vector<16xi32>,
    %add3A_774 = arith.constant 1 : i32
    %add3A_775 = vector.broadcast %add3A_774 : i32 to vector<16xi32>
    %add3A_776 = arith.addi %select_n3A_772, %add3A_775 : vector<16xi32>
    %gather3A_777 = tpu.vector_load_idx %arg5[%add3A_776] : memref<1020xi32, #tpu.memory_space<vmem>>[vector<16xi32>], vector<16xi32>,
    %gt3A_778 = arith.constant 0 : i32
    %gt3A_779 = vector.broadcast %gt3A_778 : i32 to vector<16xi32>
    %gt3A_780 = arith.cmpi sgt, %gather3A_777, %gt3A_779 : vector<16xi32>
    %and3A_781 = arith.andi %lt3A_765, %gt3A_780 : vector<16xi1>
    %jit3A_782 = arith.constant 1.000000e+00 : f32
    %jit3A_783 = arith.constant 0.000000e+00 : f32
    %broadcast_in_dim3A_784 = vector.broadcast %jit3A_782 : f32 to vector<16xf32>
    %broadcast_in_dim3A_785 = vector.broadcast %jit3A_783 : f32 to vector<16xf32>
    %select_n3A_786 = arith.select %and3A_781, %broadcast_in_dim3A_784, %broadcast_in_dim3A_785 : vector<16xi1>, vector<16xf32>
    %select_n3A_787 = arith.select %lt3A_765, %gather3A_773, %broadcast_in_dim3A_5 : vector<16xi1>, vector<16xi32>
    %add3A_788 = arith.addi %select_n3A_787, %mul3A_3 : vector<16xi32>
    %swap3A_789 = arith.constant 2 : i32
    %swap3A_790 = arith.index_cast %swap3A_789 : i32 to index
    %swap3A_791 = arith.constant 64 : index
    %swap3A_792 = tpu.vector_load %arg6[%swap3A_790, %swap3A_791] {strides = array<i32>} : memref<5x128xi32, #tpu.memory_space<vmem>>, vector<16xi32>,
    tpu.vector_store %arg6[%swap3A_790, %swap3A_791], %add3A_788 {strides = array<i32>} : memref<5x128xi32, #tpu.memory_space<vmem>>, vector<16xi32>,
    %swap3A_793 = arith.constant 2 : i32
    %swap3A_794 = arith.index_cast %swap3A_793 : i32 to index
    %swap3A_795 = arith.constant 64 : index
    %swap3A_796 = tpu.vector_load %arg8[%swap3A_794, %swap3A_795] {strides = array<i32>} : memref<5x128xf32, #tpu.memory_space<vmem>>, vector<16xf32>,
    tpu.vector_store %arg8[%swap3A_794, %swap3A_795], %select_n3A_786 {strides = array<i32>} : memref<5x128xf32, #tpu.memory_space<vmem>>, vector<16xf32>,
    %add3A_797 = arith.constant 16 : i32
    %add3A_798 = vector.broadcast %add3A_797 : i32 to vector<16xi32>
    %add3A_799 = arith.addi %iota3A, %add3A_798 : vector<16xi32>
    %lt3A_800 = arith.constant 30 : i32
    %lt3A_801 = vector.broadcast %lt3A_800 : i32 to vector<16xi32>
    %lt3A_802 = arith.cmpi slt, %add3A_799, %lt3A_801 : vector<16xi32>
    %mul3A_803 = arith.constant 34 : i32
    %mul3A_804 = vector.broadcast %mul3A_803 : i32 to vector<16xi32>
    %mul3A_805 = arith.muli %add3A_799, %mul3A_804 : vector<16xi32>
    %add3A_806 = arith.constant 20 : i32
    %add3A_807 = vector.broadcast %add3A_806 : i32 to vector<16xi32>
    %add3A_808 = arith.addi %mul3A_805, %add3A_807 : vector<16xi32>
    %select_n3A_809 = arith.select %lt3A_802, %add3A_808, %broadcast_in_dim3A_5 : vector<16xi1>, vector<16xi32>
    %gather3A_810 = tpu.vector_load_idx %arg5[%select_n3A_809] : memref<1020xi32, #tpu.memory_space<vmem>>[vector<16xi32>], vector<16xi32>,
    %add3A_811 = arith.constant 1 : i32
    %add3A_812 = vector.broadcast %add3A_811 : i32 to vector<16xi32>
    %add3A_813 = arith.addi %select_n3A_809, %add3A_812 : vector<16xi32>
    %gather3A_814 = tpu.vector_load_idx %arg5[%add3A_813] : memref<1020xi32, #tpu.memory_space<vmem>>[vector<16xi32>], vector<16xi32>,
    %gt3A_815 = arith.constant 0 : i32
    %gt3A_816 = vector.broadcast %gt3A_815 : i32 to vector<16xi32>
    %gt3A_817 = arith.cmpi sgt, %gather3A_814, %gt3A_816 : vector<16xi32>
    %and3A_818 = arith.andi %lt3A_802, %gt3A_817 : vector<16xi1>
    %jit3A_819 = arith.constant 1.000000e+00 : f32
    %jit3A_820 = arith.constant 0.000000e+00 : f32
    %broadcast_in_dim3A_821 = vector.broadcast %jit3A_819 : f32 to vector<16xf32>
    %broadcast_in_dim3A_822 = vector.broadcast %jit3A_820 : f32 to vector<16xf32>
    %select_n3A_823 = arith.select %and3A_818, %broadcast_in_dim3A_821, %broadcast_in_dim3A_822 : vector<16xi1>, vector<16xf32>
    %select_n3A_824 = arith.select %lt3A_802, %gather3A_810, %broadcast_in_dim3A_5 : vector<16xi1>, vector<16xi32>
    %add3A_825 = arith.addi %select_n3A_824, %mul3A_3 : vector<16xi32>
    %swap3A_826 = arith.constant 2 : i32
    %swap3A_827 = arith.index_cast %swap3A_826 : i32 to index
    %swap3A_828 = arith.constant 80 : index
    %swap3A_829 = tpu.vector_load %arg6[%swap3A_827, %swap3A_828] {strides = array<i32>} : memref<5x128xi32, #tpu.memory_space<vmem>>, vector<16xi32>,
    tpu.vector_store %arg6[%swap3A_827, %swap3A_828], %add3A_825 {strides = array<i32>} : memref<5x128xi32, #tpu.memory_space<vmem>>, vector<16xi32>,
    %swap3A_830 = arith.constant 2 : i32
    %swap3A_831 = arith.index_cast %swap3A_830 : i32 to index
    %swap3A_832 = arith.constant 80 : index
    %swap3A_833 = tpu.vector_load %arg8[%swap3A_831, %swap3A_832] {strides = array<i32>} : memref<5x128xf32, #tpu.memory_space<vmem>>, vector<16xf32>,
    tpu.vector_store %arg8[%swap3A_831, %swap3A_832], %select_n3A_823 {strides = array<i32>} : memref<5x128xf32, #tpu.memory_space<vmem>>, vector<16xf32>,
    %add3A_834 = arith.constant 0 : i32
    %add3A_835 = vector.broadcast %add3A_834 : i32 to vector<16xi32>
    %add3A_836 = arith.addi %iota3A, %add3A_835 : vector<16xi32>
    %lt3A_837 = arith.constant 30 : i32
    %lt3A_838 = vector.broadcast %lt3A_837 : i32 to vector<16xi32>
    %lt3A_839 = arith.cmpi slt, %add3A_836, %lt3A_838 : vector<16xi32>
    %mul3A_840 = arith.constant 34 : i32
    %mul3A_841 = vector.broadcast %mul3A_840 : i32 to vector<16xi32>
    %mul3A_842 = arith.muli %add3A_836, %mul3A_841 : vector<16xi32>
    %add3A_843 = arith.constant 22 : i32
    %add3A_844 = vector.broadcast %add3A_843 : i32 to vector<16xi32>
    %add3A_845 = arith.addi %mul3A_842, %add3A_844 : vector<16xi32>
    %select_n3A_846 = arith.select %lt3A_839, %add3A_845, %broadcast_in_dim3A_5 : vector<16xi1>, vector<16xi32>
    %gather3A_847 = tpu.vector_load_idx %arg5[%select_n3A_846] : memref<1020xi32, #tpu.memory_space<vmem>>[vector<16xi32>], vector<16xi32>,
    %add3A_848 = arith.constant 1 : i32
    %add3A_849 = vector.broadcast %add3A_848 : i32 to vector<16xi32>
    %add3A_850 = arith.addi %select_n3A_846, %add3A_849 : vector<16xi32>
    %gather3A_851 = tpu.vector_load_idx %arg5[%add3A_850] : memref<1020xi32, #tpu.memory_space<vmem>>[vector<16xi32>], vector<16xi32>,
    %gt3A_852 = arith.constant 0 : i32
    %gt3A_853 = vector.broadcast %gt3A_852 : i32 to vector<16xi32>
    %gt3A_854 = arith.cmpi sgt, %gather3A_851, %gt3A_853 : vector<16xi32>
    %and3A_855 = arith.andi %lt3A_839, %gt3A_854 : vector<16xi1>
    %jit3A_856 = arith.constant 1.000000e+00 : f32
    %jit3A_857 = arith.constant 0.000000e+00 : f32
    %broadcast_in_dim3A_858 = vector.broadcast %jit3A_856 : f32 to vector<16xf32>
    %broadcast_in_dim3A_859 = vector.broadcast %jit3A_857 : f32 to vector<16xf32>
    %select_n3A_860 = arith.select %and3A_855, %broadcast_in_dim3A_858, %broadcast_in_dim3A_859 : vector<16xi1>, vector<16xf32>
    %select_n3A_861 = arith.select %lt3A_839, %gather3A_847, %broadcast_in_dim3A_5 : vector<16xi1>, vector<16xi32>
    %add3A_862 = arith.addi %select_n3A_861, %mul3A_3 : vector<16xi32>
    %swap3A_863 = arith.constant 2 : i32
    %swap3A_864 = arith.index_cast %swap3A_863 : i32 to index
    %swap3A_865 = arith.constant 96 : index
    %swap3A_866 = tpu.vector_load %arg6[%swap3A_864, %swap3A_865] {strides = array<i32>} : memref<5x128xi32, #tpu.memory_space<vmem>>, vector<16xi32>,
    tpu.vector_store %arg6[%swap3A_864, %swap3A_865], %add3A_862 {strides = array<i32>} : memref<5x128xi32, #tpu.memory_space<vmem>>, vector<16xi32>,
    %swap3A_867 = arith.constant 2 : i32
    %swap3A_868 = arith.index_cast %swap3A_867 : i32 to index
    %swap3A_869 = arith.constant 96 : index
    %swap3A_870 = tpu.vector_load %arg8[%swap3A_868, %swap3A_869] {strides = array<i32>} : memref<5x128xf32, #tpu.memory_space<vmem>>, vector<16xf32>,
    tpu.vector_store %arg8[%swap3A_868, %swap3A_869], %select_n3A_860 {strides = array<i32>} : memref<5x128xf32, #tpu.memory_space<vmem>>, vector<16xf32>,
    %add3A_871 = arith.constant 16 : i32
    %add3A_872 = vector.broadcast %add3A_871 : i32 to vector<16xi32>
    %add3A_873 = arith.addi %iota3A, %add3A_872 : vector<16xi32>
    %lt3A_874 = arith.constant 30 : i32
    %lt3A_875 = vector.broadcast %lt3A_874 : i32 to vector<16xi32>
    %lt3A_876 = arith.cmpi slt, %add3A_873, %lt3A_875 : vector<16xi32>
    %mul3A_877 = arith.constant 34 : i32
    %mul3A_878 = vector.broadcast %mul3A_877 : i32 to vector<16xi32>
    %mul3A_879 = arith.muli %add3A_873, %mul3A_878 : vector<16xi32>
    %add3A_880 = arith.constant 22 : i32
    %add3A_881 = vector.broadcast %add3A_880 : i32 to vector<16xi32>
    %add3A_882 = arith.addi %mul3A_879, %add3A_881 : vector<16xi32>
    %select_n3A_883 = arith.select %lt3A_876, %add3A_882, %broadcast_in_dim3A_5 : vector<16xi1>, vector<16xi32>
    %gather3A_884 = tpu.vector_load_idx %arg5[%select_n3A_883] : memref<1020xi32, #tpu.memory_space<vmem>>[vector<16xi32>], vector<16xi32>,
    %add3A_885 = arith.constant 1 : i32
    %add3A_886 = vector.broadcast %add3A_885 : i32 to vector<16xi32>
    %add3A_887 = arith.addi %select_n3A_883, %add3A_886 : vector<16xi32>
    %gather3A_888 = tpu.vector_load_idx %arg5[%add3A_887] : memref<1020xi32, #tpu.memory_space<vmem>>[vector<16xi32>], vector<16xi32>,
    %gt3A_889 = arith.constant 0 : i32
    %gt3A_890 = vector.broadcast %gt3A_889 : i32 to vector<16xi32>
    %gt3A_891 = arith.cmpi sgt, %gather3A_888, %gt3A_890 : vector<16xi32>
    %and3A_892 = arith.andi %lt3A_876, %gt3A_891 : vector<16xi1>
    %jit3A_893 = arith.constant 1.000000e+00 : f32
    %jit3A_894 = arith.constant 0.000000e+00 : f32
    %broadcast_in_dim3A_895 = vector.broadcast %jit3A_893 : f32 to vector<16xf32>
    %broadcast_in_dim3A_896 = vector.broadcast %jit3A_894 : f32 to vector<16xf32>
    %select_n3A_897 = arith.select %and3A_892, %broadcast_in_dim3A_895, %broadcast_in_dim3A_896 : vector<16xi1>, vector<16xf32>
    %select_n3A_898 = arith.select %lt3A_876, %gather3A_884, %broadcast_in_dim3A_5 : vector<16xi1>, vector<16xi32>
    %add3A_899 = arith.addi %select_n3A_898, %mul3A_3 : vector<16xi32>
    %swap3A_900 = arith.constant 2 : i32
    %swap3A_901 = arith.index_cast %swap3A_900 : i32 to index
    %swap3A_902 = arith.constant 112 : index
    %swap3A_903 = tpu.vector_load %arg6[%swap3A_901, %swap3A_902] {strides = array<i32>} : memref<5x128xi32, #tpu.memory_space<vmem>>, vector<16xi32>,
    tpu.vector_store %arg6[%swap3A_901, %swap3A_902], %add3A_899 {strides = array<i32>} : memref<5x128xi32, #tpu.memory_space<vmem>>, vector<16xi32>,
    %swap3A_904 = arith.constant 2 : i32
    %swap3A_905 = arith.index_cast %swap3A_904 : i32 to index
    %swap3A_906 = arith.constant 112 : index
    %swap3A_907 = tpu.vector_load %arg8[%swap3A_905, %swap3A_906] {strides = array<i32>} : memref<5x128xf32, #tpu.memory_space<vmem>>, vector<16xf32>,
    tpu.vector_store %arg8[%swap3A_905, %swap3A_906], %select_n3A_897 {strides = array<i32>} : memref<5x128xf32, #tpu.memory_space<vmem>>, vector<16xf32>,
    %dma_start3A_908 = arith.constant 2 : i32
    %dma_start3A_909 = arith.constant 2 : i32
    %dma_start3A_910 = arith.constant 0 : i32
    %dma_start3A_911 = tpu.memref_slice %arg7[%dma_start3A_909, %dma_start3A_910] : memref<5x128xf32, #tpu.memory_space<vmem>> -> memref<1x128xf32, #tpu.memory_space<vmem>>
    %dma_start3A_912 = tpu.memref_squeeze %dma_start3A_911 : memref<1x128xf32, #tpu.memory_space<vmem>> -> memref<128xf32, #tpu.memory_space<vmem>>
    %dma_start3A_913 = arith.constant 0 : i32
    %dma_start3A_914 = tpu.memref_slice %arg6[%dma_start3A_908, %dma_start3A_913] : memref<5x128xi32, #tpu.memory_space<vmem>> -> memref<1x128xi32, #tpu.memory_space<vmem>>
    %dma_start3A_915 = tpu.memref_squeeze %dma_start3A_914 : memref<1x128xi32, #tpu.memory_space<vmem>> -> memref<128xi32, #tpu.memory_space<vmem>>
    %dma_start3A_916 = arith.constant 0 : i32
    %dma_start3A_917 = tpu.memref_slice %arg2[%dma_start3A_916] : memref<8912896xf32, #tpu.memory_space<hbm>> -> memref<8912896xf32, #tpu.memory_space<hbm>>
    tpu.enqueue_indirect_dma source(%dma_start3A_917 : memref<8912896xf32, #tpu.memory_space<hbm>>) target(%dma_start3A_912 : memref<128xf32, #tpu.memory_space<vmem>>) offsets(%dma_start3A_915 : memref<128xi32, #tpu.memory_space<vmem>>) semaphore(%arg10 : memref<!tpu.dma_semaphore, #tpu.memory_space<semaphore_mem>>)
    %add3A_918 = arith.constant 0 : i32
    %add3A_919 = vector.broadcast %add3A_918 : i32 to vector<16xi32>
    %add3A_920 = arith.addi %iota3A, %add3A_919 : vector<16xi32>
    %lt3A_921 = arith.constant 30 : i32
    %lt3A_922 = vector.broadcast %lt3A_921 : i32 to vector<16xi32>
    %lt3A_923 = arith.cmpi slt, %add3A_920, %lt3A_922 : vector<16xi32>
    %mul3A_924 = arith.constant 34 : i32
    %mul3A_925 = vector.broadcast %mul3A_924 : i32 to vector<16xi32>
    %mul3A_926 = arith.muli %add3A_920, %mul3A_925 : vector<16xi32>
    %add3A_927 = arith.constant 24 : i32
    %add3A_928 = vector.broadcast %add3A_927 : i32 to vector<16xi32>
    %add3A_929 = arith.addi %mul3A_926, %add3A_928 : vector<16xi32>
    %select_n3A_930 = arith.select %lt3A_923, %add3A_929, %broadcast_in_dim3A_5 : vector<16xi1>, vector<16xi32>
    %gather3A_931 = tpu.vector_load_idx %arg5[%select_n3A_930] : memref<1020xi32, #tpu.memory_space<vmem>>[vector<16xi32>], vector<16xi32>,
    %add3A_932 = arith.constant 1 : i32
    %add3A_933 = vector.broadcast %add3A_932 : i32 to vector<16xi32>
    %add3A_934 = arith.addi %select_n3A_930, %add3A_933 : vector<16xi32>
    %gather3A_935 = tpu.vector_load_idx %arg5[%add3A_934] : memref<1020xi32, #tpu.memory_space<vmem>>[vector<16xi32>], vector<16xi32>,
    %gt3A_936 = arith.constant 0 : i32
    %gt3A_937 = vector.broadcast %gt3A_936 : i32 to vector<16xi32>
    %gt3A_938 = arith.cmpi sgt, %gather3A_935, %gt3A_937 : vector<16xi32>
    %and3A_939 = arith.andi %lt3A_923, %gt3A_938 : vector<16xi1>
    %jit3A_940 = arith.constant 1.000000e+00 : f32
    %jit3A_941 = arith.constant 0.000000e+00 : f32
    %broadcast_in_dim3A_942 = vector.broadcast %jit3A_940 : f32 to vector<16xf32>
    %broadcast_in_dim3A_943 = vector.broadcast %jit3A_941 : f32 to vector<16xf32>
    %select_n3A_944 = arith.select %and3A_939, %broadcast_in_dim3A_942, %broadcast_in_dim3A_943 : vector<16xi1>, vector<16xf32>
    %select_n3A_945 = arith.select %lt3A_923, %gather3A_931, %broadcast_in_dim3A_5 : vector<16xi1>, vector<16xi32>
    %add3A_946 = arith.addi %select_n3A_945, %mul3A_3 : vector<16xi32>
    %swap3A_947 = arith.constant 3 : i32
    %swap3A_948 = arith.index_cast %swap3A_947 : i32 to index
    %swap3A_949 = arith.constant 0 : index
    %swap3A_950 = tpu.vector_load %arg6[%swap3A_948, %swap3A_949] {strides = array<i32>} : memref<5x128xi32, #tpu.memory_space<vmem>>, vector<16xi32>,
    tpu.vector_store %arg6[%swap3A_948, %swap3A_949], %add3A_946 {strides = array<i32>} : memref<5x128xi32, #tpu.memory_space<vmem>>, vector<16xi32>,
    %swap3A_951 = arith.constant 3 : i32
    %swap3A_952 = arith.index_cast %swap3A_951 : i32 to index
    %swap3A_953 = arith.constant 0 : index
    %swap3A_954 = tpu.vector_load %arg8[%swap3A_952, %swap3A_953] {strides = array<i32>} : memref<5x128xf32, #tpu.memory_space<vmem>>, vector<16xf32>,
    tpu.vector_store %arg8[%swap3A_952, %swap3A_953], %select_n3A_944 {strides = array<i32>} : memref<5x128xf32, #tpu.memory_space<vmem>>, vector<16xf32>,
    %add3A_955 = arith.constant 16 : i32
    %add3A_956 = vector.broadcast %add3A_955 : i32 to vector<16xi32>
    %add3A_957 = arith.addi %iota3A, %add3A_956 : vector<16xi32>
    %lt3A_958 = arith.constant 30 : i32
    %lt3A_959 = vector.broadcast %lt3A_958 : i32 to vector<16xi32>
    %lt3A_960 = arith.cmpi slt, %add3A_957, %lt3A_959 : vector<16xi32>
    %mul3A_961 = arith.constant 34 : i32
    %mul3A_962 = vector.broadcast %mul3A_961 : i32 to vector<16xi32>
    %mul3A_963 = arith.muli %add3A_957, %mul3A_962 : vector<16xi32>
    %add3A_964 = arith.constant 24 : i32
    %add3A_965 = vector.broadcast %add3A_964 : i32 to vector<16xi32>
    %add3A_966 = arith.addi %mul3A_963, %add3A_965 : vector<16xi32>
    %select_n3A_967 = arith.select %lt3A_960, %add3A_966, %broadcast_in_dim3A_5 : vector<16xi1>, vector<16xi32>
    %gather3A_968 = tpu.vector_load_idx %arg5[%select_n3A_967] : memref<1020xi32, #tpu.memory_space<vmem>>[vector<16xi32>], vector<16xi32>,
    %add3A_969 = arith.constant 1 : i32
    %add3A_970 = vector.broadcast %add3A_969 : i32 to vector<16xi32>
    %add3A_971 = arith.addi %select_n3A_967, %add3A_970 : vector<16xi32>
    %gather3A_972 = tpu.vector_load_idx %arg5[%add3A_971] : memref<1020xi32, #tpu.memory_space<vmem>>[vector<16xi32>], vector<16xi32>,
    %gt3A_973 = arith.constant 0 : i32
    %gt3A_974 = vector.broadcast %gt3A_973 : i32 to vector<16xi32>
    %gt3A_975 = arith.cmpi sgt, %gather3A_972, %gt3A_974 : vector<16xi32>
    %and3A_976 = arith.andi %lt3A_960, %gt3A_975 : vector<16xi1>
    %jit3A_977 = arith.constant 1.000000e+00 : f32
    %jit3A_978 = arith.constant 0.000000e+00 : f32
    %broadcast_in_dim3A_979 = vector.broadcast %jit3A_977 : f32 to vector<16xf32>
    %broadcast_in_dim3A_980 = vector.broadcast %jit3A_978 : f32 to vector<16xf32>
    %select_n3A_981 = arith.select %and3A_976, %broadcast_in_dim3A_979, %broadcast_in_dim3A_980 : vector<16xi1>, vector<16xf32>
    %select_n3A_982 = arith.select %lt3A_960, %gather3A_968, %broadcast_in_dim3A_5 : vector<16xi1>, vector<16xi32>
    %add3A_983 = arith.addi %select_n3A_982, %mul3A_3 : vector<16xi32>
    %swap3A_984 = arith.constant 3 : i32
    %swap3A_985 = arith.index_cast %swap3A_984 : i32 to index
    %swap3A_986 = arith.constant 16 : index
    %swap3A_987 = tpu.vector_load %arg6[%swap3A_985, %swap3A_986] {strides = array<i32>} : memref<5x128xi32, #tpu.memory_space<vmem>>, vector<16xi32>,
    tpu.vector_store %arg6[%swap3A_985, %swap3A_986], %add3A_983 {strides = array<i32>} : memref<5x128xi32, #tpu.memory_space<vmem>>, vector<16xi32>,
    %swap3A_988 = arith.constant 3 : i32
    %swap3A_989 = arith.index_cast %swap3A_988 : i32 to index
    %swap3A_990 = arith.constant 16 : index
    %swap3A_991 = tpu.vector_load %arg8[%swap3A_989, %swap3A_990] {strides = array<i32>} : memref<5x128xf32, #tpu.memory_space<vmem>>, vector<16xf32>,
    tpu.vector_store %arg8[%swap3A_989, %swap3A_990], %select_n3A_981 {strides = array<i32>} : memref<5x128xf32, #tpu.memory_space<vmem>>, vector<16xf32>,
    %add3A_992 = arith.constant 0 : i32
    %add3A_993 = vector.broadcast %add3A_992 : i32 to vector<16xi32>
    %add3A_994 = arith.addi %iota3A, %add3A_993 : vector<16xi32>
    %lt3A_995 = arith.constant 30 : i32
    %lt3A_996 = vector.broadcast %lt3A_995 : i32 to vector<16xi32>
    %lt3A_997 = arith.cmpi slt, %add3A_994, %lt3A_996 : vector<16xi32>
    %mul3A_998 = arith.constant 34 : i32
    %mul3A_999 = vector.broadcast %mul3A_998 : i32 to vector<16xi32>
    %mul3A_1000 = arith.muli %add3A_994, %mul3A_999 : vector<16xi32>
    %add3A_1001 = arith.constant 26 : i32
    %add3A_1002 = vector.broadcast %add3A_1001 : i32 to vector<16xi32>
    %add3A_1003 = arith.addi %mul3A_1000, %add3A_1002 : vector<16xi32>
    %select_n3A_1004 = arith.select %lt3A_997, %add3A_1003, %broadcast_in_dim3A_5 : vector<16xi1>, vector<16xi32>
    %gather3A_1005 = tpu.vector_load_idx %arg5[%select_n3A_1004] : memref<1020xi32, #tpu.memory_space<vmem>>[vector<16xi32>], vector<16xi32>,
    %add3A_1006 = arith.constant 1 : i32
    %add3A_1007 = vector.broadcast %add3A_1006 : i32 to vector<16xi32>
    %add3A_1008 = arith.addi %select_n3A_1004, %add3A_1007 : vector<16xi32>
    %gather3A_1009 = tpu.vector_load_idx %arg5[%add3A_1008] : memref<1020xi32, #tpu.memory_space<vmem>>[vector<16xi32>], vector<16xi32>,
    %gt3A_1010 = arith.constant 0 : i32
    %gt3A_1011 = vector.broadcast %gt3A_1010 : i32 to vector<16xi32>
    %gt3A_1012 = arith.cmpi sgt, %gather3A_1009, %gt3A_1011 : vector<16xi32>
    %and3A_1013 = arith.andi %lt3A_997, %gt3A_1012 : vector<16xi1>
    %jit3A_1014 = arith.constant 1.000000e+00 : f32
    %jit3A_1015 = arith.constant 0.000000e+00 : f32
    %broadcast_in_dim3A_1016 = vector.broadcast %jit3A_1014 : f32 to vector<16xf32>
    %broadcast_in_dim3A_1017 = vector.broadcast %jit3A_1015 : f32 to vector<16xf32>
    %select_n3A_1018 = arith.select %and3A_1013, %broadcast_in_dim3A_1016, %broadcast_in_dim3A_1017 : vector<16xi1>, vector<16xf32>
    %select_n3A_1019 = arith.select %lt3A_997, %gather3A_1005, %broadcast_in_dim3A_5 : vector<16xi1>, vector<16xi32>
    %add3A_1020 = arith.addi %select_n3A_1019, %mul3A_3 : vector<16xi32>
    %swap3A_1021 = arith.constant 3 : i32
    %swap3A_1022 = arith.index_cast %swap3A_1021 : i32 to index
    %swap3A_1023 = arith.constant 32 : index
    %swap3A_1024 = tpu.vector_load %arg6[%swap3A_1022, %swap3A_1023] {strides = array<i32>} : memref<5x128xi32, #tpu.memory_space<vmem>>, vector<16xi32>,
    tpu.vector_store %arg6[%swap3A_1022, %swap3A_1023], %add3A_1020 {strides = array<i32>} : memref<5x128xi32, #tpu.memory_space<vmem>>, vector<16xi32>,
    %swap3A_1025 = arith.constant 3 : i32
    %swap3A_1026 = arith.index_cast %swap3A_1025 : i32 to index
    %swap3A_1027 = arith.constant 32 : index
    %swap3A_1028 = tpu.vector_load %arg8[%swap3A_1026, %swap3A_1027] {strides = array<i32>} : memref<5x128xf32, #tpu.memory_space<vmem>>, vector<16xf32>,
    tpu.vector_store %arg8[%swap3A_1026, %swap3A_1027], %select_n3A_1018 {strides = array<i32>} : memref<5x128xf32, #tpu.memory_space<vmem>>, vector<16xf32>,
    %add3A_1029 = arith.constant 16 : i32
    %add3A_1030 = vector.broadcast %add3A_1029 : i32 to vector<16xi32>
    %add3A_1031 = arith.addi %iota3A, %add3A_1030 : vector<16xi32>
    %lt3A_1032 = arith.constant 30 : i32
    %lt3A_1033 = vector.broadcast %lt3A_1032 : i32 to vector<16xi32>
    %lt3A_1034 = arith.cmpi slt, %add3A_1031, %lt3A_1033 : vector<16xi32>
    %mul3A_1035 = arith.constant 34 : i32
    %mul3A_1036 = vector.broadcast %mul3A_1035 : i32 to vector<16xi32>
    %mul3A_1037 = arith.muli %add3A_1031, %mul3A_1036 : vector<16xi32>
    %add3A_1038 = arith.constant 26 : i32
    %add3A_1039 = vector.broadcast %add3A_1038 : i32 to vector<16xi32>
    %add3A_1040 = arith.addi %mul3A_1037, %add3A_1039 : vector<16xi32>
    %select_n3A_1041 = arith.select %lt3A_1034, %add3A_1040, %broadcast_in_dim3A_5 : vector<16xi1>, vector<16xi32>
    %gather3A_1042 = tpu.vector_load_idx %arg5[%select_n3A_1041] : memref<1020xi32, #tpu.memory_space<vmem>>[vector<16xi32>], vector<16xi32>,
    %add3A_1043 = arith.constant 1 : i32
    %add3A_1044 = vector.broadcast %add3A_1043 : i32 to vector<16xi32>
    %add3A_1045 = arith.addi %select_n3A_1041, %add3A_1044 : vector<16xi32>
    %gather3A_1046 = tpu.vector_load_idx %arg5[%add3A_1045] : memref<1020xi32, #tpu.memory_space<vmem>>[vector<16xi32>], vector<16xi32>,
    %gt3A_1047 = arith.constant 0 : i32
    %gt3A_1048 = vector.broadcast %gt3A_1047 : i32 to vector<16xi32>
    %gt3A_1049 = arith.cmpi sgt, %gather3A_1046, %gt3A_1048 : vector<16xi32>
    %and3A_1050 = arith.andi %lt3A_1034, %gt3A_1049 : vector<16xi1>
    %jit3A_1051 = arith.constant 1.000000e+00 : f32
    %jit3A_1052 = arith.constant 0.000000e+00 : f32
    %broadcast_in_dim3A_1053 = vector.broadcast %jit3A_1051 : f32 to vector<16xf32>
    %broadcast_in_dim3A_1054 = vector.broadcast %jit3A_1052 : f32 to vector<16xf32>
    %select_n3A_1055 = arith.select %and3A_1050, %broadcast_in_dim3A_1053, %broadcast_in_dim3A_1054 : vector<16xi1>, vector<16xf32>
    %select_n3A_1056 = arith.select %lt3A_1034, %gather3A_1042, %broadcast_in_dim3A_5 : vector<16xi1>, vector<16xi32>
    %add3A_1057 = arith.addi %select_n3A_1056, %mul3A_3 : vector<16xi32>
    %swap3A_1058 = arith.constant 3 : i32
    %swap3A_1059 = arith.index_cast %swap3A_1058 : i32 to index
    %swap3A_1060 = arith.constant 48 : index
    %swap3A_1061 = tpu.vector_load %arg6[%swap3A_1059, %swap3A_1060] {strides = array<i32>} : memref<5x128xi32, #tpu.memory_space<vmem>>, vector<16xi32>,
    tpu.vector_store %arg6[%swap3A_1059, %swap3A_1060], %add3A_1057 {strides = array<i32>} : memref<5x128xi32, #tpu.memory_space<vmem>>, vector<16xi32>,
    %swap3A_1062 = arith.constant 3 : i32
    %swap3A_1063 = arith.index_cast %swap3A_1062 : i32 to index
    %swap3A_1064 = arith.constant 48 : index
    %swap3A_1065 = tpu.vector_load %arg8[%swap3A_1063, %swap3A_1064] {strides = array<i32>} : memref<5x128xf32, #tpu.memory_space<vmem>>, vector<16xf32>,
    tpu.vector_store %arg8[%swap3A_1063, %swap3A_1064], %select_n3A_1055 {strides = array<i32>} : memref<5x128xf32, #tpu.memory_space<vmem>>, vector<16xf32>,
    %add3A_1066 = arith.constant 0 : i32
    %add3A_1067 = vector.broadcast %add3A_1066 : i32 to vector<16xi32>
    %add3A_1068 = arith.addi %iota3A, %add3A_1067 : vector<16xi32>
    %lt3A_1069 = arith.constant 30 : i32
    %lt3A_1070 = vector.broadcast %lt3A_1069 : i32 to vector<16xi32>
    %lt3A_1071 = arith.cmpi slt, %add3A_1068, %lt3A_1070 : vector<16xi32>
    %mul3A_1072 = arith.constant 34 : i32
    %mul3A_1073 = vector.broadcast %mul3A_1072 : i32 to vector<16xi32>
    %mul3A_1074 = arith.muli %add3A_1068, %mul3A_1073 : vector<16xi32>
    %add3A_1075 = arith.constant 28 : i32
    %add3A_1076 = vector.broadcast %add3A_1075 : i32 to vector<16xi32>
    %add3A_1077 = arith.addi %mul3A_1074, %add3A_1076 : vector<16xi32>
    %select_n3A_1078 = arith.select %lt3A_1071, %add3A_1077, %broadcast_in_dim3A_5 : vector<16xi1>, vector<16xi32>
    %gather3A_1079 = tpu.vector_load_idx %arg5[%select_n3A_1078] : memref<1020xi32, #tpu.memory_space<vmem>>[vector<16xi32>], vector<16xi32>,
    %add3A_1080 = arith.constant 1 : i32
    %add3A_1081 = vector.broadcast %add3A_1080 : i32 to vector<16xi32>
    %add3A_1082 = arith.addi %select_n3A_1078, %add3A_1081 : vector<16xi32>
    %gather3A_1083 = tpu.vector_load_idx %arg5[%add3A_1082] : memref<1020xi32, #tpu.memory_space<vmem>>[vector<16xi32>], vector<16xi32>,
    %gt3A_1084 = arith.constant 0 : i32
    %gt3A_1085 = vector.broadcast %gt3A_1084 : i32 to vector<16xi32>
    %gt3A_1086 = arith.cmpi sgt, %gather3A_1083, %gt3A_1085 : vector<16xi32>
    %and3A_1087 = arith.andi %lt3A_1071, %gt3A_1086 : vector<16xi1>
    %jit3A_1088 = arith.constant 1.000000e+00 : f32
    %jit3A_1089 = arith.constant 0.000000e+00 : f32
    %broadcast_in_dim3A_1090 = vector.broadcast %jit3A_1088 : f32 to vector<16xf32>
    %broadcast_in_dim3A_1091 = vector.broadcast %jit3A_1089 : f32 to vector<16xf32>
    %select_n3A_1092 = arith.select %and3A_1087, %broadcast_in_dim3A_1090, %broadcast_in_dim3A_1091 : vector<16xi1>, vector<16xf32>
    %select_n3A_1093 = arith.select %lt3A_1071, %gather3A_1079, %broadcast_in_dim3A_5 : vector<16xi1>, vector<16xi32>
    %add3A_1094 = arith.addi %select_n3A_1093, %mul3A_3 : vector<16xi32>
    %swap3A_1095 = arith.constant 3 : i32
    %swap3A_1096 = arith.index_cast %swap3A_1095 : i32 to index
    %swap3A_1097 = arith.constant 64 : index
    %swap3A_1098 = tpu.vector_load %arg6[%swap3A_1096, %swap3A_1097] {strides = array<i32>} : memref<5x128xi32, #tpu.memory_space<vmem>>, vector<16xi32>,
    tpu.vector_store %arg6[%swap3A_1096, %swap3A_1097], %add3A_1094 {strides = array<i32>} : memref<5x128xi32, #tpu.memory_space<vmem>>, vector<16xi32>,
    %swap3A_1099 = arith.constant 3 : i32
    %swap3A_1100 = arith.index_cast %swap3A_1099 : i32 to index
    %swap3A_1101 = arith.constant 64 : index
    %swap3A_1102 = tpu.vector_load %arg8[%swap3A_1100, %swap3A_1101] {strides = array<i32>} : memref<5x128xf32, #tpu.memory_space<vmem>>, vector<16xf32>,
    tpu.vector_store %arg8[%swap3A_1100, %swap3A_1101], %select_n3A_1092 {strides = array<i32>} : memref<5x128xf32, #tpu.memory_space<vmem>>, vector<16xf32>,
    %add3A_1103 = arith.constant 16 : i32
    %add3A_1104 = vector.broadcast %add3A_1103 : i32 to vector<16xi32>
    %add3A_1105 = arith.addi %iota3A, %add3A_1104 : vector<16xi32>
    %lt3A_1106 = arith.constant 30 : i32
    %lt3A_1107 = vector.broadcast %lt3A_1106 : i32 to vector<16xi32>
    %lt3A_1108 = arith.cmpi slt, %add3A_1105, %lt3A_1107 : vector<16xi32>
    %mul3A_1109 = arith.constant 34 : i32
    %mul3A_1110 = vector.broadcast %mul3A_1109 : i32 to vector<16xi32>
    %mul3A_1111 = arith.muli %add3A_1105, %mul3A_1110 : vector<16xi32>
    %add3A_1112 = arith.constant 28 : i32
    %add3A_1113 = vector.broadcast %add3A_1112 : i32 to vector<16xi32>
    %add3A_1114 = arith.addi %mul3A_1111, %add3A_1113 : vector<16xi32>
    %select_n3A_1115 = arith.select %lt3A_1108, %add3A_1114, %broadcast_in_dim3A_5 : vector<16xi1>, vector<16xi32>
    %gather3A_1116 = tpu.vector_load_idx %arg5[%select_n3A_1115] : memref<1020xi32, #tpu.memory_space<vmem>>[vector<16xi32>], vector<16xi32>,
    %add3A_1117 = arith.constant 1 : i32
    %add3A_1118 = vector.broadcast %add3A_1117 : i32 to vector<16xi32>
    %add3A_1119 = arith.addi %select_n3A_1115, %add3A_1118 : vector<16xi32>
    %gather3A_1120 = tpu.vector_load_idx %arg5[%add3A_1119] : memref<1020xi32, #tpu.memory_space<vmem>>[vector<16xi32>], vector<16xi32>,
    %gt3A_1121 = arith.constant 0 : i32
    %gt3A_1122 = vector.broadcast %gt3A_1121 : i32 to vector<16xi32>
    %gt3A_1123 = arith.cmpi sgt, %gather3A_1120, %gt3A_1122 : vector<16xi32>
    %and3A_1124 = arith.andi %lt3A_1108, %gt3A_1123 : vector<16xi1>
    %jit3A_1125 = arith.constant 1.000000e+00 : f32
    %jit3A_1126 = arith.constant 0.000000e+00 : f32
    %broadcast_in_dim3A_1127 = vector.broadcast %jit3A_1125 : f32 to vector<16xf32>
    %broadcast_in_dim3A_1128 = vector.broadcast %jit3A_1126 : f32 to vector<16xf32>
    %select_n3A_1129 = arith.select %and3A_1124, %broadcast_in_dim3A_1127, %broadcast_in_dim3A_1128 : vector<16xi1>, vector<16xf32>
    %select_n3A_1130 = arith.select %lt3A_1108, %gather3A_1116, %broadcast_in_dim3A_5 : vector<16xi1>, vector<16xi32>
    %add3A_1131 = arith.addi %select_n3A_1130, %mul3A_3 : vector<16xi32>
    %swap3A_1132 = arith.constant 3 : i32
    %swap3A_1133 = arith.index_cast %swap3A_1132 : i32 to index
    %swap3A_1134 = arith.constant 80 : index
    %swap3A_1135 = tpu.vector_load %arg6[%swap3A_1133, %swap3A_1134] {strides = array<i32>} : memref<5x128xi32, #tpu.memory_space<vmem>>, vector<16xi32>,
    tpu.vector_store %arg6[%swap3A_1133, %swap3A_1134], %add3A_1131 {strides = array<i32>} : memref<5x128xi32, #tpu.memory_space<vmem>>, vector<16xi32>,
    %swap3A_1136 = arith.constant 3 : i32
    %swap3A_1137 = arith.index_cast %swap3A_1136 : i32 to index
    %swap3A_1138 = arith.constant 80 : index
    %swap3A_1139 = tpu.vector_load %arg8[%swap3A_1137, %swap3A_1138] {strides = array<i32>} : memref<5x128xf32, #tpu.memory_space<vmem>>, vector<16xf32>,
    tpu.vector_store %arg8[%swap3A_1137, %swap3A_1138], %select_n3A_1129 {strides = array<i32>} : memref<5x128xf32, #tpu.memory_space<vmem>>, vector<16xf32>,
    %add3A_1140 = arith.constant 0 : i32
    %add3A_1141 = vector.broadcast %add3A_1140 : i32 to vector<16xi32>
    %add3A_1142 = arith.addi %iota3A, %add3A_1141 : vector<16xi32>
    %lt3A_1143 = arith.constant 30 : i32
    %lt3A_1144 = vector.broadcast %lt3A_1143 : i32 to vector<16xi32>
    %lt3A_1145 = arith.cmpi slt, %add3A_1142, %lt3A_1144 : vector<16xi32>
    %mul3A_1146 = arith.constant 34 : i32
    %mul3A_1147 = vector.broadcast %mul3A_1146 : i32 to vector<16xi32>
    %mul3A_1148 = arith.muli %add3A_1142, %mul3A_1147 : vector<16xi32>
    %add3A_1149 = arith.constant 30 : i32
    %add3A_1150 = vector.broadcast %add3A_1149 : i32 to vector<16xi32>
    %add3A_1151 = arith.addi %mul3A_1148, %add3A_1150 : vector<16xi32>
    %select_n3A_1152 = arith.select %lt3A_1145, %add3A_1151, %broadcast_in_dim3A_5 : vector<16xi1>, vector<16xi32>
    %gather3A_1153 = tpu.vector_load_idx %arg5[%select_n3A_1152] : memref<1020xi32, #tpu.memory_space<vmem>>[vector<16xi32>], vector<16xi32>,
    %add3A_1154 = arith.constant 1 : i32
    %add3A_1155 = vector.broadcast %add3A_1154 : i32 to vector<16xi32>
    %add3A_1156 = arith.addi %select_n3A_1152, %add3A_1155 : vector<16xi32>
    %gather3A_1157 = tpu.vector_load_idx %arg5[%add3A_1156] : memref<1020xi32, #tpu.memory_space<vmem>>[vector<16xi32>], vector<16xi32>,
    %gt3A_1158 = arith.constant 0 : i32
    %gt3A_1159 = vector.broadcast %gt3A_1158 : i32 to vector<16xi32>
    %gt3A_1160 = arith.cmpi sgt, %gather3A_1157, %gt3A_1159 : vector<16xi32>
    %and3A_1161 = arith.andi %lt3A_1145, %gt3A_1160 : vector<16xi1>
    %jit3A_1162 = arith.constant 1.000000e+00 : f32
    %jit3A_1163 = arith.constant 0.000000e+00 : f32
    %broadcast_in_dim3A_1164 = vector.broadcast %jit3A_1162 : f32 to vector<16xf32>
    %broadcast_in_dim3A_1165 = vector.broadcast %jit3A_1163 : f32 to vector<16xf32>
    %select_n3A_1166 = arith.select %and3A_1161, %broadcast_in_dim3A_1164, %broadcast_in_dim3A_1165 : vector<16xi1>, vector<16xf32>
    %select_n3A_1167 = arith.select %lt3A_1145, %gather3A_1153, %broadcast_in_dim3A_5 : vector<16xi1>, vector<16xi32>
    %add3A_1168 = arith.addi %select_n3A_1167, %mul3A_3 : vector<16xi32>
    %swap3A_1169 = arith.constant 3 : i32
    %swap3A_1170 = arith.index_cast %swap3A_1169 : i32 to index
    %swap3A_1171 = arith.constant 96 : index
    %swap3A_1172 = tpu.vector_load %arg6[%swap3A_1170, %swap3A_1171] {strides = array<i32>} : memref<5x128xi32, #tpu.memory_space<vmem>>, vector<16xi32>,
    tpu.vector_store %arg6[%swap3A_1170, %swap3A_1171], %add3A_1168 {strides = array<i32>} : memref<5x128xi32, #tpu.memory_space<vmem>>, vector<16xi32>,
    %swap3A_1173 = arith.constant 3 : i32
    %swap3A_1174 = arith.index_cast %swap3A_1173 : i32 to index
    %swap3A_1175 = arith.constant 96 : index
    %swap3A_1176 = tpu.vector_load %arg8[%swap3A_1174, %swap3A_1175] {strides = array<i32>} : memref<5x128xf32, #tpu.memory_space<vmem>>, vector<16xf32>,
    tpu.vector_store %arg8[%swap3A_1174, %swap3A_1175], %select_n3A_1166 {strides = array<i32>} : memref<5x128xf32, #tpu.memory_space<vmem>>, vector<16xf32>,
    %add3A_1177 = arith.constant 16 : i32
    %add3A_1178 = vector.broadcast %add3A_1177 : i32 to vector<16xi32>
    %add3A_1179 = arith.addi %iota3A, %add3A_1178 : vector<16xi32>
    %lt3A_1180 = arith.constant 30 : i32
    %lt3A_1181 = vector.broadcast %lt3A_1180 : i32 to vector<16xi32>
    %lt3A_1182 = arith.cmpi slt, %add3A_1179, %lt3A_1181 : vector<16xi32>
    %mul3A_1183 = arith.constant 34 : i32
    %mul3A_1184 = vector.broadcast %mul3A_1183 : i32 to vector<16xi32>
    %mul3A_1185 = arith.muli %add3A_1179, %mul3A_1184 : vector<16xi32>
    %add3A_1186 = arith.constant 30 : i32
    %add3A_1187 = vector.broadcast %add3A_1186 : i32 to vector<16xi32>
    %add3A_1188 = arith.addi %mul3A_1185, %add3A_1187 : vector<16xi32>
    %select_n3A_1189 = arith.select %lt3A_1182, %add3A_1188, %broadcast_in_dim3A_5 : vector<16xi1>, vector<16xi32>
    %gather3A_1190 = tpu.vector_load_idx %arg5[%select_n3A_1189] : memref<1020xi32, #tpu.memory_space<vmem>>[vector<16xi32>], vector<16xi32>,
    %add3A_1191 = arith.constant 1 : i32
    %add3A_1192 = vector.broadcast %add3A_1191 : i32 to vector<16xi32>
    %add3A_1193 = arith.addi %select_n3A_1189, %add3A_1192 : vector<16xi32>
    %gather3A_1194 = tpu.vector_load_idx %arg5[%add3A_1193] : memref<1020xi32, #tpu.memory_space<vmem>>[vector<16xi32>], vector<16xi32>,
    %gt3A_1195 = arith.constant 0 : i32
    %gt3A_1196 = vector.broadcast %gt3A_1195 : i32 to vector<16xi32>
    %gt3A_1197 = arith.cmpi sgt, %gather3A_1194, %gt3A_1196 : vector<16xi32>
    %and3A_1198 = arith.andi %lt3A_1182, %gt3A_1197 : vector<16xi1>
    %jit3A_1199 = arith.constant 1.000000e+00 : f32
    %jit3A_1200 = arith.constant 0.000000e+00 : f32
    %broadcast_in_dim3A_1201 = vector.broadcast %jit3A_1199 : f32 to vector<16xf32>
    %broadcast_in_dim3A_1202 = vector.broadcast %jit3A_1200 : f32 to vector<16xf32>
    %select_n3A_1203 = arith.select %and3A_1198, %broadcast_in_dim3A_1201, %broadcast_in_dim3A_1202 : vector<16xi1>, vector<16xf32>
    %select_n3A_1204 = arith.select %lt3A_1182, %gather3A_1190, %broadcast_in_dim3A_5 : vector<16xi1>, vector<16xi32>
    %add3A_1205 = arith.addi %select_n3A_1204, %mul3A_3 : vector<16xi32>
    %swap3A_1206 = arith.constant 3 : i32
    %swap3A_1207 = arith.index_cast %swap3A_1206 : i32 to index
    %swap3A_1208 = arith.constant 112 : index
    %swap3A_1209 = tpu.vector_load %arg6[%swap3A_1207, %swap3A_1208] {strides = array<i32>} : memref<5x128xi32, #tpu.memory_space<vmem>>, vector<16xi32>,
    tpu.vector_store %arg6[%swap3A_1207, %swap3A_1208], %add3A_1205 {strides = array<i32>} : memref<5x128xi32, #tpu.memory_space<vmem>>, vector<16xi32>,
    %swap3A_1210 = arith.constant 3 : i32
    %swap3A_1211 = arith.index_cast %swap3A_1210 : i32 to index
    %swap3A_1212 = arith.constant 112 : index
    %swap3A_1213 = tpu.vector_load %arg8[%swap3A_1211, %swap3A_1212] {strides = array<i32>} : memref<5x128xf32, #tpu.memory_space<vmem>>, vector<16xf32>,
    tpu.vector_store %arg8[%swap3A_1211, %swap3A_1212], %select_n3A_1203 {strides = array<i32>} : memref<5x128xf32, #tpu.memory_space<vmem>>, vector<16xf32>,
    %dma_start3A_1214 = arith.constant 3 : i32
    %dma_start3A_1215 = arith.constant 3 : i32
    %dma_start3A_1216 = arith.constant 0 : i32
    %dma_start3A_1217 = tpu.memref_slice %arg7[%dma_start3A_1215, %dma_start3A_1216] : memref<5x128xf32, #tpu.memory_space<vmem>> -> memref<1x128xf32, #tpu.memory_space<vmem>>
    %dma_start3A_1218 = tpu.memref_squeeze %dma_start3A_1217 : memref<1x128xf32, #tpu.memory_space<vmem>> -> memref<128xf32, #tpu.memory_space<vmem>>
    %dma_start3A_1219 = arith.constant 0 : i32
    %dma_start3A_1220 = tpu.memref_slice %arg6[%dma_start3A_1214, %dma_start3A_1219] : memref<5x128xi32, #tpu.memory_space<vmem>> -> memref<1x128xi32, #tpu.memory_space<vmem>>
    %dma_start3A_1221 = tpu.memref_squeeze %dma_start3A_1220 : memref<1x128xi32, #tpu.memory_space<vmem>> -> memref<128xi32, #tpu.memory_space<vmem>>
    %dma_start3A_1222 = arith.constant 0 : i32
    %dma_start3A_1223 = tpu.memref_slice %arg2[%dma_start3A_1222] : memref<8912896xf32, #tpu.memory_space<hbm>> -> memref<8912896xf32, #tpu.memory_space<hbm>>
    tpu.enqueue_indirect_dma source(%dma_start3A_1223 : memref<8912896xf32, #tpu.memory_space<hbm>>) target(%dma_start3A_1218 : memref<128xf32, #tpu.memory_space<vmem>>) offsets(%dma_start3A_1221 : memref<128xi32, #tpu.memory_space<vmem>>) semaphore(%arg10 : memref<!tpu.dma_semaphore, #tpu.memory_space<semaphore_mem>>)
    %add3A_1224 = arith.constant 0 : i32
    %add3A_1225 = vector.broadcast %add3A_1224 : i32 to vector<16xi32>
    %add3A_1226 = arith.addi %iota3A, %add3A_1225 : vector<16xi32>
    %lt3A_1227 = arith.constant 30 : i32
    %lt3A_1228 = vector.broadcast %lt3A_1227 : i32 to vector<16xi32>
    %lt3A_1229 = arith.cmpi slt, %add3A_1226, %lt3A_1228 : vector<16xi32>
    %mul3A_1230 = arith.constant 34 : i32
    %mul3A_1231 = vector.broadcast %mul3A_1230 : i32 to vector<16xi32>
    %mul3A_1232 = arith.muli %add3A_1226, %mul3A_1231 : vector<16xi32>
    %add3A_1233 = arith.constant 32 : i32
    %add3A_1234 = vector.broadcast %add3A_1233 : i32 to vector<16xi32>
    %add3A_1235 = arith.addi %mul3A_1232, %add3A_1234 : vector<16xi32>
    %select_n3A_1236 = arith.select %lt3A_1229, %add3A_1235, %broadcast_in_dim3A_5 : vector<16xi1>, vector<16xi32>
    %gather3A_1237 = tpu.vector_load_idx %arg5[%select_n3A_1236] : memref<1020xi32, #tpu.memory_space<vmem>>[vector<16xi32>], vector<16xi32>,
    %add3A_1238 = arith.constant 1 : i32
    %add3A_1239 = vector.broadcast %add3A_1238 : i32 to vector<16xi32>
    %add3A_1240 = arith.addi %select_n3A_1236, %add3A_1239 : vector<16xi32>
    %gather3A_1241 = tpu.vector_load_idx %arg5[%add3A_1240] : memref<1020xi32, #tpu.memory_space<vmem>>[vector<16xi32>], vector<16xi32>,
    %gt3A_1242 = arith.constant 0 : i32
    %gt3A_1243 = vector.broadcast %gt3A_1242 : i32 to vector<16xi32>
    %gt3A_1244 = arith.cmpi sgt, %gather3A_1241, %gt3A_1243 : vector<16xi32>
    %and3A_1245 = arith.andi %lt3A_1229, %gt3A_1244 : vector<16xi1>
    %jit3A_1246 = arith.constant 1.000000e+00 : f32
    %jit3A_1247 = arith.constant 0.000000e+00 : f32
    %broadcast_in_dim3A_1248 = vector.broadcast %jit3A_1246 : f32 to vector<16xf32>
    %broadcast_in_dim3A_1249 = vector.broadcast %jit3A_1247 : f32 to vector<16xf32>
    %select_n3A_1250 = arith.select %and3A_1245, %broadcast_in_dim3A_1248, %broadcast_in_dim3A_1249 : vector<16xi1>, vector<16xf32>
    %select_n3A_1251 = arith.select %lt3A_1229, %gather3A_1237, %broadcast_in_dim3A_5 : vector<16xi1>, vector<16xi32>
    %add3A_1252 = arith.addi %select_n3A_1251, %mul3A_3 : vector<16xi32>
    %swap3A_1253 = arith.constant 4 : i32
    %swap3A_1254 = arith.index_cast %swap3A_1253 : i32 to index
    %swap3A_1255 = arith.constant 0 : index
    %swap3A_1256 = tpu.vector_load %arg6[%swap3A_1254, %swap3A_1255] {strides = array<i32>} : memref<5x128xi32, #tpu.memory_space<vmem>>, vector<16xi32>,
    tpu.vector_store %arg6[%swap3A_1254, %swap3A_1255], %add3A_1252 {strides = array<i32>} : memref<5x128xi32, #tpu.memory_space<vmem>>, vector<16xi32>,
    %swap3A_1257 = arith.constant 4 : i32
    %swap3A_1258 = arith.index_cast %swap3A_1257 : i32 to index
    %swap3A_1259 = arith.constant 0 : index
    %swap3A_1260 = tpu.vector_load %arg8[%swap3A_1258, %swap3A_1259] {strides = array<i32>} : memref<5x128xf32, #tpu.memory_space<vmem>>, vector<16xf32>,
    tpu.vector_store %arg8[%swap3A_1258, %swap3A_1259], %select_n3A_1250 {strides = array<i32>} : memref<5x128xf32, #tpu.memory_space<vmem>>, vector<16xf32>,
    %add3A_1261 = arith.constant 16 : i32
    %add3A_1262 = vector.broadcast %add3A_1261 : i32 to vector<16xi32>
    %add3A_1263 = arith.addi %iota3A, %add3A_1262 : vector<16xi32>
    %lt3A_1264 = arith.constant 30 : i32
    %lt3A_1265 = vector.broadcast %lt3A_1264 : i32 to vector<16xi32>
    %lt3A_1266 = arith.cmpi slt, %add3A_1263, %lt3A_1265 : vector<16xi32>
    %mul3A_1267 = arith.constant 34 : i32
    %mul3A_1268 = vector.broadcast %mul3A_1267 : i32 to vector<16xi32>
    %mul3A_1269 = arith.muli %add3A_1263, %mul3A_1268 : vector<16xi32>
    %add3A_1270 = arith.constant 32 : i32
    %add3A_1271 = vector.broadcast %add3A_1270 : i32 to vector<16xi32>
    %add3A_1272 = arith.addi %mul3A_1269, %add3A_1271 : vector<16xi32>
    %select_n3A_1273 = arith.select %lt3A_1266, %add3A_1272, %broadcast_in_dim3A_5 : vector<16xi1>, vector<16xi32>
    %gather3A_1274 = tpu.vector_load_idx %arg5[%select_n3A_1273] : memref<1020xi32, #tpu.memory_space<vmem>>[vector<16xi32>], vector<16xi32>,
    %add3A_1275 = arith.constant 1 : i32
    %add3A_1276 = vector.broadcast %add3A_1275 : i32 to vector<16xi32>
    %add3A_1277 = arith.addi %select_n3A_1273, %add3A_1276 : vector<16xi32>
    %gather3A_1278 = tpu.vector_load_idx %arg5[%add3A_1277] : memref<1020xi32, #tpu.memory_space<vmem>>[vector<16xi32>], vector<16xi32>,
    %gt3A_1279 = arith.constant 0 : i32
    %gt3A_1280 = vector.broadcast %gt3A_1279 : i32 to vector<16xi32>
    %gt3A_1281 = arith.cmpi sgt, %gather3A_1278, %gt3A_1280 : vector<16xi32>
    %and3A_1282 = arith.andi %lt3A_1266, %gt3A_1281 : vector<16xi1>
    %jit3A_1283 = arith.constant 1.000000e+00 : f32
    %jit3A_1284 = arith.constant 0.000000e+00 : f32
    %broadcast_in_dim3A_1285 = vector.broadcast %jit3A_1283 : f32 to vector<16xf32>
    %broadcast_in_dim3A_1286 = vector.broadcast %jit3A_1284 : f32 to vector<16xf32>
    %select_n3A_1287 = arith.select %and3A_1282, %broadcast_in_dim3A_1285, %broadcast_in_dim3A_1286 : vector<16xi1>, vector<16xf32>
    %select_n3A_1288 = arith.select %lt3A_1266, %gather3A_1274, %broadcast_in_dim3A_5 : vector<16xi1>, vector<16xi32>
    %add3A_1289 = arith.addi %select_n3A_1288, %mul3A_3 : vector<16xi32>
    %swap3A_1290 = arith.constant 4 : i32
    %swap3A_1291 = arith.index_cast %swap3A_1290 : i32 to index
    %swap3A_1292 = arith.constant 16 : index
    %swap3A_1293 = tpu.vector_load %arg6[%swap3A_1291, %swap3A_1292] {strides = array<i32>} : memref<5x128xi32, #tpu.memory_space<vmem>>, vector<16xi32>,
    tpu.vector_store %arg6[%swap3A_1291, %swap3A_1292], %add3A_1289 {strides = array<i32>} : memref<5x128xi32, #tpu.memory_space<vmem>>, vector<16xi32>,
    %swap3A_1294 = arith.constant 4 : i32
    %swap3A_1295 = arith.index_cast %swap3A_1294 : i32 to index
    %swap3A_1296 = arith.constant 16 : index
    %swap3A_1297 = tpu.vector_load %arg8[%swap3A_1295, %swap3A_1296] {strides = array<i32>} : memref<5x128xf32, #tpu.memory_space<vmem>>, vector<16xf32>,
    tpu.vector_store %arg8[%swap3A_1295, %swap3A_1296], %select_n3A_1287 {strides = array<i32>} : memref<5x128xf32, #tpu.memory_space<vmem>>, vector<16xf32>,
    %swap3A_1298 = arith.constant 4 : i32
    %swap3A_1299 = arith.index_cast %swap3A_1298 : i32 to index
    %swap3A_1300 = arith.constant 32 : index
    %swap3A_1301 = tpu.vector_load %arg6[%swap3A_1299, %swap3A_1300] {strides = array<i32>} : memref<5x128xi32, #tpu.memory_space<vmem>>, vector<16xi32>,
    tpu.vector_store %arg6[%swap3A_1299, %swap3A_1300], %mul3A_3 {strides = array<i32>} : memref<5x128xi32, #tpu.memory_space<vmem>>, vector<16xi32>,
    %swap3A_1302 = arith.constant 4 : i32
    %swap3A_1303 = arith.index_cast %swap3A_1302 : i32 to index
    %swap3A_1304 = arith.constant 32 : index
    %swap3A_1305 = tpu.vector_load %arg8[%swap3A_1303, %swap3A_1304] {strides = array<i32>} : memref<5x128xf32, #tpu.memory_space<vmem>>, vector<16xf32>,
    tpu.vector_store %arg8[%swap3A_1303, %swap3A_1304], %broadcast_in_dim3A_7 {strides = array<i32>} : memref<5x128xf32, #tpu.memory_space<vmem>>, vector<16xf32>,
    %swap3A_1306 = arith.constant 4 : i32
    %swap3A_1307 = arith.index_cast %swap3A_1306 : i32 to index
    %swap3A_1308 = arith.constant 48 : index
    %swap3A_1309 = tpu.vector_load %arg6[%swap3A_1307, %swap3A_1308] {strides = array<i32>} : memref<5x128xi32, #tpu.memory_space<vmem>>, vector<16xi32>,
    tpu.vector_store %arg6[%swap3A_1307, %swap3A_1308], %mul3A_3 {strides = array<i32>} : memref<5x128xi32, #tpu.memory_space<vmem>>, vector<16xi32>,
    %swap3A_1310 = arith.constant 4 : i32
    %swap3A_1311 = arith.index_cast %swap3A_1310 : i32 to index
    %swap3A_1312 = arith.constant 48 : index
    %swap3A_1313 = tpu.vector_load %arg8[%swap3A_1311, %swap3A_1312] {strides = array<i32>} : memref<5x128xf32, #tpu.memory_space<vmem>>, vector<16xf32>,
    tpu.vector_store %arg8[%swap3A_1311, %swap3A_1312], %broadcast_in_dim3A_7 {strides = array<i32>} : memref<5x128xf32, #tpu.memory_space<vmem>>, vector<16xf32>,
    %swap3A_1314 = arith.constant 4 : i32
    %swap3A_1315 = arith.index_cast %swap3A_1314 : i32 to index
    %swap3A_1316 = arith.constant 64 : index
    %swap3A_1317 = tpu.vector_load %arg6[%swap3A_1315, %swap3A_1316] {strides = array<i32>} : memref<5x128xi32, #tpu.memory_space<vmem>>, vector<16xi32>,
    tpu.vector_store %arg6[%swap3A_1315, %swap3A_1316], %mul3A_3 {strides = array<i32>} : memref<5x128xi32, #tpu.memory_space<vmem>>, vector<16xi32>,
    %swap3A_1318 = arith.constant 4 : i32
    %swap3A_1319 = arith.index_cast %swap3A_1318 : i32 to index
    %swap3A_1320 = arith.constant 64 : index
    %swap3A_1321 = tpu.vector_load %arg8[%swap3A_1319, %swap3A_1320] {strides = array<i32>} : memref<5x128xf32, #tpu.memory_space<vmem>>, vector<16xf32>,
    tpu.vector_store %arg8[%swap3A_1319, %swap3A_1320], %broadcast_in_dim3A_7 {strides = array<i32>} : memref<5x128xf32, #tpu.memory_space<vmem>>, vector<16xf32>,
    %swap3A_1322 = arith.constant 4 : i32
    %swap3A_1323 = arith.index_cast %swap3A_1322 : i32 to index
    %swap3A_1324 = arith.constant 80 : index
    %swap3A_1325 = tpu.vector_load %arg6[%swap3A_1323, %swap3A_1324] {strides = array<i32>} : memref<5x128xi32, #tpu.memory_space<vmem>>, vector<16xi32>,
    tpu.vector_store %arg6[%swap3A_1323, %swap3A_1324], %mul3A_3 {strides = array<i32>} : memref<5x128xi32, #tpu.memory_space<vmem>>, vector<16xi32>,
    %swap3A_1326 = arith.constant 4 : i32
    %swap3A_1327 = arith.index_cast %swap3A_1326 : i32 to index
    %swap3A_1328 = arith.constant 80 : index
    %swap3A_1329 = tpu.vector_load %arg8[%swap3A_1327, %swap3A_1328] {strides = array<i32>} : memref<5x128xf32, #tpu.memory_space<vmem>>, vector<16xf32>,
    tpu.vector_store %arg8[%swap3A_1327, %swap3A_1328], %broadcast_in_dim3A_7 {strides = array<i32>} : memref<5x128xf32, #tpu.memory_space<vmem>>, vector<16xf32>,
    %swap3A_1330 = arith.constant 4 : i32
    %swap3A_1331 = arith.index_cast %swap3A_1330 : i32 to index
    %swap3A_1332 = arith.constant 96 : index
    %swap3A_1333 = tpu.vector_load %arg6[%swap3A_1331, %swap3A_1332] {strides = array<i32>} : memref<5x128xi32, #tpu.memory_space<vmem>>, vector<16xi32>,
    tpu.vector_store %arg6[%swap3A_1331, %swap3A_1332], %mul3A_3 {strides = array<i32>} : memref<5x128xi32, #tpu.memory_space<vmem>>, vector<16xi32>,
    %swap3A_1334 = arith.constant 4 : i32
    %swap3A_1335 = arith.index_cast %swap3A_1334 : i32 to index
    %swap3A_1336 = arith.constant 96 : index
    %swap3A_1337 = tpu.vector_load %arg8[%swap3A_1335, %swap3A_1336] {strides = array<i32>} : memref<5x128xf32, #tpu.memory_space<vmem>>, vector<16xf32>,
    tpu.vector_store %arg8[%swap3A_1335, %swap3A_1336], %broadcast_in_dim3A_7 {strides = array<i32>} : memref<5x128xf32, #tpu.memory_space<vmem>>, vector<16xf32>,
    %swap3A_1338 = arith.constant 4 : i32
    %swap3A_1339 = arith.index_cast %swap3A_1338 : i32 to index
    %swap3A_1340 = arith.constant 112 : index
    %swap3A_1341 = tpu.vector_load %arg6[%swap3A_1339, %swap3A_1340] {strides = array<i32>} : memref<5x128xi32, #tpu.memory_space<vmem>>, vector<16xi32>,
    tpu.vector_store %arg6[%swap3A_1339, %swap3A_1340], %mul3A_3 {strides = array<i32>} : memref<5x128xi32, #tpu.memory_space<vmem>>, vector<16xi32>,
    %swap3A_1342 = arith.constant 4 : i32
    %swap3A_1343 = arith.index_cast %swap3A_1342 : i32 to index
    %swap3A_1344 = arith.constant 112 : index
    %swap3A_1345 = tpu.vector_load %arg8[%swap3A_1343, %swap3A_1344] {strides = array<i32>} : memref<5x128xf32, #tpu.memory_space<vmem>>, vector<16xf32>,
    tpu.vector_store %arg8[%swap3A_1343, %swap3A_1344], %broadcast_in_dim3A_7 {strides = array<i32>} : memref<5x128xf32, #tpu.memory_space<vmem>>, vector<16xf32>,
    %dma_start3A_1346 = arith.constant 4 : i32
    %dma_start3A_1347 = arith.constant 4 : i32
    %dma_start3A_1348 = arith.constant 0 : i32
    %dma_start3A_1349 = tpu.memref_slice %arg7[%dma_start3A_1347, %dma_start3A_1348] : memref<5x128xf32, #tpu.memory_space<vmem>> -> memref<1x128xf32, #tpu.memory_space<vmem>>
    %dma_start3A_1350 = tpu.memref_squeeze %dma_start3A_1349 : memref<1x128xf32, #tpu.memory_space<vmem>> -> memref<128xf32, #tpu.memory_space<vmem>>
    %dma_start3A_1351 = arith.constant 0 : i32
    %dma_start3A_1352 = tpu.memref_slice %arg6[%dma_start3A_1346, %dma_start3A_1351] : memref<5x128xi32, #tpu.memory_space<vmem>> -> memref<1x128xi32, #tpu.memory_space<vmem>>
    %dma_start3A_1353 = tpu.memref_squeeze %dma_start3A_1352 : memref<1x128xi32, #tpu.memory_space<vmem>> -> memref<128xi32, #tpu.memory_space<vmem>>
    %dma_start3A_1354 = arith.constant 0 : i32
    %dma_start3A_1355 = tpu.memref_slice %arg2[%dma_start3A_1354] : memref<8912896xf32, #tpu.memory_space<hbm>> -> memref<8912896xf32, #tpu.memory_space<hbm>>
    tpu.enqueue_indirect_dma source(%dma_start3A_1355 : memref<8912896xf32, #tpu.memory_space<hbm>>) target(%dma_start3A_1350 : memref<128xf32, #tpu.memory_space<vmem>>) offsets(%dma_start3A_1353 : memref<128xi32, #tpu.memory_space<vmem>>) semaphore(%arg10 : memref<!tpu.dma_semaphore, #tpu.memory_space<semaphore_mem>>)
    %dma_wait3A = arith.constant 0 : i32
    %dma_wait3A_1356 = arith.constant 0 : i32
    %dma_wait3A_1357 = arith.constant 0 : i32
    %dma_wait3A_1358 = tpu.memref_slice %arg7[%dma_wait3A_1356, %dma_wait3A_1357] : memref<5x128xf32, #tpu.memory_space<vmem>> -> memref<1x128xf32, #tpu.memory_space<vmem>>
    %dma_wait3A_1359 = tpu.memref_squeeze %dma_wait3A_1358 : memref<1x128xf32, #tpu.memory_space<vmem>> -> memref<128xf32, #tpu.memory_space<vmem>>
    %dma_wait3A_1360 = arith.constant 0 : i32
    %dma_wait3A_1361 = tpu.memref_slice %arg6[%dma_wait3A, %dma_wait3A_1360] : memref<5x128xi32, #tpu.memory_space<vmem>> -> memref<1x128xi32, #tpu.memory_space<vmem>>
    %dma_wait3A_1362 = tpu.memref_squeeze %dma_wait3A_1361 : memref<1x128xi32, #tpu.memory_space<vmem>> -> memref<128xi32, #tpu.memory_space<vmem>>
    %dma_wait3A_1363 = arith.constant 0 : i32
    %dma_wait3A_1364 = tpu.memref_slice %arg2[%dma_wait3A_1363] : memref<8912896xf32, #tpu.memory_space<hbm>> -> memref<8912896xf32, #tpu.memory_space<hbm>>
    tpu.wait_indirect_dma semaphore(%arg10 : memref<!tpu.dma_semaphore, #tpu.memory_space<semaphore_mem>>) src(%dma_wait3A_1364 : memref<8912896xf32, #tpu.memory_space<hbm>>) dst(%dma_wait3A_1359 : memref<128xf32, #tpu.memory_space<vmem>>)
    %dma_wait3A_1365 = arith.constant 1 : i32
    %dma_wait3A_1366 = arith.constant 1 : i32
    %dma_wait3A_1367 = arith.constant 0 : i32
    %dma_wait3A_1368 = tpu.memref_slice %arg7[%dma_wait3A_1366, %dma_wait3A_1367] : memref<5x128xf32, #tpu.memory_space<vmem>> -> memref<1x128xf32, #tpu.memory_space<vmem>>
    %dma_wait3A_1369 = tpu.memref_squeeze %dma_wait3A_1368 : memref<1x128xf32, #tpu.memory_space<vmem>> -> memref<128xf32, #tpu.memory_space<vmem>>
    %dma_wait3A_1370 = arith.constant 0 : i32
    %dma_wait3A_1371 = tpu.memref_slice %arg6[%dma_wait3A_1365, %dma_wait3A_1370] : memref<5x128xi32, #tpu.memory_space<vmem>> -> memref<1x128xi32, #tpu.memory_space<vmem>>
    %dma_wait3A_1372 = tpu.memref_squeeze %dma_wait3A_1371 : memref<1x128xi32, #tpu.memory_space<vmem>> -> memref<128xi32, #tpu.memory_space<vmem>>
    %dma_wait3A_1373 = arith.constant 0 : i32
    %dma_wait3A_1374 = tpu.memref_slice %arg2[%dma_wait3A_1373] : memref<8912896xf32, #tpu.memory_space<hbm>> -> memref<8912896xf32, #tpu.memory_space<hbm>>
    tpu.wait_indirect_dma semaphore(%arg10 : memref<!tpu.dma_semaphore, #tpu.memory_space<semaphore_mem>>) src(%dma_wait3A_1374 : memref<8912896xf32, #tpu.memory_space<hbm>>) dst(%dma_wait3A_1369 : memref<128xf32, #tpu.memory_space<vmem>>)
    %dma_wait3A_1375 = arith.constant 2 : i32
    %dma_wait3A_1376 = arith.constant 2 : i32
    %dma_wait3A_1377 = arith.constant 0 : i32
    %dma_wait3A_1378 = tpu.memref_slice %arg7[%dma_wait3A_1376, %dma_wait3A_1377] : memref<5x128xf32, #tpu.memory_space<vmem>> -> memref<1x128xf32, #tpu.memory_space<vmem>>
    %dma_wait3A_1379 = tpu.memref_squeeze %dma_wait3A_1378 : memref<1x128xf32, #tpu.memory_space<vmem>> -> memref<128xf32, #tpu.memory_space<vmem>>
    %dma_wait3A_1380 = arith.constant 0 : i32
    %dma_wait3A_1381 = tpu.memref_slice %arg6[%dma_wait3A_1375, %dma_wait3A_1380] : memref<5x128xi32, #tpu.memory_space<vmem>> -> memref<1x128xi32, #tpu.memory_space<vmem>>
    %dma_wait3A_1382 = tpu.memref_squeeze %dma_wait3A_1381 : memref<1x128xi32, #tpu.memory_space<vmem>> -> memref<128xi32, #tpu.memory_space<vmem>>
    %dma_wait3A_1383 = arith.constant 0 : i32
    %dma_wait3A_1384 = tpu.memref_slice %arg2[%dma_wait3A_1383] : memref<8912896xf32, #tpu.memory_space<hbm>> -> memref<8912896xf32, #tpu.memory_space<hbm>>
    tpu.wait_indirect_dma semaphore(%arg10 : memref<!tpu.dma_semaphore, #tpu.memory_space<semaphore_mem>>) src(%dma_wait3A_1384 : memref<8912896xf32, #tpu.memory_space<hbm>>) dst(%dma_wait3A_1379 : memref<128xf32, #tpu.memory_space<vmem>>)
    %dma_wait3A_1385 = arith.constant 3 : i32
    %dma_wait3A_1386 = arith.constant 3 : i32
    %dma_wait3A_1387 = arith.constant 0 : i32
    %dma_wait3A_1388 = tpu.memref_slice %arg7[%dma_wait3A_1386, %dma_wait3A_1387] : memref<5x128xf32, #tpu.memory_space<vmem>> -> memref<1x128xf32, #tpu.memory_space<vmem>>
    %dma_wait3A_1389 = tpu.memref_squeeze %dma_wait3A_1388 : memref<1x128xf32, #tpu.memory_space<vmem>> -> memref<128xf32, #tpu.memory_space<vmem>>
    %dma_wait3A_1390 = arith.constant 0 : i32
    %dma_wait3A_1391 = tpu.memref_slice %arg6[%dma_wait3A_1385, %dma_wait3A_1390] : memref<5x128xi32, #tpu.memory_space<vmem>> -> memref<1x128xi32, #tpu.memory_space<vmem>>
    %dma_wait3A_1392 = tpu.memref_squeeze %dma_wait3A_1391 : memref<1x128xi32, #tpu.memory_space<vmem>> -> memref<128xi32, #tpu.memory_space<vmem>>
    %dma_wait3A_1393 = arith.constant 0 : i32
    %dma_wait3A_1394 = tpu.memref_slice %arg2[%dma_wait3A_1393] : memref<8912896xf32, #tpu.memory_space<hbm>> -> memref<8912896xf32, #tpu.memory_space<hbm>>
    tpu.wait_indirect_dma semaphore(%arg10 : memref<!tpu.dma_semaphore, #tpu.memory_space<semaphore_mem>>) src(%dma_wait3A_1394 : memref<8912896xf32, #tpu.memory_space<hbm>>) dst(%dma_wait3A_1389 : memref<128xf32, #tpu.memory_space<vmem>>)
    %dma_wait3A_1395 = arith.constant 4 : i32
    %dma_wait3A_1396 = arith.constant 4 : i32
    %dma_wait3A_1397 = arith.constant 0 : i32
    %dma_wait3A_1398 = tpu.memref_slice %arg7[%dma_wait3A_1396, %dma_wait3A_1397] : memref<5x128xf32, #tpu.memory_space<vmem>> -> memref<1x128xf32, #tpu.memory_space<vmem>>
    %dma_wait3A_1399 = tpu.memref_squeeze %dma_wait3A_1398 : memref<1x128xf32, #tpu.memory_space<vmem>> -> memref<128xf32, #tpu.memory_space<vmem>>
    %dma_wait3A_1400 = arith.constant 0 : i32
    %dma_wait3A_1401 = tpu.memref_slice %arg6[%dma_wait3A_1395, %dma_wait3A_1400] : memref<5x128xi32, #tpu.memory_space<vmem>> -> memref<1x128xi32, #tpu.memory_space<vmem>>
    %dma_wait3A_1402 = tpu.memref_squeeze %dma_wait3A_1401 : memref<1x128xi32, #tpu.memory_space<vmem>> -> memref<128xi32, #tpu.memory_space<vmem>>
    %dma_wait3A_1403 = arith.constant 0 : i32
    %dma_wait3A_1404 = tpu.memref_slice %arg2[%dma_wait3A_1403] : memref<8912896xf32, #tpu.memory_space<hbm>> -> memref<8912896xf32, #tpu.memory_space<hbm>>
    tpu.wait_indirect_dma semaphore(%arg10 : memref<!tpu.dma_semaphore, #tpu.memory_space<semaphore_mem>>) src(%dma_wait3A_1404 : memref<8912896xf32, #tpu.memory_space<hbm>>) dst(%dma_wait3A_1399 : memref<128xf32, #tpu.memory_space<vmem>>)
    %broadcast_in_dim3A_1405 = arith.constant 0.000000e+00 : f32
    %broadcast_in_dim3A_1406 = vector.broadcast %broadcast_in_dim3A_1405 : f32 to vector<16xf32>
    %get3A = arith.constant 0 : i32
    %get3A_1407 = arith.index_cast %get3A : i32 to index
    %get3A_1408 = arith.constant 0 : index
    %get3A_1409 = tpu.vector_load %arg8[%get3A_1407, %get3A_1408] {strides = array<i32>} : memref<5x128xf32, #tpu.memory_space<vmem>>, vector<16xf32>,
    %get3A_1410 = arith.constant 0 : i32
    %get3A_1411 = arith.index_cast %get3A_1410 : i32 to index
    %get3A_1412 = arith.constant 16 : index
    %get3A_1413 = tpu.vector_load %arg8[%get3A_1411, %get3A_1412] {strides = array<i32>} : memref<5x128xf32, #tpu.memory_space<vmem>>, vector<16xf32>,
    %get3A_1414 = arith.constant 0 : i32
    %get3A_1415 = arith.index_cast %get3A_1414 : i32 to index
    %get3A_1416 = arith.constant 0 : index
    %get3A_1417 = tpu.vector_load %arg7[%get3A_1415, %get3A_1416] {strides = array<i32>} : memref<5x128xf32, #tpu.memory_space<vmem>>, vector<16xf32>,
    %mul3A_1418 = arith.mulf %get3A_1417, %get3A_1409 : vector<16xf32>
    %add3A_1419 = arith.addf %broadcast_in_dim3A_1406, %mul3A_1418 : vector<16xf32>
    %get3A_1420 = arith.constant 0 : i32
    %get3A_1421 = arith.index_cast %get3A_1420 : i32 to index
    %get3A_1422 = arith.constant 16 : index
    %get3A_1423 = tpu.vector_load %arg7[%get3A_1421, %get3A_1422] {strides = array<i32>} : memref<5x128xf32, #tpu.memory_space<vmem>>, vector<16xf32>,
    %mul3A_1424 = arith.mulf %get3A_1423, %get3A_1413 : vector<16xf32>
    %add3A_1425 = arith.addf %broadcast_in_dim3A_1406, %mul3A_1424 : vector<16xf32>
    %add3A_1426 = arith.addf %broadcast_in_dim3A_1406, %get3A_1409 : vector<16xf32>
    %add3A_1427 = arith.addf %broadcast_in_dim3A_1406, %get3A_1413 : vector<16xf32>
    %get3A_1428 = arith.constant 0 : i32
    %get3A_1429 = arith.index_cast %get3A_1428 : i32 to index
    %get3A_1430 = arith.constant 32 : index
    %get3A_1431 = tpu.vector_load %arg8[%get3A_1429, %get3A_1430] {strides = array<i32>} : memref<5x128xf32, #tpu.memory_space<vmem>>, vector<16xf32>,
    %get3A_1432 = arith.constant 0 : i32
    %get3A_1433 = arith.index_cast %get3A_1432 : i32 to index
    %get3A_1434 = arith.constant 48 : index
    %get3A_1435 = tpu.vector_load %arg8[%get3A_1433, %get3A_1434] {strides = array<i32>} : memref<5x128xf32, #tpu.memory_space<vmem>>, vector<16xf32>,
    %get3A_1436 = arith.constant 0 : i32
    %get3A_1437 = arith.index_cast %get3A_1436 : i32 to index
    %get3A_1438 = arith.constant 32 : index
    %get3A_1439 = tpu.vector_load %arg7[%get3A_1437, %get3A_1438] {strides = array<i32>} : memref<5x128xf32, #tpu.memory_space<vmem>>, vector<16xf32>,
    %mul3A_1440 = arith.mulf %get3A_1439, %get3A_1431 : vector<16xf32>
    %add3A_1441 = arith.addf %add3A_1419, %mul3A_1440 : vector<16xf32>
    %get3A_1442 = arith.constant 0 : i32
    %get3A_1443 = arith.index_cast %get3A_1442 : i32 to index
    %get3A_1444 = arith.constant 48 : index
    %get3A_1445 = tpu.vector_load %arg7[%get3A_1443, %get3A_1444] {strides = array<i32>} : memref<5x128xf32, #tpu.memory_space<vmem>>, vector<16xf32>,
    %mul3A_1446 = arith.mulf %get3A_1445, %get3A_1435 : vector<16xf32>
    %add3A_1447 = arith.addf %add3A_1425, %mul3A_1446 : vector<16xf32>
    %add3A_1448 = arith.addf %add3A_1426, %get3A_1431 : vector<16xf32>
    %add3A_1449 = arith.addf %add3A_1427, %get3A_1435 : vector<16xf32>
    %get3A_1450 = arith.constant 0 : i32
    %get3A_1451 = arith.index_cast %get3A_1450 : i32 to index
    %get3A_1452 = arith.constant 64 : index
    %get3A_1453 = tpu.vector_load %arg8[%get3A_1451, %get3A_1452] {strides = array<i32>} : memref<5x128xf32, #tpu.memory_space<vmem>>, vector<16xf32>,
    %get3A_1454 = arith.constant 0 : i32
    %get3A_1455 = arith.index_cast %get3A_1454 : i32 to index
    %get3A_1456 = arith.constant 80 : index
    %get3A_1457 = tpu.vector_load %arg8[%get3A_1455, %get3A_1456] {strides = array<i32>} : memref<5x128xf32, #tpu.memory_space<vmem>>, vector<16xf32>,
    %get3A_1458 = arith.constant 0 : i32
    %get3A_1459 = arith.index_cast %get3A_1458 : i32 to index
    %get3A_1460 = arith.constant 64 : index
    %get3A_1461 = tpu.vector_load %arg7[%get3A_1459, %get3A_1460] {strides = array<i32>} : memref<5x128xf32, #tpu.memory_space<vmem>>, vector<16xf32>,
    %mul3A_1462 = arith.mulf %get3A_1461, %get3A_1453 : vector<16xf32>
    %add3A_1463 = arith.addf %add3A_1441, %mul3A_1462 : vector<16xf32>
    %get3A_1464 = arith.constant 0 : i32
    %get3A_1465 = arith.index_cast %get3A_1464 : i32 to index
    %get3A_1466 = arith.constant 80 : index
    %get3A_1467 = tpu.vector_load %arg7[%get3A_1465, %get3A_1466] {strides = array<i32>} : memref<5x128xf32, #tpu.memory_space<vmem>>, vector<16xf32>,
    %mul3A_1468 = arith.mulf %get3A_1467, %get3A_1457 : vector<16xf32>
    %add3A_1469 = arith.addf %add3A_1447, %mul3A_1468 : vector<16xf32>
    %add3A_1470 = arith.addf %add3A_1448, %get3A_1453 : vector<16xf32>
    %add3A_1471 = arith.addf %add3A_1449, %get3A_1457 : vector<16xf32>
    %get3A_1472 = arith.constant 0 : i32
    %get3A_1473 = arith.index_cast %get3A_1472 : i32 to index
    %get3A_1474 = arith.constant 96 : index
    %get3A_1475 = tpu.vector_load %arg8[%get3A_1473, %get3A_1474] {strides = array<i32>} : memref<5x128xf32, #tpu.memory_space<vmem>>, vector<16xf32>,
    %get3A_1476 = arith.constant 0 : i32
    %get3A_1477 = arith.index_cast %get3A_1476 : i32 to index
    %get3A_1478 = arith.constant 112 : index
    %get3A_1479 = tpu.vector_load %arg8[%get3A_1477, %get3A_1478] {strides = array<i32>} : memref<5x128xf32, #tpu.memory_space<vmem>>, vector<16xf32>,
    %get3A_1480 = arith.constant 0 : i32
    %get3A_1481 = arith.index_cast %get3A_1480 : i32 to index
    %get3A_1482 = arith.constant 96 : index
    %get3A_1483 = tpu.vector_load %arg7[%get3A_1481, %get3A_1482] {strides = array<i32>} : memref<5x128xf32, #tpu.memory_space<vmem>>, vector<16xf32>,
    %mul3A_1484 = arith.mulf %get3A_1483, %get3A_1475 : vector<16xf32>
    %add3A_1485 = arith.addf %add3A_1463, %mul3A_1484 : vector<16xf32>
    %get3A_1486 = arith.constant 0 : i32
    %get3A_1487 = arith.index_cast %get3A_1486 : i32 to index
    %get3A_1488 = arith.constant 112 : index
    %get3A_1489 = tpu.vector_load %arg7[%get3A_1487, %get3A_1488] {strides = array<i32>} : memref<5x128xf32, #tpu.memory_space<vmem>>, vector<16xf32>,
    %mul3A_1490 = arith.mulf %get3A_1489, %get3A_1479 : vector<16xf32>
    %add3A_1491 = arith.addf %add3A_1469, %mul3A_1490 : vector<16xf32>
    %add3A_1492 = arith.addf %add3A_1470, %get3A_1475 : vector<16xf32>
    %add3A_1493 = arith.addf %add3A_1471, %get3A_1479 : vector<16xf32>
    %get3A_1494 = arith.constant 1 : i32
    %get3A_1495 = arith.index_cast %get3A_1494 : i32 to index
    %get3A_1496 = arith.constant 0 : index
    %get3A_1497 = tpu.vector_load %arg8[%get3A_1495, %get3A_1496] {strides = array<i32>} : memref<5x128xf32, #tpu.memory_space<vmem>>, vector<16xf32>,
    %get3A_1498 = arith.constant 1 : i32
    %get3A_1499 = arith.index_cast %get3A_1498 : i32 to index
    %get3A_1500 = arith.constant 16 : index
    %get3A_1501 = tpu.vector_load %arg8[%get3A_1499, %get3A_1500] {strides = array<i32>} : memref<5x128xf32, #tpu.memory_space<vmem>>, vector<16xf32>,
    %get3A_1502 = arith.constant 1 : i32
    %get3A_1503 = arith.index_cast %get3A_1502 : i32 to index
    %get3A_1504 = arith.constant 0 : index
    %get3A_1505 = tpu.vector_load %arg7[%get3A_1503, %get3A_1504] {strides = array<i32>} : memref<5x128xf32, #tpu.memory_space<vmem>>, vector<16xf32>,
    %mul3A_1506 = arith.mulf %get3A_1505, %get3A_1497 : vector<16xf32>
    %add3A_1507 = arith.addf %add3A_1485, %mul3A_1506 : vector<16xf32>
    %get3A_1508 = arith.constant 1 : i32
    %get3A_1509 = arith.index_cast %get3A_1508 : i32 to index
    %get3A_1510 = arith.constant 16 : index
    %get3A_1511 = tpu.vector_load %arg7[%get3A_1509, %get3A_1510] {strides = array<i32>} : memref<5x128xf32, #tpu.memory_space<vmem>>, vector<16xf32>,
    %mul3A_1512 = arith.mulf %get3A_1511, %get3A_1501 : vector<16xf32>
    %add3A_1513 = arith.addf %add3A_1491, %mul3A_1512 : vector<16xf32>
    %add3A_1514 = arith.addf %add3A_1492, %get3A_1497 : vector<16xf32>
    %add3A_1515 = arith.addf %add3A_1493, %get3A_1501 : vector<16xf32>
    %get3A_1516 = arith.constant 1 : i32
    %get3A_1517 = arith.index_cast %get3A_1516 : i32 to index
    %get3A_1518 = arith.constant 32 : index
    %get3A_1519 = tpu.vector_load %arg8[%get3A_1517, %get3A_1518] {strides = array<i32>} : memref<5x128xf32, #tpu.memory_space<vmem>>, vector<16xf32>,
    %get3A_1520 = arith.constant 1 : i32
    %get3A_1521 = arith.index_cast %get3A_1520 : i32 to index
    %get3A_1522 = arith.constant 48 : index
    %get3A_1523 = tpu.vector_load %arg8[%get3A_1521, %get3A_1522] {strides = array<i32>} : memref<5x128xf32, #tpu.memory_space<vmem>>, vector<16xf32>,
    %get3A_1524 = arith.constant 1 : i32
    %get3A_1525 = arith.index_cast %get3A_1524 : i32 to index
    %get3A_1526 = arith.constant 32 : index
    %get3A_1527 = tpu.vector_load %arg7[%get3A_1525, %get3A_1526] {strides = array<i32>} : memref<5x128xf32, #tpu.memory_space<vmem>>, vector<16xf32>,
    %mul3A_1528 = arith.mulf %get3A_1527, %get3A_1519 : vector<16xf32>
    %add3A_1529 = arith.addf %add3A_1507, %mul3A_1528 : vector<16xf32>
    %get3A_1530 = arith.constant 1 : i32
    %get3A_1531 = arith.index_cast %get3A_1530 : i32 to index
    %get3A_1532 = arith.constant 48 : index
    %get3A_1533 = tpu.vector_load %arg7[%get3A_1531, %get3A_1532] {strides = array<i32>} : memref<5x128xf32, #tpu.memory_space<vmem>>, vector<16xf32>,
    %mul3A_1534 = arith.mulf %get3A_1533, %get3A_1523 : vector<16xf32>
    %add3A_1535 = arith.addf %add3A_1513, %mul3A_1534 : vector<16xf32>
    %add3A_1536 = arith.addf %add3A_1514, %get3A_1519 : vector<16xf32>
    %add3A_1537 = arith.addf %add3A_1515, %get3A_1523 : vector<16xf32>
    %get3A_1538 = arith.constant 1 : i32
    %get3A_1539 = arith.index_cast %get3A_1538 : i32 to index
    %get3A_1540 = arith.constant 64 : index
    %get3A_1541 = tpu.vector_load %arg8[%get3A_1539, %get3A_1540] {strides = array<i32>} : memref<5x128xf32, #tpu.memory_space<vmem>>, vector<16xf32>,
    %get3A_1542 = arith.constant 1 : i32
    %get3A_1543 = arith.index_cast %get3A_1542 : i32 to index
    %get3A_1544 = arith.constant 80 : index
    %get3A_1545 = tpu.vector_load %arg8[%get3A_1543, %get3A_1544] {strides = array<i32>} : memref<5x128xf32, #tpu.memory_space<vmem>>, vector<16xf32>,
    %get3A_1546 = arith.constant 1 : i32
    %get3A_1547 = arith.index_cast %get3A_1546 : i32 to index
    %get3A_1548 = arith.constant 64 : index
    %get3A_1549 = tpu.vector_load %arg7[%get3A_1547, %get3A_1548] {strides = array<i32>} : memref<5x128xf32, #tpu.memory_space<vmem>>, vector<16xf32>,
    %mul3A_1550 = arith.mulf %get3A_1549, %get3A_1541 : vector<16xf32>
    %add3A_1551 = arith.addf %add3A_1529, %mul3A_1550 : vector<16xf32>
    %get3A_1552 = arith.constant 1 : i32
    %get3A_1553 = arith.index_cast %get3A_1552 : i32 to index
    %get3A_1554 = arith.constant 80 : index
    %get3A_1555 = tpu.vector_load %arg7[%get3A_1553, %get3A_1554] {strides = array<i32>} : memref<5x128xf32, #tpu.memory_space<vmem>>, vector<16xf32>,
    %mul3A_1556 = arith.mulf %get3A_1555, %get3A_1545 : vector<16xf32>
    %add3A_1557 = arith.addf %add3A_1535, %mul3A_1556 : vector<16xf32>
    %add3A_1558 = arith.addf %add3A_1536, %get3A_1541 : vector<16xf32>
    %add3A_1559 = arith.addf %add3A_1537, %get3A_1545 : vector<16xf32>
    %get3A_1560 = arith.constant 1 : i32
    %get3A_1561 = arith.index_cast %get3A_1560 : i32 to index
    %get3A_1562 = arith.constant 96 : index
    %get3A_1563 = tpu.vector_load %arg8[%get3A_1561, %get3A_1562] {strides = array<i32>} : memref<5x128xf32, #tpu.memory_space<vmem>>, vector<16xf32>,
    %get3A_1564 = arith.constant 1 : i32
    %get3A_1565 = arith.index_cast %get3A_1564 : i32 to index
    %get3A_1566 = arith.constant 112 : index
    %get3A_1567 = tpu.vector_load %arg8[%get3A_1565, %get3A_1566] {strides = array<i32>} : memref<5x128xf32, #tpu.memory_space<vmem>>, vector<16xf32>,
    %get3A_1568 = arith.constant 1 : i32
    %get3A_1569 = arith.index_cast %get3A_1568 : i32 to index
    %get3A_1570 = arith.constant 96 : index
    %get3A_1571 = tpu.vector_load %arg7[%get3A_1569, %get3A_1570] {strides = array<i32>} : memref<5x128xf32, #tpu.memory_space<vmem>>, vector<16xf32>,
    %mul3A_1572 = arith.mulf %get3A_1571, %get3A_1563 : vector<16xf32>
    %add3A_1573 = arith.addf %add3A_1551, %mul3A_1572 : vector<16xf32>
    %get3A_1574 = arith.constant 1 : i32
    %get3A_1575 = arith.index_cast %get3A_1574 : i32 to index
    %get3A_1576 = arith.constant 112 : index
    %get3A_1577 = tpu.vector_load %arg7[%get3A_1575, %get3A_1576] {strides = array<i32>} : memref<5x128xf32, #tpu.memory_space<vmem>>, vector<16xf32>,
    %mul3A_1578 = arith.mulf %get3A_1577, %get3A_1567 : vector<16xf32>
    %add3A_1579 = arith.addf %add3A_1557, %mul3A_1578 : vector<16xf32>
    %add3A_1580 = arith.addf %add3A_1558, %get3A_1563 : vector<16xf32>
    %add3A_1581 = arith.addf %add3A_1559, %get3A_1567 : vector<16xf32>
    %get3A_1582 = arith.constant 2 : i32
    %get3A_1583 = arith.index_cast %get3A_1582 : i32 to index
    %get3A_1584 = arith.constant 0 : index
    %get3A_1585 = tpu.vector_load %arg8[%get3A_1583, %get3A_1584] {strides = array<i32>} : memref<5x128xf32, #tpu.memory_space<vmem>>, vector<16xf32>,
    %get3A_1586 = arith.constant 2 : i32
    %get3A_1587 = arith.index_cast %get3A_1586 : i32 to index
    %get3A_1588 = arith.constant 16 : index
    %get3A_1589 = tpu.vector_load %arg8[%get3A_1587, %get3A_1588] {strides = array<i32>} : memref<5x128xf32, #tpu.memory_space<vmem>>, vector<16xf32>,
    %get3A_1590 = arith.constant 2 : i32
    %get3A_1591 = arith.index_cast %get3A_1590 : i32 to index
    %get3A_1592 = arith.constant 0 : index
    %get3A_1593 = tpu.vector_load %arg7[%get3A_1591, %get3A_1592] {strides = array<i32>} : memref<5x128xf32, #tpu.memory_space<vmem>>, vector<16xf32>,
    %mul3A_1594 = arith.mulf %get3A_1593, %get3A_1585 : vector<16xf32>
    %add3A_1595 = arith.addf %add3A_1573, %mul3A_1594 : vector<16xf32>
    %get3A_1596 = arith.constant 2 : i32
    %get3A_1597 = arith.index_cast %get3A_1596 : i32 to index
    %get3A_1598 = arith.constant 16 : index
    %get3A_1599 = tpu.vector_load %arg7[%get3A_1597, %get3A_1598] {strides = array<i32>} : memref<5x128xf32, #tpu.memory_space<vmem>>, vector<16xf32>,
    %mul3A_1600 = arith.mulf %get3A_1599, %get3A_1589 : vector<16xf32>
    %add3A_1601 = arith.addf %add3A_1579, %mul3A_1600 : vector<16xf32>
    %add3A_1602 = arith.addf %add3A_1580, %get3A_1585 : vector<16xf32>
    %add3A_1603 = arith.addf %add3A_1581, %get3A_1589 : vector<16xf32>
    %get3A_1604 = arith.constant 2 : i32
    %get3A_1605 = arith.index_cast %get3A_1604 : i32 to index
    %get3A_1606 = arith.constant 32 : index
    %get3A_1607 = tpu.vector_load %arg8[%get3A_1605, %get3A_1606] {strides = array<i32>} : memref<5x128xf32, #tpu.memory_space<vmem>>, vector<16xf32>,
    %get3A_1608 = arith.constant 2 : i32
    %get3A_1609 = arith.index_cast %get3A_1608 : i32 to index
    %get3A_1610 = arith.constant 48 : index
    %get3A_1611 = tpu.vector_load %arg8[%get3A_1609, %get3A_1610] {strides = array<i32>} : memref<5x128xf32, #tpu.memory_space<vmem>>, vector<16xf32>,
    %get3A_1612 = arith.constant 2 : i32
    %get3A_1613 = arith.index_cast %get3A_1612 : i32 to index
    %get3A_1614 = arith.constant 32 : index
    %get3A_1615 = tpu.vector_load %arg7[%get3A_1613, %get3A_1614] {strides = array<i32>} : memref<5x128xf32, #tpu.memory_space<vmem>>, vector<16xf32>,
    %mul3A_1616 = arith.mulf %get3A_1615, %get3A_1607 : vector<16xf32>
    %add3A_1617 = arith.addf %add3A_1595, %mul3A_1616 : vector<16xf32>
    %get3A_1618 = arith.constant 2 : i32
    %get3A_1619 = arith.index_cast %get3A_1618 : i32 to index
    %get3A_1620 = arith.constant 48 : index
    %get3A_1621 = tpu.vector_load %arg7[%get3A_1619, %get3A_1620] {strides = array<i32>} : memref<5x128xf32, #tpu.memory_space<vmem>>, vector<16xf32>,
    %mul3A_1622 = arith.mulf %get3A_1621, %get3A_1611 : vector<16xf32>
    %add3A_1623 = arith.addf %add3A_1601, %mul3A_1622 : vector<16xf32>
    %add3A_1624 = arith.addf %add3A_1602, %get3A_1607 : vector<16xf32>
    %add3A_1625 = arith.addf %add3A_1603, %get3A_1611 : vector<16xf32>
    %get3A_1626 = arith.constant 2 : i32
    %get3A_1627 = arith.index_cast %get3A_1626 : i32 to index
    %get3A_1628 = arith.constant 64 : index
    %get3A_1629 = tpu.vector_load %arg8[%get3A_1627, %get3A_1628] {strides = array<i32>} : memref<5x128xf32, #tpu.memory_space<vmem>>, vector<16xf32>,
    %get3A_1630 = arith.constant 2 : i32
    %get3A_1631 = arith.index_cast %get3A_1630 : i32 to index
    %get3A_1632 = arith.constant 80 : index
    %get3A_1633 = tpu.vector_load %arg8[%get3A_1631, %get3A_1632] {strides = array<i32>} : memref<5x128xf32, #tpu.memory_space<vmem>>, vector<16xf32>,
    %get3A_1634 = arith.constant 2 : i32
    %get3A_1635 = arith.index_cast %get3A_1634 : i32 to index
    %get3A_1636 = arith.constant 64 : index
    %get3A_1637 = tpu.vector_load %arg7[%get3A_1635, %get3A_1636] {strides = array<i32>} : memref<5x128xf32, #tpu.memory_space<vmem>>, vector<16xf32>,
    %mul3A_1638 = arith.mulf %get3A_1637, %get3A_1629 : vector<16xf32>
    %add3A_1639 = arith.addf %add3A_1617, %mul3A_1638 : vector<16xf32>
    %get3A_1640 = arith.constant 2 : i32
    %get3A_1641 = arith.index_cast %get3A_1640 : i32 to index
    %get3A_1642 = arith.constant 80 : index
    %get3A_1643 = tpu.vector_load %arg7[%get3A_1641, %get3A_1642] {strides = array<i32>} : memref<5x128xf32, #tpu.memory_space<vmem>>, vector<16xf32>,
    %mul3A_1644 = arith.mulf %get3A_1643, %get3A_1633 : vector<16xf32>
    %add3A_1645 = arith.addf %add3A_1623, %mul3A_1644 : vector<16xf32>
    %add3A_1646 = arith.addf %add3A_1624, %get3A_1629 : vector<16xf32>
    %add3A_1647 = arith.addf %add3A_1625, %get3A_1633 : vector<16xf32>
    %get3A_1648 = arith.constant 2 : i32
    %get3A_1649 = arith.index_cast %get3A_1648 : i32 to index
    %get3A_1650 = arith.constant 96 : index
    %get3A_1651 = tpu.vector_load %arg8[%get3A_1649, %get3A_1650] {strides = array<i32>} : memref<5x128xf32, #tpu.memory_space<vmem>>, vector<16xf32>,
    %get3A_1652 = arith.constant 2 : i32
    %get3A_1653 = arith.index_cast %get3A_1652 : i32 to index
    %get3A_1654 = arith.constant 112 : index
    %get3A_1655 = tpu.vector_load %arg8[%get3A_1653, %get3A_1654] {strides = array<i32>} : memref<5x128xf32, #tpu.memory_space<vmem>>, vector<16xf32>,
    %get3A_1656 = arith.constant 2 : i32
    %get3A_1657 = arith.index_cast %get3A_1656 : i32 to index
    %get3A_1658 = arith.constant 96 : index
    %get3A_1659 = tpu.vector_load %arg7[%get3A_1657, %get3A_1658] {strides = array<i32>} : memref<5x128xf32, #tpu.memory_space<vmem>>, vector<16xf32>,
    %mul3A_1660 = arith.mulf %get3A_1659, %get3A_1651 : vector<16xf32>
    %add3A_1661 = arith.addf %add3A_1639, %mul3A_1660 : vector<16xf32>
    %get3A_1662 = arith.constant 2 : i32
    %get3A_1663 = arith.index_cast %get3A_1662 : i32 to index
    %get3A_1664 = arith.constant 112 : index
    %get3A_1665 = tpu.vector_load %arg7[%get3A_1663, %get3A_1664] {strides = array<i32>} : memref<5x128xf32, #tpu.memory_space<vmem>>, vector<16xf32>,
    %mul3A_1666 = arith.mulf %get3A_1665, %get3A_1655 : vector<16xf32>
    %add3A_1667 = arith.addf %add3A_1645, %mul3A_1666 : vector<16xf32>
    %add3A_1668 = arith.addf %add3A_1646, %get3A_1651 : vector<16xf32>
    %add3A_1669 = arith.addf %add3A_1647, %get3A_1655 : vector<16xf32>
    %get3A_1670 = arith.constant 3 : i32
    %get3A_1671 = arith.index_cast %get3A_1670 : i32 to index
    %get3A_1672 = arith.constant 0 : index
    %get3A_1673 = tpu.vector_load %arg8[%get3A_1671, %get3A_1672] {strides = array<i32>} : memref<5x128xf32, #tpu.memory_space<vmem>>, vector<16xf32>,
    %get3A_1674 = arith.constant 3 : i32
    %get3A_1675 = arith.index_cast %get3A_1674 : i32 to index
    %get3A_1676 = arith.constant 16 : index
    %get3A_1677 = tpu.vector_load %arg8[%get3A_1675, %get3A_1676] {strides = array<i32>} : memref<5x128xf32, #tpu.memory_space<vmem>>, vector<16xf32>,
    %get3A_1678 = arith.constant 3 : i32
    %get3A_1679 = arith.index_cast %get3A_1678 : i32 to index
    %get3A_1680 = arith.constant 0 : index
    %get3A_1681 = tpu.vector_load %arg7[%get3A_1679, %get3A_1680] {strides = array<i32>} : memref<5x128xf32, #tpu.memory_space<vmem>>, vector<16xf32>,
    %mul3A_1682 = arith.mulf %get3A_1681, %get3A_1673 : vector<16xf32>
    %add3A_1683 = arith.addf %add3A_1661, %mul3A_1682 : vector<16xf32>
    %get3A_1684 = arith.constant 3 : i32
    %get3A_1685 = arith.index_cast %get3A_1684 : i32 to index
    %get3A_1686 = arith.constant 16 : index
    %get3A_1687 = tpu.vector_load %arg7[%get3A_1685, %get3A_1686] {strides = array<i32>} : memref<5x128xf32, #tpu.memory_space<vmem>>, vector<16xf32>,
    %mul3A_1688 = arith.mulf %get3A_1687, %get3A_1677 : vector<16xf32>
    %add3A_1689 = arith.addf %add3A_1667, %mul3A_1688 : vector<16xf32>
    %add3A_1690 = arith.addf %add3A_1668, %get3A_1673 : vector<16xf32>
    %add3A_1691 = arith.addf %add3A_1669, %get3A_1677 : vector<16xf32>
    %get3A_1692 = arith.constant 3 : i32
    %get3A_1693 = arith.index_cast %get3A_1692 : i32 to index
    %get3A_1694 = arith.constant 32 : index
    %get3A_1695 = tpu.vector_load %arg8[%get3A_1693, %get3A_1694] {strides = array<i32>} : memref<5x128xf32, #tpu.memory_space<vmem>>, vector<16xf32>,
    %get3A_1696 = arith.constant 3 : i32
    %get3A_1697 = arith.index_cast %get3A_1696 : i32 to index
    %get3A_1698 = arith.constant 48 : index
    %get3A_1699 = tpu.vector_load %arg8[%get3A_1697, %get3A_1698] {strides = array<i32>} : memref<5x128xf32, #tpu.memory_space<vmem>>, vector<16xf32>,
    %get3A_1700 = arith.constant 3 : i32
    %get3A_1701 = arith.index_cast %get3A_1700 : i32 to index
    %get3A_1702 = arith.constant 32 : index
    %get3A_1703 = tpu.vector_load %arg7[%get3A_1701, %get3A_1702] {strides = array<i32>} : memref<5x128xf32, #tpu.memory_space<vmem>>, vector<16xf32>,
    %mul3A_1704 = arith.mulf %get3A_1703, %get3A_1695 : vector<16xf32>
    %add3A_1705 = arith.addf %add3A_1683, %mul3A_1704 : vector<16xf32>
    %get3A_1706 = arith.constant 3 : i32
    %get3A_1707 = arith.index_cast %get3A_1706 : i32 to index
    %get3A_1708 = arith.constant 48 : index
    %get3A_1709 = tpu.vector_load %arg7[%get3A_1707, %get3A_1708] {strides = array<i32>} : memref<5x128xf32, #tpu.memory_space<vmem>>, vector<16xf32>,
    %mul3A_1710 = arith.mulf %get3A_1709, %get3A_1699 : vector<16xf32>
    %add3A_1711 = arith.addf %add3A_1689, %mul3A_1710 : vector<16xf32>
    %add3A_1712 = arith.addf %add3A_1690, %get3A_1695 : vector<16xf32>
    %add3A_1713 = arith.addf %add3A_1691, %get3A_1699 : vector<16xf32>
    %get3A_1714 = arith.constant 3 : i32
    %get3A_1715 = arith.index_cast %get3A_1714 : i32 to index
    %get3A_1716 = arith.constant 64 : index
    %get3A_1717 = tpu.vector_load %arg8[%get3A_1715, %get3A_1716] {strides = array<i32>} : memref<5x128xf32, #tpu.memory_space<vmem>>, vector<16xf32>,
    %get3A_1718 = arith.constant 3 : i32
    %get3A_1719 = arith.index_cast %get3A_1718 : i32 to index
    %get3A_1720 = arith.constant 80 : index
    %get3A_1721 = tpu.vector_load %arg8[%get3A_1719, %get3A_1720] {strides = array<i32>} : memref<5x128xf32, #tpu.memory_space<vmem>>, vector<16xf32>,
    %get3A_1722 = arith.constant 3 : i32
    %get3A_1723 = arith.index_cast %get3A_1722 : i32 to index
    %get3A_1724 = arith.constant 64 : index
    %get3A_1725 = tpu.vector_load %arg7[%get3A_1723, %get3A_1724] {strides = array<i32>} : memref<5x128xf32, #tpu.memory_space<vmem>>, vector<16xf32>,
    %mul3A_1726 = arith.mulf %get3A_1725, %get3A_1717 : vector<16xf32>
    %add3A_1727 = arith.addf %add3A_1705, %mul3A_1726 : vector<16xf32>
    %get3A_1728 = arith.constant 3 : i32
    %get3A_1729 = arith.index_cast %get3A_1728 : i32 to index
    %get3A_1730 = arith.constant 80 : index
    %get3A_1731 = tpu.vector_load %arg7[%get3A_1729, %get3A_1730] {strides = array<i32>} : memref<5x128xf32, #tpu.memory_space<vmem>>, vector<16xf32>,
    %mul3A_1732 = arith.mulf %get3A_1731, %get3A_1721 : vector<16xf32>
    %add3A_1733 = arith.addf %add3A_1711, %mul3A_1732 : vector<16xf32>
    %add3A_1734 = arith.addf %add3A_1712, %get3A_1717 : vector<16xf32>
    %add3A_1735 = arith.addf %add3A_1713, %get3A_1721 : vector<16xf32>
    %get3A_1736 = arith.constant 3 : i32
    %get3A_1737 = arith.index_cast %get3A_1736 : i32 to index
    %get3A_1738 = arith.constant 96 : index
    %get3A_1739 = tpu.vector_load %arg8[%get3A_1737, %get3A_1738] {strides = array<i32>} : memref<5x128xf32, #tpu.memory_space<vmem>>, vector<16xf32>,
    %get3A_1740 = arith.constant 3 : i32
    %get3A_1741 = arith.index_cast %get3A_1740 : i32 to index
    %get3A_1742 = arith.constant 112 : index
    %get3A_1743 = tpu.vector_load %arg8[%get3A_1741, %get3A_1742] {strides = array<i32>} : memref<5x128xf32, #tpu.memory_space<vmem>>, vector<16xf32>,
    %get3A_1744 = arith.constant 3 : i32
    %get3A_1745 = arith.index_cast %get3A_1744 : i32 to index
    %get3A_1746 = arith.constant 96 : index
    %get3A_1747 = tpu.vector_load %arg7[%get3A_1745, %get3A_1746] {strides = array<i32>} : memref<5x128xf32, #tpu.memory_space<vmem>>, vector<16xf32>,
    %mul3A_1748 = arith.mulf %get3A_1747, %get3A_1739 : vector<16xf32>
    %add3A_1749 = arith.addf %add3A_1727, %mul3A_1748 : vector<16xf32>
    %get3A_1750 = arith.constant 3 : i32
    %get3A_1751 = arith.index_cast %get3A_1750 : i32 to index
    %get3A_1752 = arith.constant 112 : index
    %get3A_1753 = tpu.vector_load %arg7[%get3A_1751, %get3A_1752] {strides = array<i32>} : memref<5x128xf32, #tpu.memory_space<vmem>>, vector<16xf32>,
    %mul3A_1754 = arith.mulf %get3A_1753, %get3A_1743 : vector<16xf32>
    %add3A_1755 = arith.addf %add3A_1733, %mul3A_1754 : vector<16xf32>
    %add3A_1756 = arith.addf %add3A_1734, %get3A_1739 : vector<16xf32>
    %add3A_1757 = arith.addf %add3A_1735, %get3A_1743 : vector<16xf32>
    %get3A_1758 = arith.constant 4 : i32
    %get3A_1759 = arith.index_cast %get3A_1758 : i32 to index
    %get3A_1760 = arith.constant 0 : index
    %get3A_1761 = tpu.vector_load %arg8[%get3A_1759, %get3A_1760] {strides = array<i32>} : memref<5x128xf32, #tpu.memory_space<vmem>>, vector<16xf32>,
    %get3A_1762 = arith.constant 4 : i32
    %get3A_1763 = arith.index_cast %get3A_1762 : i32 to index
    %get3A_1764 = arith.constant 16 : index
    %get3A_1765 = tpu.vector_load %arg8[%get3A_1763, %get3A_1764] {strides = array<i32>} : memref<5x128xf32, #tpu.memory_space<vmem>>, vector<16xf32>,
    %get3A_1766 = arith.constant 4 : i32
    %get3A_1767 = arith.index_cast %get3A_1766 : i32 to index
    %get3A_1768 = arith.constant 0 : index
    %get3A_1769 = tpu.vector_load %arg7[%get3A_1767, %get3A_1768] {strides = array<i32>} : memref<5x128xf32, #tpu.memory_space<vmem>>, vector<16xf32>,
    %mul3A_1770 = arith.mulf %get3A_1769, %get3A_1761 : vector<16xf32>
    %add3A_1771 = arith.addf %add3A_1749, %mul3A_1770 : vector<16xf32>
    %get3A_1772 = arith.constant 4 : i32
    %get3A_1773 = arith.index_cast %get3A_1772 : i32 to index
    %get3A_1774 = arith.constant 16 : index
    %get3A_1775 = tpu.vector_load %arg7[%get3A_1773, %get3A_1774] {strides = array<i32>} : memref<5x128xf32, #tpu.memory_space<vmem>>, vector<16xf32>,
    %mul3A_1776 = arith.mulf %get3A_1775, %get3A_1765 : vector<16xf32>
    %add3A_1777 = arith.addf %add3A_1755, %mul3A_1776 : vector<16xf32>
    %add3A_1778 = arith.addf %add3A_1756, %get3A_1761 : vector<16xf32>
    %add3A_1779 = arith.addf %add3A_1757, %get3A_1765 : vector<16xf32>
    %max3A = arith.constant 1.000000e+00 : f32
    %max3A_1780 = vector.broadcast %max3A : f32 to vector<16xf32>
    %max3A_1781 = arith.maximumf %add3A_1778, %max3A_1780 : vector<16xf32>
    %max3A_1782 = arith.constant 1.000000e+00 : f32
    %max3A_1783 = vector.broadcast %max3A_1782 : f32 to vector<16xf32>
    %max3A_1784 = arith.maximumf %add3A_1779, %max3A_1783 : vector<16xf32>
    %div3A = arith.divf %add3A_1771, %max3A_1781 : vector<16xf32>
    %div3A_1785 = arith.divf %add3A_1777, %max3A_1784 : vector<16xf32>
    %get3A_1786 = arith.constant 0 : i32
    %get3A_1787 = arith.index_cast %get3A_1786 : i32 to index
    %get3A_1788 = arith.constant 0 : index
    %get3A_1789 = tpu.vector_load %arg7[%get3A_1787, %get3A_1788] {strides = array<i32>} : memref<5x128xf32, #tpu.memory_space<vmem>>, vector<16xf32>,
    %sub3A = arith.subf %get3A_1789, %div3A : vector<16xf32>
    %get3A_1790 = arith.constant 0 : i32
    %get3A_1791 = arith.index_cast %get3A_1790 : i32 to index
    %get3A_1792 = arith.constant 16 : index
    %get3A_1793 = tpu.vector_load %arg7[%get3A_1791, %get3A_1792] {strides = array<i32>} : memref<5x128xf32, #tpu.memory_space<vmem>>, vector<16xf32>,
    %sub3A_1794 = arith.subf %get3A_1793, %div3A_1785 : vector<16xf32>
    %mul3A_1795 = arith.mulf %sub3A, %sub3A : vector<16xf32>
    %get3A_1796 = arith.constant 0 : i32
    %get3A_1797 = arith.index_cast %get3A_1796 : i32 to index
    %get3A_1798 = arith.constant 0 : index
    %get3A_1799 = tpu.vector_load %arg8[%get3A_1797, %get3A_1798] {strides = array<i32>} : memref<5x128xf32, #tpu.memory_space<vmem>>, vector<16xf32>,
    %mul3A_1800 = arith.mulf %mul3A_1795, %get3A_1799 : vector<16xf32>
    %add3A_1801 = arith.addf %broadcast_in_dim3A_1406, %mul3A_1800 : vector<16xf32>
    %mul3A_1802 = arith.mulf %sub3A_1794, %sub3A_1794 : vector<16xf32>
    %get3A_1803 = arith.constant 0 : i32
    %get3A_1804 = arith.index_cast %get3A_1803 : i32 to index
    %get3A_1805 = arith.constant 16 : index
    %get3A_1806 = tpu.vector_load %arg8[%get3A_1804, %get3A_1805] {strides = array<i32>} : memref<5x128xf32, #tpu.memory_space<vmem>>, vector<16xf32>,
    %mul3A_1807 = arith.mulf %mul3A_1802, %get3A_1806 : vector<16xf32>
    %add3A_1808 = arith.addf %broadcast_in_dim3A_1406, %mul3A_1807 : vector<16xf32>
    %get3A_1809 = arith.constant 0 : i32
    %get3A_1810 = arith.index_cast %get3A_1809 : i32 to index
    %get3A_1811 = arith.constant 32 : index
    %get3A_1812 = tpu.vector_load %arg7[%get3A_1810, %get3A_1811] {strides = array<i32>} : memref<5x128xf32, #tpu.memory_space<vmem>>, vector<16xf32>,
    %sub3A_1813 = arith.subf %get3A_1812, %div3A : vector<16xf32>
    %get3A_1814 = arith.constant 0 : i32
    %get3A_1815 = arith.index_cast %get3A_1814 : i32 to index
    %get3A_1816 = arith.constant 48 : index
    %get3A_1817 = tpu.vector_load %arg7[%get3A_1815, %get3A_1816] {strides = array<i32>} : memref<5x128xf32, #tpu.memory_space<vmem>>, vector<16xf32>,
    %sub3A_1818 = arith.subf %get3A_1817, %div3A_1785 : vector<16xf32>
    %mul3A_1819 = arith.mulf %sub3A_1813, %sub3A_1813 : vector<16xf32>
    %get3A_1820 = arith.constant 0 : i32
    %get3A_1821 = arith.index_cast %get3A_1820 : i32 to index
    %get3A_1822 = arith.constant 32 : index
    %get3A_1823 = tpu.vector_load %arg8[%get3A_1821, %get3A_1822] {strides = array<i32>} : memref<5x128xf32, #tpu.memory_space<vmem>>, vector<16xf32>,
    %mul3A_1824 = arith.mulf %mul3A_1819, %get3A_1823 : vector<16xf32>
    %add3A_1825 = arith.addf %add3A_1801, %mul3A_1824 : vector<16xf32>
    %mul3A_1826 = arith.mulf %sub3A_1818, %sub3A_1818 : vector<16xf32>
    %get3A_1827 = arith.constant 0 : i32
    %get3A_1828 = arith.index_cast %get3A_1827 : i32 to index
    %get3A_1829 = arith.constant 48 : index
    %get3A_1830 = tpu.vector_load %arg8[%get3A_1828, %get3A_1829] {strides = array<i32>} : memref<5x128xf32, #tpu.memory_space<vmem>>, vector<16xf32>,
    %mul3A_1831 = arith.mulf %mul3A_1826, %get3A_1830 : vector<16xf32>
    %add3A_1832 = arith.addf %add3A_1808, %mul3A_1831 : vector<16xf32>
    %get3A_1833 = arith.constant 0 : i32
    %get3A_1834 = arith.index_cast %get3A_1833 : i32 to index
    %get3A_1835 = arith.constant 64 : index
    %get3A_1836 = tpu.vector_load %arg7[%get3A_1834, %get3A_1835] {strides = array<i32>} : memref<5x128xf32, #tpu.memory_space<vmem>>, vector<16xf32>,
    %sub3A_1837 = arith.subf %get3A_1836, %div3A : vector<16xf32>
    %get3A_1838 = arith.constant 0 : i32
    %get3A_1839 = arith.index_cast %get3A_1838 : i32 to index
    %get3A_1840 = arith.constant 80 : index
    %get3A_1841 = tpu.vector_load %arg7[%get3A_1839, %get3A_1840] {strides = array<i32>} : memref<5x128xf32, #tpu.memory_space<vmem>>, vector<16xf32>,
    %sub3A_1842 = arith.subf %get3A_1841, %div3A_1785 : vector<16xf32>
    %mul3A_1843 = arith.mulf %sub3A_1837, %sub3A_1837 : vector<16xf32>
    %get3A_1844 = arith.constant 0 : i32
    %get3A_1845 = arith.index_cast %get3A_1844 : i32 to index
    %get3A_1846 = arith.constant 64 : index
    %get3A_1847 = tpu.vector_load %arg8[%get3A_1845, %get3A_1846] {strides = array<i32>} : memref<5x128xf32, #tpu.memory_space<vmem>>, vector<16xf32>,
    %mul3A_1848 = arith.mulf %mul3A_1843, %get3A_1847 : vector<16xf32>
    %add3A_1849 = arith.addf %add3A_1825, %mul3A_1848 : vector<16xf32>
    %mul3A_1850 = arith.mulf %sub3A_1842, %sub3A_1842 : vector<16xf32>
    %get3A_1851 = arith.constant 0 : i32
    %get3A_1852 = arith.index_cast %get3A_1851 : i32 to index
    %get3A_1853 = arith.constant 80 : index
    %get3A_1854 = tpu.vector_load %arg8[%get3A_1852, %get3A_1853] {strides = array<i32>} : memref<5x128xf32, #tpu.memory_space<vmem>>, vector<16xf32>,
    %mul3A_1855 = arith.mulf %mul3A_1850, %get3A_1854 : vector<16xf32>
    %add3A_1856 = arith.addf %add3A_1832, %mul3A_1855 : vector<16xf32>
    %get3A_1857 = arith.constant 0 : i32
    %get3A_1858 = arith.index_cast %get3A_1857 : i32 to index
    %get3A_1859 = arith.constant 96 : index
    %get3A_1860 = tpu.vector_load %arg7[%get3A_1858, %get3A_1859] {strides = array<i32>} : memref<5x128xf32, #tpu.memory_space<vmem>>, vector<16xf32>,
    %sub3A_1861 = arith.subf %get3A_1860, %div3A : vector<16xf32>
    %get3A_1862 = arith.constant 0 : i32
    %get3A_1863 = arith.index_cast %get3A_1862 : i32 to index
    %get3A_1864 = arith.constant 112 : index
    %get3A_1865 = tpu.vector_load %arg7[%get3A_1863, %get3A_1864] {strides = array<i32>} : memref<5x128xf32, #tpu.memory_space<vmem>>, vector<16xf32>,
    %sub3A_1866 = arith.subf %get3A_1865, %div3A_1785 : vector<16xf32>
    %mul3A_1867 = arith.mulf %sub3A_1861, %sub3A_1861 : vector<16xf32>
    %get3A_1868 = arith.constant 0 : i32
    %get3A_1869 = arith.index_cast %get3A_1868 : i32 to index
    %get3A_1870 = arith.constant 96 : index
    %get3A_1871 = tpu.vector_load %arg8[%get3A_1869, %get3A_1870] {strides = array<i32>} : memref<5x128xf32, #tpu.memory_space<vmem>>, vector<16xf32>,
    %mul3A_1872 = arith.mulf %mul3A_1867, %get3A_1871 : vector<16xf32>
    %add3A_1873 = arith.addf %add3A_1849, %mul3A_1872 : vector<16xf32>
    %mul3A_1874 = arith.mulf %sub3A_1866, %sub3A_1866 : vector<16xf32>
    %get3A_1875 = arith.constant 0 : i32
    %get3A_1876 = arith.index_cast %get3A_1875 : i32 to index
    %get3A_1877 = arith.constant 112 : index
    %get3A_1878 = tpu.vector_load %arg8[%get3A_1876, %get3A_1877] {strides = array<i32>} : memref<5x128xf32, #tpu.memory_space<vmem>>, vector<16xf32>,
    %mul3A_1879 = arith.mulf %mul3A_1874, %get3A_1878 : vector<16xf32>
    %add3A_1880 = arith.addf %add3A_1856, %mul3A_1879 : vector<16xf32>
    %get3A_1881 = arith.constant 1 : i32
    %get3A_1882 = arith.index_cast %get3A_1881 : i32 to index
    %get3A_1883 = arith.constant 0 : index
    %get3A_1884 = tpu.vector_load %arg7[%get3A_1882, %get3A_1883] {strides = array<i32>} : memref<5x128xf32, #tpu.memory_space<vmem>>, vector<16xf32>,
    %sub3A_1885 = arith.subf %get3A_1884, %div3A : vector<16xf32>
    %get3A_1886 = arith.constant 1 : i32
    %get3A_1887 = arith.index_cast %get3A_1886 : i32 to index
    %get3A_1888 = arith.constant 16 : index
    %get3A_1889 = tpu.vector_load %arg7[%get3A_1887, %get3A_1888] {strides = array<i32>} : memref<5x128xf32, #tpu.memory_space<vmem>>, vector<16xf32>,
    %sub3A_1890 = arith.subf %get3A_1889, %div3A_1785 : vector<16xf32>
    %mul3A_1891 = arith.mulf %sub3A_1885, %sub3A_1885 : vector<16xf32>
    %get3A_1892 = arith.constant 1 : i32
    %get3A_1893 = arith.index_cast %get3A_1892 : i32 to index
    %get3A_1894 = arith.constant 0 : index
    %get3A_1895 = tpu.vector_load %arg8[%get3A_1893, %get3A_1894] {strides = array<i32>} : memref<5x128xf32, #tpu.memory_space<vmem>>, vector<16xf32>,
    %mul3A_1896 = arith.mulf %mul3A_1891, %get3A_1895 : vector<16xf32>
    %add3A_1897 = arith.addf %add3A_1873, %mul3A_1896 : vector<16xf32>
    %mul3A_1898 = arith.mulf %sub3A_1890, %sub3A_1890 : vector<16xf32>
    %get3A_1899 = arith.constant 1 : i32
    %get3A_1900 = arith.index_cast %get3A_1899 : i32 to index
    %get3A_1901 = arith.constant 16 : index
    %get3A_1902 = tpu.vector_load %arg8[%get3A_1900, %get3A_1901] {strides = array<i32>} : memref<5x128xf32, #tpu.memory_space<vmem>>, vector<16xf32>,
    %mul3A_1903 = arith.mulf %mul3A_1898, %get3A_1902 : vector<16xf32>
    %add3A_1904 = arith.addf %add3A_1880, %mul3A_1903 : vector<16xf32>
    %get3A_1905 = arith.constant 1 : i32
    %get3A_1906 = arith.index_cast %get3A_1905 : i32 to index
    %get3A_1907 = arith.constant 32 : index
    %get3A_1908 = tpu.vector_load %arg7[%get3A_1906, %get3A_1907] {strides = array<i32>} : memref<5x128xf32, #tpu.memory_space<vmem>>, vector<16xf32>,
    %sub3A_1909 = arith.subf %get3A_1908, %div3A : vector<16xf32>
    %get3A_1910 = arith.constant 1 : i32
    %get3A_1911 = arith.index_cast %get3A_1910 : i32 to index
    %get3A_1912 = arith.constant 48 : index
    %get3A_1913 = tpu.vector_load %arg7[%get3A_1911, %get3A_1912] {strides = array<i32>} : memref<5x128xf32, #tpu.memory_space<vmem>>, vector<16xf32>,
    %sub3A_1914 = arith.subf %get3A_1913, %div3A_1785 : vector<16xf32>
    %mul3A_1915 = arith.mulf %sub3A_1909, %sub3A_1909 : vector<16xf32>
    %get3A_1916 = arith.constant 1 : i32
    %get3A_1917 = arith.index_cast %get3A_1916 : i32 to index
    %get3A_1918 = arith.constant 32 : index
    %get3A_1919 = tpu.vector_load %arg8[%get3A_1917, %get3A_1918] {strides = array<i32>} : memref<5x128xf32, #tpu.memory_space<vmem>>, vector<16xf32>,
    %mul3A_1920 = arith.mulf %mul3A_1915, %get3A_1919 : vector<16xf32>
    %add3A_1921 = arith.addf %add3A_1897, %mul3A_1920 : vector<16xf32>
    %mul3A_1922 = arith.mulf %sub3A_1914, %sub3A_1914 : vector<16xf32>
    %get3A_1923 = arith.constant 1 : i32
    %get3A_1924 = arith.index_cast %get3A_1923 : i32 to index
    %get3A_1925 = arith.constant 48 : index
    %get3A_1926 = tpu.vector_load %arg8[%get3A_1924, %get3A_1925] {strides = array<i32>} : memref<5x128xf32, #tpu.memory_space<vmem>>, vector<16xf32>,
    %mul3A_1927 = arith.mulf %mul3A_1922, %get3A_1926 : vector<16xf32>
    %add3A_1928 = arith.addf %add3A_1904, %mul3A_1927 : vector<16xf32>
    %get3A_1929 = arith.constant 1 : i32
    %get3A_1930 = arith.index_cast %get3A_1929 : i32 to index
    %get3A_1931 = arith.constant 64 : index
    %get3A_1932 = tpu.vector_load %arg7[%get3A_1930, %get3A_1931] {strides = array<i32>} : memref<5x128xf32, #tpu.memory_space<vmem>>, vector<16xf32>,
    %sub3A_1933 = arith.subf %get3A_1932, %div3A : vector<16xf32>
    %get3A_1934 = arith.constant 1 : i32
    %get3A_1935 = arith.index_cast %get3A_1934 : i32 to index
    %get3A_1936 = arith.constant 80 : index
    %get3A_1937 = tpu.vector_load %arg7[%get3A_1935, %get3A_1936] {strides = array<i32>} : memref<5x128xf32, #tpu.memory_space<vmem>>, vector<16xf32>,
    %sub3A_1938 = arith.subf %get3A_1937, %div3A_1785 : vector<16xf32>
    %mul3A_1939 = arith.mulf %sub3A_1933, %sub3A_1933 : vector<16xf32>
    %get3A_1940 = arith.constant 1 : i32
    %get3A_1941 = arith.index_cast %get3A_1940 : i32 to index
    %get3A_1942 = arith.constant 64 : index
    %get3A_1943 = tpu.vector_load %arg8[%get3A_1941, %get3A_1942] {strides = array<i32>} : memref<5x128xf32, #tpu.memory_space<vmem>>, vector<16xf32>,
    %mul3A_1944 = arith.mulf %mul3A_1939, %get3A_1943 : vector<16xf32>
    %add3A_1945 = arith.addf %add3A_1921, %mul3A_1944 : vector<16xf32>
    %mul3A_1946 = arith.mulf %sub3A_1938, %sub3A_1938 : vector<16xf32>
    %get3A_1947 = arith.constant 1 : i32
    %get3A_1948 = arith.index_cast %get3A_1947 : i32 to index
    %get3A_1949 = arith.constant 80 : index
    %get3A_1950 = tpu.vector_load %arg8[%get3A_1948, %get3A_1949] {strides = array<i32>} : memref<5x128xf32, #tpu.memory_space<vmem>>, vector<16xf32>,
    %mul3A_1951 = arith.mulf %mul3A_1946, %get3A_1950 : vector<16xf32>
    %add3A_1952 = arith.addf %add3A_1928, %mul3A_1951 : vector<16xf32>
    %get3A_1953 = arith.constant 1 : i32
    %get3A_1954 = arith.index_cast %get3A_1953 : i32 to index
    %get3A_1955 = arith.constant 96 : index
    %get3A_1956 = tpu.vector_load %arg7[%get3A_1954, %get3A_1955] {strides = array<i32>} : memref<5x128xf32, #tpu.memory_space<vmem>>, vector<16xf32>,
    %sub3A_1957 = arith.subf %get3A_1956, %div3A : vector<16xf32>
    %get3A_1958 = arith.constant 1 : i32
    %get3A_1959 = arith.index_cast %get3A_1958 : i32 to index
    %get3A_1960 = arith.constant 112 : index
    %get3A_1961 = tpu.vector_load %arg7[%get3A_1959, %get3A_1960] {strides = array<i32>} : memref<5x128xf32, #tpu.memory_space<vmem>>, vector<16xf32>,
    %sub3A_1962 = arith.subf %get3A_1961, %div3A_1785 : vector<16xf32>
    %mul3A_1963 = arith.mulf %sub3A_1957, %sub3A_1957 : vector<16xf32>
    %get3A_1964 = arith.constant 1 : i32
    %get3A_1965 = arith.index_cast %get3A_1964 : i32 to index
    %get3A_1966 = arith.constant 96 : index
    %get3A_1967 = tpu.vector_load %arg8[%get3A_1965, %get3A_1966] {strides = array<i32>} : memref<5x128xf32, #tpu.memory_space<vmem>>, vector<16xf32>,
    %mul3A_1968 = arith.mulf %mul3A_1963, %get3A_1967 : vector<16xf32>
    %add3A_1969 = arith.addf %add3A_1945, %mul3A_1968 : vector<16xf32>
    %mul3A_1970 = arith.mulf %sub3A_1962, %sub3A_1962 : vector<16xf32>
    %get3A_1971 = arith.constant 1 : i32
    %get3A_1972 = arith.index_cast %get3A_1971 : i32 to index
    %get3A_1973 = arith.constant 112 : index
    %get3A_1974 = tpu.vector_load %arg8[%get3A_1972, %get3A_1973] {strides = array<i32>} : memref<5x128xf32, #tpu.memory_space<vmem>>, vector<16xf32>,
    %mul3A_1975 = arith.mulf %mul3A_1970, %get3A_1974 : vector<16xf32>
    %add3A_1976 = arith.addf %add3A_1952, %mul3A_1975 : vector<16xf32>
    %get3A_1977 = arith.constant 2 : i32
    %get3A_1978 = arith.index_cast %get3A_1977 : i32 to index
    %get3A_1979 = arith.constant 0 : index
    %get3A_1980 = tpu.vector_load %arg7[%get3A_1978, %get3A_1979] {strides = array<i32>} : memref<5x128xf32, #tpu.memory_space<vmem>>, vector<16xf32>,
    %sub3A_1981 = arith.subf %get3A_1980, %div3A : vector<16xf32>
    %get3A_1982 = arith.constant 2 : i32
    %get3A_1983 = arith.index_cast %get3A_1982 : i32 to index
    %get3A_1984 = arith.constant 16 : index
    %get3A_1985 = tpu.vector_load %arg7[%get3A_1983, %get3A_1984] {strides = array<i32>} : memref<5x128xf32, #tpu.memory_space<vmem>>, vector<16xf32>,
    %sub3A_1986 = arith.subf %get3A_1985, %div3A_1785 : vector<16xf32>
    %mul3A_1987 = arith.mulf %sub3A_1981, %sub3A_1981 : vector<16xf32>
    %get3A_1988 = arith.constant 2 : i32
    %get3A_1989 = arith.index_cast %get3A_1988 : i32 to index
    %get3A_1990 = arith.constant 0 : index
    %get3A_1991 = tpu.vector_load %arg8[%get3A_1989, %get3A_1990] {strides = array<i32>} : memref<5x128xf32, #tpu.memory_space<vmem>>, vector<16xf32>,
    %mul3A_1992 = arith.mulf %mul3A_1987, %get3A_1991 : vector<16xf32>
    %add3A_1993 = arith.addf %add3A_1969, %mul3A_1992 : vector<16xf32>
    %mul3A_1994 = arith.mulf %sub3A_1986, %sub3A_1986 : vector<16xf32>
    %get3A_1995 = arith.constant 2 : i32
    %get3A_1996 = arith.index_cast %get3A_1995 : i32 to index
    %get3A_1997 = arith.constant 16 : index
    %get3A_1998 = tpu.vector_load %arg8[%get3A_1996, %get3A_1997] {strides = array<i32>} : memref<5x128xf32, #tpu.memory_space<vmem>>, vector<16xf32>,
    %mul3A_1999 = arith.mulf %mul3A_1994, %get3A_1998 : vector<16xf32>
    %add3A_2000 = arith.addf %add3A_1976, %mul3A_1999 : vector<16xf32>
    %get3A_2001 = arith.constant 2 : i32
    %get3A_2002 = arith.index_cast %get3A_2001 : i32 to index
    %get3A_2003 = arith.constant 32 : index
    %get3A_2004 = tpu.vector_load %arg7[%get3A_2002, %get3A_2003] {strides = array<i32>} : memref<5x128xf32, #tpu.memory_space<vmem>>, vector<16xf32>,
    %sub3A_2005 = arith.subf %get3A_2004, %div3A : vector<16xf32>
    %get3A_2006 = arith.constant 2 : i32
    %get3A_2007 = arith.index_cast %get3A_2006 : i32 to index
    %get3A_2008 = arith.constant 48 : index
    %get3A_2009 = tpu.vector_load %arg7[%get3A_2007, %get3A_2008] {strides = array<i32>} : memref<5x128xf32, #tpu.memory_space<vmem>>, vector<16xf32>,
    %sub3A_2010 = arith.subf %get3A_2009, %div3A_1785 : vector<16xf32>
    %mul3A_2011 = arith.mulf %sub3A_2005, %sub3A_2005 : vector<16xf32>
    %get3A_2012 = arith.constant 2 : i32
    %get3A_2013 = arith.index_cast %get3A_2012 : i32 to index
    %get3A_2014 = arith.constant 32 : index
    %get3A_2015 = tpu.vector_load %arg8[%get3A_2013, %get3A_2014] {strides = array<i32>} : memref<5x128xf32, #tpu.memory_space<vmem>>, vector<16xf32>,
    %mul3A_2016 = arith.mulf %mul3A_2011, %get3A_2015 : vector<16xf32>
    %add3A_2017 = arith.addf %add3A_1993, %mul3A_2016 : vector<16xf32>
    %mul3A_2018 = arith.mulf %sub3A_2010, %sub3A_2010 : vector<16xf32>
    %get3A_2019 = arith.constant 2 : i32
    %get3A_2020 = arith.index_cast %get3A_2019 : i32 to index
    %get3A_2021 = arith.constant 48 : index
    %get3A_2022 = tpu.vector_load %arg8[%get3A_2020, %get3A_2021] {strides = array<i32>} : memref<5x128xf32, #tpu.memory_space<vmem>>, vector<16xf32>,
    %mul3A_2023 = arith.mulf %mul3A_2018, %get3A_2022 : vector<16xf32>
    %add3A_2024 = arith.addf %add3A_2000, %mul3A_2023 : vector<16xf32>
    %get3A_2025 = arith.constant 2 : i32
    %get3A_2026 = arith.index_cast %get3A_2025 : i32 to index
    %get3A_2027 = arith.constant 64 : index
    %get3A_2028 = tpu.vector_load %arg7[%get3A_2026, %get3A_2027] {strides = array<i32>} : memref<5x128xf32, #tpu.memory_space<vmem>>, vector<16xf32>,
    %sub3A_2029 = arith.subf %get3A_2028, %div3A : vector<16xf32>
    %get3A_2030 = arith.constant 2 : i32
    %get3A_2031 = arith.index_cast %get3A_2030 : i32 to index
    %get3A_2032 = arith.constant 80 : index
    %get3A_2033 = tpu.vector_load %arg7[%get3A_2031, %get3A_2032] {strides = array<i32>} : memref<5x128xf32, #tpu.memory_space<vmem>>, vector<16xf32>,
    %sub3A_2034 = arith.subf %get3A_2033, %div3A_1785 : vector<16xf32>
    %mul3A_2035 = arith.mulf %sub3A_2029, %sub3A_2029 : vector<16xf32>
    %get3A_2036 = arith.constant 2 : i32
    %get3A_2037 = arith.index_cast %get3A_2036 : i32 to index
    %get3A_2038 = arith.constant 64 : index
    %get3A_2039 = tpu.vector_load %arg8[%get3A_2037, %get3A_2038] {strides = array<i32>} : memref<5x128xf32, #tpu.memory_space<vmem>>, vector<16xf32>,
    %mul3A_2040 = arith.mulf %mul3A_2035, %get3A_2039 : vector<16xf32>
    %add3A_2041 = arith.addf %add3A_2017, %mul3A_2040 : vector<16xf32>
    %mul3A_2042 = arith.mulf %sub3A_2034, %sub3A_2034 : vector<16xf32>
    %get3A_2043 = arith.constant 2 : i32
    %get3A_2044 = arith.index_cast %get3A_2043 : i32 to index
    %get3A_2045 = arith.constant 80 : index
    %get3A_2046 = tpu.vector_load %arg8[%get3A_2044, %get3A_2045] {strides = array<i32>} : memref<5x128xf32, #tpu.memory_space<vmem>>, vector<16xf32>,
    %mul3A_2047 = arith.mulf %mul3A_2042, %get3A_2046 : vector<16xf32>
    %add3A_2048 = arith.addf %add3A_2024, %mul3A_2047 : vector<16xf32>
    %get3A_2049 = arith.constant 2 : i32
    %get3A_2050 = arith.index_cast %get3A_2049 : i32 to index
    %get3A_2051 = arith.constant 96 : index
    %get3A_2052 = tpu.vector_load %arg7[%get3A_2050, %get3A_2051] {strides = array<i32>} : memref<5x128xf32, #tpu.memory_space<vmem>>, vector<16xf32>,
    %sub3A_2053 = arith.subf %get3A_2052, %div3A : vector<16xf32>
    %get3A_2054 = arith.constant 2 : i32
    %get3A_2055 = arith.index_cast %get3A_2054 : i32 to index
    %get3A_2056 = arith.constant 112 : index
    %get3A_2057 = tpu.vector_load %arg7[%get3A_2055, %get3A_2056] {strides = array<i32>} : memref<5x128xf32, #tpu.memory_space<vmem>>, vector<16xf32>,
    %sub3A_2058 = arith.subf %get3A_2057, %div3A_1785 : vector<16xf32>
    %mul3A_2059 = arith.mulf %sub3A_2053, %sub3A_2053 : vector<16xf32>
    %get3A_2060 = arith.constant 2 : i32
    %get3A_2061 = arith.index_cast %get3A_2060 : i32 to index
    %get3A_2062 = arith.constant 96 : index
    %get3A_2063 = tpu.vector_load %arg8[%get3A_2061, %get3A_2062] {strides = array<i32>} : memref<5x128xf32, #tpu.memory_space<vmem>>, vector<16xf32>,
    %mul3A_2064 = arith.mulf %mul3A_2059, %get3A_2063 : vector<16xf32>
    %add3A_2065 = arith.addf %add3A_2041, %mul3A_2064 : vector<16xf32>
    %mul3A_2066 = arith.mulf %sub3A_2058, %sub3A_2058 : vector<16xf32>
    %get3A_2067 = arith.constant 2 : i32
    %get3A_2068 = arith.index_cast %get3A_2067 : i32 to index
    %get3A_2069 = arith.constant 112 : index
    %get3A_2070 = tpu.vector_load %arg8[%get3A_2068, %get3A_2069] {strides = array<i32>} : memref<5x128xf32, #tpu.memory_space<vmem>>, vector<16xf32>,
    %mul3A_2071 = arith.mulf %mul3A_2066, %get3A_2070 : vector<16xf32>
    %add3A_2072 = arith.addf %add3A_2048, %mul3A_2071 : vector<16xf32>
    %get3A_2073 = arith.constant 3 : i32
    %get3A_2074 = arith.index_cast %get3A_2073 : i32 to index
    %get3A_2075 = arith.constant 0 : index
    %get3A_2076 = tpu.vector_load %arg7[%get3A_2074, %get3A_2075] {strides = array<i32>} : memref<5x128xf32, #tpu.memory_space<vmem>>, vector<16xf32>,
    %sub3A_2077 = arith.subf %get3A_2076, %div3A : vector<16xf32>
    %get3A_2078 = arith.constant 3 : i32
    %get3A_2079 = arith.index_cast %get3A_2078 : i32 to index
    %get3A_2080 = arith.constant 16 : index
    %get3A_2081 = tpu.vector_load %arg7[%get3A_2079, %get3A_2080] {strides = array<i32>} : memref<5x128xf32, #tpu.memory_space<vmem>>, vector<16xf32>,
    %sub3A_2082 = arith.subf %get3A_2081, %div3A_1785 : vector<16xf32>
    %mul3A_2083 = arith.mulf %sub3A_2077, %sub3A_2077 : vector<16xf32>
    %get3A_2084 = arith.constant 3 : i32
    %get3A_2085 = arith.index_cast %get3A_2084 : i32 to index
    %get3A_2086 = arith.constant 0 : index
    %get3A_2087 = tpu.vector_load %arg8[%get3A_2085, %get3A_2086] {strides = array<i32>} : memref<5x128xf32, #tpu.memory_space<vmem>>, vector<16xf32>,
    %mul3A_2088 = arith.mulf %mul3A_2083, %get3A_2087 : vector<16xf32>
    %add3A_2089 = arith.addf %add3A_2065, %mul3A_2088 : vector<16xf32>
    %mul3A_2090 = arith.mulf %sub3A_2082, %sub3A_2082 : vector<16xf32>
    %get3A_2091 = arith.constant 3 : i32
    %get3A_2092 = arith.index_cast %get3A_2091 : i32 to index
    %get3A_2093 = arith.constant 16 : index
    %get3A_2094 = tpu.vector_load %arg8[%get3A_2092, %get3A_2093] {strides = array<i32>} : memref<5x128xf32, #tpu.memory_space<vmem>>, vector<16xf32>,
    %mul3A_2095 = arith.mulf %mul3A_2090, %get3A_2094 : vector<16xf32>
    %add3A_2096 = arith.addf %add3A_2072, %mul3A_2095 : vector<16xf32>
    %get3A_2097 = arith.constant 3 : i32
    %get3A_2098 = arith.index_cast %get3A_2097 : i32 to index
    %get3A_2099 = arith.constant 32 : index
    %get3A_2100 = tpu.vector_load %arg7[%get3A_2098, %get3A_2099] {strides = array<i32>} : memref<5x128xf32, #tpu.memory_space<vmem>>, vector<16xf32>,
    %sub3A_2101 = arith.subf %get3A_2100, %div3A : vector<16xf32>
    %get3A_2102 = arith.constant 3 : i32
    %get3A_2103 = arith.index_cast %get3A_2102 : i32 to index
    %get3A_2104 = arith.constant 48 : index
    %get3A_2105 = tpu.vector_load %arg7[%get3A_2103, %get3A_2104] {strides = array<i32>} : memref<5x128xf32, #tpu.memory_space<vmem>>, vector<16xf32>,
    %sub3A_2106 = arith.subf %get3A_2105, %div3A_1785 : vector<16xf32>
    %mul3A_2107 = arith.mulf %sub3A_2101, %sub3A_2101 : vector<16xf32>
    %get3A_2108 = arith.constant 3 : i32
    %get3A_2109 = arith.index_cast %get3A_2108 : i32 to index
    %get3A_2110 = arith.constant 32 : index
    %get3A_2111 = tpu.vector_load %arg8[%get3A_2109, %get3A_2110] {strides = array<i32>} : memref<5x128xf32, #tpu.memory_space<vmem>>, vector<16xf32>,
    %mul3A_2112 = arith.mulf %mul3A_2107, %get3A_2111 : vector<16xf32>
    %add3A_2113 = arith.addf %add3A_2089, %mul3A_2112 : vector<16xf32>
    %mul3A_2114 = arith.mulf %sub3A_2106, %sub3A_2106 : vector<16xf32>
    %get3A_2115 = arith.constant 3 : i32
    %get3A_2116 = arith.index_cast %get3A_2115 : i32 to index
    %get3A_2117 = arith.constant 48 : index
    %get3A_2118 = tpu.vector_load %arg8[%get3A_2116, %get3A_2117] {strides = array<i32>} : memref<5x128xf32, #tpu.memory_space<vmem>>, vector<16xf32>,
    %mul3A_2119 = arith.mulf %mul3A_2114, %get3A_2118 : vector<16xf32>
    %add3A_2120 = arith.addf %add3A_2096, %mul3A_2119 : vector<16xf32>
    %get3A_2121 = arith.constant 3 : i32
    %get3A_2122 = arith.index_cast %get3A_2121 : i32 to index
    %get3A_2123 = arith.constant 64 : index
    %get3A_2124 = tpu.vector_load %arg7[%get3A_2122, %get3A_2123] {strides = array<i32>} : memref<5x128xf32, #tpu.memory_space<vmem>>, vector<16xf32>,
    %sub3A_2125 = arith.subf %get3A_2124, %div3A : vector<16xf32>
    %get3A_2126 = arith.constant 3 : i32
    %get3A_2127 = arith.index_cast %get3A_2126 : i32 to index
    %get3A_2128 = arith.constant 80 : index
    %get3A_2129 = tpu.vector_load %arg7[%get3A_2127, %get3A_2128] {strides = array<i32>} : memref<5x128xf32, #tpu.memory_space<vmem>>, vector<16xf32>,
    %sub3A_2130 = arith.subf %get3A_2129, %div3A_1785 : vector<16xf32>
    %mul3A_2131 = arith.mulf %sub3A_2125, %sub3A_2125 : vector<16xf32>
    %get3A_2132 = arith.constant 3 : i32
    %get3A_2133 = arith.index_cast %get3A_2132 : i32 to index
    %get3A_2134 = arith.constant 64 : index
    %get3A_2135 = tpu.vector_load %arg8[%get3A_2133, %get3A_2134] {strides = array<i32>} : memref<5x128xf32, #tpu.memory_space<vmem>>, vector<16xf32>,
    %mul3A_2136 = arith.mulf %mul3A_2131, %get3A_2135 : vector<16xf32>
    %add3A_2137 = arith.addf %add3A_2113, %mul3A_2136 : vector<16xf32>
    %mul3A_2138 = arith.mulf %sub3A_2130, %sub3A_2130 : vector<16xf32>
    %get3A_2139 = arith.constant 3 : i32
    %get3A_2140 = arith.index_cast %get3A_2139 : i32 to index
    %get3A_2141 = arith.constant 80 : index
    %get3A_2142 = tpu.vector_load %arg8[%get3A_2140, %get3A_2141] {strides = array<i32>} : memref<5x128xf32, #tpu.memory_space<vmem>>, vector<16xf32>,
    %mul3A_2143 = arith.mulf %mul3A_2138, %get3A_2142 : vector<16xf32>
    %add3A_2144 = arith.addf %add3A_2120, %mul3A_2143 : vector<16xf32>
    %get3A_2145 = arith.constant 3 : i32
    %get3A_2146 = arith.index_cast %get3A_2145 : i32 to index
    %get3A_2147 = arith.constant 96 : index
    %get3A_2148 = tpu.vector_load %arg7[%get3A_2146, %get3A_2147] {strides = array<i32>} : memref<5x128xf32, #tpu.memory_space<vmem>>, vector<16xf32>,
    %sub3A_2149 = arith.subf %get3A_2148, %div3A : vector<16xf32>
    %get3A_2150 = arith.constant 3 : i32
    %get3A_2151 = arith.index_cast %get3A_2150 : i32 to index
    %get3A_2152 = arith.constant 112 : index
    %get3A_2153 = tpu.vector_load %arg7[%get3A_2151, %get3A_2152] {strides = array<i32>} : memref<5x128xf32, #tpu.memory_space<vmem>>, vector<16xf32>,
    %sub3A_2154 = arith.subf %get3A_2153, %div3A_1785 : vector<16xf32>
    %mul3A_2155 = arith.mulf %sub3A_2149, %sub3A_2149 : vector<16xf32>
    %get3A_2156 = arith.constant 3 : i32
    %get3A_2157 = arith.index_cast %get3A_2156 : i32 to index
    %get3A_2158 = arith.constant 96 : index
    %get3A_2159 = tpu.vector_load %arg8[%get3A_2157, %get3A_2158] {strides = array<i32>} : memref<5x128xf32, #tpu.memory_space<vmem>>, vector<16xf32>,
    %mul3A_2160 = arith.mulf %mul3A_2155, %get3A_2159 : vector<16xf32>
    %add3A_2161 = arith.addf %add3A_2137, %mul3A_2160 : vector<16xf32>
    %mul3A_2162 = arith.mulf %sub3A_2154, %sub3A_2154 : vector<16xf32>
    %get3A_2163 = arith.constant 3 : i32
    %get3A_2164 = arith.index_cast %get3A_2163 : i32 to index
    %get3A_2165 = arith.constant 112 : index
    %get3A_2166 = tpu.vector_load %arg8[%get3A_2164, %get3A_2165] {strides = array<i32>} : memref<5x128xf32, #tpu.memory_space<vmem>>, vector<16xf32>,
    %mul3A_2167 = arith.mulf %mul3A_2162, %get3A_2166 : vector<16xf32>
    %add3A_2168 = arith.addf %add3A_2144, %mul3A_2167 : vector<16xf32>
    %get3A_2169 = arith.constant 4 : i32
    %get3A_2170 = arith.index_cast %get3A_2169 : i32 to index
    %get3A_2171 = arith.constant 0 : index
    %get3A_2172 = tpu.vector_load %arg7[%get3A_2170, %get3A_2171] {strides = array<i32>} : memref<5x128xf32, #tpu.memory_space<vmem>>, vector<16xf32>,
    %sub3A_2173 = arith.subf %get3A_2172, %div3A : vector<16xf32>
    %get3A_2174 = arith.constant 4 : i32
    %get3A_2175 = arith.index_cast %get3A_2174 : i32 to index
    %get3A_2176 = arith.constant 16 : index
    %get3A_2177 = tpu.vector_load %arg7[%get3A_2175, %get3A_2176] {strides = array<i32>} : memref<5x128xf32, #tpu.memory_space<vmem>>, vector<16xf32>,
    %sub3A_2178 = arith.subf %get3A_2177, %div3A_1785 : vector<16xf32>
    %mul3A_2179 = arith.mulf %sub3A_2173, %sub3A_2173 : vector<16xf32>
    %get3A_2180 = arith.constant 4 : i32
    %get3A_2181 = arith.index_cast %get3A_2180 : i32 to index
    %get3A_2182 = arith.constant 0 : index
    %get3A_2183 = tpu.vector_load %arg8[%get3A_2181, %get3A_2182] {strides = array<i32>} : memref<5x128xf32, #tpu.memory_space<vmem>>, vector<16xf32>,
    %mul3A_2184 = arith.mulf %mul3A_2179, %get3A_2183 : vector<16xf32>
    %add3A_2185 = arith.addf %add3A_2161, %mul3A_2184 : vector<16xf32>
    %mul3A_2186 = arith.mulf %sub3A_2178, %sub3A_2178 : vector<16xf32>
    %get3A_2187 = arith.constant 4 : i32
    %get3A_2188 = arith.index_cast %get3A_2187 : i32 to index
    %get3A_2189 = arith.constant 16 : index
    %get3A_2190 = tpu.vector_load %arg8[%get3A_2188, %get3A_2189] {strides = array<i32>} : memref<5x128xf32, #tpu.memory_space<vmem>>, vector<16xf32>,
    %mul3A_2191 = arith.mulf %mul3A_2186, %get3A_2190 : vector<16xf32>
    %add3A_2192 = arith.addf %add3A_2168, %mul3A_2191 : vector<16xf32>
    %gt3A_2193 = arith.constant 0.000000e+00 : f32
    %gt3A_2194 = vector.broadcast %gt3A_2193 : f32 to vector<16xf32>
    %gt3A_2195 = arith.cmpf ogt, %add3A_1778, %gt3A_2194 : vector<16xf32>
    %jit3A_2196 = arith.constant 1.000000e+00 : f32
    %jit3A_2197 = arith.constant 0.000000e+00 : f32
    %broadcast_in_dim3A_2198 = vector.broadcast %jit3A_2196 : f32 to vector<16xf32>
    %broadcast_in_dim3A_2199 = vector.broadcast %jit3A_2197 : f32 to vector<16xf32>
    %select_n3A_2200 = arith.select %gt3A_2195, %broadcast_in_dim3A_2198, %broadcast_in_dim3A_2199 : vector<16xi1>, vector<16xf32>
    %gt3A_2201 = arith.constant 0.000000e+00 : f32
    %gt3A_2202 = vector.broadcast %gt3A_2201 : f32 to vector<16xf32>
    %gt3A_2203 = arith.cmpf ogt, %add3A_1779, %gt3A_2202 : vector<16xf32>
    %jit3A_2204 = arith.constant 1.000000e+00 : f32
    %jit3A_2205 = arith.constant 0.000000e+00 : f32
    %broadcast_in_dim3A_2206 = vector.broadcast %jit3A_2204 : f32 to vector<16xf32>
    %broadcast_in_dim3A_2207 = vector.broadcast %jit3A_2205 : f32 to vector<16xf32>
    %select_n3A_2208 = arith.select %gt3A_2203, %broadcast_in_dim3A_2206, %broadcast_in_dim3A_2207 : vector<16xi1>, vector<16xf32>
    %div3A_2209 = arith.divf %add3A_2185, %max3A_1781 : vector<16xf32>
    %mul3A_2210 = arith.mulf %div3A_2209, %select_n3A_2200 : vector<16xf32>
    %div3A_2211 = arith.divf %add3A_2192, %max3A_1784 : vector<16xf32>
    %mul3A_2212 = arith.mulf %div3A_2211, %select_n3A_2208 : vector<16xf32>
    %add3A_2213 = arith.addf %mul3A_2210, %mul3A_2212 : vector<16xf32>
    %reduce_sum3A = arith.constant true
    %reduce_sum3A_2214 = vector.broadcast %reduce_sum3A : i1 to vector<16xi1>
    %reduce_sum3A_2215 = tpu.scan <sum>, %add3A_2213 masked %reduce_sum3A_2214 : vector<16xf32>, vector<16xi1> -> vector<16xf32>
    %reduce_sum3A_2216 = vector.extract %reduce_sum3A_2215[15] : f32 from vector<16xf32>
    %add3A_2217 = arith.addf %select_n3A_2200, %select_n3A_2208 : vector<16xf32>
    %reduce_sum3A_2218 = arith.constant true
    %reduce_sum3A_2219 = vector.broadcast %reduce_sum3A_2218 : i1 to vector<16xi1>
    %reduce_sum3A_2220 = tpu.scan <sum>, %add3A_2217 masked %reduce_sum3A_2219 : vector<16xf32>, vector<16xi1> -> vector<16xf32>
    %reduce_sum3A_2221 = vector.extract %reduce_sum3A_2220[15] : f32 from vector<16xf32>
    %slice3A = vector.extract_strided_slice %div3A {offsets = [0], sizes = [1], strides = [1]} : vector<16xf32> to vector<1xf32>
    %squeeze3A = vector.extract %slice3A[0] : f32 from vector<1xf32>
    %broadcast_in_dim3A_2222 = vector.broadcast %squeeze3A : f32 to vector<16xf32>
    %slice3A_2223 = vector.extract_strided_slice %select_n3A_2200 {offsets = [0], sizes = [1], strides = [1]} : vector<16xf32> to vector<1xf32>
    %squeeze3A_2224 = vector.extract %slice3A_2223[0] : f32 from vector<1xf32>
    %sub3A_2225 = arith.subf %broadcast_in_dim3A_2222, %div3A : vector<16xf32>
    %sub3A_2226 = arith.subf %broadcast_in_dim3A_2222, %div3A_1785 : vector<16xf32>
    %mul3A_2227 = arith.mulf %sub3A_2225, %sub3A_2225 : vector<16xf32>
    %neg3A = arith.constant 0.000000e+00 : f32
    %neg3A_2228 = vector.broadcast %neg3A : f32 to vector<16xf32>
    %neg3A_2229 = arith.subf %neg3A_2228, %mul3A_2227 : vector<16xf32>
    %exp3A = math.exp %neg3A_2229 : vector<16xf32>
    %mul3A_2230 = arith.mulf %exp3A, %select_n3A_2200 : vector<16xf32>
    %mul3A_2231 = vector.broadcast %squeeze3A_2224 : f32 to vector<16xf32>
    %mul3A_2232 = arith.mulf %mul3A_2230, %mul3A_2231 : vector<16xf32>
    %add3A_2233 = arith.addf %broadcast_in_dim3A_1406, %mul3A_2232 : vector<16xf32>
    %mul3A_2234 = arith.mulf %sub3A_2226, %sub3A_2226 : vector<16xf32>
    %neg3A_2235 = arith.constant 0.000000e+00 : f32
    %neg3A_2236 = vector.broadcast %neg3A_2235 : f32 to vector<16xf32>
    %neg3A_2237 = arith.subf %neg3A_2236, %mul3A_2234 : vector<16xf32>
    %exp3A_2238 = math.exp %neg3A_2237 : vector<16xf32>
    %mul3A_2239 = arith.mulf %exp3A_2238, %select_n3A_2208 : vector<16xf32>
    %mul3A_2240 = vector.broadcast %squeeze3A_2224 : f32 to vector<16xf32>
    %mul3A_2241 = arith.mulf %mul3A_2239, %mul3A_2240 : vector<16xf32>
    %add3A_2242 = arith.addf %broadcast_in_dim3A_1406, %mul3A_2241 : vector<16xf32>
    %slice3A_2243 = vector.extract_strided_slice %div3A {offsets = [1], sizes = [1], strides = [1]} : vector<16xf32> to vector<1xf32>
    %squeeze3A_2244 = vector.extract %slice3A_2243[0] : f32 from vector<1xf32>
    %broadcast_in_dim3A_2245 = vector.broadcast %squeeze3A_2244 : f32 to vector<16xf32>
    %slice3A_2246 = vector.extract_strided_slice %select_n3A_2200 {offsets = [1], sizes = [1], strides = [1]} : vector<16xf32> to vector<1xf32>
    %squeeze3A_2247 = vector.extract %slice3A_2246[0] : f32 from vector<1xf32>
    %sub3A_2248 = arith.subf %broadcast_in_dim3A_2245, %div3A : vector<16xf32>
    %sub3A_2249 = arith.subf %broadcast_in_dim3A_2245, %div3A_1785 : vector<16xf32>
    %mul3A_2250 = arith.mulf %sub3A_2248, %sub3A_2248 : vector<16xf32>
    %neg3A_2251 = arith.constant 0.000000e+00 : f32
    %neg3A_2252 = vector.broadcast %neg3A_2251 : f32 to vector<16xf32>
    %neg3A_2253 = arith.subf %neg3A_2252, %mul3A_2250 : vector<16xf32>
    %exp3A_2254 = math.exp %neg3A_2253 : vector<16xf32>
    %mul3A_2255 = arith.mulf %exp3A_2254, %select_n3A_2200 : vector<16xf32>
    %mul3A_2256 = vector.broadcast %squeeze3A_2247 : f32 to vector<16xf32>
    %mul3A_2257 = arith.mulf %mul3A_2255, %mul3A_2256 : vector<16xf32>
    %add3A_2258 = arith.addf %add3A_2233, %mul3A_2257 : vector<16xf32>
    %mul3A_2259 = arith.mulf %sub3A_2249, %sub3A_2249 : vector<16xf32>
    %neg3A_2260 = arith.constant 0.000000e+00 : f32
    %neg3A_2261 = vector.broadcast %neg3A_2260 : f32 to vector<16xf32>
    %neg3A_2262 = arith.subf %neg3A_2261, %mul3A_2259 : vector<16xf32>
    %exp3A_2263 = math.exp %neg3A_2262 : vector<16xf32>
    %mul3A_2264 = arith.mulf %exp3A_2263, %select_n3A_2208 : vector<16xf32>
    %mul3A_2265 = vector.broadcast %squeeze3A_2247 : f32 to vector<16xf32>
    %mul3A_2266 = arith.mulf %mul3A_2264, %mul3A_2265 : vector<16xf32>
    %add3A_2267 = arith.addf %add3A_2242, %mul3A_2266 : vector<16xf32>
    %slice3A_2268 = vector.extract_strided_slice %div3A {offsets = [2], sizes = [1], strides = [1]} : vector<16xf32> to vector<1xf32>
    %squeeze3A_2269 = vector.extract %slice3A_2268[0] : f32 from vector<1xf32>
    %broadcast_in_dim3A_2270 = vector.broadcast %squeeze3A_2269 : f32 to vector<16xf32>
    %slice3A_2271 = vector.extract_strided_slice %select_n3A_2200 {offsets = [2], sizes = [1], strides = [1]} : vector<16xf32> to vector<1xf32>
    %squeeze3A_2272 = vector.extract %slice3A_2271[0] : f32 from vector<1xf32>
    %sub3A_2273 = arith.subf %broadcast_in_dim3A_2270, %div3A : vector<16xf32>
    %sub3A_2274 = arith.subf %broadcast_in_dim3A_2270, %div3A_1785 : vector<16xf32>
    %mul3A_2275 = arith.mulf %sub3A_2273, %sub3A_2273 : vector<16xf32>
    %neg3A_2276 = arith.constant 0.000000e+00 : f32
    %neg3A_2277 = vector.broadcast %neg3A_2276 : f32 to vector<16xf32>
    %neg3A_2278 = arith.subf %neg3A_2277, %mul3A_2275 : vector<16xf32>
    %exp3A_2279 = math.exp %neg3A_2278 : vector<16xf32>
    %mul3A_2280 = arith.mulf %exp3A_2279, %select_n3A_2200 : vector<16xf32>
    %mul3A_2281 = vector.broadcast %squeeze3A_2272 : f32 to vector<16xf32>
    %mul3A_2282 = arith.mulf %mul3A_2280, %mul3A_2281 : vector<16xf32>
    %add3A_2283 = arith.addf %add3A_2258, %mul3A_2282 : vector<16xf32>
    %mul3A_2284 = arith.mulf %sub3A_2274, %sub3A_2274 : vector<16xf32>
    %neg3A_2285 = arith.constant 0.000000e+00 : f32
    %neg3A_2286 = vector.broadcast %neg3A_2285 : f32 to vector<16xf32>
    %neg3A_2287 = arith.subf %neg3A_2286, %mul3A_2284 : vector<16xf32>
    %exp3A_2288 = math.exp %neg3A_2287 : vector<16xf32>
    %mul3A_2289 = arith.mulf %exp3A_2288, %select_n3A_2208 : vector<16xf32>
    %mul3A_2290 = vector.broadcast %squeeze3A_2272 : f32 to vector<16xf32>
    %mul3A_2291 = arith.mulf %mul3A_2289, %mul3A_2290 : vector<16xf32>
    %add3A_2292 = arith.addf %add3A_2267, %mul3A_2291 : vector<16xf32>
    %slice3A_2293 = vector.extract_strided_slice %div3A {offsets = [3], sizes = [1], strides = [1]} : vector<16xf32> to vector<1xf32>
    %squeeze3A_2294 = vector.extract %slice3A_2293[0] : f32 from vector<1xf32>
    %broadcast_in_dim3A_2295 = vector.broadcast %squeeze3A_2294 : f32 to vector<16xf32>
    %slice3A_2296 = vector.extract_strided_slice %select_n3A_2200 {offsets = [3], sizes = [1], strides = [1]} : vector<16xf32> to vector<1xf32>
    %squeeze3A_2297 = vector.extract %slice3A_2296[0] : f32 from vector<1xf32>
    %sub3A_2298 = arith.subf %broadcast_in_dim3A_2295, %div3A : vector<16xf32>
    %sub3A_2299 = arith.subf %broadcast_in_dim3A_2295, %div3A_1785 : vector<16xf32>
    %mul3A_2300 = arith.mulf %sub3A_2298, %sub3A_2298 : vector<16xf32>
    %neg3A_2301 = arith.constant 0.000000e+00 : f32
    %neg3A_2302 = vector.broadcast %neg3A_2301 : f32 to vector<16xf32>
    %neg3A_2303 = arith.subf %neg3A_2302, %mul3A_2300 : vector<16xf32>
    %exp3A_2304 = math.exp %neg3A_2303 : vector<16xf32>
    %mul3A_2305 = arith.mulf %exp3A_2304, %select_n3A_2200 : vector<16xf32>
    %mul3A_2306 = vector.broadcast %squeeze3A_2297 : f32 to vector<16xf32>
    %mul3A_2307 = arith.mulf %mul3A_2305, %mul3A_2306 : vector<16xf32>
    %add3A_2308 = arith.addf %add3A_2283, %mul3A_2307 : vector<16xf32>
    %mul3A_2309 = arith.mulf %sub3A_2299, %sub3A_2299 : vector<16xf32>
    %neg3A_2310 = arith.constant 0.000000e+00 : f32
    %neg3A_2311 = vector.broadcast %neg3A_2310 : f32 to vector<16xf32>
    %neg3A_2312 = arith.subf %neg3A_2311, %mul3A_2309 : vector<16xf32>
    %exp3A_2313 = math.exp %neg3A_2312 : vector<16xf32>
    %mul3A_2314 = arith.mulf %exp3A_2313, %select_n3A_2208 : vector<16xf32>
    %mul3A_2315 = vector.broadcast %squeeze3A_2297 : f32 to vector<16xf32>
    %mul3A_2316 = arith.mulf %mul3A_2314, %mul3A_2315 : vector<16xf32>
    %add3A_2317 = arith.addf %add3A_2292, %mul3A_2316 : vector<16xf32>
    %slice3A_2318 = vector.extract_strided_slice %div3A {offsets = [4], sizes = [1], strides = [1]} : vector<16xf32> to vector<1xf32>
    %squeeze3A_2319 = vector.extract %slice3A_2318[0] : f32 from vector<1xf32>
    %broadcast_in_dim3A_2320 = vector.broadcast %squeeze3A_2319 : f32 to vector<16xf32>
    %slice3A_2321 = vector.extract_strided_slice %select_n3A_2200 {offsets = [4], sizes = [1], strides = [1]} : vector<16xf32> to vector<1xf32>
    %squeeze3A_2322 = vector.extract %slice3A_2321[0] : f32 from vector<1xf32>
    %sub3A_2323 = arith.subf %broadcast_in_dim3A_2320, %div3A : vector<16xf32>
    %sub3A_2324 = arith.subf %broadcast_in_dim3A_2320, %div3A_1785 : vector<16xf32>
    %mul3A_2325 = arith.mulf %sub3A_2323, %sub3A_2323 : vector<16xf32>
    %neg3A_2326 = arith.constant 0.000000e+00 : f32
    %neg3A_2327 = vector.broadcast %neg3A_2326 : f32 to vector<16xf32>
    %neg3A_2328 = arith.subf %neg3A_2327, %mul3A_2325 : vector<16xf32>
    %exp3A_2329 = math.exp %neg3A_2328 : vector<16xf32>
    %mul3A_2330 = arith.mulf %exp3A_2329, %select_n3A_2200 : vector<16xf32>
    %mul3A_2331 = vector.broadcast %squeeze3A_2322 : f32 to vector<16xf32>
    %mul3A_2332 = arith.mulf %mul3A_2330, %mul3A_2331 : vector<16xf32>
    %add3A_2333 = arith.addf %add3A_2308, %mul3A_2332 : vector<16xf32>
    %mul3A_2334 = arith.mulf %sub3A_2324, %sub3A_2324 : vector<16xf32>
    %neg3A_2335 = arith.constant 0.000000e+00 : f32
    %neg3A_2336 = vector.broadcast %neg3A_2335 : f32 to vector<16xf32>
    %neg3A_2337 = arith.subf %neg3A_2336, %mul3A_2334 : vector<16xf32>
    %exp3A_2338 = math.exp %neg3A_2337 : vector<16xf32>
    %mul3A_2339 = arith.mulf %exp3A_2338, %select_n3A_2208 : vector<16xf32>
    %mul3A_2340 = vector.broadcast %squeeze3A_2322 : f32 to vector<16xf32>
    %mul3A_2341 = arith.mulf %mul3A_2339, %mul3A_2340 : vector<16xf32>
    %add3A_2342 = arith.addf %add3A_2317, %mul3A_2341 : vector<16xf32>
    %slice3A_2343 = vector.extract_strided_slice %div3A {offsets = [5], sizes = [1], strides = [1]} : vector<16xf32> to vector<1xf32>
    %squeeze3A_2344 = vector.extract %slice3A_2343[0] : f32 from vector<1xf32>
    %broadcast_in_dim3A_2345 = vector.broadcast %squeeze3A_2344 : f32 to vector<16xf32>
    %slice3A_2346 = vector.extract_strided_slice %select_n3A_2200 {offsets = [5], sizes = [1], strides = [1]} : vector<16xf32> to vector<1xf32>
    %squeeze3A_2347 = vector.extract %slice3A_2346[0] : f32 from vector<1xf32>
    %sub3A_2348 = arith.subf %broadcast_in_dim3A_2345, %div3A : vector<16xf32>
    %sub3A_2349 = arith.subf %broadcast_in_dim3A_2345, %div3A_1785 : vector<16xf32>
    %mul3A_2350 = arith.mulf %sub3A_2348, %sub3A_2348 : vector<16xf32>
    %neg3A_2351 = arith.constant 0.000000e+00 : f32
    %neg3A_2352 = vector.broadcast %neg3A_2351 : f32 to vector<16xf32>
    %neg3A_2353 = arith.subf %neg3A_2352, %mul3A_2350 : vector<16xf32>
    %exp3A_2354 = math.exp %neg3A_2353 : vector<16xf32>
    %mul3A_2355 = arith.mulf %exp3A_2354, %select_n3A_2200 : vector<16xf32>
    %mul3A_2356 = vector.broadcast %squeeze3A_2347 : f32 to vector<16xf32>
    %mul3A_2357 = arith.mulf %mul3A_2355, %mul3A_2356 : vector<16xf32>
    %add3A_2358 = arith.addf %add3A_2333, %mul3A_2357 : vector<16xf32>
    %mul3A_2359 = arith.mulf %sub3A_2349, %sub3A_2349 : vector<16xf32>
    %neg3A_2360 = arith.constant 0.000000e+00 : f32
    %neg3A_2361 = vector.broadcast %neg3A_2360 : f32 to vector<16xf32>
    %neg3A_2362 = arith.subf %neg3A_2361, %mul3A_2359 : vector<16xf32>
    %exp3A_2363 = math.exp %neg3A_2362 : vector<16xf32>
    %mul3A_2364 = arith.mulf %exp3A_2363, %select_n3A_2208 : vector<16xf32>
    %mul3A_2365 = vector.broadcast %squeeze3A_2347 : f32 to vector<16xf32>
    %mul3A_2366 = arith.mulf %mul3A_2364, %mul3A_2365 : vector<16xf32>
    %add3A_2367 = arith.addf %add3A_2342, %mul3A_2366 : vector<16xf32>
    %slice3A_2368 = vector.extract_strided_slice %div3A {offsets = [6], sizes = [1], strides = [1]} : vector<16xf32> to vector<1xf32>
    %squeeze3A_2369 = vector.extract %slice3A_2368[0] : f32 from vector<1xf32>
    %broadcast_in_dim3A_2370 = vector.broadcast %squeeze3A_2369 : f32 to vector<16xf32>
    %slice3A_2371 = vector.extract_strided_slice %select_n3A_2200 {offsets = [6], sizes = [1], strides = [1]} : vector<16xf32> to vector<1xf32>
    %squeeze3A_2372 = vector.extract %slice3A_2371[0] : f32 from vector<1xf32>
    %sub3A_2373 = arith.subf %broadcast_in_dim3A_2370, %div3A : vector<16xf32>
    %sub3A_2374 = arith.subf %broadcast_in_dim3A_2370, %div3A_1785 : vector<16xf32>
    %mul3A_2375 = arith.mulf %sub3A_2373, %sub3A_2373 : vector<16xf32>
    %neg3A_2376 = arith.constant 0.000000e+00 : f32
    %neg3A_2377 = vector.broadcast %neg3A_2376 : f32 to vector<16xf32>
    %neg3A_2378 = arith.subf %neg3A_2377, %mul3A_2375 : vector<16xf32>
    %exp3A_2379 = math.exp %neg3A_2378 : vector<16xf32>
    %mul3A_2380 = arith.mulf %exp3A_2379, %select_n3A_2200 : vector<16xf32>
    %mul3A_2381 = vector.broadcast %squeeze3A_2372 : f32 to vector<16xf32>
    %mul3A_2382 = arith.mulf %mul3A_2380, %mul3A_2381 : vector<16xf32>
    %add3A_2383 = arith.addf %add3A_2358, %mul3A_2382 : vector<16xf32>
    %mul3A_2384 = arith.mulf %sub3A_2374, %sub3A_2374 : vector<16xf32>
    %neg3A_2385 = arith.constant 0.000000e+00 : f32
    %neg3A_2386 = vector.broadcast %neg3A_2385 : f32 to vector<16xf32>
    %neg3A_2387 = arith.subf %neg3A_2386, %mul3A_2384 : vector<16xf32>
    %exp3A_2388 = math.exp %neg3A_2387 : vector<16xf32>
    %mul3A_2389 = arith.mulf %exp3A_2388, %select_n3A_2208 : vector<16xf32>
    %mul3A_2390 = vector.broadcast %squeeze3A_2372 : f32 to vector<16xf32>
    %mul3A_2391 = arith.mulf %mul3A_2389, %mul3A_2390 : vector<16xf32>
    %add3A_2392 = arith.addf %add3A_2367, %mul3A_2391 : vector<16xf32>
    %slice3A_2393 = vector.extract_strided_slice %div3A {offsets = [7], sizes = [1], strides = [1]} : vector<16xf32> to vector<1xf32>
    %squeeze3A_2394 = vector.extract %slice3A_2393[0] : f32 from vector<1xf32>
    %broadcast_in_dim3A_2395 = vector.broadcast %squeeze3A_2394 : f32 to vector<16xf32>
    %slice3A_2396 = vector.extract_strided_slice %select_n3A_2200 {offsets = [7], sizes = [1], strides = [1]} : vector<16xf32> to vector<1xf32>
    %squeeze3A_2397 = vector.extract %slice3A_2396[0] : f32 from vector<1xf32>
    %sub3A_2398 = arith.subf %broadcast_in_dim3A_2395, %div3A : vector<16xf32>
    %sub3A_2399 = arith.subf %broadcast_in_dim3A_2395, %div3A_1785 : vector<16xf32>
    %mul3A_2400 = arith.mulf %sub3A_2398, %sub3A_2398 : vector<16xf32>
    %neg3A_2401 = arith.constant 0.000000e+00 : f32
    %neg3A_2402 = vector.broadcast %neg3A_2401 : f32 to vector<16xf32>
    %neg3A_2403 = arith.subf %neg3A_2402, %mul3A_2400 : vector<16xf32>
    %exp3A_2404 = math.exp %neg3A_2403 : vector<16xf32>
    %mul3A_2405 = arith.mulf %exp3A_2404, %select_n3A_2200 : vector<16xf32>
    %mul3A_2406 = vector.broadcast %squeeze3A_2397 : f32 to vector<16xf32>
    %mul3A_2407 = arith.mulf %mul3A_2405, %mul3A_2406 : vector<16xf32>
    %add3A_2408 = arith.addf %add3A_2383, %mul3A_2407 : vector<16xf32>
    %mul3A_2409 = arith.mulf %sub3A_2399, %sub3A_2399 : vector<16xf32>
    %neg3A_2410 = arith.constant 0.000000e+00 : f32
    %neg3A_2411 = vector.broadcast %neg3A_2410 : f32 to vector<16xf32>
    %neg3A_2412 = arith.subf %neg3A_2411, %mul3A_2409 : vector<16xf32>
    %exp3A_2413 = math.exp %neg3A_2412 : vector<16xf32>
    %mul3A_2414 = arith.mulf %exp3A_2413, %select_n3A_2208 : vector<16xf32>
    %mul3A_2415 = vector.broadcast %squeeze3A_2397 : f32 to vector<16xf32>
    %mul3A_2416 = arith.mulf %mul3A_2414, %mul3A_2415 : vector<16xf32>
    %add3A_2417 = arith.addf %add3A_2392, %mul3A_2416 : vector<16xf32>
    %slice3A_2418 = vector.extract_strided_slice %div3A {offsets = [8], sizes = [1], strides = [1]} : vector<16xf32> to vector<1xf32>
    %squeeze3A_2419 = vector.extract %slice3A_2418[0] : f32 from vector<1xf32>
    %broadcast_in_dim3A_2420 = vector.broadcast %squeeze3A_2419 : f32 to vector<16xf32>
    %slice3A_2421 = vector.extract_strided_slice %select_n3A_2200 {offsets = [8], sizes = [1], strides = [1]} : vector<16xf32> to vector<1xf32>
    %squeeze3A_2422 = vector.extract %slice3A_2421[0] : f32 from vector<1xf32>
    %sub3A_2423 = arith.subf %broadcast_in_dim3A_2420, %div3A : vector<16xf32>
    %sub3A_2424 = arith.subf %broadcast_in_dim3A_2420, %div3A_1785 : vector<16xf32>
    %mul3A_2425 = arith.mulf %sub3A_2423, %sub3A_2423 : vector<16xf32>
    %neg3A_2426 = arith.constant 0.000000e+00 : f32
    %neg3A_2427 = vector.broadcast %neg3A_2426 : f32 to vector<16xf32>
    %neg3A_2428 = arith.subf %neg3A_2427, %mul3A_2425 : vector<16xf32>
    %exp3A_2429 = math.exp %neg3A_2428 : vector<16xf32>
    %mul3A_2430 = arith.mulf %exp3A_2429, %select_n3A_2200 : vector<16xf32>
    %mul3A_2431 = vector.broadcast %squeeze3A_2422 : f32 to vector<16xf32>
    %mul3A_2432 = arith.mulf %mul3A_2430, %mul3A_2431 : vector<16xf32>
    %add3A_2433 = arith.addf %add3A_2408, %mul3A_2432 : vector<16xf32>
    %mul3A_2434 = arith.mulf %sub3A_2424, %sub3A_2424 : vector<16xf32>
    %neg3A_2435 = arith.constant 0.000000e+00 : f32
    %neg3A_2436 = vector.broadcast %neg3A_2435 : f32 to vector<16xf32>
    %neg3A_2437 = arith.subf %neg3A_2436, %mul3A_2434 : vector<16xf32>
    %exp3A_2438 = math.exp %neg3A_2437 : vector<16xf32>
    %mul3A_2439 = arith.mulf %exp3A_2438, %select_n3A_2208 : vector<16xf32>
    %mul3A_2440 = vector.broadcast %squeeze3A_2422 : f32 to vector<16xf32>
    %mul3A_2441 = arith.mulf %mul3A_2439, %mul3A_2440 : vector<16xf32>
    %add3A_2442 = arith.addf %add3A_2417, %mul3A_2441 : vector<16xf32>
    %slice3A_2443 = vector.extract_strided_slice %div3A {offsets = [9], sizes = [1], strides = [1]} : vector<16xf32> to vector<1xf32>
    %squeeze3A_2444 = vector.extract %slice3A_2443[0] : f32 from vector<1xf32>
    %broadcast_in_dim3A_2445 = vector.broadcast %squeeze3A_2444 : f32 to vector<16xf32>
    %slice3A_2446 = vector.extract_strided_slice %select_n3A_2200 {offsets = [9], sizes = [1], strides = [1]} : vector<16xf32> to vector<1xf32>
    %squeeze3A_2447 = vector.extract %slice3A_2446[0] : f32 from vector<1xf32>
    %sub3A_2448 = arith.subf %broadcast_in_dim3A_2445, %div3A : vector<16xf32>
    %sub3A_2449 = arith.subf %broadcast_in_dim3A_2445, %div3A_1785 : vector<16xf32>
    %mul3A_2450 = arith.mulf %sub3A_2448, %sub3A_2448 : vector<16xf32>
    %neg3A_2451 = arith.constant 0.000000e+00 : f32
    %neg3A_2452 = vector.broadcast %neg3A_2451 : f32 to vector<16xf32>
    %neg3A_2453 = arith.subf %neg3A_2452, %mul3A_2450 : vector<16xf32>
    %exp3A_2454 = math.exp %neg3A_2453 : vector<16xf32>
    %mul3A_2455 = arith.mulf %exp3A_2454, %select_n3A_2200 : vector<16xf32>
    %mul3A_2456 = vector.broadcast %squeeze3A_2447 : f32 to vector<16xf32>
    %mul3A_2457 = arith.mulf %mul3A_2455, %mul3A_2456 : vector<16xf32>
    %add3A_2458 = arith.addf %add3A_2433, %mul3A_2457 : vector<16xf32>
    %mul3A_2459 = arith.mulf %sub3A_2449, %sub3A_2449 : vector<16xf32>
    %neg3A_2460 = arith.constant 0.000000e+00 : f32
    %neg3A_2461 = vector.broadcast %neg3A_2460 : f32 to vector<16xf32>
    %neg3A_2462 = arith.subf %neg3A_2461, %mul3A_2459 : vector<16xf32>
    %exp3A_2463 = math.exp %neg3A_2462 : vector<16xf32>
    %mul3A_2464 = arith.mulf %exp3A_2463, %select_n3A_2208 : vector<16xf32>
    %mul3A_2465 = vector.broadcast %squeeze3A_2447 : f32 to vector<16xf32>
    %mul3A_2466 = arith.mulf %mul3A_2464, %mul3A_2465 : vector<16xf32>
    %add3A_2467 = arith.addf %add3A_2442, %mul3A_2466 : vector<16xf32>
    %slice3A_2468 = vector.extract_strided_slice %div3A {offsets = [10], sizes = [1], strides = [1]} : vector<16xf32> to vector<1xf32>
    %squeeze3A_2469 = vector.extract %slice3A_2468[0] : f32 from vector<1xf32>
    %broadcast_in_dim3A_2470 = vector.broadcast %squeeze3A_2469 : f32 to vector<16xf32>
    %slice3A_2471 = vector.extract_strided_slice %select_n3A_2200 {offsets = [10], sizes = [1], strides = [1]} : vector<16xf32> to vector<1xf32>
    %squeeze3A_2472 = vector.extract %slice3A_2471[0] : f32 from vector<1xf32>
    %sub3A_2473 = arith.subf %broadcast_in_dim3A_2470, %div3A : vector<16xf32>
    %sub3A_2474 = arith.subf %broadcast_in_dim3A_2470, %div3A_1785 : vector<16xf32>
    %mul3A_2475 = arith.mulf %sub3A_2473, %sub3A_2473 : vector<16xf32>
    %neg3A_2476 = arith.constant 0.000000e+00 : f32
    %neg3A_2477 = vector.broadcast %neg3A_2476 : f32 to vector<16xf32>
    %neg3A_2478 = arith.subf %neg3A_2477, %mul3A_2475 : vector<16xf32>
    %exp3A_2479 = math.exp %neg3A_2478 : vector<16xf32>
    %mul3A_2480 = arith.mulf %exp3A_2479, %select_n3A_2200 : vector<16xf32>
    %mul3A_2481 = vector.broadcast %squeeze3A_2472 : f32 to vector<16xf32>
    %mul3A_2482 = arith.mulf %mul3A_2480, %mul3A_2481 : vector<16xf32>
    %add3A_2483 = arith.addf %add3A_2458, %mul3A_2482 : vector<16xf32>
    %mul3A_2484 = arith.mulf %sub3A_2474, %sub3A_2474 : vector<16xf32>
    %neg3A_2485 = arith.constant 0.000000e+00 : f32
    %neg3A_2486 = vector.broadcast %neg3A_2485 : f32 to vector<16xf32>
    %neg3A_2487 = arith.subf %neg3A_2486, %mul3A_2484 : vector<16xf32>
    %exp3A_2488 = math.exp %neg3A_2487 : vector<16xf32>
    %mul3A_2489 = arith.mulf %exp3A_2488, %select_n3A_2208 : vector<16xf32>
    %mul3A_2490 = vector.broadcast %squeeze3A_2472 : f32 to vector<16xf32>
    %mul3A_2491 = arith.mulf %mul3A_2489, %mul3A_2490 : vector<16xf32>
    %add3A_2492 = arith.addf %add3A_2467, %mul3A_2491 : vector<16xf32>
    %slice3A_2493 = vector.extract_strided_slice %div3A {offsets = [11], sizes = [1], strides = [1]} : vector<16xf32> to vector<1xf32>
    %squeeze3A_2494 = vector.extract %slice3A_2493[0] : f32 from vector<1xf32>
    %broadcast_in_dim3A_2495 = vector.broadcast %squeeze3A_2494 : f32 to vector<16xf32>
    %slice3A_2496 = vector.extract_strided_slice %select_n3A_2200 {offsets = [11], sizes = [1], strides = [1]} : vector<16xf32> to vector<1xf32>
    %squeeze3A_2497 = vector.extract %slice3A_2496[0] : f32 from vector<1xf32>
    %sub3A_2498 = arith.subf %broadcast_in_dim3A_2495, %div3A : vector<16xf32>
    %sub3A_2499 = arith.subf %broadcast_in_dim3A_2495, %div3A_1785 : vector<16xf32>
    %mul3A_2500 = arith.mulf %sub3A_2498, %sub3A_2498 : vector<16xf32>
    %neg3A_2501 = arith.constant 0.000000e+00 : f32
    %neg3A_2502 = vector.broadcast %neg3A_2501 : f32 to vector<16xf32>
    %neg3A_2503 = arith.subf %neg3A_2502, %mul3A_2500 : vector<16xf32>
    %exp3A_2504 = math.exp %neg3A_2503 : vector<16xf32>
    %mul3A_2505 = arith.mulf %exp3A_2504, %select_n3A_2200 : vector<16xf32>
    %mul3A_2506 = vector.broadcast %squeeze3A_2497 : f32 to vector<16xf32>
    %mul3A_2507 = arith.mulf %mul3A_2505, %mul3A_2506 : vector<16xf32>
    %add3A_2508 = arith.addf %add3A_2483, %mul3A_2507 : vector<16xf32>
    %mul3A_2509 = arith.mulf %sub3A_2499, %sub3A_2499 : vector<16xf32>
    %neg3A_2510 = arith.constant 0.000000e+00 : f32
    %neg3A_2511 = vector.broadcast %neg3A_2510 : f32 to vector<16xf32>
    %neg3A_2512 = arith.subf %neg3A_2511, %mul3A_2509 : vector<16xf32>
    %exp3A_2513 = math.exp %neg3A_2512 : vector<16xf32>
    %mul3A_2514 = arith.mulf %exp3A_2513, %select_n3A_2208 : vector<16xf32>
    %mul3A_2515 = vector.broadcast %squeeze3A_2497 : f32 to vector<16xf32>
    %mul3A_2516 = arith.mulf %mul3A_2514, %mul3A_2515 : vector<16xf32>
    %add3A_2517 = arith.addf %add3A_2492, %mul3A_2516 : vector<16xf32>
    %slice3A_2518 = vector.extract_strided_slice %div3A {offsets = [12], sizes = [1], strides = [1]} : vector<16xf32> to vector<1xf32>
    %squeeze3A_2519 = vector.extract %slice3A_2518[0] : f32 from vector<1xf32>
    %broadcast_in_dim3A_2520 = vector.broadcast %squeeze3A_2519 : f32 to vector<16xf32>
    %slice3A_2521 = vector.extract_strided_slice %select_n3A_2200 {offsets = [12], sizes = [1], strides = [1]} : vector<16xf32> to vector<1xf32>
    %squeeze3A_2522 = vector.extract %slice3A_2521[0] : f32 from vector<1xf32>
    %sub3A_2523 = arith.subf %broadcast_in_dim3A_2520, %div3A : vector<16xf32>
    %sub3A_2524 = arith.subf %broadcast_in_dim3A_2520, %div3A_1785 : vector<16xf32>
    %mul3A_2525 = arith.mulf %sub3A_2523, %sub3A_2523 : vector<16xf32>
    %neg3A_2526 = arith.constant 0.000000e+00 : f32
    %neg3A_2527 = vector.broadcast %neg3A_2526 : f32 to vector<16xf32>
    %neg3A_2528 = arith.subf %neg3A_2527, %mul3A_2525 : vector<16xf32>
    %exp3A_2529 = math.exp %neg3A_2528 : vector<16xf32>
    %mul3A_2530 = arith.mulf %exp3A_2529, %select_n3A_2200 : vector<16xf32>
    %mul3A_2531 = vector.broadcast %squeeze3A_2522 : f32 to vector<16xf32>
    %mul3A_2532 = arith.mulf %mul3A_2530, %mul3A_2531 : vector<16xf32>
    %add3A_2533 = arith.addf %add3A_2508, %mul3A_2532 : vector<16xf32>
    %mul3A_2534 = arith.mulf %sub3A_2524, %sub3A_2524 : vector<16xf32>
    %neg3A_2535 = arith.constant 0.000000e+00 : f32
    %neg3A_2536 = vector.broadcast %neg3A_2535 : f32 to vector<16xf32>
    %neg3A_2537 = arith.subf %neg3A_2536, %mul3A_2534 : vector<16xf32>
    %exp3A_2538 = math.exp %neg3A_2537 : vector<16xf32>
    %mul3A_2539 = arith.mulf %exp3A_2538, %select_n3A_2208 : vector<16xf32>
    %mul3A_2540 = vector.broadcast %squeeze3A_2522 : f32 to vector<16xf32>
    %mul3A_2541 = arith.mulf %mul3A_2539, %mul3A_2540 : vector<16xf32>
    %add3A_2542 = arith.addf %add3A_2517, %mul3A_2541 : vector<16xf32>
    %slice3A_2543 = vector.extract_strided_slice %div3A {offsets = [13], sizes = [1], strides = [1]} : vector<16xf32> to vector<1xf32>
    %squeeze3A_2544 = vector.extract %slice3A_2543[0] : f32 from vector<1xf32>
    %broadcast_in_dim3A_2545 = vector.broadcast %squeeze3A_2544 : f32 to vector<16xf32>
    %slice3A_2546 = vector.extract_strided_slice %select_n3A_2200 {offsets = [13], sizes = [1], strides = [1]} : vector<16xf32> to vector<1xf32>
    %squeeze3A_2547 = vector.extract %slice3A_2546[0] : f32 from vector<1xf32>
    %sub3A_2548 = arith.subf %broadcast_in_dim3A_2545, %div3A : vector<16xf32>
    %sub3A_2549 = arith.subf %broadcast_in_dim3A_2545, %div3A_1785 : vector<16xf32>
    %mul3A_2550 = arith.mulf %sub3A_2548, %sub3A_2548 : vector<16xf32>
    %neg3A_2551 = arith.constant 0.000000e+00 : f32
    %neg3A_2552 = vector.broadcast %neg3A_2551 : f32 to vector<16xf32>
    %neg3A_2553 = arith.subf %neg3A_2552, %mul3A_2550 : vector<16xf32>
    %exp3A_2554 = math.exp %neg3A_2553 : vector<16xf32>
    %mul3A_2555 = arith.mulf %exp3A_2554, %select_n3A_2200 : vector<16xf32>
    %mul3A_2556 = vector.broadcast %squeeze3A_2547 : f32 to vector<16xf32>
    %mul3A_2557 = arith.mulf %mul3A_2555, %mul3A_2556 : vector<16xf32>
    %add3A_2558 = arith.addf %add3A_2533, %mul3A_2557 : vector<16xf32>
    %mul3A_2559 = arith.mulf %sub3A_2549, %sub3A_2549 : vector<16xf32>
    %neg3A_2560 = arith.constant 0.000000e+00 : f32
    %neg3A_2561 = vector.broadcast %neg3A_2560 : f32 to vector<16xf32>
    %neg3A_2562 = arith.subf %neg3A_2561, %mul3A_2559 : vector<16xf32>
    %exp3A_2563 = math.exp %neg3A_2562 : vector<16xf32>
    %mul3A_2564 = arith.mulf %exp3A_2563, %select_n3A_2208 : vector<16xf32>
    %mul3A_2565 = vector.broadcast %squeeze3A_2547 : f32 to vector<16xf32>
    %mul3A_2566 = arith.mulf %mul3A_2564, %mul3A_2565 : vector<16xf32>
    %add3A_2567 = arith.addf %add3A_2542, %mul3A_2566 : vector<16xf32>
    %slice3A_2568 = vector.extract_strided_slice %div3A {offsets = [14], sizes = [1], strides = [1]} : vector<16xf32> to vector<1xf32>
    %squeeze3A_2569 = vector.extract %slice3A_2568[0] : f32 from vector<1xf32>
    %broadcast_in_dim3A_2570 = vector.broadcast %squeeze3A_2569 : f32 to vector<16xf32>
    %slice3A_2571 = vector.extract_strided_slice %select_n3A_2200 {offsets = [14], sizes = [1], strides = [1]} : vector<16xf32> to vector<1xf32>
    %squeeze3A_2572 = vector.extract %slice3A_2571[0] : f32 from vector<1xf32>
    %sub3A_2573 = arith.subf %broadcast_in_dim3A_2570, %div3A : vector<16xf32>
    %sub3A_2574 = arith.subf %broadcast_in_dim3A_2570, %div3A_1785 : vector<16xf32>
    %mul3A_2575 = arith.mulf %sub3A_2573, %sub3A_2573 : vector<16xf32>
    %neg3A_2576 = arith.constant 0.000000e+00 : f32
    %neg3A_2577 = vector.broadcast %neg3A_2576 : f32 to vector<16xf32>
    %neg3A_2578 = arith.subf %neg3A_2577, %mul3A_2575 : vector<16xf32>
    %exp3A_2579 = math.exp %neg3A_2578 : vector<16xf32>
    %mul3A_2580 = arith.mulf %exp3A_2579, %select_n3A_2200 : vector<16xf32>
    %mul3A_2581 = vector.broadcast %squeeze3A_2572 : f32 to vector<16xf32>
    %mul3A_2582 = arith.mulf %mul3A_2580, %mul3A_2581 : vector<16xf32>
    %add3A_2583 = arith.addf %add3A_2558, %mul3A_2582 : vector<16xf32>
    %mul3A_2584 = arith.mulf %sub3A_2574, %sub3A_2574 : vector<16xf32>
    %neg3A_2585 = arith.constant 0.000000e+00 : f32
    %neg3A_2586 = vector.broadcast %neg3A_2585 : f32 to vector<16xf32>
    %neg3A_2587 = arith.subf %neg3A_2586, %mul3A_2584 : vector<16xf32>
    %exp3A_2588 = math.exp %neg3A_2587 : vector<16xf32>
    %mul3A_2589 = arith.mulf %exp3A_2588, %select_n3A_2208 : vector<16xf32>
    %mul3A_2590 = vector.broadcast %squeeze3A_2572 : f32 to vector<16xf32>
    %mul3A_2591 = arith.mulf %mul3A_2589, %mul3A_2590 : vector<16xf32>
    %add3A_2592 = arith.addf %add3A_2567, %mul3A_2591 : vector<16xf32>
    %slice3A_2593 = vector.extract_strided_slice %div3A {offsets = [15], sizes = [1], strides = [1]} : vector<16xf32> to vector<1xf32>
    %squeeze3A_2594 = vector.extract %slice3A_2593[0] : f32 from vector<1xf32>
    %broadcast_in_dim3A_2595 = vector.broadcast %squeeze3A_2594 : f32 to vector<16xf32>
    %slice3A_2596 = vector.extract_strided_slice %select_n3A_2200 {offsets = [15], sizes = [1], strides = [1]} : vector<16xf32> to vector<1xf32>
    %squeeze3A_2597 = vector.extract %slice3A_2596[0] : f32 from vector<1xf32>
    %sub3A_2598 = arith.subf %broadcast_in_dim3A_2595, %div3A : vector<16xf32>
    %sub3A_2599 = arith.subf %broadcast_in_dim3A_2595, %div3A_1785 : vector<16xf32>
    %mul3A_2600 = arith.mulf %sub3A_2598, %sub3A_2598 : vector<16xf32>
    %neg3A_2601 = arith.constant 0.000000e+00 : f32
    %neg3A_2602 = vector.broadcast %neg3A_2601 : f32 to vector<16xf32>
    %neg3A_2603 = arith.subf %neg3A_2602, %mul3A_2600 : vector<16xf32>
    %exp3A_2604 = math.exp %neg3A_2603 : vector<16xf32>
    %mul3A_2605 = arith.mulf %exp3A_2604, %select_n3A_2200 : vector<16xf32>
    %mul3A_2606 = vector.broadcast %squeeze3A_2597 : f32 to vector<16xf32>
    %mul3A_2607 = arith.mulf %mul3A_2605, %mul3A_2606 : vector<16xf32>
    %add3A_2608 = arith.addf %add3A_2583, %mul3A_2607 : vector<16xf32>
    %mul3A_2609 = arith.mulf %sub3A_2599, %sub3A_2599 : vector<16xf32>
    %neg3A_2610 = arith.constant 0.000000e+00 : f32
    %neg3A_2611 = vector.broadcast %neg3A_2610 : f32 to vector<16xf32>
    %neg3A_2612 = arith.subf %neg3A_2611, %mul3A_2609 : vector<16xf32>
    %exp3A_2613 = math.exp %neg3A_2612 : vector<16xf32>
    %mul3A_2614 = arith.mulf %exp3A_2613, %select_n3A_2208 : vector<16xf32>
    %mul3A_2615 = vector.broadcast %squeeze3A_2597 : f32 to vector<16xf32>
    %mul3A_2616 = arith.mulf %mul3A_2614, %mul3A_2615 : vector<16xf32>
    %add3A_2617 = arith.addf %add3A_2592, %mul3A_2616 : vector<16xf32>
    %slice3A_2618 = vector.extract_strided_slice %div3A_1785 {offsets = [0], sizes = [1], strides = [1]} : vector<16xf32> to vector<1xf32>
    %squeeze3A_2619 = vector.extract %slice3A_2618[0] : f32 from vector<1xf32>
    %broadcast_in_dim3A_2620 = vector.broadcast %squeeze3A_2619 : f32 to vector<16xf32>
    %slice3A_2621 = vector.extract_strided_slice %select_n3A_2208 {offsets = [0], sizes = [1], strides = [1]} : vector<16xf32> to vector<1xf32>
    %squeeze3A_2622 = vector.extract %slice3A_2621[0] : f32 from vector<1xf32>
    %sub3A_2623 = arith.subf %broadcast_in_dim3A_2620, %div3A : vector<16xf32>
    %sub3A_2624 = arith.subf %broadcast_in_dim3A_2620, %div3A_1785 : vector<16xf32>
    %mul3A_2625 = arith.mulf %sub3A_2623, %sub3A_2623 : vector<16xf32>
    %neg3A_2626 = arith.constant 0.000000e+00 : f32
    %neg3A_2627 = vector.broadcast %neg3A_2626 : f32 to vector<16xf32>
    %neg3A_2628 = arith.subf %neg3A_2627, %mul3A_2625 : vector<16xf32>
    %exp3A_2629 = math.exp %neg3A_2628 : vector<16xf32>
    %mul3A_2630 = arith.mulf %exp3A_2629, %select_n3A_2200 : vector<16xf32>
    %mul3A_2631 = vector.broadcast %squeeze3A_2622 : f32 to vector<16xf32>
    %mul3A_2632 = arith.mulf %mul3A_2630, %mul3A_2631 : vector<16xf32>
    %add3A_2633 = arith.addf %add3A_2608, %mul3A_2632 : vector<16xf32>
    %mul3A_2634 = arith.mulf %sub3A_2624, %sub3A_2624 : vector<16xf32>
    %neg3A_2635 = arith.constant 0.000000e+00 : f32
    %neg3A_2636 = vector.broadcast %neg3A_2635 : f32 to vector<16xf32>
    %neg3A_2637 = arith.subf %neg3A_2636, %mul3A_2634 : vector<16xf32>
    %exp3A_2638 = math.exp %neg3A_2637 : vector<16xf32>
    %mul3A_2639 = arith.mulf %exp3A_2638, %select_n3A_2208 : vector<16xf32>
    %mul3A_2640 = vector.broadcast %squeeze3A_2622 : f32 to vector<16xf32>
    %mul3A_2641 = arith.mulf %mul3A_2639, %mul3A_2640 : vector<16xf32>
    %add3A_2642 = arith.addf %add3A_2617, %mul3A_2641 : vector<16xf32>
    %slice3A_2643 = vector.extract_strided_slice %div3A_1785 {offsets = [1], sizes = [1], strides = [1]} : vector<16xf32> to vector<1xf32>
    %squeeze3A_2644 = vector.extract %slice3A_2643[0] : f32 from vector<1xf32>
    %broadcast_in_dim3A_2645 = vector.broadcast %squeeze3A_2644 : f32 to vector<16xf32>
    %slice3A_2646 = vector.extract_strided_slice %select_n3A_2208 {offsets = [1], sizes = [1], strides = [1]} : vector<16xf32> to vector<1xf32>
    %squeeze3A_2647 = vector.extract %slice3A_2646[0] : f32 from vector<1xf32>
    %sub3A_2648 = arith.subf %broadcast_in_dim3A_2645, %div3A : vector<16xf32>
    %sub3A_2649 = arith.subf %broadcast_in_dim3A_2645, %div3A_1785 : vector<16xf32>
    %mul3A_2650 = arith.mulf %sub3A_2648, %sub3A_2648 : vector<16xf32>
    %neg3A_2651 = arith.constant 0.000000e+00 : f32
    %neg3A_2652 = vector.broadcast %neg3A_2651 : f32 to vector<16xf32>
    %neg3A_2653 = arith.subf %neg3A_2652, %mul3A_2650 : vector<16xf32>
    %exp3A_2654 = math.exp %neg3A_2653 : vector<16xf32>
    %mul3A_2655 = arith.mulf %exp3A_2654, %select_n3A_2200 : vector<16xf32>
    %mul3A_2656 = vector.broadcast %squeeze3A_2647 : f32 to vector<16xf32>
    %mul3A_2657 = arith.mulf %mul3A_2655, %mul3A_2656 : vector<16xf32>
    %add3A_2658 = arith.addf %add3A_2633, %mul3A_2657 : vector<16xf32>
    %mul3A_2659 = arith.mulf %sub3A_2649, %sub3A_2649 : vector<16xf32>
    %neg3A_2660 = arith.constant 0.000000e+00 : f32
    %neg3A_2661 = vector.broadcast %neg3A_2660 : f32 to vector<16xf32>
    %neg3A_2662 = arith.subf %neg3A_2661, %mul3A_2659 : vector<16xf32>
    %exp3A_2663 = math.exp %neg3A_2662 : vector<16xf32>
    %mul3A_2664 = arith.mulf %exp3A_2663, %select_n3A_2208 : vector<16xf32>
    %mul3A_2665 = vector.broadcast %squeeze3A_2647 : f32 to vector<16xf32>
    %mul3A_2666 = arith.mulf %mul3A_2664, %mul3A_2665 : vector<16xf32>
    %add3A_2667 = arith.addf %add3A_2642, %mul3A_2666 : vector<16xf32>
    %slice3A_2668 = vector.extract_strided_slice %div3A_1785 {offsets = [2], sizes = [1], strides = [1]} : vector<16xf32> to vector<1xf32>
    %squeeze3A_2669 = vector.extract %slice3A_2668[0] : f32 from vector<1xf32>
    %broadcast_in_dim3A_2670 = vector.broadcast %squeeze3A_2669 : f32 to vector<16xf32>
    %slice3A_2671 = vector.extract_strided_slice %select_n3A_2208 {offsets = [2], sizes = [1], strides = [1]} : vector<16xf32> to vector<1xf32>
    %squeeze3A_2672 = vector.extract %slice3A_2671[0] : f32 from vector<1xf32>
    %sub3A_2673 = arith.subf %broadcast_in_dim3A_2670, %div3A : vector<16xf32>
    %sub3A_2674 = arith.subf %broadcast_in_dim3A_2670, %div3A_1785 : vector<16xf32>
    %mul3A_2675 = arith.mulf %sub3A_2673, %sub3A_2673 : vector<16xf32>
    %neg3A_2676 = arith.constant 0.000000e+00 : f32
    %neg3A_2677 = vector.broadcast %neg3A_2676 : f32 to vector<16xf32>
    %neg3A_2678 = arith.subf %neg3A_2677, %mul3A_2675 : vector<16xf32>
    %exp3A_2679 = math.exp %neg3A_2678 : vector<16xf32>
    %mul3A_2680 = arith.mulf %exp3A_2679, %select_n3A_2200 : vector<16xf32>
    %mul3A_2681 = vector.broadcast %squeeze3A_2672 : f32 to vector<16xf32>
    %mul3A_2682 = arith.mulf %mul3A_2680, %mul3A_2681 : vector<16xf32>
    %add3A_2683 = arith.addf %add3A_2658, %mul3A_2682 : vector<16xf32>
    %mul3A_2684 = arith.mulf %sub3A_2674, %sub3A_2674 : vector<16xf32>
    %neg3A_2685 = arith.constant 0.000000e+00 : f32
    %neg3A_2686 = vector.broadcast %neg3A_2685 : f32 to vector<16xf32>
    %neg3A_2687 = arith.subf %neg3A_2686, %mul3A_2684 : vector<16xf32>
    %exp3A_2688 = math.exp %neg3A_2687 : vector<16xf32>
    %mul3A_2689 = arith.mulf %exp3A_2688, %select_n3A_2208 : vector<16xf32>
    %mul3A_2690 = vector.broadcast %squeeze3A_2672 : f32 to vector<16xf32>
    %mul3A_2691 = arith.mulf %mul3A_2689, %mul3A_2690 : vector<16xf32>
    %add3A_2692 = arith.addf %add3A_2667, %mul3A_2691 : vector<16xf32>
    %slice3A_2693 = vector.extract_strided_slice %div3A_1785 {offsets = [3], sizes = [1], strides = [1]} : vector<16xf32> to vector<1xf32>
    %squeeze3A_2694 = vector.extract %slice3A_2693[0] : f32 from vector<1xf32>
    %broadcast_in_dim3A_2695 = vector.broadcast %squeeze3A_2694 : f32 to vector<16xf32>
    %slice3A_2696 = vector.extract_strided_slice %select_n3A_2208 {offsets = [3], sizes = [1], strides = [1]} : vector<16xf32> to vector<1xf32>
    %squeeze3A_2697 = vector.extract %slice3A_2696[0] : f32 from vector<1xf32>
    %sub3A_2698 = arith.subf %broadcast_in_dim3A_2695, %div3A : vector<16xf32>
    %sub3A_2699 = arith.subf %broadcast_in_dim3A_2695, %div3A_1785 : vector<16xf32>
    %mul3A_2700 = arith.mulf %sub3A_2698, %sub3A_2698 : vector<16xf32>
    %neg3A_2701 = arith.constant 0.000000e+00 : f32
    %neg3A_2702 = vector.broadcast %neg3A_2701 : f32 to vector<16xf32>
    %neg3A_2703 = arith.subf %neg3A_2702, %mul3A_2700 : vector<16xf32>
    %exp3A_2704 = math.exp %neg3A_2703 : vector<16xf32>
    %mul3A_2705 = arith.mulf %exp3A_2704, %select_n3A_2200 : vector<16xf32>
    %mul3A_2706 = vector.broadcast %squeeze3A_2697 : f32 to vector<16xf32>
    %mul3A_2707 = arith.mulf %mul3A_2705, %mul3A_2706 : vector<16xf32>
    %add3A_2708 = arith.addf %add3A_2683, %mul3A_2707 : vector<16xf32>
    %mul3A_2709 = arith.mulf %sub3A_2699, %sub3A_2699 : vector<16xf32>
    %neg3A_2710 = arith.constant 0.000000e+00 : f32
    %neg3A_2711 = vector.broadcast %neg3A_2710 : f32 to vector<16xf32>
    %neg3A_2712 = arith.subf %neg3A_2711, %mul3A_2709 : vector<16xf32>
    %exp3A_2713 = math.exp %neg3A_2712 : vector<16xf32>
    %mul3A_2714 = arith.mulf %exp3A_2713, %select_n3A_2208 : vector<16xf32>
    %mul3A_2715 = vector.broadcast %squeeze3A_2697 : f32 to vector<16xf32>
    %mul3A_2716 = arith.mulf %mul3A_2714, %mul3A_2715 : vector<16xf32>
    %add3A_2717 = arith.addf %add3A_2692, %mul3A_2716 : vector<16xf32>
    %slice3A_2718 = vector.extract_strided_slice %div3A_1785 {offsets = [4], sizes = [1], strides = [1]} : vector<16xf32> to vector<1xf32>
    %squeeze3A_2719 = vector.extract %slice3A_2718[0] : f32 from vector<1xf32>
    %broadcast_in_dim3A_2720 = vector.broadcast %squeeze3A_2719 : f32 to vector<16xf32>
    %slice3A_2721 = vector.extract_strided_slice %select_n3A_2208 {offsets = [4], sizes = [1], strides = [1]} : vector<16xf32> to vector<1xf32>
    %squeeze3A_2722 = vector.extract %slice3A_2721[0] : f32 from vector<1xf32>
    %sub3A_2723 = arith.subf %broadcast_in_dim3A_2720, %div3A : vector<16xf32>
    %sub3A_2724 = arith.subf %broadcast_in_dim3A_2720, %div3A_1785 : vector<16xf32>
    %mul3A_2725 = arith.mulf %sub3A_2723, %sub3A_2723 : vector<16xf32>
    %neg3A_2726 = arith.constant 0.000000e+00 : f32
    %neg3A_2727 = vector.broadcast %neg3A_2726 : f32 to vector<16xf32>
    %neg3A_2728 = arith.subf %neg3A_2727, %mul3A_2725 : vector<16xf32>
    %exp3A_2729 = math.exp %neg3A_2728 : vector<16xf32>
    %mul3A_2730 = arith.mulf %exp3A_2729, %select_n3A_2200 : vector<16xf32>
    %mul3A_2731 = vector.broadcast %squeeze3A_2722 : f32 to vector<16xf32>
    %mul3A_2732 = arith.mulf %mul3A_2730, %mul3A_2731 : vector<16xf32>
    %add3A_2733 = arith.addf %add3A_2708, %mul3A_2732 : vector<16xf32>
    %mul3A_2734 = arith.mulf %sub3A_2724, %sub3A_2724 : vector<16xf32>
    %neg3A_2735 = arith.constant 0.000000e+00 : f32
    %neg3A_2736 = vector.broadcast %neg3A_2735 : f32 to vector<16xf32>
    %neg3A_2737 = arith.subf %neg3A_2736, %mul3A_2734 : vector<16xf32>
    %exp3A_2738 = math.exp %neg3A_2737 : vector<16xf32>
    %mul3A_2739 = arith.mulf %exp3A_2738, %select_n3A_2208 : vector<16xf32>
    %mul3A_2740 = vector.broadcast %squeeze3A_2722 : f32 to vector<16xf32>
    %mul3A_2741 = arith.mulf %mul3A_2739, %mul3A_2740 : vector<16xf32>
    %add3A_2742 = arith.addf %add3A_2717, %mul3A_2741 : vector<16xf32>
    %slice3A_2743 = vector.extract_strided_slice %div3A_1785 {offsets = [5], sizes = [1], strides = [1]} : vector<16xf32> to vector<1xf32>
    %squeeze3A_2744 = vector.extract %slice3A_2743[0] : f32 from vector<1xf32>
    %broadcast_in_dim3A_2745 = vector.broadcast %squeeze3A_2744 : f32 to vector<16xf32>
    %slice3A_2746 = vector.extract_strided_slice %select_n3A_2208 {offsets = [5], sizes = [1], strides = [1]} : vector<16xf32> to vector<1xf32>
    %squeeze3A_2747 = vector.extract %slice3A_2746[0] : f32 from vector<1xf32>
    %sub3A_2748 = arith.subf %broadcast_in_dim3A_2745, %div3A : vector<16xf32>
    %sub3A_2749 = arith.subf %broadcast_in_dim3A_2745, %div3A_1785 : vector<16xf32>
    %mul3A_2750 = arith.mulf %sub3A_2748, %sub3A_2748 : vector<16xf32>
    %neg3A_2751 = arith.constant 0.000000e+00 : f32
    %neg3A_2752 = vector.broadcast %neg3A_2751 : f32 to vector<16xf32>
    %neg3A_2753 = arith.subf %neg3A_2752, %mul3A_2750 : vector<16xf32>
    %exp3A_2754 = math.exp %neg3A_2753 : vector<16xf32>
    %mul3A_2755 = arith.mulf %exp3A_2754, %select_n3A_2200 : vector<16xf32>
    %mul3A_2756 = vector.broadcast %squeeze3A_2747 : f32 to vector<16xf32>
    %mul3A_2757 = arith.mulf %mul3A_2755, %mul3A_2756 : vector<16xf32>
    %add3A_2758 = arith.addf %add3A_2733, %mul3A_2757 : vector<16xf32>
    %mul3A_2759 = arith.mulf %sub3A_2749, %sub3A_2749 : vector<16xf32>
    %neg3A_2760 = arith.constant 0.000000e+00 : f32
    %neg3A_2761 = vector.broadcast %neg3A_2760 : f32 to vector<16xf32>
    %neg3A_2762 = arith.subf %neg3A_2761, %mul3A_2759 : vector<16xf32>
    %exp3A_2763 = math.exp %neg3A_2762 : vector<16xf32>
    %mul3A_2764 = arith.mulf %exp3A_2763, %select_n3A_2208 : vector<16xf32>
    %mul3A_2765 = vector.broadcast %squeeze3A_2747 : f32 to vector<16xf32>
    %mul3A_2766 = arith.mulf %mul3A_2764, %mul3A_2765 : vector<16xf32>
    %add3A_2767 = arith.addf %add3A_2742, %mul3A_2766 : vector<16xf32>
    %slice3A_2768 = vector.extract_strided_slice %div3A_1785 {offsets = [6], sizes = [1], strides = [1]} : vector<16xf32> to vector<1xf32>
    %squeeze3A_2769 = vector.extract %slice3A_2768[0] : f32 from vector<1xf32>
    %broadcast_in_dim3A_2770 = vector.broadcast %squeeze3A_2769 : f32 to vector<16xf32>
    %slice3A_2771 = vector.extract_strided_slice %select_n3A_2208 {offsets = [6], sizes = [1], strides = [1]} : vector<16xf32> to vector<1xf32>
    %squeeze3A_2772 = vector.extract %slice3A_2771[0] : f32 from vector<1xf32>
    %sub3A_2773 = arith.subf %broadcast_in_dim3A_2770, %div3A : vector<16xf32>
    %sub3A_2774 = arith.subf %broadcast_in_dim3A_2770, %div3A_1785 : vector<16xf32>
    %mul3A_2775 = arith.mulf %sub3A_2773, %sub3A_2773 : vector<16xf32>
    %neg3A_2776 = arith.constant 0.000000e+00 : f32
    %neg3A_2777 = vector.broadcast %neg3A_2776 : f32 to vector<16xf32>
    %neg3A_2778 = arith.subf %neg3A_2777, %mul3A_2775 : vector<16xf32>
    %exp3A_2779 = math.exp %neg3A_2778 : vector<16xf32>
    %mul3A_2780 = arith.mulf %exp3A_2779, %select_n3A_2200 : vector<16xf32>
    %mul3A_2781 = vector.broadcast %squeeze3A_2772 : f32 to vector<16xf32>
    %mul3A_2782 = arith.mulf %mul3A_2780, %mul3A_2781 : vector<16xf32>
    %add3A_2783 = arith.addf %add3A_2758, %mul3A_2782 : vector<16xf32>
    %mul3A_2784 = arith.mulf %sub3A_2774, %sub3A_2774 : vector<16xf32>
    %neg3A_2785 = arith.constant 0.000000e+00 : f32
    %neg3A_2786 = vector.broadcast %neg3A_2785 : f32 to vector<16xf32>
    %neg3A_2787 = arith.subf %neg3A_2786, %mul3A_2784 : vector<16xf32>
    %exp3A_2788 = math.exp %neg3A_2787 : vector<16xf32>
    %mul3A_2789 = arith.mulf %exp3A_2788, %select_n3A_2208 : vector<16xf32>
    %mul3A_2790 = vector.broadcast %squeeze3A_2772 : f32 to vector<16xf32>
    %mul3A_2791 = arith.mulf %mul3A_2789, %mul3A_2790 : vector<16xf32>
    %add3A_2792 = arith.addf %add3A_2767, %mul3A_2791 : vector<16xf32>
    %slice3A_2793 = vector.extract_strided_slice %div3A_1785 {offsets = [7], sizes = [1], strides = [1]} : vector<16xf32> to vector<1xf32>
    %squeeze3A_2794 = vector.extract %slice3A_2793[0] : f32 from vector<1xf32>
    %broadcast_in_dim3A_2795 = vector.broadcast %squeeze3A_2794 : f32 to vector<16xf32>
    %slice3A_2796 = vector.extract_strided_slice %select_n3A_2208 {offsets = [7], sizes = [1], strides = [1]} : vector<16xf32> to vector<1xf32>
    %squeeze3A_2797 = vector.extract %slice3A_2796[0] : f32 from vector<1xf32>
    %sub3A_2798 = arith.subf %broadcast_in_dim3A_2795, %div3A : vector<16xf32>
    %sub3A_2799 = arith.subf %broadcast_in_dim3A_2795, %div3A_1785 : vector<16xf32>
    %mul3A_2800 = arith.mulf %sub3A_2798, %sub3A_2798 : vector<16xf32>
    %neg3A_2801 = arith.constant 0.000000e+00 : f32
    %neg3A_2802 = vector.broadcast %neg3A_2801 : f32 to vector<16xf32>
    %neg3A_2803 = arith.subf %neg3A_2802, %mul3A_2800 : vector<16xf32>
    %exp3A_2804 = math.exp %neg3A_2803 : vector<16xf32>
    %mul3A_2805 = arith.mulf %exp3A_2804, %select_n3A_2200 : vector<16xf32>
    %mul3A_2806 = vector.broadcast %squeeze3A_2797 : f32 to vector<16xf32>
    %mul3A_2807 = arith.mulf %mul3A_2805, %mul3A_2806 : vector<16xf32>
    %add3A_2808 = arith.addf %add3A_2783, %mul3A_2807 : vector<16xf32>
    %mul3A_2809 = arith.mulf %sub3A_2799, %sub3A_2799 : vector<16xf32>
    %neg3A_2810 = arith.constant 0.000000e+00 : f32
    %neg3A_2811 = vector.broadcast %neg3A_2810 : f32 to vector<16xf32>
    %neg3A_2812 = arith.subf %neg3A_2811, %mul3A_2809 : vector<16xf32>
    %exp3A_2813 = math.exp %neg3A_2812 : vector<16xf32>
    %mul3A_2814 = arith.mulf %exp3A_2813, %select_n3A_2208 : vector<16xf32>
    %mul3A_2815 = vector.broadcast %squeeze3A_2797 : f32 to vector<16xf32>
    %mul3A_2816 = arith.mulf %mul3A_2814, %mul3A_2815 : vector<16xf32>
    %add3A_2817 = arith.addf %add3A_2792, %mul3A_2816 : vector<16xf32>
    %slice3A_2818 = vector.extract_strided_slice %div3A_1785 {offsets = [8], sizes = [1], strides = [1]} : vector<16xf32> to vector<1xf32>
    %squeeze3A_2819 = vector.extract %slice3A_2818[0] : f32 from vector<1xf32>
    %broadcast_in_dim3A_2820 = vector.broadcast %squeeze3A_2819 : f32 to vector<16xf32>
    %slice3A_2821 = vector.extract_strided_slice %select_n3A_2208 {offsets = [8], sizes = [1], strides = [1]} : vector<16xf32> to vector<1xf32>
    %squeeze3A_2822 = vector.extract %slice3A_2821[0] : f32 from vector<1xf32>
    %sub3A_2823 = arith.subf %broadcast_in_dim3A_2820, %div3A : vector<16xf32>
    %sub3A_2824 = arith.subf %broadcast_in_dim3A_2820, %div3A_1785 : vector<16xf32>
    %mul3A_2825 = arith.mulf %sub3A_2823, %sub3A_2823 : vector<16xf32>
    %neg3A_2826 = arith.constant 0.000000e+00 : f32
    %neg3A_2827 = vector.broadcast %neg3A_2826 : f32 to vector<16xf32>
    %neg3A_2828 = arith.subf %neg3A_2827, %mul3A_2825 : vector<16xf32>
    %exp3A_2829 = math.exp %neg3A_2828 : vector<16xf32>
    %mul3A_2830 = arith.mulf %exp3A_2829, %select_n3A_2200 : vector<16xf32>
    %mul3A_2831 = vector.broadcast %squeeze3A_2822 : f32 to vector<16xf32>
    %mul3A_2832 = arith.mulf %mul3A_2830, %mul3A_2831 : vector<16xf32>
    %add3A_2833 = arith.addf %add3A_2808, %mul3A_2832 : vector<16xf32>
    %mul3A_2834 = arith.mulf %sub3A_2824, %sub3A_2824 : vector<16xf32>
    %neg3A_2835 = arith.constant 0.000000e+00 : f32
    %neg3A_2836 = vector.broadcast %neg3A_2835 : f32 to vector<16xf32>
    %neg3A_2837 = arith.subf %neg3A_2836, %mul3A_2834 : vector<16xf32>
    %exp3A_2838 = math.exp %neg3A_2837 : vector<16xf32>
    %mul3A_2839 = arith.mulf %exp3A_2838, %select_n3A_2208 : vector<16xf32>
    %mul3A_2840 = vector.broadcast %squeeze3A_2822 : f32 to vector<16xf32>
    %mul3A_2841 = arith.mulf %mul3A_2839, %mul3A_2840 : vector<16xf32>
    %add3A_2842 = arith.addf %add3A_2817, %mul3A_2841 : vector<16xf32>
    %slice3A_2843 = vector.extract_strided_slice %div3A_1785 {offsets = [9], sizes = [1], strides = [1]} : vector<16xf32> to vector<1xf32>
    %squeeze3A_2844 = vector.extract %slice3A_2843[0] : f32 from vector<1xf32>
    %broadcast_in_dim3A_2845 = vector.broadcast %squeeze3A_2844 : f32 to vector<16xf32>
    %slice3A_2846 = vector.extract_strided_slice %select_n3A_2208 {offsets = [9], sizes = [1], strides = [1]} : vector<16xf32> to vector<1xf32>
    %squeeze3A_2847 = vector.extract %slice3A_2846[0] : f32 from vector<1xf32>
    %sub3A_2848 = arith.subf %broadcast_in_dim3A_2845, %div3A : vector<16xf32>
    %sub3A_2849 = arith.subf %broadcast_in_dim3A_2845, %div3A_1785 : vector<16xf32>
    %mul3A_2850 = arith.mulf %sub3A_2848, %sub3A_2848 : vector<16xf32>
    %neg3A_2851 = arith.constant 0.000000e+00 : f32
    %neg3A_2852 = vector.broadcast %neg3A_2851 : f32 to vector<16xf32>
    %neg3A_2853 = arith.subf %neg3A_2852, %mul3A_2850 : vector<16xf32>
    %exp3A_2854 = math.exp %neg3A_2853 : vector<16xf32>
    %mul3A_2855 = arith.mulf %exp3A_2854, %select_n3A_2200 : vector<16xf32>
    %mul3A_2856 = vector.broadcast %squeeze3A_2847 : f32 to vector<16xf32>
    %mul3A_2857 = arith.mulf %mul3A_2855, %mul3A_2856 : vector<16xf32>
    %add3A_2858 = arith.addf %add3A_2833, %mul3A_2857 : vector<16xf32>
    %mul3A_2859 = arith.mulf %sub3A_2849, %sub3A_2849 : vector<16xf32>
    %neg3A_2860 = arith.constant 0.000000e+00 : f32
    %neg3A_2861 = vector.broadcast %neg3A_2860 : f32 to vector<16xf32>
    %neg3A_2862 = arith.subf %neg3A_2861, %mul3A_2859 : vector<16xf32>
    %exp3A_2863 = math.exp %neg3A_2862 : vector<16xf32>
    %mul3A_2864 = arith.mulf %exp3A_2863, %select_n3A_2208 : vector<16xf32>
    %mul3A_2865 = vector.broadcast %squeeze3A_2847 : f32 to vector<16xf32>
    %mul3A_2866 = arith.mulf %mul3A_2864, %mul3A_2865 : vector<16xf32>
    %add3A_2867 = arith.addf %add3A_2842, %mul3A_2866 : vector<16xf32>
    %slice3A_2868 = vector.extract_strided_slice %div3A_1785 {offsets = [10], sizes = [1], strides = [1]} : vector<16xf32> to vector<1xf32>
    %squeeze3A_2869 = vector.extract %slice3A_2868[0] : f32 from vector<1xf32>
    %broadcast_in_dim3A_2870 = vector.broadcast %squeeze3A_2869 : f32 to vector<16xf32>
    %slice3A_2871 = vector.extract_strided_slice %select_n3A_2208 {offsets = [10], sizes = [1], strides = [1]} : vector<16xf32> to vector<1xf32>
    %squeeze3A_2872 = vector.extract %slice3A_2871[0] : f32 from vector<1xf32>
    %sub3A_2873 = arith.subf %broadcast_in_dim3A_2870, %div3A : vector<16xf32>
    %sub3A_2874 = arith.subf %broadcast_in_dim3A_2870, %div3A_1785 : vector<16xf32>
    %mul3A_2875 = arith.mulf %sub3A_2873, %sub3A_2873 : vector<16xf32>
    %neg3A_2876 = arith.constant 0.000000e+00 : f32
    %neg3A_2877 = vector.broadcast %neg3A_2876 : f32 to vector<16xf32>
    %neg3A_2878 = arith.subf %neg3A_2877, %mul3A_2875 : vector<16xf32>
    %exp3A_2879 = math.exp %neg3A_2878 : vector<16xf32>
    %mul3A_2880 = arith.mulf %exp3A_2879, %select_n3A_2200 : vector<16xf32>
    %mul3A_2881 = vector.broadcast %squeeze3A_2872 : f32 to vector<16xf32>
    %mul3A_2882 = arith.mulf %mul3A_2880, %mul3A_2881 : vector<16xf32>
    %add3A_2883 = arith.addf %add3A_2858, %mul3A_2882 : vector<16xf32>
    %mul3A_2884 = arith.mulf %sub3A_2874, %sub3A_2874 : vector<16xf32>
    %neg3A_2885 = arith.constant 0.000000e+00 : f32
    %neg3A_2886 = vector.broadcast %neg3A_2885 : f32 to vector<16xf32>
    %neg3A_2887 = arith.subf %neg3A_2886, %mul3A_2884 : vector<16xf32>
    %exp3A_2888 = math.exp %neg3A_2887 : vector<16xf32>
    %mul3A_2889 = arith.mulf %exp3A_2888, %select_n3A_2208 : vector<16xf32>
    %mul3A_2890 = vector.broadcast %squeeze3A_2872 : f32 to vector<16xf32>
    %mul3A_2891 = arith.mulf %mul3A_2889, %mul3A_2890 : vector<16xf32>
    %add3A_2892 = arith.addf %add3A_2867, %mul3A_2891 : vector<16xf32>
    %slice3A_2893 = vector.extract_strided_slice %div3A_1785 {offsets = [11], sizes = [1], strides = [1]} : vector<16xf32> to vector<1xf32>
    %squeeze3A_2894 = vector.extract %slice3A_2893[0] : f32 from vector<1xf32>
    %broadcast_in_dim3A_2895 = vector.broadcast %squeeze3A_2894 : f32 to vector<16xf32>
    %slice3A_2896 = vector.extract_strided_slice %select_n3A_2208 {offsets = [11], sizes = [1], strides = [1]} : vector<16xf32> to vector<1xf32>
    %squeeze3A_2897 = vector.extract %slice3A_2896[0] : f32 from vector<1xf32>
    %sub3A_2898 = arith.subf %broadcast_in_dim3A_2895, %div3A : vector<16xf32>
    %sub3A_2899 = arith.subf %broadcast_in_dim3A_2895, %div3A_1785 : vector<16xf32>
    %mul3A_2900 = arith.mulf %sub3A_2898, %sub3A_2898 : vector<16xf32>
    %neg3A_2901 = arith.constant 0.000000e+00 : f32
    %neg3A_2902 = vector.broadcast %neg3A_2901 : f32 to vector<16xf32>
    %neg3A_2903 = arith.subf %neg3A_2902, %mul3A_2900 : vector<16xf32>
    %exp3A_2904 = math.exp %neg3A_2903 : vector<16xf32>
    %mul3A_2905 = arith.mulf %exp3A_2904, %select_n3A_2200 : vector<16xf32>
    %mul3A_2906 = vector.broadcast %squeeze3A_2897 : f32 to vector<16xf32>
    %mul3A_2907 = arith.mulf %mul3A_2905, %mul3A_2906 : vector<16xf32>
    %add3A_2908 = arith.addf %add3A_2883, %mul3A_2907 : vector<16xf32>
    %mul3A_2909 = arith.mulf %sub3A_2899, %sub3A_2899 : vector<16xf32>
    %neg3A_2910 = arith.constant 0.000000e+00 : f32
    %neg3A_2911 = vector.broadcast %neg3A_2910 : f32 to vector<16xf32>
    %neg3A_2912 = arith.subf %neg3A_2911, %mul3A_2909 : vector<16xf32>
    %exp3A_2913 = math.exp %neg3A_2912 : vector<16xf32>
    %mul3A_2914 = arith.mulf %exp3A_2913, %select_n3A_2208 : vector<16xf32>
    %mul3A_2915 = vector.broadcast %squeeze3A_2897 : f32 to vector<16xf32>
    %mul3A_2916 = arith.mulf %mul3A_2914, %mul3A_2915 : vector<16xf32>
    %add3A_2917 = arith.addf %add3A_2892, %mul3A_2916 : vector<16xf32>
    %slice3A_2918 = vector.extract_strided_slice %div3A_1785 {offsets = [12], sizes = [1], strides = [1]} : vector<16xf32> to vector<1xf32>
    %squeeze3A_2919 = vector.extract %slice3A_2918[0] : f32 from vector<1xf32>
    %broadcast_in_dim3A_2920 = vector.broadcast %squeeze3A_2919 : f32 to vector<16xf32>
    %slice3A_2921 = vector.extract_strided_slice %select_n3A_2208 {offsets = [12], sizes = [1], strides = [1]} : vector<16xf32> to vector<1xf32>
    %squeeze3A_2922 = vector.extract %slice3A_2921[0] : f32 from vector<1xf32>
    %sub3A_2923 = arith.subf %broadcast_in_dim3A_2920, %div3A : vector<16xf32>
    %sub3A_2924 = arith.subf %broadcast_in_dim3A_2920, %div3A_1785 : vector<16xf32>
    %mul3A_2925 = arith.mulf %sub3A_2923, %sub3A_2923 : vector<16xf32>
    %neg3A_2926 = arith.constant 0.000000e+00 : f32
    %neg3A_2927 = vector.broadcast %neg3A_2926 : f32 to vector<16xf32>
    %neg3A_2928 = arith.subf %neg3A_2927, %mul3A_2925 : vector<16xf32>
    %exp3A_2929 = math.exp %neg3A_2928 : vector<16xf32>
    %mul3A_2930 = arith.mulf %exp3A_2929, %select_n3A_2200 : vector<16xf32>
    %mul3A_2931 = vector.broadcast %squeeze3A_2922 : f32 to vector<16xf32>
    %mul3A_2932 = arith.mulf %mul3A_2930, %mul3A_2931 : vector<16xf32>
    %add3A_2933 = arith.addf %add3A_2908, %mul3A_2932 : vector<16xf32>
    %mul3A_2934 = arith.mulf %sub3A_2924, %sub3A_2924 : vector<16xf32>
    %neg3A_2935 = arith.constant 0.000000e+00 : f32
    %neg3A_2936 = vector.broadcast %neg3A_2935 : f32 to vector<16xf32>
    %neg3A_2937 = arith.subf %neg3A_2936, %mul3A_2934 : vector<16xf32>
    %exp3A_2938 = math.exp %neg3A_2937 : vector<16xf32>
    %mul3A_2939 = arith.mulf %exp3A_2938, %select_n3A_2208 : vector<16xf32>
    %mul3A_2940 = vector.broadcast %squeeze3A_2922 : f32 to vector<16xf32>
    %mul3A_2941 = arith.mulf %mul3A_2939, %mul3A_2940 : vector<16xf32>
    %add3A_2942 = arith.addf %add3A_2917, %mul3A_2941 : vector<16xf32>
    %slice3A_2943 = vector.extract_strided_slice %div3A_1785 {offsets = [13], sizes = [1], strides = [1]} : vector<16xf32> to vector<1xf32>
    %squeeze3A_2944 = vector.extract %slice3A_2943[0] : f32 from vector<1xf32>
    %broadcast_in_dim3A_2945 = vector.broadcast %squeeze3A_2944 : f32 to vector<16xf32>
    %slice3A_2946 = vector.extract_strided_slice %select_n3A_2208 {offsets = [13], sizes = [1], strides = [1]} : vector<16xf32> to vector<1xf32>
    %squeeze3A_2947 = vector.extract %slice3A_2946[0] : f32 from vector<1xf32>
    %sub3A_2948 = arith.subf %broadcast_in_dim3A_2945, %div3A : vector<16xf32>
    %sub3A_2949 = arith.subf %broadcast_in_dim3A_2945, %div3A_1785 : vector<16xf32>
    %mul3A_2950 = arith.mulf %sub3A_2948, %sub3A_2948 : vector<16xf32>
    %neg3A_2951 = arith.constant 0.000000e+00 : f32
    %neg3A_2952 = vector.broadcast %neg3A_2951 : f32 to vector<16xf32>
    %neg3A_2953 = arith.subf %neg3A_2952, %mul3A_2950 : vector<16xf32>
    %exp3A_2954 = math.exp %neg3A_2953 : vector<16xf32>
    %mul3A_2955 = arith.mulf %exp3A_2954, %select_n3A_2200 : vector<16xf32>
    %mul3A_2956 = vector.broadcast %squeeze3A_2947 : f32 to vector<16xf32>
    %mul3A_2957 = arith.mulf %mul3A_2955, %mul3A_2956 : vector<16xf32>
    %add3A_2958 = arith.addf %add3A_2933, %mul3A_2957 : vector<16xf32>
    %mul3A_2959 = arith.mulf %sub3A_2949, %sub3A_2949 : vector<16xf32>
    %neg3A_2960 = arith.constant 0.000000e+00 : f32
    %neg3A_2961 = vector.broadcast %neg3A_2960 : f32 to vector<16xf32>
    %neg3A_2962 = arith.subf %neg3A_2961, %mul3A_2959 : vector<16xf32>
    %exp3A_2963 = math.exp %neg3A_2962 : vector<16xf32>
    %mul3A_2964 = arith.mulf %exp3A_2963, %select_n3A_2208 : vector<16xf32>
    %mul3A_2965 = vector.broadcast %squeeze3A_2947 : f32 to vector<16xf32>
    %mul3A_2966 = arith.mulf %mul3A_2964, %mul3A_2965 : vector<16xf32>
    %add3A_2967 = arith.addf %add3A_2942, %mul3A_2966 : vector<16xf32>
    %add3A_2968 = arith.addf %add3A_2958, %add3A_2967 : vector<16xf32>
    %reduce_sum3A_2969 = arith.constant true
    %reduce_sum3A_2970 = vector.broadcast %reduce_sum3A_2969 : i1 to vector<16xi1>
    %reduce_sum3A_2971 = tpu.scan <sum>, %add3A_2968 masked %reduce_sum3A_2970 : vector<16xf32>, vector<16xi1> -> vector<16xf32>
    %reduce_sum3A_2972 = vector.extract %reduce_sum3A_2971[15] : f32 from vector<16xf32>
    %broadcast_in_dim3A_2973 = vector.broadcast %reduce_sum3A_2221 : f32 to vector<16xf32>
    %broadcast_in_dim3A_2974 = vector.broadcast %reduce_sum3A_2216 : f32 to vector<16xf32>
    %max3A_2975 = arith.constant 1.000000e+00 : f32
    %max3A_2976 = vector.broadcast %max3A_2975 : f32 to vector<16xf32>
    %max3A_2977 = arith.maximumf %broadcast_in_dim3A_2973, %max3A_2976 : vector<16xf32>
    %div3A_2978 = arith.divf %broadcast_in_dim3A_2974, %max3A_2977 : vector<16xf32>
    %broadcast_in_dim3A_2979 = vector.broadcast %reduce_sum3A_2972 : f32 to vector<16xf32>
    %sub3A_2980 = arith.subf %broadcast_in_dim3A_2979, %broadcast_in_dim3A_2973 : vector<16xf32>
    %mul3A_2981 = arith.constant 5.000000e-01 : f32
    %mul3A_2982 = vector.broadcast %mul3A_2981 : f32 to vector<16xf32>
    %mul3A_2983 = arith.mulf %mul3A_2982, %sub3A_2980 : vector<16xf32>
    %sub3A_2984 = arith.constant 1.000000e+00 : f32
    %sub3A_2985 = vector.broadcast %sub3A_2984 : f32 to vector<16xf32>
    %sub3A_2986 = arith.subf %broadcast_in_dim3A_2973, %sub3A_2985 : vector<16xf32>
    %mul3A_2987 = arith.mulf %broadcast_in_dim3A_2973, %sub3A_2986 : vector<16xf32>
    %max3A_2988 = arith.constant 1.000000e+00 : f32
    %max3A_2989 = vector.broadcast %max3A_2988 : f32 to vector<16xf32>
    %max3A_2990 = arith.maximumf %mul3A_2987, %max3A_2989 : vector<16xf32>
    %div3A_2991 = arith.divf %mul3A_2983, %max3A_2990 : vector<16xf32>
    %eq3A = arith.constant 0 : i32
    %eq3A_2992 = vector.broadcast %eq3A : i32 to vector<16xi32>
    %eq3A_2993 = arith.cmpi eq, %iota3A, %eq3A_2992 : vector<16xi32>
    %eq3A_2994 = arith.constant 1 : i32
    %eq3A_2995 = vector.broadcast %eq3A_2994 : i32 to vector<16xi32>
    %eq3A_2996 = arith.cmpi eq, %iota3A, %eq3A_2995 : vector<16xi32>
    %jit3A_2997 = arith.constant 0.000000e+00 : f32
    %broadcast_in_dim3A_2998 = vector.broadcast %jit3A_2997 : f32 to vector<16xf32>
    %select_n3A_2999 = arith.select %eq3A_2996, %div3A_2991, %broadcast_in_dim3A_2998 : vector<16xi1>, vector<16xf32>
    %select_n3A_3000 = arith.select %eq3A_2993, %div3A_2978, %select_n3A_2999 : vector<16xi1>, vector<16xf32>
    %swap3A_3001 = arith.constant 0 : index
    %swap3A_3002 = tpu.vector_load %arg9[%swap3A_3001] {strides = array<i32>} : memref<16xf32, #tpu.memory_space<vmem>>, vector<16xf32>,
    tpu.vector_store %arg9[%swap3A_3001], %select_n3A_3000 {strides = array<i32>} : memref<16xf32, #tpu.memory_space<vmem>>, vector<16xf32>,
    "tpu.region"() ({
      %run_scoped3A = tpu.sem_alloc : memref<!tpu.dma_semaphore, #tpu.memory_space<semaphore_mem>>
      %dma_start3A_3003 = arith.constant 0 : i32
      %dma_start3A_3004 = tpu.memref_slice %arg4[%add3A, %dma_start3A_3003] : memref<32x16xf32, #tpu.memory_space<hbm>> -> memref<1x16xf32, #tpu.memory_space<hbm>>
      %dma_start3A_3005 = tpu.memref_squeeze %dma_start3A_3004 : memref<1x16xf32, #tpu.memory_space<hbm>> -> memref<16xf32, #tpu.memory_space<hbm>>
      %dma_start3A_3006 = arith.constant 0 : i32
      %dma_start3A_3007 = tpu.memref_slice %arg4[%add3A, %dma_start3A_3006] : memref<32x16xf32, #tpu.memory_space<hbm>> -> memref<1x16xf32, #tpu.memory_space<hbm>>
      %dma_start3A_3008 = tpu.memref_squeeze %dma_start3A_3007 : memref<1x16xf32, #tpu.memory_space<hbm>> -> memref<16xf32, #tpu.memory_space<hbm>>
      tpu.enqueue_dma source(%arg9 : memref<16xf32, #tpu.memory_space<vmem>>) target(%dma_start3A_3008 : memref<16xf32, #tpu.memory_space<hbm>>) target_semaphore(%run_scoped3A : memref<!tpu.dma_semaphore, #tpu.memory_space<semaphore_mem>>)
      %dma_wait3A_3009 = arith.constant 0 : i32
      %dma_wait3A_3010 = tpu.memref_slice %arg4[%add3A, %dma_wait3A_3009] : memref<32x16xf32, #tpu.memory_space<hbm>> -> memref<1x16xf32, #tpu.memory_space<hbm>>
      %dma_wait3A_3011 = tpu.memref_squeeze %dma_wait3A_3010 : memref<1x16xf32, #tpu.memory_space<hbm>> -> memref<16xf32, #tpu.memory_space<hbm>>
      %dma_wait3A_3012 = arith.constant 0 : i32
      %dma_wait3A_3013 = tpu.memref_slice %arg4[%add3A, %dma_wait3A_3012] : memref<32x16xf32, #tpu.memory_space<hbm>> -> memref<1x16xf32, #tpu.memory_space<hbm>>
      %dma_wait3A_3014 = tpu.memref_squeeze %dma_wait3A_3013 : memref<1x16xf32, #tpu.memory_space<hbm>> -> memref<16xf32, #tpu.memory_space<hbm>>
      tpu.wait_dma2 semaphore(%run_scoped3A : memref<!tpu.dma_semaphore, #tpu.memory_space<semaphore_mem>>) src(%arg9 : memref<16xf32, #tpu.memory_space<vmem>>) dst(%dma_wait3A_3014 : memref<16xf32, #tpu.memory_space<hbm>>)
      tpu.yield
    }) : () -> ()
    return
  }
}

</mosaic_0001>

<sc_bundles>
// kernel: _aeloss.3.cloned.1.call-start
scs
__scs_entry_jumppad:
0x0: {  	(pc) =	sbr.rel $0x88, $3  }
0x1: {  	(tag) =	ssettag $0x0;
	lr =	simm.s32 $0x1  }
0x2: {  	[smem:$0x3F9F] =	sst lr;
	_ =	strace $0xD0000000  }
0x3: {  	_ = 	snop  }
0x4: {  	_ = 	snop  }
0x5: {  	_ = 	snop  }
0x6: {  	_ = 	snop  }
0x7: {  	_ = 	snop  }
__scs_overlays_trampoline_lowered:
0x8: {  	[smem:$0x3FAE] =	sst s0  }
0x9: {  	[smem:$0x3FAF] =	sst s1  }
0xa: {  	[smem:$0x3FB0] =	sst s2  }
0xb: {  	[smem:$0x3FB1] =	sst s3  }
0xc: {  	[smem:$0x3FB2] =	sst s4  }
0xd: {  	[smem:$0x3FB3] =	sst s5  }
0xe: {  	[smem:$0x3FB4] =	sst s6  }
0xf: {  	[smem:$0x3FB5] =	sst s7  }
0x10: {  	[smem:$0x3FB6] =	sst s8  }
0x11: {  	[smem:$0x3FB7] =	sst s9;
	s0 =	simm.s32 @!p0 $0x0  }
0x12: {  	s1 =	sld [smem:$0x3F9D];
	s0 =	simm.s32 @p0 $0x1  }
0x13: {  	[smem:$0x3FB8] =	sst s0;
	s0 =	simm.s32 @!p1 $0x0  }
0x14: {  	s2 =	sld [smem:$0x3F9C];
	s0 =	simm.s32 @p1 $0x1  }
0x15: {  	[smem:$0x3FB9] =	sst s0;
	s0 =	simm.s32 @!p2 $0x0  }
0x16: {  	s3 =	sld [smem:$0x3FDB];
	s0 =	simm.s32 @p2 $0x1  }
0x17: {  	s4 =	simm.s32 $0x1BF5;
	[smem:$0x3FBB] =	sst s0  }
0x18: {  	s0 =	sld [smem:$0x3F9E];
	_ =	swait.ge [sflag:s4], $0x0  }
0x19: {  	s7 =	sld [smem:$0x3F9F]  }
0x1a: {  	s8 =	sadd.s32 $0xFFFFE003, lr  }
0x1b: {  	s9 =	sadd.s32 $0xFFFFFEF7, lr;
	s5 =	simm.s32 $0xFFFFFFFF;
	p2 =	slt.u32 s8, $0xFFFFF086  }
0x1c: {  	p1 =	slt.u32 s9, $0xF7A;
	s5 =	simm.s32 @!p2 $0x0  }
0x1d: {  	s5 =	simm.s32 @p1 $0x1;
	p0 =	seq.s32 s7, s2  }
0x1e: {  	s7 =	smul.u32 @!p0 $0xF7A, s2;
	p2 =	seq.s32 @!p0 s5, $0x0  }
0x1f: {  	s9 =	smul.u32 $0xF7A, s1;
	s8 =	simm.s32 @!p0 $0x1BF5;
	p2 =	por !p2, p0  }
0x20: {  	[sflag:s8] =	ssyncset.s32 @!p0 $0xFFFFF086;
	s6 =	sadd.s32 @!p0 s3, s7;
	s7 =	simm.s32 @!p0 $0x108  }
0x21: {  	s3 =	sadd.s32 s3, s9;
	s6 =	sadd.s32 @!p0 $0x88, s6;
	s7 =	simm.s32 @p2 $0x1082  }
0x22: {  	[simem:s7], [sflag:s8] =	dma.local @!p0 [hbm:s6], $0xF7A  }
0x23: {  	s9 =	sor.u32 $0xD0000000, s2;
	s6 =	simm.s32 $0x108;
	_ =	swait.ge @!p0 [sflag:s8], $0x0  }
0x24: {  	s3 =	sadd.s32 $0x88, s3;
	s6 =	simm.s32 @!p1 $0x1082;
	[sflag:s4] =	ssyncset.s32 $0xFFFFF086  }
0x25: {  	[simem:s6], [sflag:s4] =	dma.local [hbm:s3], $0xF7A  }
0x26: {  	[smem:$0x3F9F] =	sst s1;
	(tag) =	ssettag s2;
	_ =	strace s9  }
0x27: {  	s1 =	sld [smem:$0x3FAF]  }
0x28: {  	s2 =	sld [smem:$0x3FB0]  }
0x29: {  	s4 =	sld [smem:$0x3FB2]  }
0x2a: {  	p0 =	seq.s32 s5, $0x0;
	s5 =	sld [smem:$0x3FB3]  }
0x2b: {  	s6 =	sld [smem:$0x3FB4]  }
0x2c: {  	s7 =	sld [smem:$0x3FB5]  }
0x2d: {  	s3 =	simm.s32 $0x108;
	s8 =	sld [smem:$0x3FB6]  }
0x2e: {  	s3 =	simm.s32 @!p0 $0x1082;
	s9 =	sld [smem:$0x3FB7]  }
0x2f: {  	lr =	sadd.s32 s0, s3;
	s0 =	sld [smem:$0x3FAE]  }
0x30: {  	s3 =	sld [smem:$0x3FB1]  }
0x31: {  	[smem:$0x3FBA] =	sst s10  }
0x32: {  	s10 =	sld [smem:$0x3FB8];
	_ =	sdelay $0x3  }
0x33: {  	p0 =	seq.s32 s10, $0x1;
	s10 =	sld [smem:$0x3FBA];
	_ =	sdelay $0x3  }
0x34: {  	[smem:$0x3FBA] =	sst s10  }
0x35: {  	s10 =	sld [smem:$0x3FB9];
	_ =	sdelay $0x3  }
0x36: {  	p1 =	seq.s32 s10, $0x1;
	s10 =	sld [smem:$0x3FBA];
	_ =	sdelay $0x3  }
0x37: {  	[smem:$0x3FBA] =	sst s10  }
0x38: {  	s10 =	sld [smem:$0x3FBB]  }
0x39: {  	_ = 	snop;
	(pc) =	sbr.ind lr, $3  }
0x3a: {  	_ = 	snop  }
0x3b: {  	_ = 	snop  }
0x3c: {  	p2 =	seq.s32 s10, $0x1;
	s10 =	sld [smem:$0x3FBA]  }
0x3d: {  	_ =	shalt  }
0x3e: {  	_ =	shalt  }
0x3f: {  	_ =	shalt  }
0x40: {  	_ =	shalt  }
0x41: {  	_ =	shalt  }
0x42: {  	_ =	shalt  }
0x43: {  	_ =	shalt  }
0x44: {  	_ =	shalt  }
0x45: {  	_ =	shalt  }
0x46: {  	_ =	shalt  }
0x47: {  	_ =	shalt  }
0x48: {  	_ =	shalt  }
0x49: {  	_ =	shalt  }
0x4a: {  	_ =	shalt  }
0x4b: {  	_ =	shalt  }
0x4c: {  	_ =	shalt  }
0x4d: {  	_ =	shalt  }
0x4e: {  	_ =	shalt  }
0x4f: {  	_ =	shalt  }
0x50: {  	_ =	shalt  }
0x51: {  	_ =	shalt  }
0x52: {  	_ =	shalt  }
0x53: {  	_ =	shalt  }
0x54: {  	_ =	shalt  }
0x55: {  	_ =	shalt  }
0x56: {  	_ =	shalt  }
0x57: {  	_ =	shalt  }
0x58: {  	_ =	shalt  }
0x59: {  	_ =	shalt  }
0x5a: {  	_ =	shalt  }
0x5b: {  	_ =	shalt  }
0x5c: {  	_ =	shalt  }
0x5d: {  	_ =	shalt  }
0x5e: {  	_ =	shalt  }
0x5f: {  	_ =	shalt  }
0x60: {  	_ =	shalt  }
0x61: {  	_ =	shalt  }
0x62: {  	_ =	shalt  }
0x63: {  	_ =	shalt  }
0x64: {  	_ =	shalt  }
0x65: {  	_ =	shalt  }
0x66: {  	_ =	shalt  }
0x67: {  	_ =	shalt  }
0x68: {  	_ =	shalt  }
0x69: {  	_ =	shalt  }
0x6a: {  	_ =	shalt  }
0x6b: {  	_ =	shalt  }
0x6c: {  	_ =	shalt  }
0x6d: {  	_ =	shalt  }
0x6e: {  	_ =	shalt  }
0x6f: {  	_ =	shalt  }
0x70: {  	_ =	shalt  }
0x71: {  	_ =	shalt  }
0x72: {  	_ =	shalt  }
0x73: {  	_ =	shalt  }
0x74: {  	_ =	shalt  }
0x75: {  	_ =	shalt  }
0x76: {  	_ =	shalt  }
0x77: {  	_ =	shalt  }
0x78: {  	_ =	shalt  }
0x79: {  	_ =	shalt  }
0x7a: {  	_ =	shalt  }
0x7b: {  	_ =	shalt  }
0x7c: {  	_ =	shalt  }
0x7d: {  	_ =	shalt  }
0x7e: {  	_ =	shalt  }
0x7f: {  	_ =	shalt  }
0x80: {  	_ =	shalt  }
0x81: {  	_ =	shalt  }
0x82: {  	_ =	shalt  }
0x83: {  	_ =	shalt  }
0x84: {  	_ =	shalt  }
0x85: {  	_ =	shalt  }
0x86: {  	_ =	shalt  }
0x87: {  	_ =	shalt  }
.Lfunc_end0:
.L_simem_size_0:
called_computation_lowered:
.L_overlay_start_0:
0x88: {  	s2 =	sld [smem:$0x3FD9]  }
0x89: {  	s3 =	sld [smem:$0x3FFE];
	_ =	sdelay $0x1  }
0x8a: {  	s1 =	srdreg.scid  }
0x8b: {  	s0 =	sand.u32 $0x1, s1  }
0x8c: {  	s17 =	sshll.u32 s0, $0xA;
	s2 =	sadd.s32 s3, s2  }
0x8d: {  	s2 =	sadd.s32 s2, s17  }
0x8e: {  	[smem:$0x3FC6] =	sst s2  }
0x8f: {  	_ = 	snop  }
0x90: {  	s2 =	sld [smem:$0x3FC9]  }
0x91: {  	s18 =	sld [smem:$0x3FC8];
	(tm) =	ssettm $0x1  }
0x92: {  	s4 =	sld [smem:$0x3FFB];
	_ =	sdelay $0x3  }
0x93: {  	_ =	strace s4  }
0x94: {  	s4 =	sld [smem:$0x3FFC];
	_ =	sdelay $0x3  }
0x95: {  	_ =	strace s4  }
0x96: {  	s4 =	sld [smem:$0x3FFD];
	_ =	sdelay $0x3  }
0x97: {  	_ =	strace s4  }
0x98: {  	_ =	strace $0x8FFFFFFF  }
0x99: {  	s19 =	sld [smem:$0x3FDB];
	_ =	sdelay $0x1  }
0x9a: {  	s5 =	simm.s32 $_scs_section_size  }
0x9b: {  	s6 =	simm.s32 $_size__tile_overlayer_lowered;
	s7 =	simm.s32 $_tile_overlayer_lowered  }
0x9c: {  	s22 =	simm.s32 $0x1BFF;
	s21 =	sshll.u32 s7, $0x1;
	s4 =	sadd.s32 s5, s19  }
0x9d: {  	s8 =	simm.s32 $0x0;
	s20 =	sshll.u32 s6, $0x1;
	s6 =	sadd.s32 s21, s4  }
0x9e: {  	[timem:s8], [sflag:s22] =	dma.local [hbm:s6], s20  }
0x9f: {  	_ =	swait.ge [sflag:s22], s20  }
0xa0: {  	s5 =	ssub.s32 $0x0, s20;
	[sflag:s22] =	ssyncset.done $0x0  }
0xa1: {  	[sflag:s22] =	ssyncadd.s32 s5;
	_ =	sdelay $0x1  }
0xa2: {  	s23 =	simm.s32 $0x1B8B  }
0xa3: {  	_ =	swait.ge [sflag:s23], $0x1  }
0xa4: {  	[sflag:s23] =	ssyncset.done $0x0  }
0xa5: {  	s25 =	simm.s32 $0x1B8E;
	s24 =	sld [smem:$0x3FFE];
	[sflag:s23] =	ssyncadd.s32 $0xFFFFFFFF  }
0xa6: {  	s26 =	simm.s32 $execute0_lowered;
	[smem:$0x3FD2] =	sst s25  }
0xa7: {  	s6 =	sshll.u32 s26, $0x1;
	_ =	strace $0x80000046;
	[dreg:$0x1] =	wrdreg $0xFFFFFFFF  }
0xa8: {  	s28 =	simm.s32 $_size_execute0_lowered;
	s4 =	sadd.s32 s4, s6;
	[dreg:$0x0] =	wrdreg $0x0  }
0xa9: {  	s6 =	sshll.u32 s28, $0x1;
	[dreg:$0x2] =	wrdreg s4  }
0xaa: {  	[dreg:$0x3] =	wrdreg s6  }
0xab: {  	[dreg:$0x4] =	wrdreg $0xC0  }
0xac: {  	_ =	task [dreg:s8], $0x5FFFF  }
0xad: {  	[dreg:$0x1] =	wrdreg $0xFFFFFFFF  }
0xae: {  	[dreg:$0x0] =	wrdreg $0x60  }
0xaf: {  	[dreg:$0x2] =	wrdreg s2  }
0xb0: {  	[dreg:$0x3] =	wrdreg s18  }
0xb1: {  	[dreg:$0x4] =	wrdreg s24  }
0xb2: {  	[dreg:$0x5] =	wrdreg $0x9  }
0xb3: {  	_ =	task.clear_ibuf [dreg:s8], $0x6FFFF;
	_ =	strace $0x90000046  }
0xb4: {  	s29 =	simm.s32 $0x9;
	_ =	strace $0x80000048  }
0xb5: {  	_ =	swait.ge [sflag:s29], $0x1  }
0xb6: {  	[sflag:s29] =	ssyncadd.s32 $0xFFFFFFFF  }
0xb7: {  	_ =	strace $0x90000048  }
0xb8: {  	_ =	sfence  }
0xb9: {  	s30 =	sld [smem:$0x0];
	_ =	sdelay $0x2  }
0xba: {  	s31 =	sshll.u32 s1, $0xD;
	s1 =	sshrl.u32 s1, $0x2  }
0xbb: {  	s3 =	sand.u32 $0x4000, s31;
	s1 =	sadd.s32 s1, s30  }
0xbc: {  	s0 =	sor.u32 s3, s0;
	s1 =	sshll.u32 s1, $0x11  }
0xbd: {  	s0 =	sor.u32 s1, s0  }
0xbe: {  	s0 =	sadd.s32 $0x8F2B, s0  }
0xbf: {  	[sflag:s0] =	ssyncadd.remote.s32 $0x1  }
0xc0: {  	_ =	sfence.sel $0xFFFF  }
0xc1: {  	[dreg:$0x0] =	wrdreg $0xFFFFFFFF;
	(pc) =	sbr.abs _section_cstart, $3  }
0xc2: {  	[dreg:$0x1] =	wrdreg $0xFFFFFFFF  }
0xc3: {  	_ =	task.clear_ibuf [dreg:s8], $0x2FFFF;
	_ =	strace $0x9FFFFFFF  }
0xc4: {  	(tm) =	ssettm $0x7FFFFFFF  }
0xc5: {  	_ =	shalt  }
tec
execute0_lowered:
.L_overlay_start_1:
0x0: {  	(tag) =	ssettag $0x1  }
0x1: {  	s0 =	srdreg.scid  }
0x2: {  	s4 =	sand.u32 $0x1, s0  }
0x3: {  	s0 =	stileid.u32;
	s1 =	sshll.u32 s4, $0x4  }
0x4: {  	s5 =	sor.u32 s0, s1  }
0x5: {  	v1 =	vlaneseq.u32;
	v0 =	vmov s5  }
0x6: {  	v4 =	vmul.u32 $0x22, v1;
	v0 =	vmul.u32 $0x44000, v0  }
0x7: {  	vm0 =	vcmask $0x300  }
0x8: {  	v5 =	vimm.s32 $0x0;
	v1 =	vbroadcast v0, $0x0;
	v0 =	vor.u32 $0x1, v4  }
0x9: {  	vm1 =	vcmask $0x704;
	[tilespmem:$0x1FC30] =	vst v0;
	v0 =	vsel vm0, $0x220, v5  }
0xa: {  	v6 =	vimm.s32 $0x1;
	vm2 =	vcmask $0xB08;
	v0 =	vsel vm1, $0x242, v0  }
0xb: {  	vm3 =	vcmask $0xF0C;
	v2 =	vsel vm0, $0x221, v6;
	v0 =	vsel vm2, $0x264, v0  }
0xc: {  	vm4 =	vcmask $0x1310;
	v2 =	vsel vm1, $0x243, v2;
	v0 =	vsel vm3, $0x286, v0  }
0xd: {  	vm5 =	vcmask $0x1714;
	v2 =	vsel vm2, $0x265, v2;
	v0 =	vsel vm4, $0x2A8, v0  }
0xe: {  	vm6 =	vcmask $0x1B18;
	v2 =	vsel vm3, $0x287, v2;
	v0 =	vsel vm5, $0x2CA, v0  }
0xf: {  	vm7 =	vcmask $0x1F1C;
	v2 =	vsel vm4, $0x2A9, v2;
	v0 =	vsel vm6, $0x2EC, v0  }
0x10: {  	vm8 =	vcmask $0x2320;
	v2 =	vsel vm5, $0x2CB, v2;
	v0 =	vsel vm7, $0x30E, v0  }
0x11: {  	vm9 =	vcmask $0x2724;
	v2 =	vsel vm6, $0x2ED, v2;
	v0 =	vsel vm8, $0x330, v0  }
0x12: {  	vm10 =	vcmask $0x2B28;
	v2 =	vsel vm7, $0x30F, v2;
	v0 =	vsel vm9, $0x352, v0  }
0x13: {  	vm11 =	vcmask $0x2F2C;
	v2 =	vsel vm8, $0x331, v2;
	v0 =	vsel vm10, $0x374, v0  }
0x14: {  	vm12 =	vcmask $0x3330;
	v2 =	vsel vm9, $0x353, v2;
	v0 =	vsel vm11, $0x396, v0  }
0x15: {  	vm13 =	vcmask $0x3734;
	v2 =	vsel vm10, $0x375, v2;
	v0 =	vsel vm12, $0x3B8, v0  }
0x16: {  	v2 =	vsel vm11, $0x397, v2;
	v0 =	vsel vm13, $0x3DA, v0  }
0x17: {  	[tilespmem:$0x1FC40] =	vst v0;
	v0 =	vsel vm12, $0x3B9, v2  }
0x18: {  	v3 =	vimm.f32 $0.0e+00;
	vm14 =	vcmask $0x3700;
	v0 =	vsel vm13, $0x3DB, v0  }
0x19: {  	[tilespmem:$0x1FC50] =	vst v0;
	v0 =	vsel vm14, $0x3F800000, v3  }
0x1a: {  	[tilespmem:$0x1FC60] =	vst v0;
	v0 =	vadd.s32 $0x2, v4  }
0x1b: {  	[tilespmem:$0x1FC70] =	vst v0;
	v0 =	vsel vm0, $0x222, v5  }
0x1c: {  	v2 =	vsel vm0, $0x223, v6;
	v0 =	vsel vm1, $0x244, v0  }
0x1d: {  	v2 =	vsel vm1, $0x245, v2;
	v0 =	vsel vm2, $0x266, v0  }
0x1e: {  	v3 =	vadd.s32 $0x3, v4;
	v2 =	vsel vm2, $0x267, v2;
	v0 =	vsel vm3, $0x288, v0  }
0x1f: {  	[tilespmem:$0x1FC80] =	vst v3;
	v3 =	vsel vm0, $0x224, v5;
	v2 =	vsel vm3, $0x289, v2;
	v0 =	vsel vm4, $0x2AA, v0  }
0x20: {  	v3 =	vsel vm1, $0x246, v3;
	v2 =	vsel vm4, $0x2AB, v2;
	v0 =	vsel vm5, $0x2CC, v0  }
0x21: {  	v3 =	vsel vm2, $0x268, v3;
	v2 =	vsel vm5, $0x2CD, v2;
	v0 =	vsel vm6, $0x2EE, v0  }
0x22: {  	v3 =	vsel vm3, $0x28A, v3;
	v2 =	vsel vm6, $0x2EF, v2;
	v0 =	vsel vm7, $0x310, v0  }
0x23: {  	v3 =	vsel vm4, $0x2AC, v3;
	v2 =	vsel vm7, $0x311, v2;
	v0 =	vsel vm8, $0x332, v0  }
0x24: {  	v3 =	vsel vm5, $0x2CE, v3;
	v2 =	vsel vm8, $0x333, v2;
	v0 =	vsel vm9, $0x354, v0  }
0x25: {  	v3 =	vsel vm6, $0x2F0, v3;
	v2 =	vsel vm9, $0x355, v2;
	v0 =	vsel vm10, $0x376, v0  }
0x26: {  	v3 =	vsel vm7, $0x312, v3;
	v2 =	vsel vm10, $0x377, v2;
	v0 =	vsel vm11, $0x398, v0  }
0x27: {  	v3 =	vsel vm8, $0x334, v3;
	v2 =	vsel vm11, $0x399, v2;
	v0 =	vsel vm12, $0x3BA, v0  }
0x28: {  	v3 =	vsel vm9, $0x356, v3;
	v2 =	vsel vm12, $0x3BB, v2;
	v0 =	vsel vm13, $0x3DC, v0  }
0x29: {  	v3 =	vsel vm10, $0x378, v3;
	[tilespmem:$0x1FC90] =	vst v0;
	v0 =	vsel vm13, $0x3DD, v2  }
0x2a: {  	[tilespmem:$0x1FCA0] =	vst v0;
	v0 =	vsel vm11, $0x39A, v3  }
0x2b: {  	v2 =	vadd.s32 $0x4, v4;
	v0 =	vsel vm12, $0x3BC, v0  }
0x2c: {  	[tilespmem:$0x1FCB0] =	vst v2;
	v2 =	vsel vm0, $0x225, v6;
	v0 =	vsel vm13, $0x3DE, v0  }
0x2d: {  	[tilespmem:$0x1FCD0] =	vst v0;
	v0 =	vsel vm1, $0x247, v2  }
0x2e: {  	v0 =	vsel vm2, $0x269, v0  }
0x2f: {  	v3 =	vadd.s32 $0x5, v4;
	v2 =	vsel vm0, $0x226, v5;
	v0 =	vsel vm3, $0x28B, v0  }
0x30: {  	[tilespmem:$0x1FCC0] =	vst v3;
	v3 =	vsel vm0, $0x227, v6;
	v2 =	vsel vm1, $0x248, v2;
	v0 =	vsel vm4, $0x2AD, v0  }
0x31: {  	v3 =	vsel vm1, $0x249, v3;
	v2 =	vsel vm2, $0x26A, v2;
	v0 =	vsel vm5, $0x2CF, v0  }
0x32: {  	v3 =	vsel vm2, $0x26B, v3;
	v2 =	vsel vm3, $0x28C, v2;
	v0 =	vsel vm6, $0x2F1, v0  }
0x33: {  	v3 =	vsel vm3, $0x28D, v3;
	v2 =	vsel vm4, $0x2AE, v2;
	v0 =	vsel vm7, $0x313, v0  }
0x34: {  	v3 =	vsel vm4, $0x2AF, v3;
	v2 =	vsel vm5, $0x2D0, v2;
	v0 =	vsel vm8, $0x335, v0  }
0x35: {  	v3 =	vsel vm5, $0x2D1, v3;
	v2 =	vsel vm6, $0x2F2, v2;
	v0 =	vsel vm9, $0x357, v0  }
0x36: {  	v3 =	vsel vm6, $0x2F3, v3;
	v2 =	vsel vm7, $0x314, v2;
	v0 =	vsel vm10, $0x379, v0  }
0x37: {  	v3 =	vsel vm7, $0x315, v3;
	v2 =	vsel vm8, $0x336, v2;
	v0 =	vsel vm11, $0x39B, v0  }
0x38: {  	v3 =	vsel vm8, $0x337, v3;
	v2 =	vsel vm9, $0x358, v2;
	v0 =	vsel vm12, $0x3BD, v0  }
0x39: {  	v3 =	vsel vm9, $0x359, v3;
	v2 =	vsel vm10, $0x37A, v2;
	v0 =	vsel vm13, $0x3DF, v0  }
0x3a: {  	v3 =	vsel vm10, $0x37B, v3;
	[tilespmem:$0x1FCE0] =	vst v0;
	v0 =	vsel vm11, $0x39C, v2  }
0x3b: {  	v2 =	vsel vm11, $0x39D, v3;
	v0 =	vsel vm12, $0x3BE, v0  }
0x3c: {  	v2 =	vsel vm12, $0x3BF, v2;
	v0 =	vsel vm13, $0x3E0, v0  }
0x3d: {  	[tilespmem:$0x1FD10] =	vst v0;
	v0 =	vsel vm13, $0x3E1, v2  }
0x3e: {  	[tilespmem:$0x1FD20] =	vst v0;
	v0 =	vadd.s32 $0x8, v4  }
0x3f: {  	[tilespmem:$0x1FD30] =	vst v0;
	v0 =	vsel vm0, $0x228, v5  }
0x40: {  	v3 =	vadd.s32 $0x6, v4;
	v2 =	vsel vm0, $0x229, v6;
	v0 =	vsel vm1, $0x24A, v0  }
0x41: {  	[tilespmem:$0x1FCF0] =	vst v3;
	v3 =	vadd.s32 $0x7, v4;
	v2 =	vsel vm1, $0x24B, v2;
	v0 =	vsel vm2, $0x26C, v0  }
0x42: {  	[tilespmem:$0x1FD00] =	vst v3;
	v3 =	vadd.s32 $0x9, v4;
	v2 =	vsel vm2, $0x26D, v2;
	v0 =	vsel vm3, $0x28E, v0  }
0x43: {  	[tilespmem:$0x1FD40] =	vst v3;
	v3 =	vsel vm0, $0x22A, v5;
	v2 =	vsel vm3, $0x28F, v2;
	v0 =	vsel vm4, $0x2B0, v0  }
0x44: {  	v3 =	vsel vm1, $0x24C, v3;
	v2 =	vsel vm4, $0x2B1, v2;
	v0 =	vsel vm5, $0x2D2, v0  }
0x45: {  	v3 =	vsel vm2, $0x26E, v3;
	v2 =	vsel vm5, $0x2D3, v2;
	v0 =	vsel vm6, $0x2F4, v0  }
0x46: {  	v3 =	vsel vm3, $0x290, v3;
	v2 =	vsel vm6, $0x2F5, v2;
	v0 =	vsel vm7, $0x316, v0  }
0x47: {  	v3 =	vsel vm4, $0x2B2, v3;
	v2 =	vsel vm7, $0x317, v2;
	v0 =	vsel vm8, $0x338, v0  }
0x48: {  	v3 =	vsel vm5, $0x2D4, v3;
	v2 =	vsel vm8, $0x339, v2;
	v0 =	vsel vm9, $0x35A, v0  }
0x49: {  	v3 =	vsel vm6, $0x2F6, v3;
	v2 =	vsel vm9, $0x35B, v2;
	v0 =	vsel vm10, $0x37C, v0  }
0x4a: {  	v3 =	vsel vm7, $0x318, v3;
	v2 =	vsel vm10, $0x37D, v2;
	v0 =	vsel vm11, $0x39E, v0  }
0x4b: {  	v3 =	vsel vm8, $0x33A, v3;
	v2 =	vsel vm11, $0x39F, v2;
	v0 =	vsel vm12, $0x3C0, v0  }
0x4c: {  	v3 =	vsel vm9, $0x35C, v3;
	v2 =	vsel vm12, $0x3C1, v2;
	v0 =	vsel vm13, $0x3E2, v0  }
0x4d: {  	v3 =	vsel vm10, $0x37E, v3;
	[tilespmem:$0x1FD50] =	vst v0;
	v0 =	vsel vm13, $0x3E3, v2  }
0x4e: {  	[tilespmem:$0x1FD60] =	vst v0;
	v0 =	vsel vm11, $0x3A0, v3  }
0x4f: {  	v2 =	vadd.s32 $0xA, v4;
	v0 =	vsel vm12, $0x3C2, v0  }
0x50: {  	[tilespmem:$0x1FD70] =	vst v2;
	v2 =	vsel vm0, $0x22B, v6;
	v0 =	vsel vm13, $0x3E4, v0  }
0x51: {  	[tilespmem:$0x1FD90] =	vst v0;
	v0 =	vsel vm1, $0x24D, v2  }
0x52: {  	v0 =	vsel vm2, $0x26F, v0  }
0x53: {  	v3 =	vadd.s32 $0xB, v4;
	v2 =	vsel vm0, $0x22C, v5;
	v0 =	vsel vm3, $0x291, v0  }
0x54: {  	[tilespmem:$0x1FD80] =	vst v3;
	v3 =	vsel vm0, $0x22D, v6;
	v2 =	vsel vm1, $0x24E, v2;
	v0 =	vsel vm4, $0x2B3, v0  }
0x55: {  	v3 =	vsel vm1, $0x24F, v3;
	v2 =	vsel vm2, $0x270, v2;
	v0 =	vsel vm5, $0x2D5, v0  }
0x56: {  	v3 =	vsel vm2, $0x271, v3;
	v2 =	vsel vm3, $0x292, v2;
	v0 =	vsel vm6, $0x2F7, v0  }
0x57: {  	v3 =	vsel vm3, $0x293, v3;
	v2 =	vsel vm4, $0x2B4, v2;
	v0 =	vsel vm7, $0x319, v0  }
0x58: {  	v3 =	vsel vm4, $0x2B5, v3;
	v2 =	vsel vm5, $0x2D6, v2;
	v0 =	vsel vm8, $0x33B, v0  }
0x59: {  	v3 =	vsel vm5, $0x2D7, v3;
	v2 =	vsel vm6, $0x2F8, v2;
	v0 =	vsel vm9, $0x35D, v0  }
0x5a: {  	v3 =	vsel vm6, $0x2F9, v3;
	v2 =	vsel vm7, $0x31A, v2;
	v0 =	vsel vm10, $0x37F, v0  }
0x5b: {  	v3 =	vsel vm7, $0x31B, v3;
	v2 =	vsel vm8, $0x33C, v2;
	v0 =	vsel vm11, $0x3A1, v0  }
0x5c: {  	v3 =	vsel vm8, $0x33D, v3;
	v2 =	vsel vm9, $0x35E, v2;
	v0 =	vsel vm12, $0x3C3, v0  }
0x5d: {  	v3 =	vsel vm9, $0x35F, v3;
	v2 =	vsel vm10, $0x380, v2;
	v0 =	vsel vm13, $0x3E5, v0  }
0x5e: {  	v3 =	vsel vm10, $0x381, v3;
	[tilespmem:$0x1FDA0] =	vst v0;
	v0 =	vsel vm11, $0x3A2, v2  }
0x5f: {  	v2 =	vsel vm11, $0x3A3, v3;
	v0 =	vsel vm12, $0x3C4, v0  }
0x60: {  	v2 =	vsel vm12, $0x3C5, v2;
	v0 =	vsel vm13, $0x3E6, v0  }
0x61: {  	[tilespmem:$0x1FDD0] =	vst v0;
	v0 =	vsel vm13, $0x3E7, v2  }
0x62: {  	[tilespmem:$0x1FDE0] =	vst v0;
	v0 =	vadd.s32 $0xE, v4  }
0x63: {  	[tilespmem:$0x1FDF0] =	vst v0;
	v0 =	vsel vm0, $0x22E, v5  }
0x64: {  	v3 =	vadd.s32 $0xC, v4;
	v2 =	vsel vm0, $0x22F, v6;
	v0 =	vsel vm1, $0x250, v0  }
0x65: {  	[tilespmem:$0x1FDB0] =	vst v3;
	v3 =	vadd.s32 $0xD, v4;
	v2 =	vsel vm1, $0x251, v2;
	v0 =	vsel vm2, $0x272, v0  }
0x66: {  	[tilespmem:$0x1FDC0] =	vst v3;
	v3 =	vadd.s32 $0xF, v4;
	v2 =	vsel vm2, $0x273, v2;
	v0 =	vsel vm3, $0x294, v0  }
0x67: {  	[tilespmem:$0x1FE00] =	vst v3;
	v3 =	vsel vm0, $0x230, v5;
	v2 =	vsel vm3, $0x295, v2;
	v0 =	vsel vm4, $0x2B6, v0  }
0x68: {  	v3 =	vsel vm1, $0x252, v3;
	v2 =	vsel vm4, $0x2B7, v2;
	v0 =	vsel vm5, $0x2D8, v0  }
0x69: {  	v3 =	vsel vm2, $0x274, v3;
	v2 =	vsel vm5, $0x2D9, v2;
	v0 =	vsel vm6, $0x2FA, v0  }
0x6a: {  	v3 =	vsel vm3, $0x296, v3;
	v2 =	vsel vm6, $0x2FB, v2;
	v0 =	vsel vm7, $0x31C, v0  }
0x6b: {  	v3 =	vsel vm4, $0x2B8, v3;
	v2 =	vsel vm7, $0x31D, v2;
	v0 =	vsel vm8, $0x33E, v0  }
0x6c: {  	v3 =	vsel vm5, $0x2DA, v3;
	v2 =	vsel vm8, $0x33F, v2;
	v0 =	vsel vm9, $0x360, v0  }
0x6d: {  	v3 =	vsel vm6, $0x2FC, v3;
	v2 =	vsel vm9, $0x361, v2;
	v0 =	vsel vm10, $0x382, v0  }
0x6e: {  	v3 =	vsel vm7, $0x31E, v3;
	v2 =	vsel vm10, $0x383, v2;
	v0 =	vsel vm11, $0x3A4, v0  }
0x6f: {  	v3 =	vsel vm8, $0x340, v3;
	v2 =	vsel vm11, $0x3A5, v2;
	v0 =	vsel vm12, $0x3C6, v0  }
0x70: {  	v3 =	vsel vm9, $0x362, v3;
	v2 =	vsel vm12, $0x3C7, v2;
	v0 =	vsel vm13, $0x3E8, v0  }
0x71: {  	v3 =	vsel vm10, $0x384, v3;
	[tilespmem:$0x1FE10] =	vst v0;
	v0 =	vsel vm13, $0x3E9, v2  }
0x72: {  	[tilespmem:$0x1FE20] =	vst v0;
	v0 =	vsel vm11, $0x3A6, v3  }
0x73: {  	v2 =	vadd.s32 $0x10, v4;
	v0 =	vsel vm12, $0x3C8, v0  }
0x74: {  	[tilespmem:$0x1FE30] =	vst v2;
	v2 =	vsel vm0, $0x231, v6;
	v0 =	vsel vm13, $0x3EA, v0  }
0x75: {  	[tilespmem:$0x1FE50] =	vst v0;
	v0 =	vsel vm1, $0x253, v2  }
0x76: {  	v0 =	vsel vm2, $0x275, v0  }
0x77: {  	v3 =	vadd.s32 $0x11, v4;
	v2 =	vsel vm0, $0x232, v5;
	v0 =	vsel vm3, $0x297, v0  }
0x78: {  	[tilespmem:$0x1FE40] =	vst v3;
	v3 =	vsel vm0, $0x233, v6;
	v2 =	vsel vm1, $0x254, v2;
	v0 =	vsel vm4, $0x2B9, v0  }
0x79: {  	v3 =	vsel vm1, $0x255, v3;
	v2 =	vsel vm2, $0x276, v2;
	v0 =	vsel vm5, $0x2DB, v0  }
0x7a: {  	v3 =	vsel vm2, $0x277, v3;
	v2 =	vsel vm3, $0x298, v2;
	v0 =	vsel vm6, $0x2FD, v0  }
0x7b: {  	v3 =	vsel vm3, $0x299, v3;
	v2 =	vsel vm4, $0x2BA, v2;
	v0 =	vsel vm7, $0x31F, v0  }
0x7c: {  	v3 =	vsel vm4, $0x2BB, v3;
	v2 =	vsel vm5, $0x2DC, v2;
	v0 =	vsel vm8, $0x341, v0  }
0x7d: {  	v3 =	vsel vm5, $0x2DD, v3;
	v2 =	vsel vm6, $0x2FE, v2;
	v0 =	vsel vm9, $0x363, v0  }
0x7e: {  	v3 =	vsel vm6, $0x2FF, v3;
	v2 =	vsel vm7, $0x320, v2;
	v0 =	vsel vm10, $0x385, v0  }
0x7f: {  	v3 =	vsel vm7, $0x321, v3;
	v2 =	vsel vm8, $0x342, v2;
	v0 =	vsel vm11, $0x3A7, v0  }
0x80: {  	v3 =	vsel vm8, $0x343, v3;
	v2 =	vsel vm9, $0x364, v2;
	v0 =	vsel vm12, $0x3C9, v0  }
0x81: {  	v3 =	vsel vm9, $0x365, v3;
	v2 =	vsel vm10, $0x386, v2;
	v0 =	vsel vm13, $0x3EB, v0  }
0x82: {  	v3 =	vsel vm10, $0x387, v3;
	[tilespmem:$0x1FE60] =	vst v0;
	v0 =	vsel vm11, $0x3A8, v2  }
0x83: {  	v2 =	vsel vm11, $0x3A9, v3;
	v0 =	vsel vm12, $0x3CA, v0  }
0x84: {  	v2 =	vsel vm12, $0x3CB, v2;
	v0 =	vsel vm13, $0x3EC, v0  }
0x85: {  	[tilespmem:$0x1FE90] =	vst v0;
	v0 =	vsel vm13, $0x3ED, v2  }
0x86: {  	[tilespmem:$0x1FEA0] =	vst v0;
	v0 =	vadd.s32 $0x14, v4  }
0x87: {  	[tilespmem:$0x1FEB0] =	vst v0;
	v0 =	vsel vm0, $0x234, v5  }
0x88: {  	v3 =	vadd.s32 $0x12, v4;
	v2 =	vsel vm0, $0x235, v6;
	v0 =	vsel vm1, $0x256, v0  }
0x89: {  	[tilespmem:$0x1FE70] =	vst v3;
	v3 =	vadd.s32 $0x13, v4;
	v2 =	vsel vm1, $0x257, v2;
	v0 =	vsel vm2, $0x278, v0  }
0x8a: {  	[tilespmem:$0x1FE80] =	vst v3;
	v3 =	vadd.s32 $0x15, v4;
	v2 =	vsel vm2, $0x279, v2;
	v0 =	vsel vm3, $0x29A, v0  }
0x8b: {  	[tilespmem:$0x1FEC0] =	vst v3;
	v3 =	vsel vm0, $0x236, v5;
	v2 =	vsel vm3, $0x29B, v2;
	v0 =	vsel vm4, $0x2BC, v0  }
0x8c: {  	v3 =	vsel vm1, $0x258, v3;
	v2 =	vsel vm4, $0x2BD, v2;
	v0 =	vsel vm5, $0x2DE, v0  }
0x8d: {  	v3 =	vsel vm2, $0x27A, v3;
	v2 =	vsel vm5, $0x2DF, v2;
	v0 =	vsel vm6, $0x300, v0  }
0x8e: {  	v3 =	vsel vm3, $0x29C, v3;
	v2 =	vsel vm6, $0x301, v2;
	v0 =	vsel vm7, $0x322, v0  }
0x8f: {  	v3 =	vsel vm4, $0x2BE, v3;
	v2 =	vsel vm7, $0x323, v2;
	v0 =	vsel vm8, $0x344, v0  }
0x90: {  	v3 =	vsel vm5, $0x2E0, v3;
	v2 =	vsel vm8, $0x345, v2;
	v0 =	vsel vm9, $0x366, v0  }
0x91: {  	v3 =	vsel vm6, $0x302, v3;
	v2 =	vsel vm9, $0x367, v2;
	v0 =	vsel vm10, $0x388, v0  }
0x92: {  	v3 =	vsel vm7, $0x324, v3;
	v2 =	vsel vm10, $0x389, v2;
	v0 =	vsel vm11, $0x3AA, v0  }
0x93: {  	v3 =	vsel vm8, $0x346, v3;
	v2 =	vsel vm11, $0x3AB, v2;
	v0 =	vsel vm12, $0x3CC, v0  }
0x94: {  	v3 =	vsel vm9, $0x368, v3;
	v2 =	vsel vm12, $0x3CD, v2;
	v0 =	vsel vm13, $0x3EE, v0  }
0x95: {  	v3 =	vsel vm10, $0x38A, v3;
	[tilespmem:$0x1FED0] =	vst v0;
	v0 =	vsel vm13, $0x3EF, v2  }
0x96: {  	[tilespmem:$0x1FEE0] =	vst v0;
	v0 =	vsel vm11, $0x3AC, v3  }
0x97: {  	v2 =	vadd.s32 $0x16, v4;
	v0 =	vsel vm12, $0x3CE, v0  }
0x98: {  	[tilespmem:$0x1FEF0] =	vst v2;
	v2 =	vsel vm0, $0x237, v6;
	v0 =	vsel vm13, $0x3F0, v0  }
0x99: {  	[tilespmem:$0x1FF10] =	vst v0;
	v0 =	vsel vm1, $0x259, v2  }
0x9a: {  	v0 =	vsel vm2, $0x27B, v0  }
0x9b: {  	v3 =	vadd.s32 $0x17, v4;
	v2 =	vsel vm0, $0x238, v5;
	v0 =	vsel vm3, $0x29D, v0  }
0x9c: {  	[tilespmem:$0x1FF00] =	vst v3;
	v3 =	vsel vm0, $0x239, v6;
	v2 =	vsel vm1, $0x25A, v2;
	v0 =	vsel vm4, $0x2BF, v0  }
0x9d: {  	v3 =	vsel vm1, $0x25B, v3;
	v2 =	vsel vm2, $0x27C, v2;
	v0 =	vsel vm5, $0x2E1, v0  }
0x9e: {  	v3 =	vsel vm2, $0x27D, v3;
	v2 =	vsel vm3, $0x29E, v2;
	v0 =	vsel vm6, $0x303, v0  }
0x9f: {  	v3 =	vsel vm3, $0x29F, v3;
	v2 =	vsel vm4, $0x2C0, v2;
	v0 =	vsel vm7, $0x325, v0  }
0xa0: {  	v3 =	vsel vm4, $0x2C1, v3;
	v2 =	vsel vm5, $0x2E2, v2;
	v0 =	vsel vm8, $0x347, v0  }
0xa1: {  	v3 =	vsel vm5, $0x2E3, v3;
	v2 =	vsel vm6, $0x304, v2;
	v0 =	vsel vm9, $0x369, v0  }
0xa2: {  	v3 =	vsel vm6, $0x305, v3;
	v2 =	vsel vm7, $0x326, v2;
	v0 =	vsel vm10, $0x38B, v0  }
0xa3: {  	v3 =	vsel vm7, $0x327, v3;
	v2 =	vsel vm8, $0x348, v2;
	v0 =	vsel vm11, $0x3AD, v0  }
0xa4: {  	v3 =	vsel vm8, $0x349, v3;
	v2 =	vsel vm9, $0x36A, v2;
	v0 =	vsel vm12, $0x3CF, v0  }
0xa5: {  	v3 =	vsel vm9, $0x36B, v3;
	v2 =	vsel vm10, $0x38C, v2;
	v0 =	vsel vm13, $0x3F1, v0  }
0xa6: {  	v3 =	vsel vm10, $0x38D, v3;
	[tilespmem:$0x1FF20] =	vst v0;
	v0 =	vsel vm11, $0x3AE, v2  }
0xa7: {  	v2 =	vsel vm11, $0x3AF, v3;
	v0 =	vsel vm12, $0x3D0, v0  }
0xa8: {  	v2 =	vsel vm12, $0x3D1, v2;
	v0 =	vsel vm13, $0x3F2, v0  }
0xa9: {  	[tilespmem:$0x1FF50] =	vst v0;
	v0 =	vsel vm13, $0x3F3, v2  }
0xaa: {  	[tilespmem:$0x1FF60] =	vst v0;
	v0 =	vadd.s32 $0x1A, v4  }
0xab: {  	[tilespmem:$0x1FF70] =	vst v0;
	v0 =	vsel vm0, $0x23A, v5  }
0xac: {  	v3 =	vadd.s32 $0x18, v4;
	v2 =	vsel vm0, $0x23B, v6;
	v0 =	vsel vm1, $0x25C, v0  }
0xad: {  	[tilespmem:$0x1FF30] =	vst v3;
	v3 =	vadd.s32 $0x19, v4;
	v2 =	vsel vm1, $0x25D, v2;
	v0 =	vsel vm2, $0x27E, v0  }
0xae: {  	[tilespmem:$0x1FF40] =	vst v3;
	v3 =	vadd.s32 $0x1B, v4;
	v2 =	vsel vm2, $0x27F, v2;
	v0 =	vsel vm3, $0x2A0, v0  }
0xaf: {  	[tilespmem:$0x1FF80] =	vst v3;
	v3 =	vsel vm0, $0x23C, v5;
	v2 =	vsel vm3, $0x2A1, v2;
	v0 =	vsel vm4, $0x2C2, v0  }
0xb0: {  	v3 =	vsel vm1, $0x25E, v3;
	v2 =	vsel vm4, $0x2C3, v2;
	v0 =	vsel vm5, $0x2E4, v0  }
0xb1: {  	v3 =	vsel vm2, $0x280, v3;
	v2 =	vsel vm5, $0x2E5, v2;
	v0 =	vsel vm6, $0x306, v0  }
0xb2: {  	s6 =	rddreg [dreg:$0x1];
	v3 =	vsel vm3, $0x2A2, v3;
	v2 =	vsel vm6, $0x307, v2;
	v0 =	vsel vm7, $0x328, v0  }
0xb3: {  	s7 =	rddreg [dreg:$0x2];
	v3 =	vsel vm4, $0x2C4, v3;
	v2 =	vsel vm7, $0x329, v2;
	v0 =	vsel vm8, $0x34A, v0  }
0xb4: {  	s2 =	rddreg [dreg:$0x3];
	s3 =	simm.s32 $0x0;
	v3 =	vsel vm5, $0x2E6, v3;
	v2 =	vsel vm8, $0x34B, v2;
	v0 =	vsel vm9, $0x36C, v0  }
0xb5: {  	s10 =	simm.s32 $0x800;
	s11 =	simm.s32 $0x480;
	s12 =	simm.s32 $0x880;
	v3 =	vsel vm6, $0x308, v3;
	v2 =	vsel vm9, $0x36D, v2;
	v0 =	vsel vm10, $0x38E, v0  }
0xb6: {  	s13 =	simm.s32 $0x500;
	s14 =	simm.s32 $0x900;
	s15 =	simm.s32 $0x580;
	v3 =	vsel vm7, $0x32A, v3;
	v2 =	vsel vm10, $0x38F, v2;
	v0 =	vsel vm11, $0x3B0, v0  }
0xb7: {  	s16 =	simm.s32 $0x980;
	s17 =	simm.s32 $0x600;
	s18 =	simm.s32 $0xA00;
	v3 =	vsel vm8, $0x34C, v3;
	v2 =	vsel vm11, $0x3B1, v2;
	v0 =	vsel vm12, $0x3D2, v0  }
0xb8: {  	s19 =	simm.s32 $0x1;
	[smem:$0x7FF] =	sst s3;
	s8 =	sshll.u32 s0, $0x7;
	v3 =	vsel vm9, $0x36E, v3;
	v2 =	vsel vm12, $0x3D3, v2;
	v0 =	vsel vm13, $0x3F4, v0  }
0xb9: {  	s1 =	rddreg [dreg:$0x0];
	s5 =	sshrl.u32 s5, $0x3;
	_ =	strace $0x80000047;
	v3 =	vsel vm10, $0x390, v3;
	[tilespmem:$0x1FF90] =	vst v0;
	v0 =	vsel vm13, $0x3F5, v2  }
0xba: {  	s20 =	simm.s32 $0x1000;
	s8 =	sand.u32 $0x380, s8;
	s9 =	sshll.u32 s5, $0xA;
	[tilespmem:$0x1FFA0] =	vst v0;
	v0 =	vsel vm11, $0x3B2, v3  }
0xbb: {  	s4 =	ssub.s32 $0x2, s4;
	s5 =	sshll.u32 s5, $0xD;
	s9 =	sor.u32 s8, s9;
	[tilespmem:$0x1FFC0] =	vst v4;
	v2 =	vadd.s32 $0x1C, v4;
	v0 =	vsel vm12, $0x3D4, v0  }
0xbc: {  	s31 =	sshrl.u32 s4, $0x1;
	s5 =	sor.u32 s8, s5;
	s9 =	sshrl.u32 s9, $0x3;
	[tilespmem:$0x1FFB0] =	vst v2;
	v0 =	vsel vm13, $0x3F6, v0  }
0xbd: {  	s8 =	ssub.s32 s4, s31;
	s5 =	sshrl.u32 s5, $0x3;
	s7 =	sadd.s32 s9, s7;
	vm0 =	vmmov $0x1;
	v2 =	vadd.s32 $0x1D, v4;
	[tilespmem:$0x1FFE0] =	vst v0;
	v0 =	vimm.s32 $0x0  }
0xbe: {  	s4 =	sadd.s32 s6, s5;
	s6 =	smax.u32 s8, $0x1;
	s8 =	simm.s32 $0x400;
	[tilespmem:$0x1FFD0] =	vst v2;
	v0 =	vsel vm0, $0xFFFFFFFF, v0  }
0xbf: {  	s9 =	simm.s32 $0x2;
	s5 =	sadd.s32 $0x400, s7;
	s7 =	simm.s32 $0x80;
	vm14 =	vmmov $0x3fff;
	[tilespmem:$0x1FFF0] =	vst v0  }
.LBB2_1:
0xc0: {  	[tilespmem:s3], [sflag:$0x2] =	stream.strided.gather [hbm4b:s4+s7], $0x400, s8, s7, $0x38;
	[tilespmem:$0x1080] =	vst v63  }
0xc1: {  	_ =	swait.ge [sflag:s9], $0x400  }
0xc2: {  	v7 =	vld [tilespmem:$0x1FFC0]  }
0xc3: {  	v2 =	vld [tilespmem:$0x1FC30];
	_ =	sdelay $0x4  }
0xc4: {  	[sflag:s9] =	ssyncset.done $0x0  }
0xc5: {  	[sflag:s9] =	ssyncadd.s32 $0xFFFFFC00  }
0xc6: {  	v0 =	vld.idx.msk [tilespmem:v7+s3+$0x0], $0xffff  }
0xc7: {  	v2 =	vld.idx.msk [tilespmem:v2+s3+$0x0], $0xffff;
	_ =	sdelay $0x4  }
0xc8: {  	v14 =	vimm.f32 $0.0e+00;
	vm15 =	vgt.s32 v2, $0x0;
	v0 =	vadd.s32 v1, v0  }
0xc9: {  	v2 =	vsel vm15, $0x3F800000, v14;
	[tilespmem:$0x400] =	vst v0;
	v0 =	vld [tilespmem:$0x1FC40]  }
0xca: {  	[tilespmem:$0xC00] =	vst v2;
	v2 =	vld [tilespmem:$0x1FC50];
	_ =	sdelay $0x6  }
0xcb: {  	v0 =	vld.idx.msk [tilespmem:v0+s3+$0x0], $0xffff  }
0xcc: {  	v2 =	vld.idx.msk [tilespmem:v2+s3+$0x0], $0xffff  }
0xcd: {  	v10 =	vld [tilespmem:$0x1FC60];
	_ =	sdelay $0x2  }
0xce: {  	v0 =	vnsel vm14, $0x0, v0  }
0xcf: {  	vm15 =	vgt.s32 v2, $0x0;
	v0 =	vadd.s32 v1, v0  }
0xd0: {  	v2 =	vnsel vm15, $0x0, v10;
	[tilespmem:$0x410] =	vst v0;
	v0 =	vld [tilespmem:$0x1FC70]  }
0xd1: {  	[tilespmem:$0xC10] =	vst v2;
	v2 =	vld [tilespmem:$0x1FC80];
	_ =	sdelay $0x6  }
0xd2: {  	v0 =	vld.idx.msk [tilespmem:v0+s3+$0x0], $0xffff  }
0xd3: {  	v2 =	vld.idx.msk [tilespmem:v2+s3+$0x0], $0xffff;
	_ =	sdelay $0x4  }
0xd4: {  	v0 =	vadd.s32 v1, v0;
	vm15 =	vgt.s32 v2, $0x0  }
0xd5: {  	[tilespmem:$0x420] =	vst v0;
	v0 =	vld [tilespmem:$0x1FC90];
	v2 =	vsel vm15, $0x3F800000, v14  }
0xd6: {  	[tilespmem:$0xC20] =	vst v2;
	v2 =	vld [tilespmem:$0x1FCA0];
	_ =	sdelay $0x6  }
0xd7: {  	v0 =	vld.idx.msk [tilespmem:v0+s3+$0x0], $0xffff  }
0xd8: {  	v2 =	vld.idx.msk [tilespmem:v2+s3+$0x0], $0xffff;
	_ =	sdelay $0x3  }
0xd9: {  	v0 =	vnsel vm14, $0x0, v0  }
0xda: {  	v0 =	vadd.s32 v1, v0;
	vm15 =	vgt.s32 v2, $0x0  }
0xdb: {  	[tilespmem:$0x430] =	vst v0;
	v0 =	vld [tilespmem:$0x1FCB0];
	v2 =	vnsel vm15, $0x0, v10  }
0xdc: {  	[tilespmem:$0xC30] =	vst v2;
	v2 =	vld [tilespmem:$0x1FCC0];
	_ =	sdelay $0x6  }
0xdd: {  	v0 =	vld.idx.msk [tilespmem:v0+s3+$0x0], $0xffff  }
0xde: {  	v2 =	vld.idx.msk [tilespmem:v2+s3+$0x0], $0xffff;
	_ =	sdelay $0x4  }
0xdf: {  	v0 =	vadd.s32 v1, v0;
	vm15 =	vgt.s32 v2, $0x0  }
0xe0: {  	[tilespmem:$0x440] =	vst v0;
	v0 =	vld [tilespmem:$0x1FCD0];
	v2 =	vsel vm15, $0x3F800000, v14  }
0xe1: {  	[tilespmem:$0xC40] =	vst v2;
	v2 =	vld [tilespmem:$0x1FCE0];
	_ =	sdelay $0x6  }
0xe2: {  	v0 =	vld.idx.msk [tilespmem:v0+s3+$0x0], $0xffff  }
0xe3: {  	v2 =	vld.idx.msk [tilespmem:v2+s3+$0x0], $0xffff;
	_ =	sdelay $0x3  }
0xe4: {  	v0 =	vnsel vm14, $0x0, v0  }
0xe5: {  	v0 =	vadd.s32 v1, v0;
	vm15 =	vgt.s32 v2, $0x0  }
0xe6: {  	[tilespmem:$0x450] =	vst v0;
	v0 =	vld [tilespmem:$0x1FCF0];
	v2 =	vnsel vm15, $0x0, v10  }
0xe7: {  	[tilespmem:$0xC50] =	vst v2;
	v2 =	vld [tilespmem:$0x1FD00];
	_ =	sdelay $0x6  }
0xe8: {  	v0 =	vld.idx.msk [tilespmem:v0+s3+$0x0], $0xffff  }
0xe9: {  	v2 =	vld.idx.msk [tilespmem:v2+s3+$0x0], $0xffff;
	_ =	sdelay $0x4  }
0xea: {  	v0 =	vadd.s32 v1, v0;
	vm15 =	vgt.s32 v2, $0x0  }
0xeb: {  	[tilespmem:$0x460] =	vst v0;
	v0 =	vld [tilespmem:$0x1FD10];
	v2 =	vsel vm15, $0x3F800000, v14  }
0xec: {  	[tilespmem:$0xC60] =	vst v2;
	v2 =	vld [tilespmem:$0x1FD20];
	_ =	sdelay $0x6  }
0xed: {  	v0 =	vld.idx.msk [tilespmem:v0+s3+$0x0], $0xffff  }
0xee: {  	v2 =	vld.idx.msk [tilespmem:v2+s3+$0x0], $0xffff;
	_ =	sdelay $0x3  }
0xef: {  	v0 =	vnsel vm14, $0x0, v0  }
0xf0: {  	v0 =	vadd.s32 v1, v0;
	vm15 =	vgt.s32 v2, $0x0  }
0xf1: {  	[tilespmem:$0x470] =	vst v0;
	v0 =	vld [tilespmem:$0x1FD30];
	v2 =	vnsel vm15, $0x0, v10  }
0xf2: {  	[tilespmem:$0xC70] =	vst v2;
	v2 =	vld [tilespmem:$0x1FD40];
	_ =	sdelay $0x5  }
0xf3: {  	[tilespmem:s10], [sflag:$0x1] =	stream.indirect.gather [hbm4b:s1+s7], $0x1, s8, s7, $0xb8;
	[tilespmem:$0x1080] =	vst v63  }
0xf4: {  	v0 =	vld.idx.msk [tilespmem:v0+s3+$0x0], $0xffff  }
0xf5: {  	v2 =	vld.idx.msk [tilespmem:v2+s3+$0x0], $0xffff;
	_ =	sdelay $0x4  }
0xf6: {  	v0 =	vadd.s32 v1, v0;
	vm15 =	vgt.s32 v2, $0x0  }
0xf7: {  	[tilespmem:$0x480] =	vst v0;
	v0 =	vld [tilespmem:$0x1FD50];
	v2 =	vsel vm15, $0x3F800000, v14  }
0xf8: {  	[tilespmem:$0xC80] =	vst v2;
	v2 =	vld [tilespmem:$0x1FD60];
	_ =	sdelay $0x6  }
0xf9: {  	v0 =	vld.idx.msk [tilespmem:v0+s3+$0x0], $0xffff  }
0xfa: {  	v2 =	vld.idx.msk [tilespmem:v2+s3+$0x0], $0xffff;
	_ =	sdelay $0x3  }
0xfb: {  	v0 =	vnsel vm14, $0x0, v0  }
0xfc: {  	v0 =	vadd.s32 v1, v0;
	vm15 =	vgt.s32 v2, $0x0  }
0xfd: {  	[tilespmem:$0x490] =	vst v0;
	v0 =	vld [tilespmem:$0x1FD70];
	v2 =	vnsel vm15, $0x0, v10  }
0xfe: {  	[tilespmem:$0xC90] =	vst v2;
	v2 =	vld [tilespmem:$0x1FD80];
	_ =	sdelay $0x6  }
0xff: {  	v0 =	vld.idx.msk [tilespmem:v0+s3+$0x0], $0xffff  }
0x100: {  	v2 =	vld.idx.msk [tilespmem:v2+s3+$0x0], $0xffff;
	_ =	sdelay $0x4  }
0x101: {  	v0 =	vadd.s32 v1, v0;
	vm15 =	vgt.s32 v2, $0x0  }
0x102: {  	[tilespmem:$0x4A0] =	vst v0;
	v0 =	vld [tilespmem:$0x1FD90];
	v2 =	vsel vm15, $0x3F800000, v14  }
0x103: {  	[tilespmem:$0xCA0] =	vst v2;
	v2 =	vld [tilespmem:$0x1FDA0];
	_ =	sdelay $0x6  }
0x104: {  	v0 =	vld.idx.msk [tilespmem:v0+s3+$0x0], $0xffff  }
0x105: {  	v2 =	vld.idx.msk [tilespmem:v2+s3+$0x0], $0xffff;
	_ =	sdelay $0x3  }
0x106: {  	v0 =	vnsel vm14, $0x0, v0  }
0x107: {  	v0 =	vadd.s32 v1, v0;
	vm15 =	vgt.s32 v2, $0x0  }
0x108: {  	[tilespmem:$0x4B0] =	vst v0;
	v0 =	vld [tilespmem:$0x1FDB0];
	v2 =	vnsel vm15, $0x0, v10  }
0x109: {  	[tilespmem:$0xCB0] =	vst v2;
	v2 =	vld [tilespmem:$0x1FDC0];
	_ =	sdelay $0x6  }
0x10a: {  	v0 =	vld.idx.msk [tilespmem:v0+s3+$0x0], $0xffff  }
0x10b: {  	v2 =	vld.idx.msk [tilespmem:v2+s3+$0x0], $0xffff;
	_ =	sdelay $0x4  }
0x10c: {  	v0 =	vadd.s32 v1, v0;
	vm15 =	vgt.s32 v2, $0x0  }
0x10d: {  	[tilespmem:$0x4C0] =	vst v0;
	v0 =	vld [tilespmem:$0x1FDD0];
	v2 =	vsel vm15, $0x3F800000, v14  }
0x10e: {  	[tilespmem:$0xCC0] =	vst v2;
	v2 =	vld [tilespmem:$0x1FDE0];
	_ =	sdelay $0x6  }
0x10f: {  	v0 =	vld.idx.msk [tilespmem:v0+s3+$0x0], $0xffff  }
0x110: {  	v2 =	vld.idx.msk [tilespmem:v2+s3+$0x0], $0xffff;
	_ =	sdelay $0x3  }
0x111: {  	v0 =	vnsel vm14, $0x0, v0  }
0x112: {  	v0 =	vadd.s32 v1, v0;
	vm15 =	vgt.s32 v2, $0x0  }
0x113: {  	[tilespmem:$0x4D0] =	vst v0;
	v0 =	vld [tilespmem:$0x1FDF0];
	v2 =	vnsel vm15, $0x0, v10  }
0x114: {  	[tilespmem:$0xCD0] =	vst v2;
	v2 =	vld [tilespmem:$0x1FE00];
	_ =	sdelay $0x6  }
0x115: {  	v0 =	vld.idx.msk [tilespmem:v0+s3+$0x0], $0xffff  }
0x116: {  	v2 =	vld.idx.msk [tilespmem:v2+s3+$0x0], $0xffff;
	_ =	sdelay $0x4  }
0x117: {  	v0 =	vadd.s32 v1, v0;
	vm15 =	vgt.s32 v2, $0x0  }
0x118: {  	[tilespmem:$0x4E0] =	vst v0;
	v0 =	vld [tilespmem:$0x1FE10];
	v2 =	vsel vm15, $0x3F800000, v14  }
0x119: {  	[tilespmem:$0xCE0] =	vst v2;
	v2 =	vld [tilespmem:$0x1FE20];
	_ =	sdelay $0x6  }
0x11a: {  	v0 =	vld.idx.msk [tilespmem:v0+s3+$0x0], $0xffff  }
0x11b: {  	v2 =	vld.idx.msk [tilespmem:v2+s3+$0x0], $0xffff;
	_ =	sdelay $0x3  }
0x11c: {  	v0 =	vnsel vm14, $0x0, v0  }
0x11d: {  	v0 =	vadd.s32 v1, v0;
	vm15 =	vgt.s32 v2, $0x0  }
0x11e: {  	[tilespmem:$0x4F0] =	vst v0;
	v0 =	vld [tilespmem:$0x1FE30];
	v2 =	vnsel vm15, $0x0, v10  }
0x11f: {  	[tilespmem:$0xCF0] =	vst v2;
	v2 =	vld [tilespmem:$0x1FE40];
	_ =	sdelay $0x5  }
0x120: {  	[tilespmem:s12], [sflag:$0x1] =	stream.indirect.gather [hbm4b:s1+s7], $0x1, s11, s7, $0xb8;
	[tilespmem:$0x1080] =	vst v63  }
0x121: {  	v0 =	vld.idx.msk [tilespmem:v0+s3+$0x0], $0xffff  }
0x122: {  	v2 =	vld.idx.msk [tilespmem:v2+s3+$0x0], $0xffff;
	_ =	sdelay $0x4  }
0x123: {  	v0 =	vadd.s32 v1, v0;
	vm15 =	vgt.s32 v2, $0x0  }
0x124: {  	[tilespmem:$0x500] =	vst v0;
	v0 =	vld [tilespmem:$0x1FE50];
	v2 =	vsel vm15, $0x3F800000, v14  }
0x125: {  	[tilespmem:$0xD00] =	vst v2;
	v2 =	vld [tilespmem:$0x1FE60];
	_ =	sdelay $0x6  }
0x126: {  	v0 =	vld.idx.msk [tilespmem:v0+s3+$0x0], $0xffff  }
0x127: {  	v2 =	vld.idx.msk [tilespmem:v2+s3+$0x0], $0xffff;
	_ =	sdelay $0x3  }
0x128: {  	v0 =	vnsel vm14, $0x0, v0  }
0x129: {  	v0 =	vadd.s32 v1, v0;
	vm15 =	vgt.s32 v2, $0x0  }
0x12a: {  	[tilespmem:$0x510] =	vst v0;
	v0 =	vld [tilespmem:$0x1FE70];
	v2 =	vnsel vm15, $0x0, v10  }
0x12b: {  	[tilespmem:$0xD10] =	vst v2;
	v2 =	vld [tilespmem:$0x1FE80];
	_ =	sdelay $0x6  }
0x12c: {  	v0 =	vld.idx.msk [tilespmem:v0+s3+$0x0], $0xffff  }
0x12d: {  	v2 =	vld.idx.msk [tilespmem:v2+s3+$0x0], $0xffff;
	_ =	sdelay $0x3  }
0x12e: {  	v0 =	vadd.s32 v1, v0  }
0x12f: {  	[tilespmem:$0x520] =	vst v0;
	v0 =	vld [tilespmem:$0x1FE90];
	vm15 =	vgt.s32 v2, $0x0  }
0x130: {  	v2 =	vsel vm15, $0x3F800000, v14  }
0x131: {  	[tilespmem:$0xD20] =	vst v2;
	v2 =	vld [tilespmem:$0x1FEA0];
	_ =	sdelay $0x5  }
0x132: {  	v0 =	vld.idx.msk [tilespmem:v0+s3+$0x0], $0xffff;
	_ =	sdelay $0x1  }
0x133: {  	v2 =	vld.idx.msk [tilespmem:v2+s3+$0x0], $0xffff;
	_ =	sdelay $0x2  }
0x134: {  	v0 =	vnsel vm14, $0x0, v0  }
0x135: {  	v0 =	vadd.s32 v1, v0  }
0x136: {  	[tilespmem:$0x530] =	vst v0;
	v0 =	vld [tilespmem:$0x1FEB0];
	vm15 =	vgt.s32 v2, $0x0  }
0x137: {  	v2 =	vnsel vm15, $0x0, v10  }
0x138: {  	[tilespmem:$0xD30] =	vst v2;
	v2 =	vld [tilespmem:$0x1FEC0];
	_ =	sdelay $0x5  }
0x139: {  	v0 =	vld.idx.msk [tilespmem:v0+s3+$0x0], $0xffff;
	_ =	sdelay $0x1  }
0x13a: {  	v2 =	vld.idx.msk [tilespmem:v2+s3+$0x0], $0xffff;
	_ =	sdelay $0x2  }
0x13b: {  	v0 =	vadd.s32 v1, v0  }
0x13c: {  	[tilespmem:$0x540] =	vst v0;
	v0 =	vld [tilespmem:$0x1FED0]  }
0x13d: {  	vm15 =	vgt.s32 v2, $0x0  }
0x13e: {  	v2 =	vsel vm15, $0x3F800000, v14  }
0x13f: {  	[tilespmem:$0xD40] =	vst v2;
	v2 =	vld [tilespmem:$0x1FEE0];
	_ =	sdelay $0x4  }
0x140: {  	v0 =	vld.idx.msk [tilespmem:v0+s3+$0x0], $0xffff;
	_ =	sdelay $0x2  }
0x141: {  	v2 =	vld.idx.msk [tilespmem:v2+s3+$0x0], $0xffff;
	_ =	sdelay $0x1  }
0x142: {  	v0 =	vnsel vm14, $0x0, v0  }
0x143: {  	v0 =	vadd.s32 v1, v0  }
0x144: {  	[tilespmem:$0x550] =	vst v0;
	v0 =	vld [tilespmem:$0x1FEF0]  }
0x145: {  	vm15 =	vgt.s32 v2, $0x0  }
0x146: {  	v2 =	vnsel vm15, $0x0, v10  }
0x147: {  	[tilespmem:$0xD50] =	vst v2;
	v2 =	vld [tilespmem:$0x1FF00];
	_ =	sdelay $0x4  }
0x148: {  	v0 =	vld.idx.msk [tilespmem:v0+s3+$0x0], $0xffff;
	_ =	sdelay $0x2  }
0x149: {  	v2 =	vld.idx.msk [tilespmem:v2+s3+$0x0], $0xffff;
	_ =	sdelay $0x1  }
0x14a: {  	v0 =	vadd.s32 v1, v0  }
0x14b: {  	[tilespmem:$0x560] =	vst v0;
	v0 =	vld [tilespmem:$0x1FF10];
	_ =	sdelay $0x1  }
0x14c: {  	vm15 =	vgt.s32 v2, $0x0  }
0x14d: {  	v2 =	vsel vm15, $0x3F800000, v14  }
0x14e: {  	[tilespmem:$0xD60] =	vst v2;
	v2 =	vld [tilespmem:$0x1FF20];
	_ =	sdelay $0x3  }
0x14f: {  	v0 =	vld.idx.msk [tilespmem:v0+s3+$0x0], $0xffff;
	_ =	sdelay $0x3  }
0x150: {  	v2 =	vld.idx.msk [tilespmem:v2+s3+$0x0], $0xffff  }
0x151: {  	v0 =	vnsel vm14, $0x0, v0  }
0x152: {  	v0 =	vadd.s32 v1, v0  }
0x153: {  	[tilespmem:$0x570] =	vst v0;
	v0 =	vld [tilespmem:$0x1FF30];
	_ =	sdelay $0x1  }
0x154: {  	vm15 =	vgt.s32 v2, $0x0  }
0x155: {  	v2 =	vnsel vm15, $0x0, v10  }
0x156: {  	[tilespmem:$0xD70] =	vst v2;
	v2 =	vld [tilespmem:$0x1FF40];
	_ =	sdelay $0x2  }
0x157: {  	[tilespmem:s14], [sflag:$0x1] =	stream.indirect.gather [hbm4b:s1+s7], $0x1, s13, s7, $0xb8;
	[tilespmem:$0x1080] =	vst v63  }
0x158: {  	v0 =	vld.idx.msk [tilespmem:v0+s3+$0x0], $0xffff;
	_ =	sdelay $0x3  }
0x159: {  	v2 =	vld.idx.msk [tilespmem:v2+s3+$0x0], $0xffff  }
0x15a: {  	v0 =	vadd.s32 v1, v0  }
0x15b: {  	[tilespmem:$0x580] =	vst v0;
	v0 =	vld [tilespmem:$0x1FF50];
	_ =	sdelay $0x2  }
0x15c: {  	vm15 =	vgt.s32 v2, $0x0  }
0x15d: {  	v2 =	vsel vm15, $0x3F800000, v14  }
0x15e: {  	[tilespmem:$0xD80] =	vst v2;
	v2 =	vld [tilespmem:$0x1FF60];
	_ =	sdelay $0x2  }
0x15f: {  	v0 =	vld.idx.msk [tilespmem:v0+s3+$0x0], $0xffff;
	_ =	sdelay $0x4  }
0x160: {  	v0 =	vnsel vm14, $0x0, v0;
	v2 =	vld.idx.msk [tilespmem:v2+s3+$0x0], $0xffff  }
0x161: {  	v0 =	vadd.s32 v1, v0  }
0x162: {  	[tilespmem:$0x590] =	vst v0;
	v0 =	vld [tilespmem:$0x1FF70];
	_ =	sdelay $0x2  }
0x163: {  	vm15 =	vgt.s32 v2, $0x0  }
0x164: {  	v2 =	vnsel vm15, $0x0, v10  }
0x165: {  	[tilespmem:$0xD90] =	vst v2;
	v2 =	vld [tilespmem:$0x1FF80];
	_ =	sdelay $0x2  }
0x166: {  	v0 =	vld.idx.msk [tilespmem:v0+s3+$0x0], $0xffff;
	_ =	sdelay $0x4  }
0x167: {  	v0 =	vadd.s32 v1, v0;
	v2 =	vld.idx.msk [tilespmem:v2+s3+$0x0], $0xffff  }
0x168: {  	[tilespmem:$0x5A0] =	vst v0;
	v0 =	vld [tilespmem:$0x1FF90];
	_ =	sdelay $0x4  }
0x169: {  	v3 =	vld [tilespmem:$0x1FFA0];
	vm15 =	vgt.s32 v2, $0x0  }
0x16a: {  	v2 =	vsel vm15, $0x3F800000, v14  }
0x16b: {  	vm0 =	vcmask $0x300;
	v9 =	vimm.s32 $0x1;
	[tilespmem:$0xDA0] =	vst v2  }
0x16c: {  	v2 =	vsel vm0, $0x23D, v9;
	v0 =	vld.idx.msk [tilespmem:v0+s3+$0x0], $0xffff  }
0x16d: {  	v2 =	vsel vm1, $0x25F, v2  }
0x16e: {  	v2 =	vsel vm2, $0x281, v2  }
0x16f: {  	v2 =	vsel vm3, $0x2A3, v2  }
0x170: {  	v2 =	vsel vm4, $0x2C5, v2  }
0x171: {  	v3 =	vld.idx.msk [tilespmem:v3+s3+$0x0], $0xffff;
	v2 =	vsel vm5, $0x2E7, v2;
	v0 =	vnsel vm14, $0x0, v0  }
0x172: {  	v2 =	vsel vm6, $0x309, v2;
	v0 =	vadd.s32 v1, v0  }
0x173: {  	[tilespmem:$0x5B0] =	vst v0;
	v0 =	vsel vm7, $0x32B, v2;
	v2 =	vld [tilespmem:$0x1FFB0];
	_ =	sdelay $0x2  }
0x174: {  	vm15 =	vgt.s32 v3, $0x0  }
0x175: {  	v3 =	vnsel vm15, $0x0, v10  }
0x176: {  	[tilespmem:$0xDB0] =	vst v3;
	v3 =	vld [tilespmem:$0x1FFD0];
	_ =	sdelay $0x2  }
0x177: {  	v2 =	vld.idx.msk [tilespmem:v2+s3+$0x0], $0xffff;
	_ =	sdelay $0x2  }
0x178: {  	v0 =	vsel vm8, $0x34D, v0  }
0x179: {  	v0 =	vsel vm9, $0x36F, v0  }
0x17a: {  	v0 =	vsel vm10, $0x391, v0;
	v3 =	vld.idx.msk [tilespmem:v3+s3+$0x0], $0xffff;
	v2 =	vadd.s32 v1, v2  }
0x17b: {  	v0 =	vsel vm11, $0x3B3, v0;
	[tilespmem:$0x5C0] =	vst v2;
	v2 =	vld [tilespmem:$0x1FFE0]  }
0x17c: {  	v0 =	vsel vm12, $0x3D5, v0  }
0x17d: {  	v0 =	vsel vm13, $0x3F7, v0;
	_ =	sdelay $0x1  }
0x17e: {  	vm15 =	vgt.s32 v3, $0x0  }
0x17f: {  	v3 =	vsel vm15, $0x3F800000, v14  }
0x180: {  	[tilespmem:$0xDC0] =	vst v3  }
0x181: {  	v0 =	vld.idx.msk [tilespmem:v0+s3+$0x0], $0xffff  }
0x182: {  	v3 =	vsel vm0, $0x23F, v9;
	v2 =	vld.idx.msk [tilespmem:v2+s3+$0x0], $0xffff  }
0x183: {  	v8 =	vimm.s32 $0x0;
	v3 =	vsel vm1, $0x261, v3  }
0x184: {  	v4 =	vsel vm0, $0x23E, v8;
	v3 =	vsel vm2, $0x283, v3  }
0x185: {  	v55 =	vadd.s32 $0x1E, v7;
	v5 =	vadd.s32 $0x1F, v7;
	v3 =	vsel vm3, $0x2A5, v3  }
0x186: {  	v3 =	vsel vm4, $0x2C7, v3;
	vm15 =	vgt.s32 v0, $0x0;
	v0 =	vsel vm1, $0x260, v4  }
0x187: {  	v3 =	vsel vm5, $0x2E9, v3;
	v0 =	vsel vm2, $0x282, v0;
	v2 =	vnsel vm14, $0x0, v2  }
0x188: {  	v3 =	vsel vm6, $0x30B, v3;
	v0 =	vsel vm3, $0x2A4, v0;
	v2 =	vadd.s32 v1, v2  }
0x189: {  	v6 =	vnsel vm15, $0x0, v10;
	v0 =	vsel vm4, $0x2C6, v0;
	[tilespmem:$0x5D0] =	vst v2;
	v2 =	vsel vm7, $0x32D, v3  }
0x18a: {  	[tilespmem:$0xDD0] =	vst v6;
	v0 =	vsel vm5, $0x2E8, v0;
	v2 =	vsel vm8, $0x34F, v2  }
0x18b: {  	v0 =	vsel vm6, $0x30A, v0;
	v3 =	vld.idx.msk [tilespmem:v55+s3+$0x0], $0xffff;
	v2 =	vsel vm9, $0x371, v2  }
0x18c: {  	v0 =	vsel vm7, $0x32C, v0;
	v56 =	vld.idx.msk [tilespmem:v5+s3+$0x0], $0xffff;
	v2 =	vsel vm10, $0x393, v2  }
0x18d: {  	v0 =	vsel vm8, $0x34E, v0;
	v2 =	vsel vm11, $0x3B5, v2  }
0x18e: {  	v0 =	vsel vm9, $0x370, v0;
	v2 =	vsel vm12, $0x3D7, v2  }
0x18f: {  	v0 =	vsel vm10, $0x392, v0;
	v2 =	vsel vm13, $0x3F9, v2  }
0x190: {  	v0 =	vsel vm11, $0x3B4, v0  }
0x191: {  	v0 =	vsel vm12, $0x3D6, v0;
	vm15 =	vgt.s32 v56, $0x0;
	v3 =	vadd.s32 v1, v3  }
0x192: {  	v0 =	vsel vm13, $0x3F8, v0;
	v4 =	vsel vm15, $0x3F800000, v14;
	[tilespmem:$0x5E0] =	vst v3  }
0x193: {  	[tilespmem:$0xDE0] =	vst v4  }
0x194: {  	v2 =	vld.idx.msk [tilespmem:v2+s3+$0x0], $0xffff;
	_ =	sdelay $0x2  }
0x195: {  	v0 =	vld.idx.msk [tilespmem:v0+s3+$0x0], $0xffff  }
0x196: {  	v3 =	vsel vm0, $0x240, v8  }
0x197: {  	vm15 =	vgt.s32 v2, $0x0;
	v2 =	vsel vm1, $0x262, v3;
	v3 =	vsel vm0, $0x241, v9  }
0x198: {  	v57 =	vadd.s32 $0x20, v7;
	v2 =	vsel vm2, $0x284, v2;
	v3 =	vsel vm1, $0x263, v3  }
0x199: {  	v58 =	vadd.s32 $0x21, v7;
	v2 =	vsel vm3, $0x2A6, v2;
	v3 =	vsel vm2, $0x285, v3  }
0x19a: {  	v0 =	vnsel vm14, $0x0, v0;
	v2 =	vsel vm4, $0x2C8, v2;
	v3 =	vsel vm3, $0x2A7, v3  }
0x19b: {  	v0 =	vadd.s32 v1, v0;
	v2 =	vsel vm5, $0x2EA, v2;
	v3 =	vsel vm4, $0x2C9, v3  }
0x19c: {  	[tilespmem:$0x5F0] =	vst v0;
	v59 =	vnsel vm15, $0x0, v10;
	v0 =	vsel vm6, $0x30C, v2;
	v2 =	vsel vm5, $0x2EB, v3  }
0x19d: {  	[tilespmem:$0xDF0] =	vst v59;
	v0 =	vsel vm7, $0x32E, v0;
	v2 =	vsel vm6, $0x30D, v2  }
0x19e: {  	[tilespmem:s16], [sflag:$0x1] =	stream.indirect.gather [hbm4b:s1+s7], $0x1, s15, s7, $0xb8;
	v0 =	vsel vm8, $0x350, v0;
	v2 =	vsel vm7, $0x32F, v2;
	[tilespmem:$0x1080] =	vst v63  }
0x19f: {  	v60 =	vld.idx.msk [tilespmem:v58+s3+$0x0], $0xffff;
	v0 =	vsel vm9, $0x372, v0;
	v2 =	vsel vm8, $0x351, v2  }
0x1a0: {  	v3 =	vld.idx.msk [tilespmem:v57+s3+$0x0], $0xffff;
	v0 =	vsel vm10, $0x394, v0;
	v2 =	vsel vm9, $0x373, v2  }
0x1a1: {  	v0 =	vsel vm11, $0x3B6, v0;
	v2 =	vsel vm10, $0x395, v2  }
0x1a2: {  	v0 =	vsel vm12, $0x3D8, v0;
	v2 =	vsel vm11, $0x3B7, v2  }
0x1a3: {  	v0 =	vsel vm13, $0x3FA, v0;
	v2 =	vsel vm12, $0x3D9, v2  }
0x1a4: {  	v2 =	vsel vm13, $0x3FB, v2  }
0x1a5: {  	vm15 =	vgt.s32 v60, $0x0;
	v3 =	vadd.s32 v1, v3  }
0x1a6: {  	v4 =	vsel vm15, $0x3F800000, v14;
	[tilespmem:$0x600] =	vst v3  }
0x1a7: {  	[tilespmem:$0xE00] =	vst v4  }
0x1a8: {  	v0 =	vld.idx.msk [tilespmem:v0+s3+$0x0], $0xffff  }
0x1a9: {  	v2 =	vld.idx.msk [tilespmem:v2+s3+$0x0], $0xffff;
	[tilespmem:$0x620] =	vst v1  }
0x1aa: {  	[tilespmem:$0xE20] =	vst v14  }
0x1ab: {  	[tilespmem:$0x630] =	vst v1  }
0x1ac: {  	[tilespmem:$0xE30] =	vst v14  }
0x1ad: {  	[tilespmem:$0x640] =	vst v1  }
0x1ae: {  	[tilespmem:$0xE40] =	vst v14  }
0x1af: {  	[tilespmem:$0x650] =	vst v1  }
0x1b0: {  	[tilespmem:$0xE50] =	vst v14  }
0x1b1: {  	[tilespmem:$0x660] =	vst v1  }
0x1b2: {  	[tilespmem:$0xE60] =	vst v14  }
0x1b3: {  	[tilespmem:$0x670] =	vst v1;
	v0 =	vnsel vm14, $0x0, v0  }
0x1b4: {  	[tilespmem:$0xE70] =	vst v14;
	vm15 =	vgt.s32 v2, $0x0;
	v0 =	vadd.s32 v1, v0  }
0x1b5: {  	v2 =	vnsel vm15, $0x0, v10;
	[tilespmem:$0x610] =	vst v0  }
0x1b6: {  	[tilespmem:$0xE10] =	vst v2  }
0x1b7: {  	[tilespmem:s18], [sflag:$0x1] =	stream.indirect.gather [hbm4b:s1+s7], $0x1, s17, s7, $0xb8;
	[tilespmem:$0x1080] =	vst v63  }
0x1b8: {  	_ =	swait.ge [sflag:s19], $0x80  }
0x1b9: {  	[sflag:s19] =	ssyncset.done $0x0  }
0x1ba: {  	[sflag:s19] =	ssyncadd.s32 $0xFFFFFF80  }
0x1bb: {  	_ =	swait.ge [sflag:s19], $0x80  }
0x1bc: {  	[sflag:s19] =	ssyncset.done $0x0  }
0x1bd: {  	[sflag:s19] =	ssyncadd.s32 $0xFFFFFF80  }
0x1be: {  	_ =	swait.ge [sflag:s19], $0x80  }
0x1bf: {  	[sflag:s19] =	ssyncset.done $0x0  }
0x1c0: {  	[sflag:s19] =	ssyncadd.s32 $0xFFFFFF80  }
0x1c1: {  	_ =	swait.ge [sflag:s19], $0x80  }
0x1c2: {  	[sflag:s19] =	ssyncset.done $0x0  }
0x1c3: {  	[sflag:s19] =	ssyncadd.s32 $0xFFFFFF80  }
0x1c4: {  	_ =	swait.ge [sflag:s19], $0x80  }
0x1c5: {  	[sflag:s19] =	ssyncset.done $0x0  }
0x1c6: {  	[sflag:s19] =	ssyncadd.s32 $0xFFFFFF80  }
0x1c7: {  	v53 =	vld [tilespmem:$0xC00]  }
0x1c8: {  	v51 =	vld [tilespmem:$0xC10]  }
0x1c9: {  	v63 =	vld [tilespmem:$0x800]  }
0x1ca: {  	v39 =	vld [tilespmem:$0x810]  }
0x1cb: {  	v56 =	vld [tilespmem:$0xC20]  }
0x1cc: {  	v54 =	vld [tilespmem:$0xC30]  }
0x1cd: {  	v34 =	vld [tilespmem:$0x820]  }
0x1ce: {  	v35 =	vld [tilespmem:$0x830]  }
0x1cf: {  	v41 =	vld [tilespmem:$0xC40]  }
0x1d0: {  	v38 =	vld [tilespmem:$0xC50]  }
0x1d1: {  	v62 =	vld [tilespmem:$0x840]  }
0x1d2: {  	v59 =	vld [tilespmem:$0x850]  }
0x1d3: {  	v37 =	vld [tilespmem:$0xC60]  }
0x1d4: {  	v32 =	vld [tilespmem:$0xC70]  }
0x1d5: {  	v60 =	vld [tilespmem:$0x860]  }
0x1d6: {  	v57 =	vld [tilespmem:$0x870]  }
0x1d7: {  	v26 =	vld [tilespmem:$0xC80]  }
0x1d8: {  	v24 =	vld [tilespmem:$0xC90]  }
0x1d9: {  	v52 =	vld [tilespmem:$0x880]  }
0x1da: {  	v43 =	vld [tilespmem:$0x890]  }
0x1db: {  	v21 =	vld [tilespmem:$0xCA0]  }
0x1dc: {  	v20 =	vld [tilespmem:$0xCB0]  }
0x1dd: {  	v36 =	vld [tilespmem:$0x8A0]  }
0x1de: {  	v30 =	vld [tilespmem:$0x8B0]  }
0x1df: {  	v17 =	vld [tilespmem:$0xCC0]  }
0x1e0: {  	v15 =	vld [tilespmem:$0xCD0]  }
0x1e1: {  	v31 =	vld [tilespmem:$0x8C0]  }
0x1e2: {  	v19 =	vld [tilespmem:$0x8D0]  }
0x1e3: {  	v12 =	vld [tilespmem:$0xCE0]  }
0x1e4: {  	v23 =	vld [tilespmem:$0xCF0]  }
0x1e5: {  	v10 =	vld [tilespmem:$0x8E0];
	v0 =	vadd.f32 $0.0e+00, v53  }
0x1e6: {  	v8 =	vld [tilespmem:$0x8F0];
	v2 =	vadd.f32 $0.0e+00, v51  }
0x1e7: {  	v27 =	vld [tilespmem:$0xD00];
	v0 =	vadd.f32 v56, v0  }
0x1e8: {  	v33 =	vld [tilespmem:$0xD10];
	v2 =	vadd.f32 v54, v2  }
0x1e9: {  	v9 =	vld [tilespmem:$0x900];
	v0 =	vadd.f32 v41, v0  }
0x1ea: {  	v7 =	vld [tilespmem:$0x910];
	v2 =	vadd.f32 v38, v2  }
0x1eb: {  	v13 =	vld [tilespmem:$0xD20];
	v0 =	vadd.f32 v37, v0  }
0x1ec: {  	v11 =	vld [tilespmem:$0xD30];
	v3 =	vmul.f32 v63, v53;
	v61 =	vmul.f32 v39, v51;
	v2 =	vadd.f32 v32, v2  }
0x1ed: {  	v25 =	vld [tilespmem:$0x920];
	v22 =	vmul.f32 v34, v56;
	v28 =	vmul.f32 v35, v54;
	v0 =	vadd.f32 v26, v0  }
0x1ee: {  	v29 =	vld [tilespmem:$0x930];
	v40 =	vmul.f32 v62, v41;
	v42 =	vmul.f32 v59, v38;
	v2 =	vadd.f32 v24, v2  }
0x1ef: {  	v16 =	vld [tilespmem:$0xD40];
	v44 =	vmul.f32 v60, v37;
	v3 =	vadd.f32 $0.0e+00, v3;
	v0 =	vadd.f32 v21, v0  }
0x1f0: {  	v18 =	vld [tilespmem:$0xD50];
	v45 =	vmul.f32 v57, v32;
	v4 =	vadd.f32 $0.0e+00, v61;
	v2 =	vadd.f32 v20, v2  }
0x1f1: {  	v46 =	vld [tilespmem:$0x940];
	[tilespmem:$0x1FB80] =	vst v30;
	v55 =	vmul.f32 v30, v20;
	v3 =	vadd.f32 v22, v3;
	v0 =	vadd.f32 v17, v0  }
0x1f2: {  	v47 =	vld [tilespmem:$0x950];
	[tilespmem:$0x1FB90] =	vst v31;
	v30 =	vmul.f32 v31, v17;
	v4 =	vadd.f32 v28, v4;
	v2 =	vadd.f32 v15, v2  }
0x1f3: {  	v58 =	vld [tilespmem:$0x960];
	[tilespmem:$0x1FBA0] =	vst v19;
	v31 =	vmul.f32 v19, v15;
	v3 =	vadd.f32 v40, v3;
	v0 =	vadd.f32 v12, v0  }
0x1f4: {  	[tilespmem:$0x1FBF0] =	vst v25;
	v19 =	vmul.f32 v25, v13;
	v25 =	vld [tilespmem:$0xE00];
	v4 =	vadd.f32 v42, v4;
	v2 =	vadd.f32 v23, v2  }
0x1f5: {  	v48 =	vmul.f32 v52, v26;
	v61 =	vld [tilespmem:$0x970];
	v3 =	vadd.f32 v44, v3;
	v0 =	vadd.f32 v27, v0  }
0x1f6: {  	v49 =	vmul.f32 v43, v24;
	v22 =	vld [tilespmem:$0xD60];
	v4 =	vadd.f32 v45, v4;
	v2 =	vadd.f32 v33, v2  }
0x1f7: {  	v50 =	vmul.f32 v36, v21;
	v28 =	vld [tilespmem:$0xD70];
	v3 =	vadd.f32 v48, v3;
	v0 =	vadd.f32 v13, v0  }
0x1f8: {  	v44 =	vld [tilespmem:$0xD80];
	v4 =	vadd.f32 v49, v4;
	v2 =	vadd.f32 v11, v2  }
0x1f9: {  	v45 =	vld [tilespmem:$0xD90];
	v3 =	vadd.f32 v50, v3;
	v0 =	vadd.f32 v16, v0  }
0x1fa: {  	v48 =	vld [tilespmem:$0xDA0];
	v4 =	vadd.f32 v55, v4;
	v2 =	vadd.f32 v18, v2  }
0x1fb: {  	[tilespmem:$0x1FB70] =	vst v36;
	v36 =	vmul.f32 v10, v12;
	v55 =	vld [tilespmem:$0xDB0];
	v3 =	vadd.f32 v30, v3;
	v0 =	vadd.f32 v22, v0  }
0x1fc: {  	v42 =	vmul.f32 v8, v23;
	v50 =	vld [tilespmem:$0xDC0];
	v4 =	vadd.f32 v31, v4;
	v2 =	vadd.f32 v28, v2  }
0x1fd: {  	[tilespmem:$0x1FBD0] =	vst v9;
	v9 =	vmul.f32 v9, v27;
	v49 =	vld [tilespmem:$0xDD0];
	v3 =	vadd.f32 v36, v3;
	v0 =	vadd.f32 v44, v0  }
0x1fe: {  	[tilespmem:$0x1FBB0] =	vst v10;
	v10 =	vmul.f32 v7, v33;
	v4 =	vadd.f32 v42, v4;
	v36 =	vld [tilespmem:$0xDE0];
	v2 =	vadd.f32 v45, v2  }
0x1ff: {  	v42 =	vld [tilespmem:$0xDF0];
	v3 =	vadd.f32 v9, v3;
	v0 =	vadd.f32 v48, v0  }
0x200: {  	[tilespmem:$0x1FC00] =	vst v29;
	v29 =	vmul.f32 v29, v11;
	v40 =	vld [tilespmem:$0x980];
	v4 =	vadd.f32 v10, v4;
	v2 =	vadd.f32 v55, v2  }
0x201: {  	v30 =	vmul.f32 v46, v16;
	v3 =	vadd.f32 v19, v3;
	v19 =	vld [tilespmem:$0xE10];
	v31 =	vadd.f32 v50, v0  }
0x202: {  	v6 =	vadd.f32 v29, v4;
	v29 =	vmul.f32 v47, v18;
	v2 =	vadd.f32 v49, v2;
	v0 =	vld [tilespmem:$0x990]  }
0x203: {  	[tilespmem:$0x1FBE0] =	vst v7;
	v4 =	vld [tilespmem:$0x9A0];
	v5 =	vadd.f32 v30, v3;
	v30 =	vmul.f32 v58, v22;
	v7 =	vadd.f32 v36, v31  }
0x204: {  	[tilespmem:$0x1FBC0] =	vst v8;
	v8 =	vmul.f32 v61, v28;
	v6 =	vadd.f32 v29, v6;
	v3 =	vld [tilespmem:$0x9B0];
	v2 =	vadd.f32 v42, v2  }
0x205: {  	v10 =	vmul.f32 v40, v44;
	v9 =	vadd.f32 v30, v5;
	v29 =	vadd.f32 v25, v7  }
0x206: {  	v6 =	vadd.f32 v8, v6;
	v30 =	vadd.f32 v19, v2;
	v7 =	vld [tilespmem:$0x9D0]  }
0x207: {  	v5 =	vld [tilespmem:$0x9C0];
	v2 =	vadd.f32 v10, v9;
	v10 =	vmul.f32 v0, v45;
	[tilespmem:$0x1FC10] =	vst v29;
	v31 =	vmax.f32 v29, $1.000000000e+00  }
0x208: {  	v8 =	vld [tilespmem:$0x9F0];
	[tilespmem:$0x1FC20] =	vst v30;
	v29 =	vmul.f32 v4, v48;
	v30 =	vmax.f32 v30, $1.000000000e+00;
	(erf) = vrcp.f32 v31  }
0x209: {  	v9 =	vld [tilespmem:$0x9E0];
	v6 =	vadd.f32 v10, v6;
	(erf) = vrcp.f32 v30;
	v30 =	vmul.f32 v3, v55  }
0x20a: {  	v2 =	vadd.f32 v29, v2;
	v29 =	vld [tilespmem:$0xA10]  }
0x20b: {  	v10 =	vld [tilespmem:$0xA00];
	v6 =	vadd.f32 v30, v6;
	v30 =	vmul.f32 v7, v49  }
0x20c: {  	v31 =	vmul.f32 v5, v50  }
0x20d: {  	v6 =	vadd.f32 v30, v6;
	v30 =	vmul.f32 v8, v42  }
0x20e: {  	v2 =	vadd.f32 v31, v2;
	v31 =	vmul.f32 v9, v36  }
0x20f: {  	v6 =	vadd.f32 v30, v6;
	v30 =	vmul.f32 v29, v19  }
0x210: {  	v2 =	vadd.f32 v31, v2;
	v31 =	vmul.f32 v10, v25;
	_ =	sdelay $0x1  }
0x211: {  	v2 =	vadd.f32 v31, v2  }
0x212: {  	v6 =	vadd.f32 v30, v6;
	v30 =	vpop (erf)  }
0x213: {  	v2 =	vmul.f32 v2, v30  }
0x214: {  	v31 =	vpop (erf)  }
0x215: {  	v6 =	vmul.f32 v6, v31;
	v63 =	vsub.f32 v63, v2;
	v34 =	vsub.f32 v34, v2  }
0x216: {  	v4 =	vsub.f32 v4, v2;
	v5 =	vsub.f32 v5, v2  }
0x217: {  	v10 =	vsub.f32 v10, v2;
	v39 =	vsub.f32 v39, v6  }
0x218: {  	v35 =	vsub.f32 v35, v6;
	v63 =	vmul.f32 v63, v63;
	v34 =	vmul.f32 v34, v34  }
0x219: {  	v0 =	vsub.f32 v0, v6;
	v4 =	vmul.f32 v4, v4;
	v5 =	vmul.f32 v5, v5  }
0x21a: {  	v3 =	vsub.f32 v3, v6;
	v10 =	vmul.f32 v10, v10;
	v39 =	vmul.f32 v39, v39  }
0x21b: {  	v60 =	vsub.f32 v60, v2;
	v35 =	vmul.f32 v35, v35;
	v0 =	vmul.f32 v0, v0  }
0x21c: {  	v62 =	vsub.f32 v62, v2;
	v3 =	vmul.f32 v3, v3;
	v53 =	vmul.f32 v63, v53  }
0x21d: {  	v34 =	vmul.f32 v34, v56;
	v63 =	vsub.f32 v59, v6;
	v59 =	vmul.f32 v60, v60  }
0x21e: {  	v52 =	vsub.f32 v52, v2;
	v4 =	vmul.f32 v4, v48;
	v39 =	vmul.f32 v39, v51  }
0x21f: {  	v58 =	vsub.f32 v58, v2;
	v35 =	vmul.f32 v35, v54;
	v51 =	vmul.f32 v62, v62  }
0x220: {  	v7 =	vsub.f32 v7, v6;
	v48 =	vld [tilespmem:$0x1FC10];
	v0 =	vmul.f32 v0, v45;
	v3 =	vmul.f32 v3, v55  }
0x221: {  	v54 =	vld [tilespmem:$0x1FB90];
	v53 =	vadd.f32 $0.0e+00, v53;
	v62 =	vmul.f32 v63, v63;
	v63 =	vsub.f32 v57, v6  }
0x222: {  	v55 =	vbroadcast v2, $0x4;
	v39 =	vadd.f32 $0.0e+00, v39;
	v57 =	vmul.f32 v51, v41;
	v51 =	vld [tilespmem:$0x1FB70]  }
0x223: {  	v34 =	vadd.f32 v53, v34;
	v60 =	vmul.f32 v63, v63;
	v63 =	vmul.f32 v52, v52;
	v52 =	vld [tilespmem:$0x1FB80]  }
0x224: {  	v37 =	vmul.f32 v59, v37;
	v38 =	vmul.f32 v62, v38;
	v35 =	vadd.f32 v39, v35  }
0x225: {  	v62 =	vsub.f32 v43, v6;
	vm15 =	vgt.f32 v48, $0.0e+00;
	v34 =	vadd.f32 v34, v57  }
0x226: {  	v32 =	vmul.f32 v60, v32;
	v57 =	vld [tilespmem:$0x1FBA0];
	v35 =	vadd.f32 v35, v38;
	v38 =	vsub.f32 v54, v2  }
0x227: {  	v43 =	vmul.f32 v62, v62;
	v34 =	vadd.f32 v34, v37;
	v39 =	vsub.f32 v51, v2  }
0x228: {  	v26 =	vmul.f32 v63, v26;
	v62 =	vld [tilespmem:$0x1FBB0];
	v32 =	vadd.f32 v35, v32;
	v35 =	vsub.f32 v52, v6  }
0x229: {  	v63 =	vld [tilespmem:$0x1FBC0];
	v54 =	vsub.f32 v47, v6;
	v24 =	vmul.f32 v43, v24;
	v59 =	vmul.f32 v38, v38  }
0x22a: {  	v53 =	vmul.f32 v39, v39;
	v26 =	vadd.f32 v34, v26;
	v56 =	vmul.f32 v35, v35  }
0x22b: {  	v39 =	vld [tilespmem:$0x1FBF0];
	v35 =	vsub.f32 v57, v6;
	v24 =	vadd.f32 v32, v24;
	v17 =	vmul.f32 v59, v17  }
0x22c: {  	v21 =	vmul.f32 v53, v21;
	v53 =	vsub.f32 v46, v2;
	v20 =	vmul.f32 v56, v20  }
0x22d: {  	v60 =	vmul.f32 v35, v35;
	v35 =	vsub.f32 v62, v2;
	v62 =	vsub.f32 v40, v2  }
0x22e: {  	v37 =	vld [tilespmem:$0x1FBE0];
	v57 =	vmul.f32 v54, v54;
	v21 =	vadd.f32 v26, v21;
	v26 =	vsub.f32 v63, v6  }
0x22f: {  	v56 =	vmul.f32 v53, v53;
	v20 =	vadd.f32 v24, v20;
	v15 =	vmul.f32 v60, v15  }
0x230: {  	v32 =	vmul.f32 v35, v35;
	v24 =	vsub.f32 v39, v2;
	v60 =	vsub.f32 v61, v6  }
0x231: {  	v43 =	vld [tilespmem:$0x1FC00];
	v61 =	vmul.f32 v58, v58;
	v58 =	vbroadcast v2, $0x5;
	v17 =	vadd.f32 v21, v17  }
0x232: {  	v34 =	vmul.f32 v26, v26;
	v59 =	vmul.f32 v56, v16;
	v15 =	vadd.f32 v20, v15  }
0x233: {  	v12 =	vmul.f32 v32, v12;
	v20 =	vsub.f32 v37, v6;
	v52 =	vmul.f32 v24, v24  }
0x234: {  	v35 =	vld [tilespmem:$0x1FBD0];
	v63 =	vmul.f32 v60, v60;
	v24 =	vmul.f32 v7, v7;
	v32 =	vsub.f32 v8, v6  }
0x235: {  	v37 =	vbroadcast v2, $0x2;
	v60 =	vsub.f32 v58, v2;
	v21 =	vmul.f32 v34, v23  }
0x236: {  	v23 =	vbroadcast v2, $0x0;
	v41 =	vmul.f32 v20, v20;
	v20 =	vsub.f32 v43, v6  }
0x237: {  	v13 =	vmul.f32 v52, v13;
	v34 =	vmul.f32 v32, v32;
	v40 =	vsub.f32 v37, v2  }
0x238: {  	v52 =	vbroadcast v2, $0x3;
	v15 =	vadd.f32 v15, v21;
	v21 =	vmul.f32 v62, v62  }
0x239: {  	v26 =	vsub.f32 v35, v2;
	v35 =	vbroadcast v2, $0x1;
	v62 =	vbroadcast v2, $0x6  }
0x23a: {  	v12 =	vadd.f32 v17, v12;
	v17 =	vmul.f32 v41, v33;
	v20 =	vmul.f32 v20, v20  }
0x23b: {  	v33 =	vsub.f32 v23, v6;
	v43 =	vmul.f32 v40, v40;
	v38 =	vmul.f32 v26, v26  }
0x23c: {  	v26 =	vsub.f32 v9, v2;
	v11 =	vmul.f32 v20, v11;
	v20 =	vmul.f32 v61, v22  }
0x23d: {  	v15 =	vadd.f32 v15, v17;
	v22 =	vmul.f32 v21, v44;
	v8 =	vmul.f32 v33, v33  }
0x23e: {  	v44 =	vmul.f32 v10, v25;
	v45 =	vsub.f32 $0.0e+00, v43;
	v61 =	vmul.f32 v60, v60  }
0x23f: {  	v43 =	vbroadcast v2, $0xA;
	v51 =	vmul.f32 v38, v27;
	v27 =	vsub.f32 v23, v2  }
0x240: {  	v7 =	vmul.f32 v26, v26;
	v38 =	vsub.f32 v29, v6;
	v11 =	vadd.f32 v15, v11  }
0x241: {  	v15 =	vmul.f32 v63, v28;
	v28 =	vmul.f32 v24, v49;
	v12 =	vadd.f32 v12, v51  }
0x242: {  	v8 =	vsub.f32 $0.0e+00, v8;
	v47 =	vmul.f32 $1.442695020e+00, v45;
	v9 =	vmul.f32 v27, v27  }
0x243: {  	v24 =	vbroadcast v2, $0x7;
	v12 =	vadd.f32 v12, v13;
	v13 =	vmul.f32 v57, v18  }
0x244: {  	v7 =	vmul.f32 v7, v36;
	v9 =	vsub.f32 $0.0e+00, v9;
	v57 =	vsub.f32 v55, v2  }
0x245: {  	v41 =	vmul.f32 v38, v38;
	v12 =	vadd.f32 v12, v59;
	v11 =	vadd.f32 v11, v13  }
0x246: {  	v46 =	vsub.f32 v37, v6;
	v8 =	vmul.f32 $1.442695020e+00, v8;
	v9 =	vmul.f32 $1.442695020e+00, v9  }
0x247: {  	v16 =	vmul.f32 v57, v57;
	v12 =	vadd.f32 v12, v20;
	v11 =	vadd.f32 v11, v15  }
0x248: {  	v57 =	vbroadcast v2, $0xC;
	(erf) = vpow2.f32 v9;
	v9 =	vsel vm15, $0x3F800000, v14  }
0x249: {  	(erf) = vpow2.f32 v8;
	v12 =	vadd.f32 v12, v22;
	v0 =	vadd.f32 v11, v0  }
0x24a: {  	v36 =	vsub.f32 v35, v2;
	v53 =	vbroadcast v9, $0x1;
	v56 =	vbroadcast v9, $0x2  }
0x24b: {  	v4 =	vadd.f32 v12, v4;
	v0 =	vadd.f32 v0, v3;
	v3 =	vmul.f32 v5, v50  }
0x24c: {  	v20 =	vsub.f32 $0.0e+00, v61;
	v33 =	vbroadcast v9, $0x5;
	v11 =	vmul.f32 v36, v36  }
0x24d: {  	v3 =	vadd.f32 v4, v3;
	v0 =	vadd.f32 v0, v28;
	v4 =	vmul.f32 v34, v42  }
0x24e: {  	v38 =	vbroadcast v9, $0x6;
	v5 =	vsub.f32 v35, v6;
	v39 =	vsub.f32 $0.0e+00, v11  }
0x24f: {  	v3 =	vadd.f32 v3, v7;
	v0 =	vadd.f32 v0, v4;
	v7 =	vmul.f32 v41, v19  }
0x250: {  	v17 =	vsub.f32 v58, v6;
	v49 =	vld [tilespmem:$0x1FC20];
	v58 =	vbroadcast v9, $0x8;
	v22 =	vmul.f32 $1.442695020e+00, v20  }
0x251: {  	v5 =	vmul.f32 v5, v5;
	v42 =	vmul.f32 $1.442695020e+00, v39;
	v0 =	vadd.f32 v0, v7  }
0x252: {  	v36 =	vbroadcast v2, $0x8;
	v50 =	vbroadcast v9, $0x0;
	v3 =	vadd.f32 v3, v44  }
0x253: {  	v5 =	vsub.f32 $0.0e+00, v5;
	(erf) = vpow2.f32 v42;
	v0 =	vmul.f32 v0, v31  }
0x254: {  	v4 =	vmul.f32 v46, v46;
	v3 =	vmul.f32 v3, v30  }
0x255: {  	vm0 =	vgt.f32 v49, $0.0e+00;
	v28 =	vbroadcast v9, $0x3;
	v5 =	vmul.f32 $1.442695020e+00, v5  }
0x256: {  	v41 =	vbroadcast v2, $0x9;
	v7 =	vsel vm0, $0x3F800000, v14;
	v4 =	vsub.f32 $0.0e+00, v4  }
0x257: {  	(erf) = vpow2.f32 v5;
	v14 =	vmul.f32 v0, v7;
	v0 =	vpop (erf)  }
0x258: {  	v19 =	vsub.f32 v24, v6;
	v4 =	vmul.f32 $1.442695020e+00, v4;
	v10 =	vmul.f32 v3, v9;
	v3 =	vpop (erf)  }
0x259: {  	(erf) = vpow2.f32 v47;
	v3 =	vmul.f32 v3, v7  }
0x25a: {  	v19 =	vmul.f32 v19, v19;
	(erf) = vpow2.f32 v4  }
0x25b: {  	v4 =	vsub.f32 v52, v6;
	v13 =	vmul.f32 v3, v50;
	v3 =	vsub.f32 v52, v2  }
0x25c: {  	v42 =	vsub.f32 v41, v2;
	v44 =	vbroadcast v9, $0x7;
	v0 =	vmul.f32 v0, v9  }
0x25d: {  	v4 =	vmul.f32 v4, v4;
	v51 =	vpop (erf);
	v3 =	vmul.f32 v3, v3  }
0x25e: {  	v45 =	vmul.f32 v42, v42;
	v8 =	vmul.f32 v51, v9  }
0x25f: {  	v47 =	vbroadcast v2, $0xB;
	v4 =	vsub.f32 $0.0e+00, v4;
	v3 =	vsub.f32 $0.0e+00, v3  }
0x260: {  	v15 =	vmul.f32 v0, v50;
	v0 =	vpop (erf);
	v12 =	vmul.f32 v8, v53;
	v8 =	vsub.f32 v55, v6  }
0x261: {  	v0 =	vmul.f32 v0, v7;
	v3 =	vmul.f32 $1.442695020e+00, v3  }
0x262: {  	v4 =	vmul.f32 $1.442695020e+00, v4;
	v50 =	vsub.f32 v47, v2;
	v54 =	vpop (erf);
	v8 =	vmul.f32 v8, v8  }
0x263: {  	v59 =	vpop (erf);
	v11 =	vmul.f32 v0, v53;
	(erf) = vpow2.f32 v3;
	v3 =	vsub.f32 $0.0e+00, v16  }
0x264: {  	v21 =	vsub.f32 v62, v2;
	v0 =	vmul.f32 v54, v9;
	v18 =	vmul.f32 v59, v7  }
0x265: {  	v23 =	vsub.f32 v62, v6;
	v53 =	vmul.f32 v50, v50;
	v3 =	vmul.f32 $1.442695020e+00, v3  }
0x266: {  	v8 =	vsub.f32 $0.0e+00, v8;
	(erf) = vpow2.f32 v4;
	v4 =	vmul.f32 v0, v56  }
0x267: {  	v0 =	vsub.f32 v24, v2;
	(erf) = vpow2.f32 v3;
	v3 =	vmul.f32 v17, v17  }
0x268: {  	v63 =	vmul.f32 $1.442695020e+00, v8;
	v16 =	vmul.f32 v21, v21  }
0x269: {  	v8 =	vmul.f32 v23, v23;
	v0 =	vmul.f32 v0, v0;
	v3 =	vsub.f32 $0.0e+00, v3  }
0x26a: {  	v24 =	vsub.f32 v41, v6;
	v25 =	vsub.f32 $0.0e+00, v16;
	v16 =	vmul.f32 v18, v56  }
0x26b: {  	(erf) = vpow2.f32 v63;
	v0 =	vsub.f32 $0.0e+00, v0;
	v3 =	vmul.f32 $1.442695020e+00, v3  }
0x26c: {  	v24 =	vmul.f32 v24, v24;
	(erf) = vpow2.f32 v22  }
0x26d: {  	v46 =	vsub.f32 v43, v2;
	v0 =	vmul.f32 $1.442695020e+00, v0;
	v26 =	vpop (erf);
	(erf) = vpow2.f32 v3  }
0x26e: {  	v8 =	vsub.f32 $0.0e+00, v8;
	v3 =	vmul.f32 $1.442695020e+00, v25;
	v5 =	vmul.f32 v26, v9  }
0x26f: {  	v27 =	vpop (erf);
	v26 =	vsub.f32 v43, v6;
	v25 =	vmul.f32 v46, v46;
	v43 =	vbroadcast v2, $0xD  }
0x270: {  	v37 =	vsub.f32 v36, v2;
	v17 =	vmul.f32 v27, v7;
	(erf) = vpow2.f32 v3  }
0x271: {  	v3 =	vmul.f32 $1.442695020e+00, v8;
	v5 =	vmul.f32 v5, v28  }
0x272: {  	v8 =	vmul.f32 v37, v37;
	v26 =	vmul.f32 v26, v26;
	v29 =	vpop (erf)  }
0x273: {  	v21 =	vmul.f32 v17, v28;
	v18 =	vmul.f32 v29, v9  }
0x274: {  	v25 =	vsub.f32 $0.0e+00, v25;
	(erf) = vpow2.f32 v3;
	v3 =	vbroadcast v9, $0x4;
	v30 =	vpop (erf)  }
0x275: {  	v31 =	vpop (erf);
	(erf) = vpow2.f32 v0;
	v0 =	vmul.f32 v30, v7  }
0x276: {  	v8 =	vsub.f32 $0.0e+00, v8;
	v51 =	vmul.f32 $1.442695020e+00, v25;
	v30 =	vsub.f32 v57, v6  }
0x277: {  	v17 =	vmul.f32 v18, v3;
	v22 =	vmul.f32 v0, v3;
	v3 =	vsub.f32 $0.0e+00, v19  }
0x278: {  	v52 =	vsub.f32 $0.0e+00, v26;
	v32 =	vmul.f32 v31, v9;
	v30 =	vmul.f32 v30, v30  }
0x279: {  	v60 =	vsub.f32 v57, v2;
	v8 =	vmul.f32 $1.442695020e+00, v8;
	v3 =	vmul.f32 $1.442695020e+00, v3  }
0x27a: {  	v54 =	vmul.f32 $1.442695020e+00, v52;
	v18 =	vmul.f32 v32, v33;
	v34 =	vpop (erf);
	v30 =	vsub.f32 $0.0e+00, v30  }
0x27b: {  	v35 =	vmul.f32 v34, v7;
	(erf) = vpow2.f32 v3;
	v3 =	vsub.f32 v36, v6  }
0x27c: {  	v15 =	vadd.f32 $0.0e+00, v15;
	v36 =	vbroadcast v9, $0x9;
	v30 =	vmul.f32 $1.442695020e+00, v30  }
0x27d: {  	v13 =	vadd.f32 $0.0e+00, v13;
	v0 =	vpop (erf);
	(erf) = vpow2.f32 v8;
	v3 =	vmul.f32 v3, v3  }
0x27e: {  	v19 =	vmul.f32 v35, v33;
	v0 =	vmul.f32 v0, v9;
	v8 =	vsub.f32 $0.0e+00, v45;
	v39 =	vpop (erf)  }
0x27f: {  	v45 =	vbroadcast v9, $0xB;
	v23 =	vmul.f32 v39, v7;
	v3 =	vsub.f32 $0.0e+00, v3  }
0x280: {  	v15 =	vadd.f32 v15, v12;
	v0 =	vmul.f32 v0, v38;
	v8 =	vmul.f32 $1.442695020e+00, v8  }
0x281: {  	v33 =	vsub.f32 v43, v6;
	v40 =	vpop (erf);
	v39 =	vbroadcast v9, $0xA;
	v3 =	vmul.f32 $1.442695020e+00, v3  }
0x282: {  	v55 =	vsub.f32 $0.0e+00, v53;
	v20 =	vmul.f32 v23, v38;
	v23 =	vmul.f32 v40, v9  }
0x283: {  	v33 =	vmul.f32 v33, v33;
	(erf) = vpow2.f32 v3;
	v3 =	vsub.f32 $0.0e+00, v24  }
0x284: {  	v11 =	vadd.f32 v13, v11;
	v27 =	vmul.f32 v23, v44;
	v23 =	vmul.f32 $1.442695020e+00, v55  }
0x285: {  	v4 =	vadd.f32 v15, v4;
	v48 =	vpop (erf);
	(erf) = vpow2.f32 v8;
	v3 =	vmul.f32 $1.442695020e+00, v3  }
0x286: {  	v11 =	vadd.f32 v11, v16;
	v49 =	vmul.f32 v48, v7;
	v56 =	vpop (erf);
	v48 =	vbroadcast v2, $0xE  }
0x287: {  	v4 =	vadd.f32 v4, v5;
	v8 =	vmul.f32 v56, v9;
	(erf) = vpow2.f32 v3  }
0x288: {  	v3 =	vsub.f32 v47, v6;
	v24 =	vmul.f32 v49, v44;
	v47 =	vsub.f32 v43, v2  }
0x289: {  	v49 =	vsub.f32 v48, v2;
	(erf) = vpow2.f32 v51;
	v29 =	vmul.f32 v8, v58  }
0x28a: {  	v4 =	vadd.f32 v4, v17;
	v3 =	vmul.f32 v3, v3;
	(erf) = vpow2.f32 v54  }
0x28b: {  	v51 =	vsub.f32 $0.0e+00, v33;
	v34 =	vmul.f32 v47, v47;
	v53 =	vmul.f32 v49, v49  }
0x28c: {  	v54 =	vbroadcast v2, $0xF;
	v49 =	vbroadcast v9, $0xD;
	v3 =	vsub.f32 $0.0e+00, v3  }
0x28d: {  	(erf) = vpow2.f32 v23;
	v31 =	vmul.f32 $1.442695020e+00, v51;
	v33 =	vsub.f32 $0.0e+00, v53;
	v59 =	vpop (erf)  }
0x28e: {  	v11 =	vadd.f32 v11, v21;
	v3 =	vmul.f32 $1.442695020e+00, v3;
	v61 =	vmul.f32 v59, v7  }
0x28f: {  	v4 =	vadd.f32 v4, v18;
	v62 =	vpop (erf);
	v57 =	vmul.f32 $1.442695020e+00, v33;
	v59 =	vbroadcast v6, $0x0  }
0x290: {  	v50 =	vsub.f32 $0.0e+00, v34;
	v63 =	vmul.f32 v62, v9;
	(erf) = vpow2.f32 v3  }
0x291: {  	v3 =	vmul.f32 v60, v60;
	v26 =	vmul.f32 v61, v58;
	v58 =	vsub.f32 v54, v6  }
0x292: {  	v62 =	vsub.f32 v59, v2;
	v34 =	vsub.f32 v59, v6;
	v59 =	vbroadcast v9, $0xF  }
0x293: {  	v0 =	vadd.f32 v4, v0;
	v35 =	vpop (erf);
	v28 =	vmul.f32 v63, v36;
	v63 =	vbroadcast v9, $0xC  }
0x294: {  	v23 =	vmul.f32 v35, v7;
	v37 =	vpop (erf);
	v3 =	vsub.f32 $0.0e+00, v3;
	v61 =	vmul.f32 v58, v58  }
0x295: {  	v0 =	vadd.f32 v0, v27;
	v33 =	vmul.f32 v62, v62;
	v38 =	vmul.f32 v37, v9  }
0x296: {  	v11 =	vadd.f32 v11, v22;
	v41 =	vpop (erf);
	v37 =	vbroadcast v6, $0x3;
	v40 =	vmul.f32 $1.442695020e+00, v3  }
0x297: {  	v0 =	vadd.f32 v0, v29;
	v25 =	vmul.f32 v23, v36;
	v23 =	vmul.f32 v41, v7;
	v42 =	vpop (erf)  }
0x298: {  	v3 =	vmul.f32 v38, v39;
	v44 =	vmul.f32 v42, v9;
	v42 =	vsub.f32 $0.0e+00, v33  }
0x299: {  	v33 =	vbroadcast v7, $0x0;
	v29 =	vsub.f32 v37, v6;
	(erf) = vpow2.f32 v40  }
0x29a: {  	v8 =	vmul.f32 v23, v39;
	v39 =	vsub.f32 v37, v2;
	v37 =	vbroadcast v7, $0x4  }
0x29b: {  	v56 =	vsub.f32 v54, v2;
	(erf) = vpow2.f32 v30;
	v30 =	vmul.f32 $1.442695020e+00, v50  }
0x29c: {  	v23 =	vmul.f32 v44, v45;
	v44 =	vmul.f32 v34, v34  }
0x29d: {  	v11 =	vadd.f32 v11, v19;
	v46 =	vpop (erf);
	(erf) = vpow2.f32 v30;
	v30 =	vmul.f32 v56, v56  }
0x29e: {  	v52 =	vsub.f32 v48, v6;
	v56 =	vbroadcast v9, $0xE;
	v32 =	vmul.f32 v46, v7  }
0x29f: {  	v47 =	vsub.f32 $0.0e+00, v44;
	v44 =	vbroadcast v6, $0x5;
	(erf) = vpow2.f32 v31  }
0x2a0: {  	v10 =	vadd.f32 v14, v10;
	v46 =	vmul.f32 $1.442695020e+00, v42;
	v14 =	vmul.f32 v32, v45  }
0x2a1: {  	v11 =	vadd.f32 v11, v20;
	v32 =	vmul.f32 v52, v52;
	v45 =	vbroadcast v6, $0x1  }
0x2a2: {  	(erf) = vpow2.f32 v57;
	v30 =	vsub.f32 $0.0e+00, v30;
	v51 =	vmul.f32 $1.442695020e+00, v47  }
0x2a3: {  	v47 =	vbroadcast v7, $0x1;
	v32 =	vsub.f32 $0.0e+00, v32;
	v48 =	vsub.f32 v45, v2;
	v55 =	vpop (erf)  }
0x2a4: {  	v30 =	vmul.f32 $1.442695020e+00, v30;
	v62 =	vsub.f32 v45, v6;
	v35 =	vmul.f32 v55, v9  }
0x2a5: {  	v11 =	vadd.f32 v11, v24;
	v60 =	vmul.f32 $1.442695020e+00, v32;
	v40 =	vpop (erf);
	v52 =	vmul.f32 v48, v48  }
0x2a6: {  	v32 =	vsub.f32 $0.0e+00, v61;
	v22 =	vmul.f32 v62, v62;
	v31 =	vmul.f32 v40, v7  }
0x2a7: {  	v40 =	vbroadcast v6, $0x4;
	(erf) = vpow2.f32 v60  }
0x2a8: {  	v11 =	vadd.f32 v11, v26;
	v12 =	vmul.f32 v35, v63;
	v41 =	vmul.f32 $1.442695020e+00, v32;
	v43 =	vpop (erf)  }
0x2a9: {  	v22 =	vsub.f32 $0.0e+00, v22;
	(erf) = vpow2.f32 v30;
	v13 =	vmul.f32 v43, v9  }
0x2aa: {  	v21 =	vmul.f32 v31, v63;
	v63 =	vbroadcast v6, $0x2;
	v43 =	vsub.f32 v40, v2  }
0x2ab: {  	v50 =	vpop (erf);
	v26 =	vsub.f32 v40, v6;
	v31 =	vbroadcast v7, $0x3;
	v40 =	vbroadcast v6, $0x7  }
0x2ac: {  	(erf) = vpow2.f32 v41;
	v5 =	vmul.f32 v50, v7  }
0x2ad: {  	v30 =	vsub.f32 $0.0e+00, v52;
	v22 =	vmul.f32 $1.442695020e+00, v22;
	v41 =	vmul.f32 v29, v29  }
0x2ae: {  	v0 =	vadd.f32 v0, v28;
	v53 =	vpop (erf);
	(erf) = vpow2.f32 v46;
	v13 =	vmul.f32 v13, v49  }
0x2af: {  	v52 =	vsub.f32 v44, v6;
	v54 =	vmul.f32 v53, v9;
	v30 =	vmul.f32 $1.442695020e+00, v30  }
0x2b0: {  	v35 =	vsub.f32 v63, v2;
	v20 =	vsub.f32 v63, v6;
	v45 =	vmul.f32 v26, v26  }
0x2b1: {  	v46 =	vsub.f32 v44, v2;
	v53 =	vbroadcast v6, $0x6;
	v44 =	vbroadcast v7, $0x5  }
0x2b2: {  	v11 =	vadd.f32 v11, v25;
	v36 =	vmul.f32 v35, v35;
	v20 =	vmul.f32 v20, v20  }
0x2b3: {  	v0 =	vadd.f32 v0, v3;
	(erf) = vpow2.f32 v51;
	v5 =	vmul.f32 v5, v49  }
0x2b4: {  	v4 =	vmul.f32 v54, v56;
	v24 =	vsub.f32 $0.0e+00, v36;
	v20 =	vsub.f32 $0.0e+00, v20  }
0x2b5: {  	v8 =	vadd.f32 v11, v8;
	v50 =	vmul.f32 v46, v46;
	v54 =	vmul.f32 v52, v52  }
0x2b6: {  	v0 =	vadd.f32 v0, v23;
	v55 =	vpop (erf);
	v24 =	vmul.f32 $1.442695020e+00, v24;
	v20 =	vmul.f32 $1.442695020e+00, v20  }
0x2b7: {  	v8 =	vadd.f32 v8, v14;
	v57 =	vpop (erf);
	v16 =	vmul.f32 v55, v7;
	(erf) = vpow2.f32 v30  }
0x2b8: {  	v0 =	vadd.f32 v0, v12;
	v58 =	vmul.f32 v57, v9;
	(erf) = vpow2.f32 v22  }
0x2b9: {  	v55 =	vsub.f32 v53, v2;
	v60 =	vpop (erf);
	v22 =	vmul.f32 v39, v39;
	v15 =	vmul.f32 v16, v56  }
0x2ba: {  	v8 =	vadd.f32 v8, v21;
	v16 =	vmul.f32 v60, v7;
	(erf) = vpow2.f32 v24  }
0x2bb: {  	v49 =	vsub.f32 $0.0e+00, v45;
	v61 =	vpop (erf);
	v57 =	vmul.f32 v55, v55;
	v55 =	vbroadcast v6, $0x9  }
0x2bc: {  	v24 =	vsub.f32 $0.0e+00, v41;
	v17 =	vmul.f32 v58, v59;
	v18 =	vmul.f32 v61, v9  }
0x2bd: {  	v34 =	vpop (erf);
	(erf) = vpow2.f32 v20;
	v42 =	vsub.f32 $0.0e+00, v22;
	v22 =	vmul.f32 v43, v43  }
0x2be: {  	v0 =	vadd.f32 v0, v13;
	v58 =	vbroadcast v7, $0x2;
	v16 =	vmul.f32 v16, v59  }
0x2bf: {  	v43 =	vsub.f32 v40, v2;
	v19 =	vmul.f32 v34, v7;
	v24 =	vmul.f32 $1.442695020e+00, v24  }
0x2c0: {  	v30 =	vsub.f32 v53, v6;
	v18 =	vmul.f32 v18, v33;
	v20 =	vmul.f32 $1.442695020e+00, v42  }
0x2c1: {  	v48 =	vsub.f32 $0.0e+00, v22;
	v22 =	vmul.f32 $1.442695020e+00, v49;
	v46 =	vmul.f32 v43, v43  }
0x2c2: {  	v5 =	vadd.f32 v8, v5;
	v19 =	vmul.f32 v19, v33;
	v33 =	vmul.f32 v30, v30  }
0x2c3: {  	v0 =	vadd.f32 v0, v4;
	v49 =	vbroadcast v7, $0x6;
	v38 =	vpop (erf);
	(erf) = vpow2.f32 v20  }
0x2c4: {  	v30 =	vbroadcast v7, $0x7;
	v21 =	vsub.f32 $0.0e+00, v33;
	v33 =	vbroadcast v6, $0xC  }
0x2c5: {  	v5 =	vadd.f32 v5, v15;
	v20 =	vmul.f32 $1.442695020e+00, v48;
	v27 =	vmul.f32 v38, v9  }
0x2c6: {  	(erf) = vpow2.f32 v24;
	v24 =	vsub.f32 $0.0e+00, v50;
	v21 =	vmul.f32 $1.442695020e+00, v21  }
0x2c7: {  	v51 =	vpop (erf);
	v50 =	vbroadcast v6, $0x8;
	(erf) = vpow2.f32 v20;
	v20 =	vsub.f32 $0.0e+00, v54  }
0x2c8: {  	v25 =	vmul.f32 v51, v7;
	v56 =	vmul.f32 $1.442695020e+00, v24;
	v24 =	vsub.f32 $0.0e+00, v57  }
0x2c9: {  	v0 =	vadd.f32 v0, v17;
	(erf) = vpow2.f32 v22;
	v20 =	vmul.f32 $1.442695020e+00, v20  }
0x2ca: {  	v5 =	vadd.f32 v5, v16;
	v3 =	vpop (erf);
	(erf) = vpow2.f32 v56;
	v63 =	vmul.f32 $1.442695020e+00, v24  }
0x2cb: {  	v0 =	vadd.f32 v0, v18;
	v59 =	vmul.f32 v27, v47;
	v61 =	vpop (erf);
	(erf) = vpow2.f32 v20  }
0x2cc: {  	v5 =	vadd.f32 v5, v19;
	v3 =	vmul.f32 v3, v9;
	v62 =	vpop (erf);
	(erf) = vpow2.f32 v63  }
0x2cd: {  	v60 =	vmul.f32 v25, v47;
	v0 =	vadd.f32 v0, v59;
	v59 =	vbroadcast v6, $0xA  }
0x2ce: {  	v54 =	vsub.f32 v50, v6;
	v57 =	vsub.f32 v55, v2;
	v29 =	vmul.f32 v61, v7  }
0x2cf: {  	v3 =	vmul.f32 v3, v58;
	v5 =	vadd.f32 v5, v60;
	v60 =	vsub.f32 v59, v2  }
0x2d0: {  	v19 =	vmul.f32 v54, v54;
	v23 =	vmul.f32 v57, v57;
	v32 =	vpop (erf)  }
0x2d1: {  	v11 =	vmul.f32 v29, v58;
	v0 =	vadd.f32 v0, v3;
	v3 =	vmul.f32 v60, v60;
	v36 =	vpop (erf)  }
0x2d2: {  	v63 =	vbroadcast v6, $0xB;
	v20 =	vmul.f32 v36, v9;
	v39 =	vpop (erf)  }
0x2d3: {  	v14 =	vmul.f32 v62, v9;
	v42 =	vpop (erf);
	(erf) = vpow2.f32 v21;
	v21 =	vsub.f32 $0.0e+00, v46  }
0x2d4: {  	v53 =	vsub.f32 v50, v2;
	v41 =	vmul.f32 v20, v37;
	v20 =	vmul.f32 v42, v9;
	v45 =	vpop (erf)  }
0x2d5: {  	v34 =	vmul.f32 v14, v31;
	v14 =	vsub.f32 v40, v6;
	v51 =	vmul.f32 $1.442695020e+00, v21;
	v48 =	vpop (erf)  }
0x2d6: {  	v58 =	vsub.f32 $0.0e+00, v19;
	v47 =	vmul.f32 v20, v44;
	v20 =	vmul.f32 v48, v9  }
0x2d7: {  	v19 =	vsub.f32 v59, v6;
	v14 =	vmul.f32 v14, v14;
	(erf) = vpow2.f32 v51  }
0x2d8: {  	v52 =	vmul.f32 v20, v49;
	v20 =	vmul.f32 v53, v53  }
0x2d9: {  	v26 =	vmul.f32 v19, v19;
	v14 =	vsub.f32 $0.0e+00, v14;
	v21 =	vsub.f32 v55, v6  }
0x2da: {  	v35 =	vmul.f32 v32, v7;
	v40 =	vbroadcast v7, $0x8;
	v20 =	vsub.f32 $0.0e+00, v20  }
0x2db: {  	v61 =	vsub.f32 $0.0e+00, v23;
	v14 =	vmul.f32 $1.442695020e+00, v14;
	v21 =	vmul.f32 v21, v21  }
0x2dc: {  	v5 =	vadd.f32 v5, v11;
	v38 =	vmul.f32 v35, v31;
	v20 =	vmul.f32 $1.442695020e+00, v20  }
0x2dd: {  	(erf) = vpow2.f32 v14;
	v14 =	vmul.f32 $1.442695020e+00, v58;
	v21 =	vsub.f32 $0.0e+00, v21  }
0x2de: {  	v3 =	vsub.f32 $0.0e+00, v3;
	(erf) = vpow2.f32 v20;
	v20 =	vmul.f32 $1.442695020e+00, v61  }
0x2df: {  	v25 =	vsub.f32 v63, v2;
	v24 =	vmul.f32 $1.442695020e+00, v21;
	(erf) = vpow2.f32 v14  }
0x2e0: {  	v29 =	vsub.f32 v63, v6;
	v3 =	vmul.f32 $1.442695020e+00, v3;
	v56 =	vpop (erf);
	(erf) = vpow2.f32 v20  }
0x2e1: {  	v36 =	vsub.f32 v33, v2;
	v12 =	vmul.f32 v39, v7;
	v62 =	vpop (erf);
	(erf) = vpow2.f32 v24  }
0x2e2: {  	v27 =	vmul.f32 v25, v25;
	(erf) = vpow2.f32 v3;
	v3 =	vsub.f32 $0.0e+00, v26  }
0x2e3: {  	v11 =	vsub.f32 v33, v6;
	v31 =	vmul.f32 v29, v29;
	v4 =	vmul.f32 v36, v36  }
0x2e4: {  	v0 =	vadd.f32 v0, v34;
	v12 =	vmul.f32 v12, v37;
	v3 =	vmul.f32 $1.442695020e+00, v3  }
0x2e5: {  	v13 =	vsub.f32 $0.0e+00, v27;
	v5 =	vadd.f32 v5, v38;
	v38 =	vbroadcast v6, $0xD  }
0x2e6: {  	v17 =	vmul.f32 v45, v7;
	(erf) = vpow2.f32 v3;
	v3 =	vsub.f32 $0.0e+00, v31  }
0x2e7: {  	v55 =	vbroadcast v7, $0xC;
	v32 =	vmul.f32 $1.442695020e+00, v13;
	v2 =	vsub.f32 v38, v2  }
0x2e8: {  	v0 =	vadd.f32 v0, v41;
	v15 =	vmul.f32 v17, v44;
	v3 =	vmul.f32 $1.442695020e+00, v3  }
0x2e9: {  	v4 =	vsub.f32 $0.0e+00, v4;
	v2 =	vmul.f32 v2, v2;
	(erf) = vpow2.f32 v32  }
0x2ea: {  	v6 =	vsub.f32 v38, v6;
	v28 =	vpop (erf);
	(erf) = vpow2.f32 v3;
	v3 =	vmul.f32 v11, v11  }
0x2eb: {  	v4 =	vmul.f32 $1.442695020e+00, v4;
	v0 =	vadd.f32 v0, v47;
	v2 =	vsub.f32 $0.0e+00, v2  }
0x2ec: {  	v6 =	vmul.f32 v6, v6;
	v47 =	vbroadcast v7, $0xA;
	v3 =	vsub.f32 $0.0e+00, v3  }
0x2ed: {  	v2 =	vmul.f32 $1.442695020e+00, v2;
	v22 =	vmul.f32 v56, v7  }
0x2ee: {  	v14 =	vmul.f32 v62, v9;
	v3 =	vmul.f32 $1.442695020e+00, v3  }
0x2ef: {  	v5 =	vadd.f32 v5, v12;
	v18 =	vmul.f32 v22, v49;
	v19 =	vmul.f32 v28, v7  }
0x2f0: {  	v42 =	vsub.f32 $0.0e+00, v6;
	v34 =	vmul.f32 v14, v30;
	v37 =	vpop (erf);
	(erf) = vpow2.f32 v4  }
0x2f1: {  	v51 =	vadd.f32 v7, v9;
	v35 =	vmul.f32 v19, v30;
	v41 =	vpop (erf);
	(erf) = vpow2.f32 v3  }
0x2f2: {  	v5 =	vadd.f32 v5, v15;
	v39 =	vmul.f32 v37, v9;
	v4 =	vmul.f32 $1.442695020e+00, v42;
	v3 =	vpop (erf)  }
0x2f3: {  	v0 =	vadd.f32 v0, v52;
	v14 =	vmul.f32 v41, v7;
	(erf) = vpow2.f32 v2;
	v43 =	vpop (erf)  }
0x2f4: {  	v5 =	vadd.f32 v5, v18;
	v12 =	vmul.f32 v39, v40;
	v44 =	vpop (erf);
	(erf) = vpow2.f32 v4  }
0x2f5: {  	v0 =	vadd.f32 v0, v34;
	v2 =	vbroadcast v7, $0x9;
	v3 =	vmul.f32 v3, v9  }
0x2f6: {  	v5 =	vadd.f32 v5, v35;
	v11 =	vmul.f32 v14, v40;
	v6 =	vmul.f32 v43, v7;
	v45 =	vpop (erf)  }
0x2f7: {  	v0 =	vadd.f32 v0, v12;
	v46 =	vmul.f32 v44, v9;
	v3 =	vmul.f32 v3, v2;
	v48 =	vpop (erf)  }
0x2f8: {  	v5 =	vadd.f32 v5, v11;
	v4 =	vmul.f32 v45, v7;
	v2 =	vmul.f32 v6, v2;
	v50 =	vpop (erf)  }
0x2f9: {  	v12 =	vmul.f32 v48, v9;
	v0 =	vadd.f32 v0, v3;
	v3 =	vbroadcast v7, $0xB;
	v52 =	vpop (erf)  }
0x2fa: {  	v4 =	vmul.f32 v4, v47;
	v8 =	vmul.f32 v50, v7;
	v2 =	vadd.f32 v5, v2;
	v53 =	vpop (erf)  }
0x2fb: {  	(xrf2) =	vadd.scan.msk.f32 $0xffff, v10;
	v49 =	vmul.f32 v46, v47;
	v10 =	vmul.f32 v53, v7  }
0x2fc: {  	(xrf2) =	vadd.scan.msk.f32 $0xffff, v51;
	v56 =	vmul.f32 v12, v3;
	v2 =	vadd.f32 v2, v4;
	v3 =	vmul.f32 v8, v3;
	v58 =	vpop (erf)  }
0x2fd: {  	v54 =	vmul.f32 v52, v9;
	v0 =	vadd.f32 v0, v49;
	v59 =	vmul.f32 v10, v55;
	v60 =	vpop (erf)  }
0x2fe: {  	v2 =	vadd.f32 v2, v3;
	v3 =	vmul.f32 v60, v7;
	v7 =	vbroadcast v7, $0xD  }
0x2ff: {  	v57 =	vmul.f32 v54, v55;
	v0 =	vadd.f32 v0, v56;
	v5 =	vmul.f32 v58, v9  }
0x300: {  	v2 =	vadd.f32 v2, v59;
	v3 =	vmul.f32 v3, v7  }
0x301: {  	v0 =	vadd.f32 v0, v57;
	v61 =	vmul.f32 v5, v7  }
0x302: {  	v2 =	vadd.f32 v2, v3  }
0x303: {  	v0 =	vadd.f32 v0, v61;
	_ =	sdelay $0x1  }
0x304: {  	v3, _, _ =	vpop (xrf2);
	v0 =	vadd.f32 v2, v0  }
0x305: {  	v2, _, _ =	vpop (xrf2)  }
0x306: {  	(xrf2) =	vadd.scan.msk.f32 $0xffff, v0;
	v0 =	vbroadcast v2, $0xF;
	_ =	sdelay $0x1  }
0x307: {  	v62 =	vadd.f32 $-1.000000000e+00, v0;
	_ =	sdelay $0x1  }
0x308: {  	v4 =	vmul.f32 v62, v0;
	v0 =	vmax.f32 v0, $1.000000000e+00  }
0x309: {  	(erf) = vrcp.f32 v0;
	_ =	sdelay $0x1  }
0x30a: {  	v0 =	vmax.f32 v4, $1.000000000e+00  }
0x30b: {  	(erf) = vrcp.f32 v0;
	_ =	sdelay $0x2  }
0x30c: {  	v0, _, _ =	vpop (xrf2)  }
0x30d: {  	v0 =	vsub.f32 v0, v2  }
0x30e: {  	v3 =	vbroadcast v3, $0xF  }
0x30f: {  	v0 =	vmul.f32 $5.000000000e-01, v0;
	v2 =	vpop (erf)  }
0x310: {  	v2 =	vmul.f32 v3, v2;
	v3 =	vld [tilespmem:$0x1FFF0]  }
0x311: {  	v0 =	vbroadcast v0, $0xF  }
0x312: {  	v63 =	vpop (erf)  }
0x313: {  	v0 =	vmul.f32 v0, v63  }
0x314: {  	vm0 =	vcmask $0x3F08  }
0x315: {  	v0 =	vsel vm0, $0x0, v0;
	vm0 =	vnez.u8 v3  }
0x316: {  	p0 =	sne.s32 s6, $0x1;
	v0 =	vsel vm0, v2, v0  }
.Ltmp0:
0x317: {  	[tilespmem:$0x1000] =	vst v0;
	(pc) =	sbr.rel @p0 .LBB2_1-.Ltmp0, $4  }
0x318: {  	[hbm4b:s5+s3] =	stream.linear.scatter [tilespmem:s20], [sflag:$0x2], $0x80, $0x38;
	[tilespmem:$0x1080] =	vst v63  }
0x319: {  	_ =	swait.ge [sflag:s9], $0x80  }
0x31a: {  	[sflag:s9] =	ssyncset.done $0x0  }
0x31b: {  	s6 =	sadd.s32 $0xFFFFFFFF, s6;
	[sflag:s9] =	ssyncadd.s32 $0xFFFFFF80  }
0x31c: {  	_ =	sfence.sel $0x180000  }
0x31d: {  	[bflag:$0x0] =	sbarrier.arrive $0xFFFF  }
0x31e: {  	p0 =	sne.s32 s0, $0x0;
	_ =	strace $0x90000047  }
0x31f: {  	s0 =	sadd.s32 @!p0 $0x100000, s2;
	[bflag:$0x2] =	sbarrier.arrive $0xFFFF  }
0x320: {  	[sflag:s0] =	ssyncadd.tile.s32 @!p0 $0x1;
	_ =	shalt  }
.Lfunc_end2:
_tile_overlayer_lowered:
.L_overlay_start_2:
0x321: {  	(tag) =	ssettag $0x2  }
0x322: {  	s0 =	rddreg [dreg:$0x0];
	s2 =	stileid.u32  }
0x323: {  	s1 =	rddreg [dreg:$0x1];
	p0 =	sne.s32 s2, $0x0  }
0x324: {  	s3 =	rddreg [dreg:$0x2];
	[bflag:$0x3] =	sbarrier.arrive $0xFFFF;
	s2 =	simm.s32 @!p0 $0x1C02  }
0x325: {  	[timem:s3], [sflag:s2] =	dma.local @!p0 [hbm:s0], s1  }
0x326: {  	s0 =	simm.s32 @!p0 $0x2  }
0x327: {  	_ =	swait.ge @!p0 [sflag:s0], s1  }
0x328: {  	s1 =	ssub.s32 @!p0 $0x0, s1;
	[sflag:s0] =	ssyncset.done @!p0 $0x0  }
0x329: {  	[sflag:s0] =	ssyncadd.s32 @!p0 s1  }
0x32a: {  	[bflag:$0x3] =	sbarrier.arrive $0xFFFF  }
0x32b: {  	_ =	shalt  }

</sc_bundles>
